<compile_context>
chip_gen: v7x
topology: tpu7x:2x2x1
jax: 0.10.2.dev20260603
libtpu: 0.0.44.dev20260713+nightly
codegen_flags: <defaults>
</compile_context>

<pallas_src>
import functools
import jax
import jax.numpy as jnp
from jax import lax
from jax.experimental import pallas as pl
from jax.experimental.pallas import tpu as pltpu
from jax.experimental.pallas import tpu_sc as plsc

N_NODES = 10000
N_EDGES = 320000
D_IN = 128
D_HID = 128
N_CLASS = 40
D_PAD = 64

N_SC = 2
N_TILES = 16
ROWS_PER_TILE = N_NODES // N_TILES
ROW_BLK = 2000
CHUNK = 125
S0 = 85
S1 = 75
NBUF = 5


def _edge_aggregate(sup, src2d, dst2d, d, dtype):

    mesh = plsc.VectorSubcoreMesh(core_axis_name="c", subcore_axis_name="s",
                                  num_cores=N_SC, num_subcores=N_TILES)

    def body(sup_hbm, src_hbm, dst_hbm, zeros_hbm, out_hbm,
             sidx_v, didx_v, rows_v, acc_sh, sem_g, sem_s):
        c = lax.axis_index("c")
        s = lax.axis_index("s")
        nt = jnp.where(c == 0, S0, S1)

        @pl.when(c == 0)
        def _():
            start = s * S0
            pltpu.sync_copy(src_hbm.at[pl.ds(start, S0)], sidx_v)
            pltpu.sync_copy(dst_hbm.at[pl.ds(start, S0)], didx_v)

        @pl.when(c == 1)
        def _():
            start = N_TILES * S0 + s * S1
            pltpu.sync_copy(src_hbm.at[pl.ds(start, S1)],
                            sidx_v.at[pl.ds(0, S1)])
            pltpu.sync_copy(dst_hbm.at[pl.ds(start, S1)],
                            didx_v.at[pl.ds(0, S1)])

        pltpu.sync_copy(zeros_hbm,
                        acc_sh.at[pl.ds(s * ROWS_PER_TILE, ROWS_PER_TILE)])
        plsc.subcore_barrier()

        def fire_gather(t, b):
            pltpu.async_copy(sup_hbm.at[sidx_v.at[t]], rows_v.at[b],
                             sem_g.at[b])

        def wait_gather(t, b):
            pltpu.make_async_copy(sup_hbm.at[sidx_v.at[t]], rows_v.at[b],
                                  sem_g.at[b]).wait()

        def fire_scatter(t, b):
            pltpu.async_copy(rows_v.at[b], acc_sh.at[didx_v.at[t]],
                             sem_s.at[b], add=True)

        def wait_scatter(t, b):
            pltpu.make_async_copy(rows_v.at[b], acc_sh.at[didx_v.at[t]],
                                  sem_s.at[b]).wait()

        for b in range(NBUF - 1):
            fire_gather(b, b)

        def slot_step(t, sb, first=False, last_grp=False):
            sbp = (sb + NBUF - 1) % NBUF
            wait_gather(t, sb)
            fire_scatter(t, sb)
            if not first:
                wait_scatter(t - 1, sbp)
            if not last_grp:
                fire_gather(t + NBUF - 1, sbp)

        for sb in range(NBUF):
            slot_step(sb, sb, first=(sb == 0))

        def group(g, carry):
            t0 = g * NBUF
            for sb in range(NBUF):
                slot_step(t0 + sb, sb)
            return carry

        lax.fori_loop(1, nt // NBUF - 1, group, 0)

        t0 = nt - NBUF
        for sb in range(NBUF):
            slot_step(t0 + sb, sb, last_grp=(sb != 0))
        wait_scatter(nt - 1, NBUF - 1)

        plsc.subcore_barrier()
        pltpu.sync_copy(acc_sh.at[pl.ds(s * ROWS_PER_TILE, ROWS_PER_TILE)],
                        out_hbm.at[c, pl.ds(s * ROWS_PER_TILE,
                                            ROWS_PER_TILE)])

    kern = pl.kernel(
        body,
        out_type=jax.ShapeDtypeStruct((N_SC, N_NODES, d), dtype),
        mesh=mesh,
        scratch_types=[
            pltpu.VMEM((S0, CHUNK), jnp.int32),
            pltpu.VMEM((S0, CHUNK), jnp.int32),
            pltpu.VMEM((NBUF, CHUNK, d), dtype),
            pltpu.VMEM_SHARED((N_NODES, d), dtype),
            pltpu.SemaphoreType.DMA((NBUF,)),
            pltpu.SemaphoreType.DMA((NBUF,)),
        ],
        compiler_params=pltpu.CompilerParams(use_tc_tiling_on_sc=False),
    )
    zeros = jnp.zeros((ROWS_PER_TILE, d), dtype)
    return kern(sup, src2d, dst2d, zeros)


def _matmul1(x, w):
    def body(x_ref, w_ref, o_ref):
        o_ref[...] = jnp.dot(x_ref[...], w_ref[...],
                             preferred_element_type=jnp.float32
                             ).astype(jnp.bfloat16)

    return pl.pallas_call(
        body,
        grid=(5,),
        in_specs=[
            pl.BlockSpec((ROW_BLK, D_IN), lambda i: (i, 0)),
            pl.BlockSpec((D_IN, D_HID), lambda i: (0, 0)),
        ],
        out_specs=pl.BlockSpec((ROW_BLK, D_HID), lambda i: (i, 0)),
        out_shape=jax.ShapeDtypeStruct((N_NODES, D_HID), jnp.bfloat16),
    )(x, w)


def _mid(p, b1, w2p):
    def body(p_ref, b_ref, w_ref, o_ref):
        psum = p_ref[0].astype(jnp.float32) + p_ref[1].astype(jnp.float32)
        h = jnp.maximum(psum + b_ref[...], 0.0)
        o_ref[...] = jnp.dot(h, w_ref[...], preferred_element_type=jnp.float32
                             ).astype(jnp.bfloat16)

    return pl.pallas_call(
        body,
        grid=(5,),
        in_specs=[
            pl.BlockSpec((N_SC, ROW_BLK, D_HID), lambda i: (0, i, 0)),
            pl.BlockSpec((1, D_HID), lambda i: (0, 0)),
            pl.BlockSpec((D_HID, D_PAD), lambda i: (0, 0)),
        ],
        out_specs=pl.BlockSpec((ROW_BLK, D_PAD), lambda i: (i, 0)),
        out_shape=jax.ShapeDtypeStruct((N_NODES, D_PAD), jnp.bfloat16),
    )(p, b1, w2p)


def _final(q, b2p):
    def body(q_ref, b_ref, o_ref):
        full = (q_ref[0].astype(jnp.float32)
                + q_ref[1].astype(jnp.float32) + b_ref[...])
        o_ref[...] = full[:, :N_CLASS]

    return pl.pallas_call(
        body,
        grid=(5,),
        in_specs=[
            pl.BlockSpec((N_SC, ROW_BLK, D_PAD), lambda i: (0, i, 0)),
            pl.BlockSpec((1, D_PAD), lambda i: (0, 0)),
        ],
        out_specs=pl.BlockSpec((ROW_BLK, N_CLASS), lambda i: (i, 0)),
        out_shape=jax.ShapeDtypeStruct((N_NODES, N_CLASS), jnp.float32),
    )(q, b2p)


@jax.jit
def kernel(x, adj, W1, b1, W2, b2):
    src2d = adj[0].reshape(-1, CHUNK)
    dst2d = adj[1].reshape(-1, CHUNK)
    w2p = jnp.pad(W2, ((0, 0), (0, D_PAD - N_CLASS)))
    b2p = jnp.pad(b2, (0, D_PAD - N_CLASS)).reshape(1, D_PAD)
    b1r = b1.reshape(1, D_HID)

    support1 = _matmul1(x, W1)
    p1 = _edge_aggregate(support1, src2d, dst2d, D_HID, jnp.bfloat16)
    support2 = _mid(p1, b1r, w2p)
    q = _edge_aggregate(support2, src2d, dst2d, D_PAD, jnp.bfloat16)
    return _final(q, b2p)

# --- scband reference (transcript-rebuilt; emitter-appended) ---
"""Pipeline reference for scband-gcn-75488345194744 (READ-ONLY COPY).

The authoritative reference and input builder live on the scoring server;
editing this copy changes nothing except your own understanding.
"""

import jax, jax.numpy as jnp
import numpy as np

N = 10000
E = 320000
D_FEAT = 128
D_HID = 128
N_CLASS = 40


def setup_inputs(seed: int = 0) -> dict:
    key = jax.random.key(seed)
    k1, k2, k3, k4, k5, k6 = jax.random.split(key, 6)
    x = jax.random.normal(k1, (N, D_FEAT), dtype=jnp.float32)
    adj = jax.random.randint(k2, (2, E), 0, N, dtype=jnp.int32)
    s1 = 1.0 / np.sqrt(D_FEAT)
    s2 = 1.0 / np.sqrt(D_HID)
    W1 = jax.random.uniform(k3, (D_FEAT, D_HID), dtype=jnp.float32, minval=-s1, maxval=s1)
    b1 = jax.random.uniform(k4, (D_HID,), dtype=jnp.float32, minval=-s1, maxval=s1)
    W2 = jax.random.uniform(k5, (D_HID, N_CLASS), dtype=jnp.float32, minval=-s2, maxval=s2)
    b2 = jax.random.uniform(k6, (N_CLASS,), dtype=jnp.float32, minval=-s2, maxval=s2)
    return {"x": x, "adj": adj, "W1": W1, "b1": b1, "W2": W2, "b2": b2}


def _graph_conv(x, src, dst, W, b):
    # GraphConvolution: support = x @ W ; out = A @ support + b
    support = x @ W
    msg = jnp.take(support, src, axis=0)
    agg = jax.ops.segment_sum(msg, dst, num_segments=x.shape[0])
    return agg + b


def reference(x, adj, W1, b1, W2, b2):
    # eval mode: F.dropout / node_dropout / edge_dropout are identity
    src = adj[0]
    dst = adj[1]
    h = jax.nn.relu(_graph_conv(x, src, dst, W1, b1))
    out = _graph_conv(h, src, dst, W2, b2)
    return out

if __name__ == "__main__":
    import jax
    _d = setup_inputs()
    print(jax.jit(kernel)(*tuple(_d.values())))

</pallas_src>

<mosaic_0001>
#map = affine_map<(d0, d1) -> (0, 0)>
#map1 = affine_map<(d0, d1) -> (0, 0, 0)>
module attributes {stable_mosaic.version = 14 : i64} {
  func.func @body(%arg0: i32, %arg1: i32, %arg2: memref<10000x128xbf16, #tpu.memory_space<hbm>>, %arg3: memref<2560x125xi32, #tpu.memory_space<hbm>>, %arg4: memref<2560x125xi32, #tpu.memory_space<hbm>>, %arg5: memref<625x128xbf16, #tpu.memory_space<hbm>>, %arg6: memref<2x10000x128xbf16, #tpu.memory_space<hbm>>, %arg7: memref<85x125xi32, #tpu.memory_space<vmem>>, %arg8: memref<85x125xi32, #tpu.memory_space<vmem>>, %arg9: memref<5x125x128xbf16, #tpu.memory_space<vmem>>, %arg10: memref<10000x128xbf16, #tpu.memory_space<vmem_shared>>, %arg11: memref<5x!tpu.dma_semaphore, #tpu.memory_space<semaphore_mem>>, %arg12: memref<5x!tpu.dma_semaphore, #tpu.memory_space<semaphore_mem>>) attributes {dimension_semantics = [#tpu.dimension_semantics<core_parallel>, #tpu.dimension_semantics<subcore_parallel>], iteration_bounds = array<i64: 2, 16>, scalar_prefetch = 0 : i64, scratch_operands = 6 : i64, tpu.core_type = #tpu.core_type<sc_vector_subcore>, window_params = [{transform_indices = #map}, {transform_indices = #map}, {transform_indices = #map}, {transform_indices = #map}, {transform_indices = #map1}]} {
    %eq3A = arith.constant 0 : i32
    %eq3A_0 = arith.cmpi eq, %arg0, %eq3A : i32
    %jit3A = arith.constant 85 : i32
    %jit3A_1 = arith.constant 75 : i32
    %select_n3A = arith.select %eq3A_0, %jit3A, %jit3A_1 : i32
    %eq3A_2 = arith.constant 0 : i32
    %eq3A_3 = arith.cmpi eq, %arg0, %eq3A_2 : i32
    %convert_element_type3A = arith.extui %eq3A_3 : i1 to i32
    %cond3A = arith.constant 0 : i32
    %cond3A_4 = arith.cmpi ne, %convert_element_type3A, %cond3A : i32
    scf.if %cond3A_4 {
      %mul3A_653 = arith.constant 85 : i32
      %mul3A_654 = arith.muli %arg1, %mul3A_653 : i32
      "tpu.region"() ({
        %run_scoped3A = tpu.sem_alloc : memref<!tpu.dma_semaphore, #tpu.memory_space<semaphore_mem>>
        %dma_start3A_655 = arith.constant 0 : i32
        %dma_start3A_656 = tpu.memref_slice %arg3[%mul3A_654, %dma_start3A_655] : memref<2560x125xi32, #tpu.memory_space<hbm>> -> memref<85x125xi32, #tpu.memory_space<hbm>>
        %dma_start3A_657 = arith.constant 0 : i32
        %dma_start3A_658 = tpu.memref_slice %arg3[%mul3A_654, %dma_start3A_657] : memref<2560x125xi32, #tpu.memory_space<hbm>> -> memref<85x125xi32, #tpu.memory_space<hbm>>
        tpu.enqueue_dma source(%dma_start3A_658 : memref<85x125xi32, #tpu.memory_space<hbm>>) target(%arg7 : memref<85x125xi32, #tpu.memory_space<vmem>>) target_semaphore(%run_scoped3A : memref<!tpu.dma_semaphore, #tpu.memory_space<semaphore_mem>>)
        %dma_wait3A_659 = arith.constant 0 : i32
        %dma_wait3A_660 = tpu.memref_slice %arg3[%mul3A_654, %dma_wait3A_659] : memref<2560x125xi32, #tpu.memory_space<hbm>> -> memref<85x125xi32, #tpu.memory_space<hbm>>
        %dma_wait3A_661 = arith.constant 0 : i32
        %dma_wait3A_662 = tpu.memref_slice %arg3[%mul3A_654, %dma_wait3A_661] : memref<2560x125xi32, #tpu.memory_space<hbm>> -> memref<85x125xi32, #tpu.memory_space<hbm>>
        tpu.wait_dma2 semaphore(%run_scoped3A : memref<!tpu.dma_semaphore, #tpu.memory_space<semaphore_mem>>) src(%dma_wait3A_662 : memref<85x125xi32, #tpu.memory_space<hbm>>) dst(%arg7 : memref<85x125xi32, #tpu.memory_space<vmem>>)
        tpu.yield
      }) : () -> ()
      "tpu.region"() ({
        %run_scoped3A = tpu.sem_alloc : memref<!tpu.dma_semaphore, #tpu.memory_space<semaphore_mem>>
        %dma_start3A_655 = arith.constant 0 : i32
        %dma_start3A_656 = tpu.memref_slice %arg4[%mul3A_654, %dma_start3A_655] : memref<2560x125xi32, #tpu.memory_space<hbm>> -> memref<85x125xi32, #tpu.memory_space<hbm>>
        %dma_start3A_657 = arith.constant 0 : i32
        %dma_start3A_658 = tpu.memref_slice %arg4[%mul3A_654, %dma_start3A_657] : memref<2560x125xi32, #tpu.memory_space<hbm>> -> memref<85x125xi32, #tpu.memory_space<hbm>>
        tpu.enqueue_dma source(%dma_start3A_658 : memref<85x125xi32, #tpu.memory_space<hbm>>) target(%arg8 : memref<85x125xi32, #tpu.memory_space<vmem>>) target_semaphore(%run_scoped3A : memref<!tpu.dma_semaphore, #tpu.memory_space<semaphore_mem>>)
        %dma_wait3A_659 = arith.constant 0 : i32
        %dma_wait3A_660 = tpu.memref_slice %arg4[%mul3A_654, %dma_wait3A_659] : memref<2560x125xi32, #tpu.memory_space<hbm>> -> memref<85x125xi32, #tpu.memory_space<hbm>>
        %dma_wait3A_661 = arith.constant 0 : i32
        %dma_wait3A_662 = tpu.memref_slice %arg4[%mul3A_654, %dma_wait3A_661] : memref<2560x125xi32, #tpu.memory_space<hbm>> -> memref<85x125xi32, #tpu.memory_space<hbm>>
        tpu.wait_dma2 semaphore(%run_scoped3A : memref<!tpu.dma_semaphore, #tpu.memory_space<semaphore_mem>>) src(%dma_wait3A_662 : memref<85x125xi32, #tpu.memory_space<hbm>>) dst(%arg8 : memref<85x125xi32, #tpu.memory_space<vmem>>)
        tpu.yield
      }) : () -> ()
    } else {
    }
    %eq3A_5 = arith.constant 1 : i32
    %eq3A_6 = arith.cmpi eq, %arg0, %eq3A_5 : i32
    %convert_element_type3A_7 = arith.extui %eq3A_6 : i1 to i32
    %cond3A_8 = arith.constant 0 : i32
    %cond3A_9 = arith.cmpi ne, %convert_element_type3A_7, %cond3A_8 : i32
    scf.if %cond3A_9 {
      %mul3A_653 = arith.constant 75 : i32
      %mul3A_654 = arith.muli %arg1, %mul3A_653 : i32
      %add3A_655 = arith.constant 1360 : i32
      %add3A_656 = arith.addi %add3A_655, %mul3A_654 : i32
      "tpu.region"() ({
        %run_scoped3A = tpu.sem_alloc : memref<!tpu.dma_semaphore, #tpu.memory_space<semaphore_mem>>
        %dma_start3A_657 = arith.constant 0 : i32
        %dma_start3A_658 = arith.constant 0 : i32
        %dma_start3A_659 = tpu.memref_slice %arg7[%dma_start3A_657, %dma_start3A_658] : memref<85x125xi32, #tpu.memory_space<vmem>> -> memref<75x125xi32, #tpu.memory_space<vmem>>
        %dma_start3A_660 = arith.constant 0 : i32
        %dma_start3A_661 = tpu.memref_slice %arg3[%add3A_656, %dma_start3A_660] : memref<2560x125xi32, #tpu.memory_space<hbm>> -> memref<75x125xi32, #tpu.memory_space<hbm>>
        %dma_start3A_662 = arith.constant 0 : i32
        %dma_start3A_663 = arith.constant 0 : i32
        %dma_start3A_664 = tpu.memref_slice %arg7[%dma_start3A_662, %dma_start3A_663] : memref<85x125xi32, #tpu.memory_space<vmem>> -> memref<75x125xi32, #tpu.memory_space<vmem>>
        %dma_start3A_665 = arith.constant 0 : i32
        %dma_start3A_666 = tpu.memref_slice %arg3[%add3A_656, %dma_start3A_665] : memref<2560x125xi32, #tpu.memory_space<hbm>> -> memref<75x125xi32, #tpu.memory_space<hbm>>
        tpu.enqueue_dma source(%dma_start3A_666 : memref<75x125xi32, #tpu.memory_space<hbm>>) target(%dma_start3A_664 : memref<75x125xi32, #tpu.memory_space<vmem>>) target_semaphore(%run_scoped3A : memref<!tpu.dma_semaphore, #tpu.memory_space<semaphore_mem>>)
        %dma_wait3A_667 = arith.constant 0 : i32
        %dma_wait3A_668 = arith.constant 0 : i32
        %dma_wait3A_669 = tpu.memref_slice %arg7[%dma_wait3A_667, %dma_wait3A_668] : memref<85x125xi32, #tpu.memory_space<vmem>> -> memref<75x125xi32, #tpu.memory_space<vmem>>
        %dma_wait3A_670 = arith.constant 0 : i32
        %dma_wait3A_671 = tpu.memref_slice %arg3[%add3A_656, %dma_wait3A_670] : memref<2560x125xi32, #tpu.memory_space<hbm>> -> memref<75x125xi32, #tpu.memory_space<hbm>>
        %dma_wait3A_672 = arith.constant 0 : i32
        %dma_wait3A_673 = arith.constant 0 : i32
        %dma_wait3A_674 = tpu.memref_slice %arg7[%dma_wait3A_672, %dma_wait3A_673] : memref<85x125xi32, #tpu.memory_space<vmem>> -> memref<75x125xi32, #tpu.memory_space<vmem>>
        %dma_wait3A_675 = arith.constant 0 : i32
        %dma_wait3A_676 = tpu.memref_slice %arg3[%add3A_656, %dma_wait3A_675] : memref<2560x125xi32, #tpu.memory_space<hbm>> -> memref<75x125xi32, #tpu.memory_space<hbm>>
        tpu.wait_dma2 semaphore(%run_scoped3A : memref<!tpu.dma_semaphore, #tpu.memory_space<semaphore_mem>>) src(%dma_wait3A_676 : memref<75x125xi32, #tpu.memory_space<hbm>>) dst(%dma_wait3A_674 : memref<75x125xi32, #tpu.memory_space<vmem>>)
        tpu.yield
      }) : () -> ()
      "tpu.region"() ({
        %run_scoped3A = tpu.sem_alloc : memref<!tpu.dma_semaphore, #tpu.memory_space<semaphore_mem>>
        %dma_start3A_657 = arith.constant 0 : i32
        %dma_start3A_658 = arith.constant 0 : i32
        %dma_start3A_659 = tpu.memref_slice %arg8[%dma_start3A_657, %dma_start3A_658] : memref<85x125xi32, #tpu.memory_space<vmem>> -> memref<75x125xi32, #tpu.memory_space<vmem>>
        %dma_start3A_660 = arith.constant 0 : i32
        %dma_start3A_661 = tpu.memref_slice %arg4[%add3A_656, %dma_start3A_660] : memref<2560x125xi32, #tpu.memory_space<hbm>> -> memref<75x125xi32, #tpu.memory_space<hbm>>
        %dma_start3A_662 = arith.constant 0 : i32
        %dma_start3A_663 = arith.constant 0 : i32
        %dma_start3A_664 = tpu.memref_slice %arg8[%dma_start3A_662, %dma_start3A_663] : memref<85x125xi32, #tpu.memory_space<vmem>> -> memref<75x125xi32, #tpu.memory_space<vmem>>
        %dma_start3A_665 = arith.constant 0 : i32
        %dma_start3A_666 = tpu.memref_slice %arg4[%add3A_656, %dma_start3A_665] : memref<2560x125xi32, #tpu.memory_space<hbm>> -> memref<75x125xi32, #tpu.memory_space<hbm>>
        tpu.enqueue_dma source(%dma_start3A_666 : memref<75x125xi32, #tpu.memory_space<hbm>>) target(%dma_start3A_664 : memref<75x125xi32, #tpu.memory_space<vmem>>) target_semaphore(%run_scoped3A : memref<!tpu.dma_semaphore, #tpu.memory_space<semaphore_mem>>)
        %dma_wait3A_667 = arith.constant 0 : i32
        %dma_wait3A_668 = arith.constant 0 : i32
        %dma_wait3A_669 = tpu.memref_slice %arg8[%dma_wait3A_667, %dma_wait3A_668] : memref<85x125xi32, #tpu.memory_space<vmem>> -> memref<75x125xi32, #tpu.memory_space<vmem>>
        %dma_wait3A_670 = arith.constant 0 : i32
        %dma_wait3A_671 = tpu.memref_slice %arg4[%add3A_656, %dma_wait3A_670] : memref<2560x125xi32, #tpu.memory_space<hbm>> -> memref<75x125xi32, #tpu.memory_space<hbm>>
        %dma_wait3A_672 = arith.constant 0 : i32
        %dma_wait3A_673 = arith.constant 0 : i32
        %dma_wait3A_674 = tpu.memref_slice %arg8[%dma_wait3A_672, %dma_wait3A_673] : memref<85x125xi32, #tpu.memory_space<vmem>> -> memref<75x125xi32, #tpu.memory_space<vmem>>
        %dma_wait3A_675 = arith.constant 0 : i32
        %dma_wait3A_676 = tpu.memref_slice %arg4[%add3A_656, %dma_wait3A_675] : memref<2560x125xi32, #tpu.memory_space<hbm>> -> memref<75x125xi32, #tpu.memory_space<hbm>>
        tpu.wait_dma2 semaphore(%run_scoped3A : memref<!tpu.dma_semaphore, #tpu.memory_space<semaphore_mem>>) src(%dma_wait3A_676 : memref<75x125xi32, #tpu.memory_space<hbm>>) dst(%dma_wait3A_674 : memref<75x125xi32, #tpu.memory_space<vmem>>)
        tpu.yield
      }) : () -> ()
    } else {
    }
    %mul3A = arith.constant 625 : i32
    %mul3A_10 = arith.muli %arg1, %mul3A : i32
    "tpu.region"() ({
      %run_scoped3A = tpu.sem_alloc : memref<!tpu.dma_semaphore, #tpu.memory_space<semaphore_mem>>
      %dma_start3A_653 = arith.constant 0 : i32
      %dma_start3A_654 = tpu.memref_slice %arg10[%mul3A_10, %dma_start3A_653] : memref<10000x128xbf16, #tpu.memory_space<vmem_shared>> -> memref<625x128xbf16, #tpu.memory_space<vmem_shared>>
      tpu.enqueue_dma source(%arg5 : memref<625x128xbf16, #tpu.memory_space<hbm>>) target(%dma_start3A_654 : memref<625x128xbf16, #tpu.memory_space<vmem_shared>>) target_semaphore(%run_scoped3A : memref<!tpu.dma_semaphore, #tpu.memory_space<semaphore_mem>>)
      %dma_wait3A_655 = arith.constant 0 : i32
      %dma_wait3A_656 = tpu.memref_slice %arg10[%mul3A_10, %dma_wait3A_655] : memref<10000x128xbf16, #tpu.memory_space<vmem_shared>> -> memref<625x128xbf16, #tpu.memory_space<vmem_shared>>
      tpu.wait_dma2 semaphore(%run_scoped3A : memref<!tpu.dma_semaphore, #tpu.memory_space<semaphore_mem>>) src(%arg5 : memref<625x128xbf16, #tpu.memory_space<hbm>>) dst(%dma_wait3A_656 : memref<625x128xbf16, #tpu.memory_space<vmem_shared>>)
      tpu.yield
    }) : () -> ()
    %barrier3A = arith.constant 0 : index
    tpu.barrier barrier_id(%barrier3A)
    %dma_start3A = arith.constant 0 : i32
    %dma_start3A_11 = arith.constant 0 : i32
    %dma_start3A_12 = arith.constant 0 : i32
    %dma_start3A_13 = arith.constant 0 : i32
    %dma_start3A_14 = arith.constant 0 : i32
    %dma_start3A_15 = tpu.memref_slice %arg9[%dma_start3A_11, %dma_start3A_13, %dma_start3A_14] : memref<5x125x128xbf16, #tpu.memory_space<vmem>> -> memref<1x125x128xbf16, #tpu.memory_space<vmem>>
    %dma_start3A_16 = tpu.memref_squeeze %dma_start3A_15 : memref<1x125x128xbf16, #tpu.memory_space<vmem>> -> memref<125x128xbf16, #tpu.memory_space<vmem>>
    %dma_start3A_17 = arith.constant 0 : i32
    %dma_start3A_18 = tpu.memref_slice %arg7[%dma_start3A, %dma_start3A_17] : memref<85x125xi32, #tpu.memory_space<vmem>> -> memref<1x125xi32, #tpu.memory_space<vmem>>
    %dma_start3A_19 = tpu.memref_squeeze %dma_start3A_18 : memref<1x125xi32, #tpu.memory_space<vmem>> -> memref<125xi32, #tpu.memory_space<vmem>>
    %dma_start3A_20 = arith.constant 0 : i32
    %dma_start3A_21 = arith.constant 0 : i32
    %dma_start3A_22 = tpu.memref_slice %arg2[%dma_start3A_20, %dma_start3A_21] : memref<10000x128xbf16, #tpu.memory_space<hbm>> -> memref<10000x128xbf16, #tpu.memory_space<hbm>>
    %dma_start3A_23 = tpu.memref_slice %arg11[%dma_start3A_12] : memref<5x!tpu.dma_semaphore, #tpu.memory_space<semaphore_mem>> -> memref<1x!tpu.dma_semaphore, #tpu.memory_space<semaphore_mem>>
    %dma_start3A_24 = tpu.memref_squeeze %dma_start3A_23 : memref<1x!tpu.dma_semaphore, #tpu.memory_space<semaphore_mem>> -> memref<!tpu.dma_semaphore, #tpu.memory_space<semaphore_mem>>
    tpu.enqueue_indirect_dma source(%dma_start3A_22 : memref<10000x128xbf16, #tpu.memory_space<hbm>>) target(%dma_start3A_16 : memref<125x128xbf16, #tpu.memory_space<vmem>>) offsets(%dma_start3A_19 : memref<125xi32, #tpu.memory_space<vmem>>) semaphore(%dma_start3A_24 : memref<!tpu.dma_semaphore, #tpu.memory_space<semaphore_mem>>)
    %dma_start3A_25 = arith.constant 1 : i32
    %dma_start3A_26 = arith.constant 1 : i32
    %dma_start3A_27 = arith.constant 1 : i32
    %dma_start3A_28 = arith.constant 0 : i32
    %dma_start3A_29 = arith.constant 0 : i32
    %dma_start3A_30 = tpu.memref_slice %arg9[%dma_start3A_26, %dma_start3A_28, %dma_start3A_29] : memref<5x125x128xbf16, #tpu.memory_space<vmem>> -> memref<1x125x128xbf16, #tpu.memory_space<vmem>>
    %dma_start3A_31 = tpu.memref_squeeze %dma_start3A_30 : memref<1x125x128xbf16, #tpu.memory_space<vmem>> -> memref<125x128xbf16, #tpu.memory_space<vmem>>
    %dma_start3A_32 = arith.constant 0 : i32
    %dma_start3A_33 = tpu.memref_slice %arg7[%dma_start3A_25, %dma_start3A_32] : memref<85x125xi32, #tpu.memory_space<vmem>> -> memref<1x125xi32, #tpu.memory_space<vmem>>
    %dma_start3A_34 = tpu.memref_squeeze %dma_start3A_33 : memref<1x125xi32, #tpu.memory_space<vmem>> -> memref<125xi32, #tpu.memory_space<vmem>>
    %dma_start3A_35 = arith.constant 0 : i32
    %dma_start3A_36 = arith.constant 0 : i32
    %dma_start3A_37 = tpu.memref_slice %arg2[%dma_start3A_35, %dma_start3A_36] : memref<10000x128xbf16, #tpu.memory_space<hbm>> -> memref<10000x128xbf16, #tpu.memory_space<hbm>>
    %dma_start3A_38 = tpu.memref_slice %arg11[%dma_start3A_27] : memref<5x!tpu.dma_semaphore, #tpu.memory_space<semaphore_mem>> -> memref<1x!tpu.dma_semaphore, #tpu.memory_space<semaphore_mem>>
    %dma_start3A_39 = tpu.memref_squeeze %dma_start3A_38 : memref<1x!tpu.dma_semaphore, #tpu.memory_space<semaphore_mem>> -> memref<!tpu.dma_semaphore, #tpu.memory_space<semaphore_mem>>
    tpu.enqueue_indirect_dma source(%dma_start3A_37 : memref<10000x128xbf16, #tpu.memory_space<hbm>>) target(%dma_start3A_31 : memref<125x128xbf16, #tpu.memory_space<vmem>>) offsets(%dma_start3A_34 : memref<125xi32, #tpu.memory_space<vmem>>) semaphore(%dma_start3A_39 : memref<!tpu.dma_semaphore, #tpu.memory_space<semaphore_mem>>)
    %dma_start3A_40 = arith.constant 2 : i32
    %dma_start3A_41 = arith.constant 2 : i32
    %dma_start3A_42 = arith.constant 2 : i32
    %dma_start3A_43 = arith.constant 0 : i32
    %dma_start3A_44 = arith.constant 0 : i32
    %dma_start3A_45 = tpu.memref_slice %arg9[%dma_start3A_41, %dma_start3A_43, %dma_start3A_44] : memref<5x125x128xbf16, #tpu.memory_space<vmem>> -> memref<1x125x128xbf16, #tpu.memory_space<vmem>>
    %dma_start3A_46 = tpu.memref_squeeze %dma_start3A_45 : memref<1x125x128xbf16, #tpu.memory_space<vmem>> -> memref<125x128xbf16, #tpu.memory_space<vmem>>
    %dma_start3A_47 = arith.constant 0 : i32
    %dma_start3A_48 = tpu.memref_slice %arg7[%dma_start3A_40, %dma_start3A_47] : memref<85x125xi32, #tpu.memory_space<vmem>> -> memref<1x125xi32, #tpu.memory_space<vmem>>
    %dma_start3A_49 = tpu.memref_squeeze %dma_start3A_48 : memref<1x125xi32, #tpu.memory_space<vmem>> -> memref<125xi32, #tpu.memory_space<vmem>>
    %dma_start3A_50 = arith.constant 0 : i32
    %dma_start3A_51 = arith.constant 0 : i32
    %dma_start3A_52 = tpu.memref_slice %arg2[%dma_start3A_50, %dma_start3A_51] : memref<10000x128xbf16, #tpu.memory_space<hbm>> -> memref<10000x128xbf16, #tpu.memory_space<hbm>>
    %dma_start3A_53 = tpu.memref_slice %arg11[%dma_start3A_42] : memref<5x!tpu.dma_semaphore, #tpu.memory_space<semaphore_mem>> -> memref<1x!tpu.dma_semaphore, #tpu.memory_space<semaphore_mem>>
    %dma_start3A_54 = tpu.memref_squeeze %dma_start3A_53 : memref<1x!tpu.dma_semaphore, #tpu.memory_space<semaphore_mem>> -> memref<!tpu.dma_semaphore, #tpu.memory_space<semaphore_mem>>
    tpu.enqueue_indirect_dma source(%dma_start3A_52 : memref<10000x128xbf16, #tpu.memory_space<hbm>>) target(%dma_start3A_46 : memref<125x128xbf16, #tpu.memory_space<vmem>>) offsets(%dma_start3A_49 : memref<125xi32, #tpu.memory_space<vmem>>) semaphore(%dma_start3A_54 : memref<!tpu.dma_semaphore, #tpu.memory_space<semaphore_mem>>)
    %dma_start3A_55 = arith.constant 3 : i32
    %dma_start3A_56 = arith.constant 3 : i32
    %dma_start3A_57 = arith.constant 3 : i32
    %dma_start3A_58 = arith.constant 0 : i32
    %dma_start3A_59 = arith.constant 0 : i32
    %dma_start3A_60 = tpu.memref_slice %arg9[%dma_start3A_56, %dma_start3A_58, %dma_start3A_59] : memref<5x125x128xbf16, #tpu.memory_space<vmem>> -> memref<1x125x128xbf16, #tpu.memory_space<vmem>>
    %dma_start3A_61 = tpu.memref_squeeze %dma_start3A_60 : memref<1x125x128xbf16, #tpu.memory_space<vmem>> -> memref<125x128xbf16, #tpu.memory_space<vmem>>
    %dma_start3A_62 = arith.constant 0 : i32
    %dma_start3A_63 = tpu.memref_slice %arg7[%dma_start3A_55, %dma_start3A_62] : memref<85x125xi32, #tpu.memory_space<vmem>> -> memref<1x125xi32, #tpu.memory_space<vmem>>
    %dma_start3A_64 = tpu.memref_squeeze %dma_start3A_63 : memref<1x125xi32, #tpu.memory_space<vmem>> -> memref<125xi32, #tpu.memory_space<vmem>>
    %dma_start3A_65 = arith.constant 0 : i32
    %dma_start3A_66 = arith.constant 0 : i32
    %dma_start3A_67 = tpu.memref_slice %arg2[%dma_start3A_65, %dma_start3A_66] : memref<10000x128xbf16, #tpu.memory_space<hbm>> -> memref<10000x128xbf16, #tpu.memory_space<hbm>>
    %dma_start3A_68 = tpu.memref_slice %arg11[%dma_start3A_57] : memref<5x!tpu.dma_semaphore, #tpu.memory_space<semaphore_mem>> -> memref<1x!tpu.dma_semaphore, #tpu.memory_space<semaphore_mem>>
    %dma_start3A_69 = tpu.memref_squeeze %dma_start3A_68 : memref<1x!tpu.dma_semaphore, #tpu.memory_space<semaphore_mem>> -> memref<!tpu.dma_semaphore, #tpu.memory_space<semaphore_mem>>
    tpu.enqueue_indirect_dma source(%dma_start3A_67 : memref<10000x128xbf16, #tpu.memory_space<hbm>>) target(%dma_start3A_61 : memref<125x128xbf16, #tpu.memory_space<vmem>>) offsets(%dma_start3A_64 : memref<125xi32, #tpu.memory_space<vmem>>) semaphore(%dma_start3A_69 : memref<!tpu.dma_semaphore, #tpu.memory_space<semaphore_mem>>)
    %dma_wait3A = arith.constant 0 : i32
    %dma_wait3A_70 = arith.constant 0 : i32
    %dma_wait3A_71 = arith.constant 0 : i32
    %dma_wait3A_72 = arith.constant 0 : i32
    %dma_wait3A_73 = arith.constant 0 : i32
    %dma_wait3A_74 = tpu.memref_slice %arg9[%dma_wait3A_70, %dma_wait3A_72, %dma_wait3A_73] : memref<5x125x128xbf16, #tpu.memory_space<vmem>> -> memref<1x125x128xbf16, #tpu.memory_space<vmem>>
    %dma_wait3A_75 = tpu.memref_squeeze %dma_wait3A_74 : memref<1x125x128xbf16, #tpu.memory_space<vmem>> -> memref<125x128xbf16, #tpu.memory_space<vmem>>
    %dma_wait3A_76 = arith.constant 0 : i32
    %dma_wait3A_77 = tpu.memref_slice %arg7[%dma_wait3A, %dma_wait3A_76] : memref<85x125xi32, #tpu.memory_space<vmem>> -> memref<1x125xi32, #tpu.memory_space<vmem>>
    %dma_wait3A_78 = tpu.memref_squeeze %dma_wait3A_77 : memref<1x125xi32, #tpu.memory_space<vmem>> -> memref<125xi32, #tpu.memory_space<vmem>>
    %dma_wait3A_79 = arith.constant 0 : i32
    %dma_wait3A_80 = arith.constant 0 : i32
    %dma_wait3A_81 = tpu.memref_slice %arg2[%dma_wait3A_79, %dma_wait3A_80] : memref<10000x128xbf16, #tpu.memory_space<hbm>> -> memref<10000x128xbf16, #tpu.memory_space<hbm>>
    %dma_wait3A_82 = tpu.memref_slice %arg11[%dma_wait3A_71] : memref<5x!tpu.dma_semaphore, #tpu.memory_space<semaphore_mem>> -> memref<1x!tpu.dma_semaphore, #tpu.memory_space<semaphore_mem>>
    %dma_wait3A_83 = tpu.memref_squeeze %dma_wait3A_82 : memref<1x!tpu.dma_semaphore, #tpu.memory_space<semaphore_mem>> -> memref<!tpu.dma_semaphore, #tpu.memory_space<semaphore_mem>>
    tpu.wait_indirect_dma semaphore(%dma_wait3A_83 : memref<!tpu.dma_semaphore, #tpu.memory_space<semaphore_mem>>) src(%dma_wait3A_81 : memref<10000x128xbf16, #tpu.memory_space<hbm>>) dst(%dma_wait3A_75 : memref<125x128xbf16, #tpu.memory_space<vmem>>)
    %dma_start3A_84 = arith.constant 0 : i32
    %dma_start3A_85 = arith.constant 0 : i32
    %dma_start3A_86 = arith.constant 0 : i32
    %dma_start3A_87 = arith.constant 0 : i32
    %dma_start3A_88 = arith.constant 0 : i32
    %dma_start3A_89 = tpu.memref_slice %arg9[%dma_start3A_84, %dma_start3A_87, %dma_start3A_88] : memref<5x125x128xbf16, #tpu.memory_space<vmem>> -> memref<1x125x128xbf16, #tpu.memory_space<vmem>>
    %dma_start3A_90 = tpu.memref_squeeze %dma_start3A_89 : memref<1x125x128xbf16, #tpu.memory_space<vmem>> -> memref<125x128xbf16, #tpu.memory_space<vmem>>
    %dma_start3A_91 = arith.constant 0 : i32
    %dma_start3A_92 = tpu.memref_slice %arg8[%dma_start3A_85, %dma_start3A_91] : memref<85x125xi32, #tpu.memory_space<vmem>> -> memref<1x125xi32, #tpu.memory_space<vmem>>
    %dma_start3A_93 = tpu.memref_squeeze %dma_start3A_92 : memref<1x125xi32, #tpu.memory_space<vmem>> -> memref<125xi32, #tpu.memory_space<vmem>>
    %dma_start3A_94 = arith.constant 0 : i32
    %dma_start3A_95 = arith.constant 0 : i32
    %dma_start3A_96 = tpu.memref_slice %arg10[%dma_start3A_94, %dma_start3A_95] : memref<10000x128xbf16, #tpu.memory_space<vmem_shared>> -> memref<10000x128xbf16, #tpu.memory_space<vmem_shared>>
    %dma_start3A_97 = tpu.memref_slice %arg12[%dma_start3A_86] : memref<5x!tpu.dma_semaphore, #tpu.memory_space<semaphore_mem>> -> memref<1x!tpu.dma_semaphore, #tpu.memory_space<semaphore_mem>>
    %dma_start3A_98 = tpu.memref_squeeze %dma_start3A_97 : memref<1x!tpu.dma_semaphore, #tpu.memory_space<semaphore_mem>> -> memref<!tpu.dma_semaphore, #tpu.memory_space<semaphore_mem>>
    tpu.enqueue_indirect_dma source(%dma_start3A_90 : memref<125x128xbf16, #tpu.memory_space<vmem>>) target(%dma_start3A_96 : memref<10000x128xbf16, #tpu.memory_space<vmem_shared>>) offsets(%dma_start3A_93 : memref<125xi32, #tpu.memory_space<vmem>>) semaphore(%dma_start3A_98 : memref<!tpu.dma_semaphore, #tpu.memory_space<semaphore_mem>>) {add = true}
    %dma_start3A_99 = arith.constant 4 : i32
    %dma_start3A_100 = arith.constant 4 : i32
    %dma_start3A_101 = arith.constant 4 : i32
    %dma_start3A_102 = arith.constant 0 : i32
    %dma_start3A_103 = arith.constant 0 : i32
    %dma_start3A_104 = tpu.memref_slice %arg9[%dma_start3A_100, %dma_start3A_102, %dma_start3A_103] : memref<5x125x128xbf16, #tpu.memory_space<vmem>> -> memref<1x125x128xbf16, #tpu.memory_space<vmem>>
    %dma_start3A_105 = tpu.memref_squeeze %dma_start3A_104 : memref<1x125x128xbf16, #tpu.memory_space<vmem>> -> memref<125x128xbf16, #tpu.memory_space<vmem>>
    %dma_start3A_106 = arith.constant 0 : i32
    %dma_start3A_107 = tpu.memref_slice %arg7[%dma_start3A_99, %dma_start3A_106] : memref<85x125xi32, #tpu.memory_space<vmem>> -> memref<1x125xi32, #tpu.memory_space<vmem>>
    %dma_start3A_108 = tpu.memref_squeeze %dma_start3A_107 : memref<1x125xi32, #tpu.memory_space<vmem>> -> memref<125xi32, #tpu.memory_space<vmem>>
    %dma_start3A_109 = arith.constant 0 : i32
    %dma_start3A_110 = arith.constant 0 : i32
    %dma_start3A_111 = tpu.memref_slice %arg2[%dma_start3A_109, %dma_start3A_110] : memref<10000x128xbf16, #tpu.memory_space<hbm>> -> memref<10000x128xbf16, #tpu.memory_space<hbm>>
    %dma_start3A_112 = tpu.memref_slice %arg11[%dma_start3A_101] : memref<5x!tpu.dma_semaphore, #tpu.memory_space<semaphore_mem>> -> memref<1x!tpu.dma_semaphore, #tpu.memory_space<semaphore_mem>>
    %dma_start3A_113 = tpu.memref_squeeze %dma_start3A_112 : memref<1x!tpu.dma_semaphore, #tpu.memory_space<semaphore_mem>> -> memref<!tpu.dma_semaphore, #tpu.memory_space<semaphore_mem>>
    tpu.enqueue_indirect_dma source(%dma_start3A_111 : memref<10000x128xbf16, #tpu.memory_space<hbm>>) target(%dma_start3A_105 : memref<125x128xbf16, #tpu.memory_space<vmem>>) offsets(%dma_start3A_108 : memref<125xi32, #tpu.memory_space<vmem>>) semaphore(%dma_start3A_113 : memref<!tpu.dma_semaphore, #tpu.memory_space<semaphore_mem>>)
    %dma_wait3A_114 = arith.constant 1 : i32
    %dma_wait3A_115 = arith.constant 1 : i32
    %dma_wait3A_116 = arith.constant 1 : i32
    %dma_wait3A_117 = arith.constant 0 : i32
    %dma_wait3A_118 = arith.constant 0 : i32
    %dma_wait3A_119 = tpu.memref_slice %arg9[%dma_wait3A_115, %dma_wait3A_117, %dma_wait3A_118] : memref<5x125x128xbf16, #tpu.memory_space<vmem>> -> memref<1x125x128xbf16, #tpu.memory_space<vmem>>
    %dma_wait3A_120 = tpu.memref_squeeze %dma_wait3A_119 : memref<1x125x128xbf16, #tpu.memory_space<vmem>> -> memref<125x128xbf16, #tpu.memory_space<vmem>>
    %dma_wait3A_121 = arith.constant 0 : i32
    %dma_wait3A_122 = tpu.memref_slice %arg7[%dma_wait3A_114, %dma_wait3A_121] : memref<85x125xi32, #tpu.memory_space<vmem>> -> memref<1x125xi32, #tpu.memory_space<vmem>>
    %dma_wait3A_123 = tpu.memref_squeeze %dma_wait3A_122 : memref<1x125xi32, #tpu.memory_space<vmem>> -> memref<125xi32, #tpu.memory_space<vmem>>
    %dma_wait3A_124 = arith.constant 0 : i32
    %dma_wait3A_125 = arith.constant 0 : i32
    %dma_wait3A_126 = tpu.memref_slice %arg2[%dma_wait3A_124, %dma_wait3A_125] : memref<10000x128xbf16, #tpu.memory_space<hbm>> -> memref<10000x128xbf16, #tpu.memory_space<hbm>>
    %dma_wait3A_127 = tpu.memref_slice %arg11[%dma_wait3A_116] : memref<5x!tpu.dma_semaphore, #tpu.memory_space<semaphore_mem>> -> memref<1x!tpu.dma_semaphore, #tpu.memory_space<semaphore_mem>>
    %dma_wait3A_128 = tpu.memref_squeeze %dma_wait3A_127 : memref<1x!tpu.dma_semaphore, #tpu.memory_space<semaphore_mem>> -> memref<!tpu.dma_semaphore, #tpu.memory_space<semaphore_mem>>
    tpu.wait_indirect_dma semaphore(%dma_wait3A_128 : memref<!tpu.dma_semaphore, #tpu.memory_space<semaphore_mem>>) src(%dma_wait3A_126 : memref<10000x128xbf16, #tpu.memory_space<hbm>>) dst(%dma_wait3A_120 : memref<125x128xbf16, #tpu.memory_space<vmem>>)
    %dma_start3A_129 = arith.constant 1 : i32
    %dma_start3A_130 = arith.constant 1 : i32
    %dma_start3A_131 = arith.constant 1 : i32
    %dma_start3A_132 = arith.constant 0 : i32
    %dma_start3A_133 = arith.constant 0 : i32
    %dma_start3A_134 = tpu.memref_slice %arg9[%dma_start3A_129, %dma_start3A_132, %dma_start3A_133] : memref<5x125x128xbf16, #tpu.memory_space<vmem>> -> memref<1x125x128xbf16, #tpu.memory_space<vmem>>
    %dma_start3A_135 = tpu.memref_squeeze %dma_start3A_134 : memref<1x125x128xbf16, #tpu.memory_space<vmem>> -> memref<125x128xbf16, #tpu.memory_space<vmem>>
    %dma_start3A_136 = arith.constant 0 : i32
    %dma_start3A_137 = tpu.memref_slice %arg8[%dma_start3A_130, %dma_start3A_136] : memref<85x125xi32, #tpu.memory_space<vmem>> -> memref<1x125xi32, #tpu.memory_space<vmem>>
    %dma_start3A_138 = tpu.memref_squeeze %dma_start3A_137 : memref<1x125xi32, #tpu.memory_space<vmem>> -> memref<125xi32, #tpu.memory_space<vmem>>
    %dma_start3A_139 = arith.constant 0 : i32
    %dma_start3A_140 = arith.constant 0 : i32
    %dma_start3A_141 = tpu.memref_slice %arg10[%dma_start3A_139, %dma_start3A_140] : memref<10000x128xbf16, #tpu.memory_space<vmem_shared>> -> memref<10000x128xbf16, #tpu.memory_space<vmem_shared>>
    %dma_start3A_142 = tpu.memref_slice %arg12[%dma_start3A_131] : memref<5x!tpu.dma_semaphore, #tpu.memory_space<semaphore_mem>> -> memref<1x!tpu.dma_semaphore, #tpu.memory_space<semaphore_mem>>
    %dma_start3A_143 = tpu.memref_squeeze %dma_start3A_142 : memref<1x!tpu.dma_semaphore, #tpu.memory_space<semaphore_mem>> -> memref<!tpu.dma_semaphore, #tpu.memory_space<semaphore_mem>>
    tpu.enqueue_indirect_dma source(%dma_start3A_135 : memref<125x128xbf16, #tpu.memory_space<vmem>>) target(%dma_start3A_141 : memref<10000x128xbf16, #tpu.memory_space<vmem_shared>>) offsets(%dma_start3A_138 : memref<125xi32, #tpu.memory_space<vmem>>) semaphore(%dma_start3A_143 : memref<!tpu.dma_semaphore, #tpu.memory_space<semaphore_mem>>) {add = true}
    %dma_wait3A_144 = arith.constant 0 : i32
    %dma_wait3A_145 = arith.constant 0 : i32
    %dma_wait3A_146 = arith.constant 0 : i32
    %dma_wait3A_147 = arith.constant 0 : i32
    %dma_wait3A_148 = arith.constant 0 : i32
    %dma_wait3A_149 = tpu.memref_slice %arg9[%dma_wait3A_144, %dma_wait3A_147, %dma_wait3A_148] : memref<5x125x128xbf16, #tpu.memory_space<vmem>> -> memref<1x125x128xbf16, #tpu.memory_space<vmem>>
    %dma_wait3A_150 = tpu.memref_squeeze %dma_wait3A_149 : memref<1x125x128xbf16, #tpu.memory_space<vmem>> -> memref<125x128xbf16, #tpu.memory_space<vmem>>
    %dma_wait3A_151 = arith.constant 0 : i32
    %dma_wait3A_152 = tpu.memref_slice %arg8[%dma_wait3A_145, %dma_wait3A_151] : memref<85x125xi32, #tpu.memory_space<vmem>> -> memref<1x125xi32, #tpu.memory_space<vmem>>
    %dma_wait3A_153 = tpu.memref_squeeze %dma_wait3A_152 : memref<1x125xi32, #tpu.memory_space<vmem>> -> memref<125xi32, #tpu.memory_space<vmem>>
    %dma_wait3A_154 = arith.constant 0 : i32
    %dma_wait3A_155 = arith.constant 0 : i32
    %dma_wait3A_156 = tpu.memref_slice %arg10[%dma_wait3A_154, %dma_wait3A_155] : memref<10000x128xbf16, #tpu.memory_space<vmem_shared>> -> memref<10000x128xbf16, #tpu.memory_space<vmem_shared>>
    %dma_wait3A_157 = tpu.memref_slice %arg12[%dma_wait3A_146] : memref<5x!tpu.dma_semaphore, #tpu.memory_space<semaphore_mem>> -> memref<1x!tpu.dma_semaphore, #tpu.memory_space<semaphore_mem>>
    %dma_wait3A_158 = tpu.memref_squeeze %dma_wait3A_157 : memref<1x!tpu.dma_semaphore, #tpu.memory_space<semaphore_mem>> -> memref<!tpu.dma_semaphore, #tpu.memory_space<semaphore_mem>>
    tpu.wait_indirect_dma semaphore(%dma_wait3A_158 : memref<!tpu.dma_semaphore, #tpu.memory_space<semaphore_mem>>) src(%dma_wait3A_150 : memref<125x128xbf16, #tpu.memory_space<vmem>>) dst(%dma_wait3A_156 : memref<10000x128xbf16, #tpu.memory_space<vmem_shared>>)
    %dma_start3A_159 = arith.constant 5 : i32
    %dma_start3A_160 = arith.constant 0 : i32
    %dma_start3A_161 = arith.constant 0 : i32
    %dma_start3A_162 = arith.constant 0 : i32
    %dma_start3A_163 = arith.constant 0 : i32
    %dma_start3A_164 = tpu.memref_slice %arg9[%dma_start3A_160, %dma_start3A_162, %dma_start3A_163] : memref<5x125x128xbf16, #tpu.memory_space<vmem>> -> memref<1x125x128xbf16, #tpu.memory_space<vmem>>
    %dma_start3A_165 = tpu.memref_squeeze %dma_start3A_164 : memref<1x125x128xbf16, #tpu.memory_space<vmem>> -> memref<125x128xbf16, #tpu.memory_space<vmem>>
    %dma_start3A_166 = arith.constant 0 : i32
    %dma_start3A_167 = tpu.memref_slice %arg7[%dma_start3A_159, %dma_start3A_166] : memref<85x125xi32, #tpu.memory_space<vmem>> -> memref<1x125xi32, #tpu.memory_space<vmem>>
    %dma_start3A_168 = tpu.memref_squeeze %dma_start3A_167 : memref<1x125xi32, #tpu.memory_space<vmem>> -> memref<125xi32, #tpu.memory_space<vmem>>
    %dma_start3A_169 = arith.constant 0 : i32
    %dma_start3A_170 = arith.constant 0 : i32
    %dma_start3A_171 = tpu.memref_slice %arg2[%dma_start3A_169, %dma_start3A_170] : memref<10000x128xbf16, #tpu.memory_space<hbm>> -> memref<10000x128xbf16, #tpu.memory_space<hbm>>
    %dma_start3A_172 = tpu.memref_slice %arg11[%dma_start3A_161] : memref<5x!tpu.dma_semaphore, #tpu.memory_space<semaphore_mem>> -> memref<1x!tpu.dma_semaphore, #tpu.memory_space<semaphore_mem>>
    %dma_start3A_173 = tpu.memref_squeeze %dma_start3A_172 : memref<1x!tpu.dma_semaphore, #tpu.memory_space<semaphore_mem>> -> memref<!tpu.dma_semaphore, #tpu.memory_space<semaphore_mem>>
    tpu.enqueue_indirect_dma source(%dma_start3A_171 : memref<10000x128xbf16, #tpu.memory_space<hbm>>) target(%dma_start3A_165 : memref<125x128xbf16, #tpu.memory_space<vmem>>) offsets(%dma_start3A_168 : memref<125xi32, #tpu.memory_space<vmem>>) semaphore(%dma_start3A_173 : memref<!tpu.dma_semaphore, #tpu.memory_space<semaphore_mem>>)
    %dma_wait3A_174 = arith.constant 2 : i32
    %dma_wait3A_175 = arith.constant 2 : i32
    %dma_wait3A_176 = arith.constant 2 : i32
    %dma_wait3A_177 = arith.constant 0 : i32
    %dma_wait3A_178 = arith.constant 0 : i32
    %dma_wait3A_179 = tpu.memref_slice %arg9[%dma_wait3A_175, %dma_wait3A_177, %dma_wait3A_178] : memref<5x125x128xbf16, #tpu.memory_space<vmem>> -> memref<1x125x128xbf16, #tpu.memory_space<vmem>>
    %dma_wait3A_180 = tpu.memref_squeeze %dma_wait3A_179 : memref<1x125x128xbf16, #tpu.memory_space<vmem>> -> memref<125x128xbf16, #tpu.memory_space<vmem>>
    %dma_wait3A_181 = arith.constant 0 : i32
    %dma_wait3A_182 = tpu.memref_slice %arg7[%dma_wait3A_174, %dma_wait3A_181] : memref<85x125xi32, #tpu.memory_space<vmem>> -> memref<1x125xi32, #tpu.memory_space<vmem>>
    %dma_wait3A_183 = tpu.memref_squeeze %dma_wait3A_182 : memref<1x125xi32, #tpu.memory_space<vmem>> -> memref<125xi32, #tpu.memory_space<vmem>>
    %dma_wait3A_184 = arith.constant 0 : i32
    %dma_wait3A_185 = arith.constant 0 : i32
    %dma_wait3A_186 = tpu.memref_slice %arg2[%dma_wait3A_184, %dma_wait3A_185] : memref<10000x128xbf16, #tpu.memory_space<hbm>> -> memref<10000x128xbf16, #tpu.memory_space<hbm>>
    %dma_wait3A_187 = tpu.memref_slice %arg11[%dma_wait3A_176] : memref<5x!tpu.dma_semaphore, #tpu.memory_space<semaphore_mem>> -> memref<1x!tpu.dma_semaphore, #tpu.memory_space<semaphore_mem>>
    %dma_wait3A_188 = tpu.memref_squeeze %dma_wait3A_187 : memref<1x!tpu.dma_semaphore, #tpu.memory_space<semaphore_mem>> -> memref<!tpu.dma_semaphore, #tpu.memory_space<semaphore_mem>>
    tpu.wait_indirect_dma semaphore(%dma_wait3A_188 : memref<!tpu.dma_semaphore, #tpu.memory_space<semaphore_mem>>) src(%dma_wait3A_186 : memref<10000x128xbf16, #tpu.memory_space<hbm>>) dst(%dma_wait3A_180 : memref<125x128xbf16, #tpu.memory_space<vmem>>)
    %dma_start3A_189 = arith.constant 2 : i32
    %dma_start3A_190 = arith.constant 2 : i32
    %dma_start3A_191 = arith.constant 2 : i32
    %dma_start3A_192 = arith.constant 0 : i32
    %dma_start3A_193 = arith.constant 0 : i32
    %dma_start3A_194 = tpu.memref_slice %arg9[%dma_start3A_189, %dma_start3A_192, %dma_start3A_193] : memref<5x125x128xbf16, #tpu.memory_space<vmem>> -> memref<1x125x128xbf16, #tpu.memory_space<vmem>>
    %dma_start3A_195 = tpu.memref_squeeze %dma_start3A_194 : memref<1x125x128xbf16, #tpu.memory_space<vmem>> -> memref<125x128xbf16, #tpu.memory_space<vmem>>
    %dma_start3A_196 = arith.constant 0 : i32
    %dma_start3A_197 = tpu.memref_slice %arg8[%dma_start3A_190, %dma_start3A_196] : memref<85x125xi32, #tpu.memory_space<vmem>> -> memref<1x125xi32, #tpu.memory_space<vmem>>
    %dma_start3A_198 = tpu.memref_squeeze %dma_start3A_197 : memref<1x125xi32, #tpu.memory_space<vmem>> -> memref<125xi32, #tpu.memory_space<vmem>>
    %dma_start3A_199 = arith.constant 0 : i32
    %dma_start3A_200 = arith.constant 0 : i32
    %dma_start3A_201 = tpu.memref_slice %arg10[%dma_start3A_199, %dma_start3A_200] : memref<10000x128xbf16, #tpu.memory_space<vmem_shared>> -> memref<10000x128xbf16, #tpu.memory_space<vmem_shared>>
    %dma_start3A_202 = tpu.memref_slice %arg12[%dma_start3A_191] : memref<5x!tpu.dma_semaphore, #tpu.memory_space<semaphore_mem>> -> memref<1x!tpu.dma_semaphore, #tpu.memory_space<semaphore_mem>>
    %dma_start3A_203 = tpu.memref_squeeze %dma_start3A_202 : memref<1x!tpu.dma_semaphore, #tpu.memory_space<semaphore_mem>> -> memref<!tpu.dma_semaphore, #tpu.memory_space<semaphore_mem>>
    tpu.enqueue_indirect_dma source(%dma_start3A_195 : memref<125x128xbf16, #tpu.memory_space<vmem>>) target(%dma_start3A_201 : memref<10000x128xbf16, #tpu.memory_space<vmem_shared>>) offsets(%dma_start3A_198 : memref<125xi32, #tpu.memory_space<vmem>>) semaphore(%dma_start3A_203 : memref<!tpu.dma_semaphore, #tpu.memory_space<semaphore_mem>>) {add = true}
    %dma_wait3A_204 = arith.constant 1 : i32
    %dma_wait3A_205 = arith.constant 1 : i32
    %dma_wait3A_206 = arith.constant 1 : i32
    %dma_wait3A_207 = arith.constant 0 : i32
    %dma_wait3A_208 = arith.constant 0 : i32
    %dma_wait3A_209 = tpu.memref_slice %arg9[%dma_wait3A_204, %dma_wait3A_207, %dma_wait3A_208] : memref<5x125x128xbf16, #tpu.memory_space<vmem>> -> memref<1x125x128xbf16, #tpu.memory_space<vmem>>
    %dma_wait3A_210 = tpu.memref_squeeze %dma_wait3A_209 : memref<1x125x128xbf16, #tpu.memory_space<vmem>> -> memref<125x128xbf16, #tpu.memory_space<vmem>>
    %dma_wait3A_211 = arith.constant 0 : i32
    %dma_wait3A_212 = tpu.memref_slice %arg8[%dma_wait3A_205, %dma_wait3A_211] : memref<85x125xi32, #tpu.memory_space<vmem>> -> memref<1x125xi32, #tpu.memory_space<vmem>>
    %dma_wait3A_213 = tpu.memref_squeeze %dma_wait3A_212 : memref<1x125xi32, #tpu.memory_space<vmem>> -> memref<125xi32, #tpu.memory_space<vmem>>
    %dma_wait3A_214 = arith.constant 0 : i32
    %dma_wait3A_215 = arith.constant 0 : i32
    %dma_wait3A_216 = tpu.memref_slice %arg10[%dma_wait3A_214, %dma_wait3A_215] : memref<10000x128xbf16, #tpu.memory_space<vmem_shared>> -> memref<10000x128xbf16, #tpu.memory_space<vmem_shared>>
    %dma_wait3A_217 = tpu.memref_slice %arg12[%dma_wait3A_206] : memref<5x!tpu.dma_semaphore, #tpu.memory_space<semaphore_mem>> -> memref<1x!tpu.dma_semaphore, #tpu.memory_space<semaphore_mem>>
    %dma_wait3A_218 = tpu.memref_squeeze %dma_wait3A_217 : memref<1x!tpu.dma_semaphore, #tpu.memory_space<semaphore_mem>> -> memref<!tpu.dma_semaphore, #tpu.memory_space<semaphore_mem>>
    tpu.wait_indirect_dma semaphore(%dma_wait3A_218 : memref<!tpu.dma_semaphore, #tpu.memory_space<semaphore_mem>>) src(%dma_wait3A_210 : memref<125x128xbf16, #tpu.memory_space<vmem>>) dst(%dma_wait3A_216 : memref<10000x128xbf16, #tpu.memory_space<vmem_shared>>)
    %dma_start3A_219 = arith.constant 6 : i32
    %dma_start3A_220 = arith.constant 1 : i32
    %dma_start3A_221 = arith.constant 1 : i32
    %dma_start3A_222 = arith.constant 0 : i32
    %dma_start3A_223 = arith.constant 0 : i32
    %dma_start3A_224 = tpu.memref_slice %arg9[%dma_start3A_220, %dma_start3A_222, %dma_start3A_223] : memref<5x125x128xbf16, #tpu.memory_space<vmem>> -> memref<1x125x128xbf16, #tpu.memory_space<vmem>>
    %dma_start3A_225 = tpu.memref_squeeze %dma_start3A_224 : memref<1x125x128xbf16, #tpu.memory_space<vmem>> -> memref<125x128xbf16, #tpu.memory_space<vmem>>
    %dma_start3A_226 = arith.constant 0 : i32
    %dma_start3A_227 = tpu.memref_slice %arg7[%dma_start3A_219, %dma_start3A_226] : memref<85x125xi32, #tpu.memory_space<vmem>> -> memref<1x125xi32, #tpu.memory_space<vmem>>
    %dma_start3A_228 = tpu.memref_squeeze %dma_start3A_227 : memref<1x125xi32, #tpu.memory_space<vmem>> -> memref<125xi32, #tpu.memory_space<vmem>>
    %dma_start3A_229 = arith.constant 0 : i32
    %dma_start3A_230 = arith.constant 0 : i32
    %dma_start3A_231 = tpu.memref_slice %arg2[%dma_start3A_229, %dma_start3A_230] : memref<10000x128xbf16, #tpu.memory_space<hbm>> -> memref<10000x128xbf16, #tpu.memory_space<hbm>>
    %dma_start3A_232 = tpu.memref_slice %arg11[%dma_start3A_221] : memref<5x!tpu.dma_semaphore, #tpu.memory_space<semaphore_mem>> -> memref<1x!tpu.dma_semaphore, #tpu.memory_space<semaphore_mem>>
    %dma_start3A_233 = tpu.memref_squeeze %dma_start3A_232 : memref<1x!tpu.dma_semaphore, #tpu.memory_space<semaphore_mem>> -> memref<!tpu.dma_semaphore, #tpu.memory_space<semaphore_mem>>
    tpu.enqueue_indirect_dma source(%dma_start3A_231 : memref<10000x128xbf16, #tpu.memory_space<hbm>>) target(%dma_start3A_225 : memref<125x128xbf16, #tpu.memory_space<vmem>>) offsets(%dma_start3A_228 : memref<125xi32, #tpu.memory_space<vmem>>) semaphore(%dma_start3A_233 : memref<!tpu.dma_semaphore, #tpu.memory_space<semaphore_mem>>)
    %dma_wait3A_234 = arith.constant 3 : i32
    %dma_wait3A_235 = arith.constant 3 : i32
    %dma_wait3A_236 = arith.constant 3 : i32
    %dma_wait3A_237 = arith.constant 0 : i32
    %dma_wait3A_238 = arith.constant 0 : i32
    %dma_wait3A_239 = tpu.memref_slice %arg9[%dma_wait3A_235, %dma_wait3A_237, %dma_wait3A_238] : memref<5x125x128xbf16, #tpu.memory_space<vmem>> -> memref<1x125x128xbf16, #tpu.memory_space<vmem>>
    %dma_wait3A_240 = tpu.memref_squeeze %dma_wait3A_239 : memref<1x125x128xbf16, #tpu.memory_space<vmem>> -> memref<125x128xbf16, #tpu.memory_space<vmem>>
    %dma_wait3A_241 = arith.constant 0 : i32
    %dma_wait3A_242 = tpu.memref_slice %arg7[%dma_wait3A_234, %dma_wait3A_241] : memref<85x125xi32, #tpu.memory_space<vmem>> -> memref<1x125xi32, #tpu.memory_space<vmem>>
    %dma_wait3A_243 = tpu.memref_squeeze %dma_wait3A_242 : memref<1x125xi32, #tpu.memory_space<vmem>> -> memref<125xi32, #tpu.memory_space<vmem>>
    %dma_wait3A_244 = arith.constant 0 : i32
    %dma_wait3A_245 = arith.constant 0 : i32
    %dma_wait3A_246 = tpu.memref_slice %arg2[%dma_wait3A_244, %dma_wait3A_245] : memref<10000x128xbf16, #tpu.memory_space<hbm>> -> memref<10000x128xbf16, #tpu.memory_space<hbm>>
    %dma_wait3A_247 = tpu.memref_slice %arg11[%dma_wait3A_236] : memref<5x!tpu.dma_semaphore, #tpu.memory_space<semaphore_mem>> -> memref<1x!tpu.dma_semaphore, #tpu.memory_space<semaphore_mem>>
    %dma_wait3A_248 = tpu.memref_squeeze %dma_wait3A_247 : memref<1x!tpu.dma_semaphore, #tpu.memory_space<semaphore_mem>> -> memref<!tpu.dma_semaphore, #tpu.memory_space<semaphore_mem>>
    tpu.wait_indirect_dma semaphore(%dma_wait3A_248 : memref<!tpu.dma_semaphore, #tpu.memory_space<semaphore_mem>>) src(%dma_wait3A_246 : memref<10000x128xbf16, #tpu.memory_space<hbm>>) dst(%dma_wait3A_240 : memref<125x128xbf16, #tpu.memory_space<vmem>>)
    %dma_start3A_249 = arith.constant 3 : i32
    %dma_start3A_250 = arith.constant 3 : i32
    %dma_start3A_251 = arith.constant 3 : i32
    %dma_start3A_252 = arith.constant 0 : i32
    %dma_start3A_253 = arith.constant 0 : i32
    %dma_start3A_254 = tpu.memref_slice %arg9[%dma_start3A_249, %dma_start3A_252, %dma_start3A_253] : memref<5x125x128xbf16, #tpu.memory_space<vmem>> -> memref<1x125x128xbf16, #tpu.memory_space<vmem>>
    %dma_start3A_255 = tpu.memref_squeeze %dma_start3A_254 : memref<1x125x128xbf16, #tpu.memory_space<vmem>> -> memref<125x128xbf16, #tpu.memory_space<vmem>>
    %dma_start3A_256 = arith.constant 0 : i32
    %dma_start3A_257 = tpu.memref_slice %arg8[%dma_start3A_250, %dma_start3A_256] : memref<85x125xi32, #tpu.memory_space<vmem>> -> memref<1x125xi32, #tpu.memory_space<vmem>>
    %dma_start3A_258 = tpu.memref_squeeze %dma_start3A_257 : memref<1x125xi32, #tpu.memory_space<vmem>> -> memref<125xi32, #tpu.memory_space<vmem>>
    %dma_start3A_259 = arith.constant 0 : i32
    %dma_start3A_260 = arith.constant 0 : i32
    %dma_start3A_261 = tpu.memref_slice %arg10[%dma_start3A_259, %dma_start3A_260] : memref<10000x128xbf16, #tpu.memory_space<vmem_shared>> -> memref<10000x128xbf16, #tpu.memory_space<vmem_shared>>
    %dma_start3A_262 = tpu.memref_slice %arg12[%dma_start3A_251] : memref<5x!tpu.dma_semaphore, #tpu.memory_space<semaphore_mem>> -> memref<1x!tpu.dma_semaphore, #tpu.memory_space<semaphore_mem>>
    %dma_start3A_263 = tpu.memref_squeeze %dma_start3A_262 : memref<1x!tpu.dma_semaphore, #tpu.memory_space<semaphore_mem>> -> memref<!tpu.dma_semaphore, #tpu.memory_space<semaphore_mem>>
    tpu.enqueue_indirect_dma source(%dma_start3A_255 : memref<125x128xbf16, #tpu.memory_space<vmem>>) target(%dma_start3A_261 : memref<10000x128xbf16, #tpu.memory_space<vmem_shared>>) offsets(%dma_start3A_258 : memref<125xi32, #tpu.memory_space<vmem>>) semaphore(%dma_start3A_263 : memref<!tpu.dma_semaphore, #tpu.memory_space<semaphore_mem>>) {add = true}
    %dma_wait3A_264 = arith.constant 2 : i32
    %dma_wait3A_265 = arith.constant 2 : i32
    %dma_wait3A_266 = arith.constant 2 : i32
    %dma_wait3A_267 = arith.constant 0 : i32
    %dma_wait3A_268 = arith.constant 0 : i32
    %dma_wait3A_269 = tpu.memref_slice %arg9[%dma_wait3A_264, %dma_wait3A_267, %dma_wait3A_268] : memref<5x125x128xbf16, #tpu.memory_space<vmem>> -> memref<1x125x128xbf16, #tpu.memory_space<vmem>>
    %dma_wait3A_270 = tpu.memref_squeeze %dma_wait3A_269 : memref<1x125x128xbf16, #tpu.memory_space<vmem>> -> memref<125x128xbf16, #tpu.memory_space<vmem>>
    %dma_wait3A_271 = arith.constant 0 : i32
    %dma_wait3A_272 = tpu.memref_slice %arg8[%dma_wait3A_265, %dma_wait3A_271] : memref<85x125xi32, #tpu.memory_space<vmem>> -> memref<1x125xi32, #tpu.memory_space<vmem>>
    %dma_wait3A_273 = tpu.memref_squeeze %dma_wait3A_272 : memref<1x125xi32, #tpu.memory_space<vmem>> -> memref<125xi32, #tpu.memory_space<vmem>>
    %dma_wait3A_274 = arith.constant 0 : i32
    %dma_wait3A_275 = arith.constant 0 : i32
    %dma_wait3A_276 = tpu.memref_slice %arg10[%dma_wait3A_274, %dma_wait3A_275] : memref<10000x128xbf16, #tpu.memory_space<vmem_shared>> -> memref<10000x128xbf16, #tpu.memory_space<vmem_shared>>
    %dma_wait3A_277 = tpu.memref_slice %arg12[%dma_wait3A_266] : memref<5x!tpu.dma_semaphore, #tpu.memory_space<semaphore_mem>> -> memref<1x!tpu.dma_semaphore, #tpu.memory_space<semaphore_mem>>
    %dma_wait3A_278 = tpu.memref_squeeze %dma_wait3A_277 : memref<1x!tpu.dma_semaphore, #tpu.memory_space<semaphore_mem>> -> memref<!tpu.dma_semaphore, #tpu.memory_space<semaphore_mem>>
    tpu.wait_indirect_dma semaphore(%dma_wait3A_278 : memref<!tpu.dma_semaphore, #tpu.memory_space<semaphore_mem>>) src(%dma_wait3A_270 : memref<125x128xbf16, #tpu.memory_space<vmem>>) dst(%dma_wait3A_276 : memref<10000x128xbf16, #tpu.memory_space<vmem_shared>>)
    %dma_start3A_279 = arith.constant 7 : i32
    %dma_start3A_280 = arith.constant 2 : i32
    %dma_start3A_281 = arith.constant 2 : i32
    %dma_start3A_282 = arith.constant 0 : i32
    %dma_start3A_283 = arith.constant 0 : i32
    %dma_start3A_284 = tpu.memref_slice %arg9[%dma_start3A_280, %dma_start3A_282, %dma_start3A_283] : memref<5x125x128xbf16, #tpu.memory_space<vmem>> -> memref<1x125x128xbf16, #tpu.memory_space<vmem>>
    %dma_start3A_285 = tpu.memref_squeeze %dma_start3A_284 : memref<1x125x128xbf16, #tpu.memory_space<vmem>> -> memref<125x128xbf16, #tpu.memory_space<vmem>>
    %dma_start3A_286 = arith.constant 0 : i32
    %dma_start3A_287 = tpu.memref_slice %arg7[%dma_start3A_279, %dma_start3A_286] : memref<85x125xi32, #tpu.memory_space<vmem>> -> memref<1x125xi32, #tpu.memory_space<vmem>>
    %dma_start3A_288 = tpu.memref_squeeze %dma_start3A_287 : memref<1x125xi32, #tpu.memory_space<vmem>> -> memref<125xi32, #tpu.memory_space<vmem>>
    %dma_start3A_289 = arith.constant 0 : i32
    %dma_start3A_290 = arith.constant 0 : i32
    %dma_start3A_291 = tpu.memref_slice %arg2[%dma_start3A_289, %dma_start3A_290] : memref<10000x128xbf16, #tpu.memory_space<hbm>> -> memref<10000x128xbf16, #tpu.memory_space<hbm>>
    %dma_start3A_292 = tpu.memref_slice %arg11[%dma_start3A_281] : memref<5x!tpu.dma_semaphore, #tpu.memory_space<semaphore_mem>> -> memref<1x!tpu.dma_semaphore, #tpu.memory_space<semaphore_mem>>
    %dma_start3A_293 = tpu.memref_squeeze %dma_start3A_292 : memref<1x!tpu.dma_semaphore, #tpu.memory_space<semaphore_mem>> -> memref<!tpu.dma_semaphore, #tpu.memory_space<semaphore_mem>>
    tpu.enqueue_indirect_dma source(%dma_start3A_291 : memref<10000x128xbf16, #tpu.memory_space<hbm>>) target(%dma_start3A_285 : memref<125x128xbf16, #tpu.memory_space<vmem>>) offsets(%dma_start3A_288 : memref<125xi32, #tpu.memory_space<vmem>>) semaphore(%dma_start3A_293 : memref<!tpu.dma_semaphore, #tpu.memory_space<semaphore_mem>>)
    %dma_wait3A_294 = arith.constant 4 : i32
    %dma_wait3A_295 = arith.constant 4 : i32
    %dma_wait3A_296 = arith.constant 4 : i32
    %dma_wait3A_297 = arith.constant 0 : i32
    %dma_wait3A_298 = arith.constant 0 : i32
    %dma_wait3A_299 = tpu.memref_slice %arg9[%dma_wait3A_295, %dma_wait3A_297, %dma_wait3A_298] : memref<5x125x128xbf16, #tpu.memory_space<vmem>> -> memref<1x125x128xbf16, #tpu.memory_space<vmem>>
    %dma_wait3A_300 = tpu.memref_squeeze %dma_wait3A_299 : memref<1x125x128xbf16, #tpu.memory_space<vmem>> -> memref<125x128xbf16, #tpu.memory_space<vmem>>
    %dma_wait3A_301 = arith.constant 0 : i32
    %dma_wait3A_302 = tpu.memref_slice %arg7[%dma_wait3A_294, %dma_wait3A_301] : memref<85x125xi32, #tpu.memory_space<vmem>> -> memref<1x125xi32, #tpu.memory_space<vmem>>
    %dma_wait3A_303 = tpu.memref_squeeze %dma_wait3A_302 : memref<1x125xi32, #tpu.memory_space<vmem>> -> memref<125xi32, #tpu.memory_space<vmem>>
    %dma_wait3A_304 = arith.constant 0 : i32
    %dma_wait3A_305 = arith.constant 0 : i32
    %dma_wait3A_306 = tpu.memref_slice %arg2[%dma_wait3A_304, %dma_wait3A_305] : memref<10000x128xbf16, #tpu.memory_space<hbm>> -> memref<10000x128xbf16, #tpu.memory_space<hbm>>
    %dma_wait3A_307 = tpu.memref_slice %arg11[%dma_wait3A_296] : memref<5x!tpu.dma_semaphore, #tpu.memory_space<semaphore_mem>> -> memref<1x!tpu.dma_semaphore, #tpu.memory_space<semaphore_mem>>
    %dma_wait3A_308 = tpu.memref_squeeze %dma_wait3A_307 : memref<1x!tpu.dma_semaphore, #tpu.memory_space<semaphore_mem>> -> memref<!tpu.dma_semaphore, #tpu.memory_space<semaphore_mem>>
    tpu.wait_indirect_dma semaphore(%dma_wait3A_308 : memref<!tpu.dma_semaphore, #tpu.memory_space<semaphore_mem>>) src(%dma_wait3A_306 : memref<10000x128xbf16, #tpu.memory_space<hbm>>) dst(%dma_wait3A_300 : memref<125x128xbf16, #tpu.memory_space<vmem>>)
    %dma_start3A_309 = arith.constant 4 : i32
    %dma_start3A_310 = arith.constant 4 : i32
    %dma_start3A_311 = arith.constant 4 : i32
    %dma_start3A_312 = arith.constant 0 : i32
    %dma_start3A_313 = arith.constant 0 : i32
    %dma_start3A_314 = tpu.memref_slice %arg9[%dma_start3A_309, %dma_start3A_312, %dma_start3A_313] : memref<5x125x128xbf16, #tpu.memory_space<vmem>> -> memref<1x125x128xbf16, #tpu.memory_space<vmem>>
    %dma_start3A_315 = tpu.memref_squeeze %dma_start3A_314 : memref<1x125x128xbf16, #tpu.memory_space<vmem>> -> memref<125x128xbf16, #tpu.memory_space<vmem>>
    %dma_start3A_316 = arith.constant 0 : i32
    %dma_start3A_317 = tpu.memref_slice %arg8[%dma_start3A_310, %dma_start3A_316] : memref<85x125xi32, #tpu.memory_space<vmem>> -> memref<1x125xi32, #tpu.memory_space<vmem>>
    %dma_start3A_318 = tpu.memref_squeeze %dma_start3A_317 : memref<1x125xi32, #tpu.memory_space<vmem>> -> memref<125xi32, #tpu.memory_space<vmem>>
    %dma_start3A_319 = arith.constant 0 : i32
    %dma_start3A_320 = arith.constant 0 : i32
    %dma_start3A_321 = tpu.memref_slice %arg10[%dma_start3A_319, %dma_start3A_320] : memref<10000x128xbf16, #tpu.memory_space<vmem_shared>> -> memref<10000x128xbf16, #tpu.memory_space<vmem_shared>>
    %dma_start3A_322 = tpu.memref_slice %arg12[%dma_start3A_311] : memref<5x!tpu.dma_semaphore, #tpu.memory_space<semaphore_mem>> -> memref<1x!tpu.dma_semaphore, #tpu.memory_space<semaphore_mem>>
    %dma_start3A_323 = tpu.memref_squeeze %dma_start3A_322 : memref<1x!tpu.dma_semaphore, #tpu.memory_space<semaphore_mem>> -> memref<!tpu.dma_semaphore, #tpu.memory_space<semaphore_mem>>
    tpu.enqueue_indirect_dma source(%dma_start3A_315 : memref<125x128xbf16, #tpu.memory_space<vmem>>) target(%dma_start3A_321 : memref<10000x128xbf16, #tpu.memory_space<vmem_shared>>) offsets(%dma_start3A_318 : memref<125xi32, #tpu.memory_space<vmem>>) semaphore(%dma_start3A_323 : memref<!tpu.dma_semaphore, #tpu.memory_space<semaphore_mem>>) {add = true}
    %dma_wait3A_324 = arith.constant 3 : i32
    %dma_wait3A_325 = arith.constant 3 : i32
    %dma_wait3A_326 = arith.constant 3 : i32
    %dma_wait3A_327 = arith.constant 0 : i32
    %dma_wait3A_328 = arith.constant 0 : i32
    %dma_wait3A_329 = tpu.memref_slice %arg9[%dma_wait3A_324, %dma_wait3A_327, %dma_wait3A_328] : memref<5x125x128xbf16, #tpu.memory_space<vmem>> -> memref<1x125x128xbf16, #tpu.memory_space<vmem>>
    %dma_wait3A_330 = tpu.memref_squeeze %dma_wait3A_329 : memref<1x125x128xbf16, #tpu.memory_space<vmem>> -> memref<125x128xbf16, #tpu.memory_space<vmem>>
    %dma_wait3A_331 = arith.constant 0 : i32
    %dma_wait3A_332 = tpu.memref_slice %arg8[%dma_wait3A_325, %dma_wait3A_331] : memref<85x125xi32, #tpu.memory_space<vmem>> -> memref<1x125xi32, #tpu.memory_space<vmem>>
    %dma_wait3A_333 = tpu.memref_squeeze %dma_wait3A_332 : memref<1x125xi32, #tpu.memory_space<vmem>> -> memref<125xi32, #tpu.memory_space<vmem>>
    %dma_wait3A_334 = arith.constant 0 : i32
    %dma_wait3A_335 = arith.constant 0 : i32
    %dma_wait3A_336 = tpu.memref_slice %arg10[%dma_wait3A_334, %dma_wait3A_335] : memref<10000x128xbf16, #tpu.memory_space<vmem_shared>> -> memref<10000x128xbf16, #tpu.memory_space<vmem_shared>>
    %dma_wait3A_337 = tpu.memref_slice %arg12[%dma_wait3A_326] : memref<5x!tpu.dma_semaphore, #tpu.memory_space<semaphore_mem>> -> memref<1x!tpu.dma_semaphore, #tpu.memory_space<semaphore_mem>>
    %dma_wait3A_338 = tpu.memref_squeeze %dma_wait3A_337 : memref<1x!tpu.dma_semaphore, #tpu.memory_space<semaphore_mem>> -> memref<!tpu.dma_semaphore, #tpu.memory_space<semaphore_mem>>
    tpu.wait_indirect_dma semaphore(%dma_wait3A_338 : memref<!tpu.dma_semaphore, #tpu.memory_space<semaphore_mem>>) src(%dma_wait3A_330 : memref<125x128xbf16, #tpu.memory_space<vmem>>) dst(%dma_wait3A_336 : memref<10000x128xbf16, #tpu.memory_space<vmem_shared>>)
    %dma_start3A_339 = arith.constant 8 : i32
    %dma_start3A_340 = arith.constant 3 : i32
    %dma_start3A_341 = arith.constant 3 : i32
    %dma_start3A_342 = arith.constant 0 : i32
    %dma_start3A_343 = arith.constant 0 : i32
    %dma_start3A_344 = tpu.memref_slice %arg9[%dma_start3A_340, %dma_start3A_342, %dma_start3A_343] : memref<5x125x128xbf16, #tpu.memory_space<vmem>> -> memref<1x125x128xbf16, #tpu.memory_space<vmem>>
    %dma_start3A_345 = tpu.memref_squeeze %dma_start3A_344 : memref<1x125x128xbf16, #tpu.memory_space<vmem>> -> memref<125x128xbf16, #tpu.memory_space<vmem>>
    %dma_start3A_346 = arith.constant 0 : i32
    %dma_start3A_347 = tpu.memref_slice %arg7[%dma_start3A_339, %dma_start3A_346] : memref<85x125xi32, #tpu.memory_space<vmem>> -> memref<1x125xi32, #tpu.memory_space<vmem>>
    %dma_start3A_348 = tpu.memref_squeeze %dma_start3A_347 : memref<1x125xi32, #tpu.memory_space<vmem>> -> memref<125xi32, #tpu.memory_space<vmem>>
    %dma_start3A_349 = arith.constant 0 : i32
    %dma_start3A_350 = arith.constant 0 : i32
    %dma_start3A_351 = tpu.memref_slice %arg2[%dma_start3A_349, %dma_start3A_350] : memref<10000x128xbf16, #tpu.memory_space<hbm>> -> memref<10000x128xbf16, #tpu.memory_space<hbm>>
    %dma_start3A_352 = tpu.memref_slice %arg11[%dma_start3A_341] : memref<5x!tpu.dma_semaphore, #tpu.memory_space<semaphore_mem>> -> memref<1x!tpu.dma_semaphore, #tpu.memory_space<semaphore_mem>>
    %dma_start3A_353 = tpu.memref_squeeze %dma_start3A_352 : memref<1x!tpu.dma_semaphore, #tpu.memory_space<semaphore_mem>> -> memref<!tpu.dma_semaphore, #tpu.memory_space<semaphore_mem>>
    tpu.enqueue_indirect_dma source(%dma_start3A_351 : memref<10000x128xbf16, #tpu.memory_space<hbm>>) target(%dma_start3A_345 : memref<125x128xbf16, #tpu.memory_space<vmem>>) offsets(%dma_start3A_348 : memref<125xi32, #tpu.memory_space<vmem>>) semaphore(%dma_start3A_353 : memref<!tpu.dma_semaphore, #tpu.memory_space<semaphore_mem>>)
    %jit3A_354 = arith.constant 5 : i32
    %div3A = arith.divsi %select_n3A, %jit3A_354 : i32
    %sign3A = arith.constant 0 : i32
    %sign3A_355 = arith.cmpi sgt, %select_n3A, %sign3A : i32
    %sign3A_356 = arith.extui %sign3A_355 : i1 to i32
    %sign3A_357 = arith.constant 0 : i32
    %sign3A_358 = arith.cmpi slt, %select_n3A, %sign3A_357 : i32
    %sign3A_359 = arith.extui %sign3A_358 : i1 to i32
    %sign3A_360 = arith.subi %sign3A_356, %sign3A_359 : i32
    %sign3A_361 = arith.constant 0 : i32
    %sign3A_362 = arith.cmpi sgt, %jit3A_354, %sign3A_361 : i32
    %sign3A_363 = arith.extui %sign3A_362 : i1 to i32
    %sign3A_364 = arith.constant 0 : i32
    %sign3A_365 = arith.cmpi slt, %jit3A_354, %sign3A_364 : i32
    %sign3A_366 = arith.extui %sign3A_365 : i1 to i32
    %sign3A_367 = arith.subi %sign3A_363, %sign3A_366 : i32
    %ne3A = arith.cmpi ne, %sign3A_360, %sign3A_367 : i32
    %rem3A = arith.remsi %select_n3A, %jit3A_354 : i32
    %ne3A_368 = arith.constant 0 : i32
    %ne3A_369 = arith.cmpi ne, %rem3A, %ne3A_368 : i32
    %and3A = arith.andi %ne3A, %ne3A_369 : i1
    %sub3A = arith.constant 1 : i32
    %sub3A_370 = arith.subi %div3A, %sub3A : i32
    %select_n3A_371 = arith.select %and3A, %sub3A_370, %div3A : i32
    %sub3A_372 = arith.constant 1 : i32
    %sub3A_373 = arith.subi %select_n3A_371, %sub3A_372 : i32
    %while3A = arith.constant 0 : i32
    %while3A_374 = arith.constant 1 : i32
    %while3A_375 = arith.subi %sub3A_373, %while3A_374 : i32
    %while3A_376 = arith.addi %while3A_374, %while3A_375 : i32
    %while3A_377 = arith.constant 1 : i32
    %while3A_378 = arith.divsi %while3A_375, %while3A_377 : i32
    %while3A_379 = arith.muli %while3A_378, %while3A_377 : i32
    %while3A_380 = arith.addi %while3A_374, %while3A_379 : i32
    %while3A_381 = arith.constant 1 : i32
    scf.for %while3A_653 = %while3A_374 to %while3A_380 step %while3A_381  : i32 {
      %mul3A_654 = arith.constant 5 : i32
      %mul3A_655 = arith.muli %while3A_653, %mul3A_654 : i32
      %add3A_656 = arith.constant 0 : i32
      %add3A_657 = arith.addi %mul3A_655, %add3A_656 : i32
      %dma_wait3A_658 = arith.constant 0 : i32
      %dma_wait3A_659 = arith.constant 0 : i32
      %dma_wait3A_660 = arith.constant 0 : i32
      %dma_wait3A_661 = arith.constant 0 : i32
      %dma_wait3A_662 = tpu.memref_slice %arg9[%dma_wait3A_658, %dma_wait3A_660, %dma_wait3A_661] : memref<5x125x128xbf16, #tpu.memory_space<vmem>> -> memref<1x125x128xbf16, #tpu.memory_space<vmem>>
      %dma_wait3A_663 = tpu.memref_squeeze %dma_wait3A_662 : memref<1x125x128xbf16, #tpu.memory_space<vmem>> -> memref<125x128xbf16, #tpu.memory_space<vmem>>
      %dma_wait3A_664 = arith.constant 0 : i32
      %dma_wait3A_665 = tpu.memref_slice %arg7[%add3A_657, %dma_wait3A_664] : memref<85x125xi32, #tpu.memory_space<vmem>> -> memref<1x125xi32, #tpu.memory_space<vmem>>
      %dma_wait3A_666 = tpu.memref_squeeze %dma_wait3A_665 : memref<1x125xi32, #tpu.memory_space<vmem>> -> memref<125xi32, #tpu.memory_space<vmem>>
      %dma_wait3A_667 = arith.constant 0 : i32
      %dma_wait3A_668 = arith.constant 0 : i32
      %dma_wait3A_669 = tpu.memref_slice %arg2[%dma_wait3A_667, %dma_wait3A_668] : memref<10000x128xbf16, #tpu.memory_space<hbm>> -> memref<10000x128xbf16, #tpu.memory_space<hbm>>
      %dma_wait3A_670 = tpu.memref_slice %arg11[%dma_wait3A_659] : memref<5x!tpu.dma_semaphore, #tpu.memory_space<semaphore_mem>> -> memref<1x!tpu.dma_semaphore, #tpu.memory_space<semaphore_mem>>
      %dma_wait3A_671 = tpu.memref_squeeze %dma_wait3A_670 : memref<1x!tpu.dma_semaphore, #tpu.memory_space<semaphore_mem>> -> memref<!tpu.dma_semaphore, #tpu.memory_space<semaphore_mem>>
      tpu.wait_indirect_dma semaphore(%dma_wait3A_671 : memref<!tpu.dma_semaphore, #tpu.memory_space<semaphore_mem>>) src(%dma_wait3A_669 : memref<10000x128xbf16, #tpu.memory_space<hbm>>) dst(%dma_wait3A_663 : memref<125x128xbf16, #tpu.memory_space<vmem>>)
      %dma_start3A_672 = arith.constant 0 : i32
      %dma_start3A_673 = arith.constant 0 : i32
      %dma_start3A_674 = arith.constant 0 : i32
      %dma_start3A_675 = arith.constant 0 : i32
      %dma_start3A_676 = tpu.memref_slice %arg9[%dma_start3A_672, %dma_start3A_674, %dma_start3A_675] : memref<5x125x128xbf16, #tpu.memory_space<vmem>> -> memref<1x125x128xbf16, #tpu.memory_space<vmem>>
      %dma_start3A_677 = tpu.memref_squeeze %dma_start3A_676 : memref<1x125x128xbf16, #tpu.memory_space<vmem>> -> memref<125x128xbf16, #tpu.memory_space<vmem>>
      %dma_start3A_678 = arith.constant 0 : i32
      %dma_start3A_679 = tpu.memref_slice %arg8[%add3A_657, %dma_start3A_678] : memref<85x125xi32, #tpu.memory_space<vmem>> -> memref<1x125xi32, #tpu.memory_space<vmem>>
      %dma_start3A_680 = tpu.memref_squeeze %dma_start3A_679 : memref<1x125xi32, #tpu.memory_space<vmem>> -> memref<125xi32, #tpu.memory_space<vmem>>
      %dma_start3A_681 = arith.constant 0 : i32
      %dma_start3A_682 = arith.constant 0 : i32
      %dma_start3A_683 = tpu.memref_slice %arg10[%dma_start3A_681, %dma_start3A_682] : memref<10000x128xbf16, #tpu.memory_space<vmem_shared>> -> memref<10000x128xbf16, #tpu.memory_space<vmem_shared>>
      %dma_start3A_684 = tpu.memref_slice %arg12[%dma_start3A_673] : memref<5x!tpu.dma_semaphore, #tpu.memory_space<semaphore_mem>> -> memref<1x!tpu.dma_semaphore, #tpu.memory_space<semaphore_mem>>
      %dma_start3A_685 = tpu.memref_squeeze %dma_start3A_684 : memref<1x!tpu.dma_semaphore, #tpu.memory_space<semaphore_mem>> -> memref<!tpu.dma_semaphore, #tpu.memory_space<semaphore_mem>>
      tpu.enqueue_indirect_dma source(%dma_start3A_677 : memref<125x128xbf16, #tpu.memory_space<vmem>>) target(%dma_start3A_683 : memref<10000x128xbf16, #tpu.memory_space<vmem_shared>>) offsets(%dma_start3A_680 : memref<125xi32, #tpu.memory_space<vmem>>) semaphore(%dma_start3A_685 : memref<!tpu.dma_semaphore, #tpu.memory_space<semaphore_mem>>) {add = true}
      %sub3A_686 = arith.constant 1 : i32
      %sub3A_687 = arith.subi %add3A_657, %sub3A_686 : i32
      %dma_wait3A_688 = arith.constant 4 : i32
      %dma_wait3A_689 = arith.constant 4 : i32
      %dma_wait3A_690 = arith.constant 0 : i32
      %dma_wait3A_691 = arith.constant 0 : i32
      %dma_wait3A_692 = tpu.memref_slice %arg9[%dma_wait3A_688, %dma_wait3A_690, %dma_wait3A_691] : memref<5x125x128xbf16, #tpu.memory_space<vmem>> -> memref<1x125x128xbf16, #tpu.memory_space<vmem>>
      %dma_wait3A_693 = tpu.memref_squeeze %dma_wait3A_692 : memref<1x125x128xbf16, #tpu.memory_space<vmem>> -> memref<125x128xbf16, #tpu.memory_space<vmem>>
      %dma_wait3A_694 = arith.constant 0 : i32
      %dma_wait3A_695 = tpu.memref_slice %arg8[%sub3A_687, %dma_wait3A_694] : memref<85x125xi32, #tpu.memory_space<vmem>> -> memref<1x125xi32, #tpu.memory_space<vmem>>
      %dma_wait3A_696 = tpu.memref_squeeze %dma_wait3A_695 : memref<1x125xi32, #tpu.memory_space<vmem>> -> memref<125xi32, #tpu.memory_space<vmem>>
      %dma_wait3A_697 = arith.constant 0 : i32
      %dma_wait3A_698 = arith.constant 0 : i32
      %dma_wait3A_699 = tpu.memref_slice %arg10[%dma_wait3A_697, %dma_wait3A_698] : memref<10000x128xbf16, #tpu.memory_space<vmem_shared>> -> memref<10000x128xbf16, #tpu.memory_space<vmem_shared>>
      %dma_wait3A_700 = tpu.memref_slice %arg12[%dma_wait3A_689] : memref<5x!tpu.dma_semaphore, #tpu.memory_space<semaphore_mem>> -> memref<1x!tpu.dma_semaphore, #tpu.memory_space<semaphore_mem>>
      %dma_wait3A_701 = tpu.memref_squeeze %dma_wait3A_700 : memref<1x!tpu.dma_semaphore, #tpu.memory_space<semaphore_mem>> -> memref<!tpu.dma_semaphore, #tpu.memory_space<semaphore_mem>>
      tpu.wait_indirect_dma semaphore(%dma_wait3A_701 : memref<!tpu.dma_semaphore, #tpu.memory_space<semaphore_mem>>) src(%dma_wait3A_693 : memref<125x128xbf16, #tpu.memory_space<vmem>>) dst(%dma_wait3A_699 : memref<10000x128xbf16, #tpu.memory_space<vmem_shared>>)
      %add3A_702 = arith.constant 5 : i32
      %add3A_703 = arith.addi %add3A_657, %add3A_702 : i32
      %sub3A_704 = arith.constant 1 : i32
      %sub3A_705 = arith.subi %add3A_703, %sub3A_704 : i32
      %dma_start3A_706 = arith.constant 4 : i32
      %dma_start3A_707 = arith.constant 4 : i32
      %dma_start3A_708 = arith.constant 0 : i32
      %dma_start3A_709 = arith.constant 0 : i32
      %dma_start3A_710 = tpu.memref_slice %arg9[%dma_start3A_706, %dma_start3A_708, %dma_start3A_709] : memref<5x125x128xbf16, #tpu.memory_space<vmem>> -> memref<1x125x128xbf16, #tpu.memory_space<vmem>>
      %dma_start3A_711 = tpu.memref_squeeze %dma_start3A_710 : memref<1x125x128xbf16, #tpu.memory_space<vmem>> -> memref<125x128xbf16, #tpu.memory_space<vmem>>
      %dma_start3A_712 = arith.constant 0 : i32
      %dma_start3A_713 = tpu.memref_slice %arg7[%sub3A_705, %dma_start3A_712] : memref<85x125xi32, #tpu.memory_space<vmem>> -> memref<1x125xi32, #tpu.memory_space<vmem>>
      %dma_start3A_714 = tpu.memref_squeeze %dma_start3A_713 : memref<1x125xi32, #tpu.memory_space<vmem>> -> memref<125xi32, #tpu.memory_space<vmem>>
      %dma_start3A_715 = arith.constant 0 : i32
      %dma_start3A_716 = arith.constant 0 : i32
      %dma_start3A_717 = tpu.memref_slice %arg2[%dma_start3A_715, %dma_start3A_716] : memref<10000x128xbf16, #tpu.memory_space<hbm>> -> memref<10000x128xbf16, #tpu.memory_space<hbm>>
      %dma_start3A_718 = tpu.memref_slice %arg11[%dma_start3A_707] : memref<5x!tpu.dma_semaphore, #tpu.memory_space<semaphore_mem>> -> memref<1x!tpu.dma_semaphore, #tpu.memory_space<semaphore_mem>>
      %dma_start3A_719 = tpu.memref_squeeze %dma_start3A_718 : memref<1x!tpu.dma_semaphore, #tpu.memory_space<semaphore_mem>> -> memref<!tpu.dma_semaphore, #tpu.memory_space<semaphore_mem>>
      tpu.enqueue_indirect_dma source(%dma_start3A_717 : memref<10000x128xbf16, #tpu.memory_space<hbm>>) target(%dma_start3A_711 : memref<125x128xbf16, #tpu.memory_space<vmem>>) offsets(%dma_start3A_714 : memref<125xi32, #tpu.memory_space<vmem>>) semaphore(%dma_start3A_719 : memref<!tpu.dma_semaphore, #tpu.memory_space<semaphore_mem>>)
      %add3A_720 = arith.constant 1 : i32
      %add3A_721 = arith.addi %mul3A_655, %add3A_720 : i32
      %dma_wait3A_722 = arith.constant 1 : i32
      %dma_wait3A_723 = arith.constant 1 : i32
      %dma_wait3A_724 = arith.constant 0 : i32
      %dma_wait3A_725 = arith.constant 0 : i32
      %dma_wait3A_726 = tpu.memref_slice %arg9[%dma_wait3A_722, %dma_wait3A_724, %dma_wait3A_725] : memref<5x125x128xbf16, #tpu.memory_space<vmem>> -> memref<1x125x128xbf16, #tpu.memory_space<vmem>>
      %dma_wait3A_727 = tpu.memref_squeeze %dma_wait3A_726 : memref<1x125x128xbf16, #tpu.memory_space<vmem>> -> memref<125x128xbf16, #tpu.memory_space<vmem>>
      %dma_wait3A_728 = arith.constant 0 : i32
      %dma_wait3A_729 = tpu.memref_slice %arg7[%add3A_721, %dma_wait3A_728] : memref<85x125xi32, #tpu.memory_space<vmem>> -> memref<1x125xi32, #tpu.memory_space<vmem>>
      %dma_wait3A_730 = tpu.memref_squeeze %dma_wait3A_729 : memref<1x125xi32, #tpu.memory_space<vmem>> -> memref<125xi32, #tpu.memory_space<vmem>>
      %dma_wait3A_731 = arith.constant 0 : i32
      %dma_wait3A_732 = arith.constant 0 : i32
      %dma_wait3A_733 = tpu.memref_slice %arg2[%dma_wait3A_731, %dma_wait3A_732] : memref<10000x128xbf16, #tpu.memory_space<hbm>> -> memref<10000x128xbf16, #tpu.memory_space<hbm>>
      %dma_wait3A_734 = tpu.memref_slice %arg11[%dma_wait3A_723] : memref<5x!tpu.dma_semaphore, #tpu.memory_space<semaphore_mem>> -> memref<1x!tpu.dma_semaphore, #tpu.memory_space<semaphore_mem>>
      %dma_wait3A_735 = tpu.memref_squeeze %dma_wait3A_734 : memref<1x!tpu.dma_semaphore, #tpu.memory_space<semaphore_mem>> -> memref<!tpu.dma_semaphore, #tpu.memory_space<semaphore_mem>>
      tpu.wait_indirect_dma semaphore(%dma_wait3A_735 : memref<!tpu.dma_semaphore, #tpu.memory_space<semaphore_mem>>) src(%dma_wait3A_733 : memref<10000x128xbf16, #tpu.memory_space<hbm>>) dst(%dma_wait3A_727 : memref<125x128xbf16, #tpu.memory_space<vmem>>)
      %dma_start3A_736 = arith.constant 1 : i32
      %dma_start3A_737 = arith.constant 1 : i32
      %dma_start3A_738 = arith.constant 0 : i32
      %dma_start3A_739 = arith.constant 0 : i32
      %dma_start3A_740 = tpu.memref_slice %arg9[%dma_start3A_736, %dma_start3A_738, %dma_start3A_739] : memref<5x125x128xbf16, #tpu.memory_space<vmem>> -> memref<1x125x128xbf16, #tpu.memory_space<vmem>>
      %dma_start3A_741 = tpu.memref_squeeze %dma_start3A_740 : memref<1x125x128xbf16, #tpu.memory_space<vmem>> -> memref<125x128xbf16, #tpu.memory_space<vmem>>
      %dma_start3A_742 = arith.constant 0 : i32
      %dma_start3A_743 = tpu.memref_slice %arg8[%add3A_721, %dma_start3A_742] : memref<85x125xi32, #tpu.memory_space<vmem>> -> memref<1x125xi32, #tpu.memory_space<vmem>>
      %dma_start3A_744 = tpu.memref_squeeze %dma_start3A_743 : memref<1x125xi32, #tpu.memory_space<vmem>> -> memref<125xi32, #tpu.memory_space<vmem>>
      %dma_start3A_745 = arith.constant 0 : i32
      %dma_start3A_746 = arith.constant 0 : i32
      %dma_start3A_747 = tpu.memref_slice %arg10[%dma_start3A_745, %dma_start3A_746] : memref<10000x128xbf16, #tpu.memory_space<vmem_shared>> -> memref<10000x128xbf16, #tpu.memory_space<vmem_shared>>
      %dma_start3A_748 = tpu.memref_slice %arg12[%dma_start3A_737] : memref<5x!tpu.dma_semaphore, #tpu.memory_space<semaphore_mem>> -> memref<1x!tpu.dma_semaphore, #tpu.memory_space<semaphore_mem>>
      %dma_start3A_749 = tpu.memref_squeeze %dma_start3A_748 : memref<1x!tpu.dma_semaphore, #tpu.memory_space<semaphore_mem>> -> memref<!tpu.dma_semaphore, #tpu.memory_space<semaphore_mem>>
      tpu.enqueue_indirect_dma source(%dma_start3A_741 : memref<125x128xbf16, #tpu.memory_space<vmem>>) target(%dma_start3A_747 : memref<10000x128xbf16, #tpu.memory_space<vmem_shared>>) offsets(%dma_start3A_744 : memref<125xi32, #tpu.memory_space<vmem>>) semaphore(%dma_start3A_749 : memref<!tpu.dma_semaphore, #tpu.memory_space<semaphore_mem>>) {add = true}
      %sub3A_750 = arith.constant 1 : i32
      %sub3A_751 = arith.subi %add3A_721, %sub3A_750 : i32
      %dma_wait3A_752 = arith.constant 0 : i32
      %dma_wait3A_753 = arith.constant 0 : i32
      %dma_wait3A_754 = arith.constant 0 : i32
      %dma_wait3A_755 = arith.constant 0 : i32
      %dma_wait3A_756 = tpu.memref_slice %arg9[%dma_wait3A_752, %dma_wait3A_754, %dma_wait3A_755] : memref<5x125x128xbf16, #tpu.memory_space<vmem>> -> memref<1x125x128xbf16, #tpu.memory_space<vmem>>
      %dma_wait3A_757 = tpu.memref_squeeze %dma_wait3A_756 : memref<1x125x128xbf16, #tpu.memory_space<vmem>> -> memref<125x128xbf16, #tpu.memory_space<vmem>>
      %dma_wait3A_758 = arith.constant 0 : i32
      %dma_wait3A_759 = tpu.memref_slice %arg8[%sub3A_751, %dma_wait3A_758] : memref<85x125xi32, #tpu.memory_space<vmem>> -> memref<1x125xi32, #tpu.memory_space<vmem>>
      %dma_wait3A_760 = tpu.memref_squeeze %dma_wait3A_759 : memref<1x125xi32, #tpu.memory_space<vmem>> -> memref<125xi32, #tpu.memory_space<vmem>>
      %dma_wait3A_761 = arith.constant 0 : i32
      %dma_wait3A_762 = arith.constant 0 : i32
      %dma_wait3A_763 = tpu.memref_slice %arg10[%dma_wait3A_761, %dma_wait3A_762] : memref<10000x128xbf16, #tpu.memory_space<vmem_shared>> -> memref<10000x128xbf16, #tpu.memory_space<vmem_shared>>
      %dma_wait3A_764 = tpu.memref_slice %arg12[%dma_wait3A_753] : memref<5x!tpu.dma_semaphore, #tpu.memory_space<semaphore_mem>> -> memref<1x!tpu.dma_semaphore, #tpu.memory_space<semaphore_mem>>
      %dma_wait3A_765 = tpu.memref_squeeze %dma_wait3A_764 : memref<1x!tpu.dma_semaphore, #tpu.memory_space<semaphore_mem>> -> memref<!tpu.dma_semaphore, #tpu.memory_space<semaphore_mem>>
      tpu.wait_indirect_dma semaphore(%dma_wait3A_765 : memref<!tpu.dma_semaphore, #tpu.memory_space<semaphore_mem>>) src(%dma_wait3A_757 : memref<125x128xbf16, #tpu.memory_space<vmem>>) dst(%dma_wait3A_763 : memref<10000x128xbf16, #tpu.memory_space<vmem_shared>>)
      %add3A_766 = arith.constant 5 : i32
      %add3A_767 = arith.addi %add3A_721, %add3A_766 : i32
      %sub3A_768 = arith.constant 1 : i32
      %sub3A_769 = arith.subi %add3A_767, %sub3A_768 : i32
      %dma_start3A_770 = arith.constant 0 : i32
      %dma_start3A_771 = arith.constant 0 : i32
      %dma_start3A_772 = arith.constant 0 : i32
      %dma_start3A_773 = arith.constant 0 : i32
      %dma_start3A_774 = tpu.memref_slice %arg9[%dma_start3A_770, %dma_start3A_772, %dma_start3A_773] : memref<5x125x128xbf16, #tpu.memory_space<vmem>> -> memref<1x125x128xbf16, #tpu.memory_space<vmem>>
      %dma_start3A_775 = tpu.memref_squeeze %dma_start3A_774 : memref<1x125x128xbf16, #tpu.memory_space<vmem>> -> memref<125x128xbf16, #tpu.memory_space<vmem>>
      %dma_start3A_776 = arith.constant 0 : i32
      %dma_start3A_777 = tpu.memref_slice %arg7[%sub3A_769, %dma_start3A_776] : memref<85x125xi32, #tpu.memory_space<vmem>> -> memref<1x125xi32, #tpu.memory_space<vmem>>
      %dma_start3A_778 = tpu.memref_squeeze %dma_start3A_777 : memref<1x125xi32, #tpu.memory_space<vmem>> -> memref<125xi32, #tpu.memory_space<vmem>>
      %dma_start3A_779 = arith.constant 0 : i32
      %dma_start3A_780 = arith.constant 0 : i32
      %dma_start3A_781 = tpu.memref_slice %arg2[%dma_start3A_779, %dma_start3A_780] : memref<10000x128xbf16, #tpu.memory_space<hbm>> -> memref<10000x128xbf16, #tpu.memory_space<hbm>>
      %dma_start3A_782 = tpu.memref_slice %arg11[%dma_start3A_771] : memref<5x!tpu.dma_semaphore, #tpu.memory_space<semaphore_mem>> -> memref<1x!tpu.dma_semaphore, #tpu.memory_space<semaphore_mem>>
      %dma_start3A_783 = tpu.memref_squeeze %dma_start3A_782 : memref<1x!tpu.dma_semaphore, #tpu.memory_space<semaphore_mem>> -> memref<!tpu.dma_semaphore, #tpu.memory_space<semaphore_mem>>
      tpu.enqueue_indirect_dma source(%dma_start3A_781 : memref<10000x128xbf16, #tpu.memory_space<hbm>>) target(%dma_start3A_775 : memref<125x128xbf16, #tpu.memory_space<vmem>>) offsets(%dma_start3A_778 : memref<125xi32, #tpu.memory_space<vmem>>) semaphore(%dma_start3A_783 : memref<!tpu.dma_semaphore, #tpu.memory_space<semaphore_mem>>)
      %add3A_784 = arith.constant 2 : i32
      %add3A_785 = arith.addi %mul3A_655, %add3A_784 : i32
      %dma_wait3A_786 = arith.constant 2 : i32
      %dma_wait3A_787 = arith.constant 2 : i32
      %dma_wait3A_788 = arith.constant 0 : i32
      %dma_wait3A_789 = arith.constant 0 : i32
      %dma_wait3A_790 = tpu.memref_slice %arg9[%dma_wait3A_786, %dma_wait3A_788, %dma_wait3A_789] : memref<5x125x128xbf16, #tpu.memory_space<vmem>> -> memref<1x125x128xbf16, #tpu.memory_space<vmem>>
      %dma_wait3A_791 = tpu.memref_squeeze %dma_wait3A_790 : memref<1x125x128xbf16, #tpu.memory_space<vmem>> -> memref<125x128xbf16, #tpu.memory_space<vmem>>
      %dma_wait3A_792 = arith.constant 0 : i32
      %dma_wait3A_793 = tpu.memref_slice %arg7[%add3A_785, %dma_wait3A_792] : memref<85x125xi32, #tpu.memory_space<vmem>> -> memref<1x125xi32, #tpu.memory_space<vmem>>
      %dma_wait3A_794 = tpu.memref_squeeze %dma_wait3A_793 : memref<1x125xi32, #tpu.memory_space<vmem>> -> memref<125xi32, #tpu.memory_space<vmem>>
      %dma_wait3A_795 = arith.constant 0 : i32
      %dma_wait3A_796 = arith.constant 0 : i32
      %dma_wait3A_797 = tpu.memref_slice %arg2[%dma_wait3A_795, %dma_wait3A_796] : memref<10000x128xbf16, #tpu.memory_space<hbm>> -> memref<10000x128xbf16, #tpu.memory_space<hbm>>
      %dma_wait3A_798 = tpu.memref_slice %arg11[%dma_wait3A_787] : memref<5x!tpu.dma_semaphore, #tpu.memory_space<semaphore_mem>> -> memref<1x!tpu.dma_semaphore, #tpu.memory_space<semaphore_mem>>
      %dma_wait3A_799 = tpu.memref_squeeze %dma_wait3A_798 : memref<1x!tpu.dma_semaphore, #tpu.memory_space<semaphore_mem>> -> memref<!tpu.dma_semaphore, #tpu.memory_space<semaphore_mem>>
      tpu.wait_indirect_dma semaphore(%dma_wait3A_799 : memref<!tpu.dma_semaphore, #tpu.memory_space<semaphore_mem>>) src(%dma_wait3A_797 : memref<10000x128xbf16, #tpu.memory_space<hbm>>) dst(%dma_wait3A_791 : memref<125x128xbf16, #tpu.memory_space<vmem>>)
      %dma_start3A_800 = arith.constant 2 : i32
      %dma_start3A_801 = arith.constant 2 : i32
      %dma_start3A_802 = arith.constant 0 : i32
      %dma_start3A_803 = arith.constant 0 : i32
      %dma_start3A_804 = tpu.memref_slice %arg9[%dma_start3A_800, %dma_start3A_802, %dma_start3A_803] : memref<5x125x128xbf16, #tpu.memory_space<vmem>> -> memref<1x125x128xbf16, #tpu.memory_space<vmem>>
      %dma_start3A_805 = tpu.memref_squeeze %dma_start3A_804 : memref<1x125x128xbf16, #tpu.memory_space<vmem>> -> memref<125x128xbf16, #tpu.memory_space<vmem>>
      %dma_start3A_806 = arith.constant 0 : i32
      %dma_start3A_807 = tpu.memref_slice %arg8[%add3A_785, %dma_start3A_806] : memref<85x125xi32, #tpu.memory_space<vmem>> -> memref<1x125xi32, #tpu.memory_space<vmem>>
      %dma_start3A_808 = tpu.memref_squeeze %dma_start3A_807 : memref<1x125xi32, #tpu.memory_space<vmem>> -> memref<125xi32, #tpu.memory_space<vmem>>
      %dma_start3A_809 = arith.constant 0 : i32
      %dma_start3A_810 = arith.constant 0 : i32
      %dma_start3A_811 = tpu.memref_slice %arg10[%dma_start3A_809, %dma_start3A_810] : memref<10000x128xbf16, #tpu.memory_space<vmem_shared>> -> memref<10000x128xbf16, #tpu.memory_space<vmem_shared>>
      %dma_start3A_812 = tpu.memref_slice %arg12[%dma_start3A_801] : memref<5x!tpu.dma_semaphore, #tpu.memory_space<semaphore_mem>> -> memref<1x!tpu.dma_semaphore, #tpu.memory_space<semaphore_mem>>
      %dma_start3A_813 = tpu.memref_squeeze %dma_start3A_812 : memref<1x!tpu.dma_semaphore, #tpu.memory_space<semaphore_mem>> -> memref<!tpu.dma_semaphore, #tpu.memory_space<semaphore_mem>>
      tpu.enqueue_indirect_dma source(%dma_start3A_805 : memref<125x128xbf16, #tpu.memory_space<vmem>>) target(%dma_start3A_811 : memref<10000x128xbf16, #tpu.memory_space<vmem_shared>>) offsets(%dma_start3A_808 : memref<125xi32, #tpu.memory_space<vmem>>) semaphore(%dma_start3A_813 : memref<!tpu.dma_semaphore, #tpu.memory_space<semaphore_mem>>) {add = true}
      %sub3A_814 = arith.constant 1 : i32
      %sub3A_815 = arith.subi %add3A_785, %sub3A_814 : i32
      %dma_wait3A_816 = arith.constant 1 : i32
      %dma_wait3A_817 = arith.constant 1 : i32
      %dma_wait3A_818 = arith.constant 0 : i32
      %dma_wait3A_819 = arith.constant 0 : i32
      %dma_wait3A_820 = tpu.memref_slice %arg9[%dma_wait3A_816, %dma_wait3A_818, %dma_wait3A_819] : memref<5x125x128xbf16, #tpu.memory_space<vmem>> -> memref<1x125x128xbf16, #tpu.memory_space<vmem>>
      %dma_wait3A_821 = tpu.memref_squeeze %dma_wait3A_820 : memref<1x125x128xbf16, #tpu.memory_space<vmem>> -> memref<125x128xbf16, #tpu.memory_space<vmem>>
      %dma_wait3A_822 = arith.constant 0 : i32
      %dma_wait3A_823 = tpu.memref_slice %arg8[%sub3A_815, %dma_wait3A_822] : memref<85x125xi32, #tpu.memory_space<vmem>> -> memref<1x125xi32, #tpu.memory_space<vmem>>
      %dma_wait3A_824 = tpu.memref_squeeze %dma_wait3A_823 : memref<1x125xi32, #tpu.memory_space<vmem>> -> memref<125xi32, #tpu.memory_space<vmem>>
      %dma_wait3A_825 = arith.constant 0 : i32
      %dma_wait3A_826 = arith.constant 0 : i32
      %dma_wait3A_827 = tpu.memref_slice %arg10[%dma_wait3A_825, %dma_wait3A_826] : memref<10000x128xbf16, #tpu.memory_space<vmem_shared>> -> memref<10000x128xbf16, #tpu.memory_space<vmem_shared>>
      %dma_wait3A_828 = tpu.memref_slice %arg12[%dma_wait3A_817] : memref<5x!tpu.dma_semaphore, #tpu.memory_space<semaphore_mem>> -> memref<1x!tpu.dma_semaphore, #tpu.memory_space<semaphore_mem>>
      %dma_wait3A_829 = tpu.memref_squeeze %dma_wait3A_828 : memref<1x!tpu.dma_semaphore, #tpu.memory_space<semaphore_mem>> -> memref<!tpu.dma_semaphore, #tpu.memory_space<semaphore_mem>>
      tpu.wait_indirect_dma semaphore(%dma_wait3A_829 : memref<!tpu.dma_semaphore, #tpu.memory_space<semaphore_mem>>) src(%dma_wait3A_821 : memref<125x128xbf16, #tpu.memory_space<vmem>>) dst(%dma_wait3A_827 : memref<10000x128xbf16, #tpu.memory_space<vmem_shared>>)
      %add3A_830 = arith.constant 5 : i32
      %add3A_831 = arith.addi %add3A_785, %add3A_830 : i32
      %sub3A_832 = arith.constant 1 : i32
      %sub3A_833 = arith.subi %add3A_831, %sub3A_832 : i32
      %dma_start3A_834 = arith.constant 1 : i32
      %dma_start3A_835 = arith.constant 1 : i32
      %dma_start3A_836 = arith.constant 0 : i32
      %dma_start3A_837 = arith.constant 0 : i32
      %dma_start3A_838 = tpu.memref_slice %arg9[%dma_start3A_834, %dma_start3A_836, %dma_start3A_837] : memref<5x125x128xbf16, #tpu.memory_space<vmem>> -> memref<1x125x128xbf16, #tpu.memory_space<vmem>>
      %dma_start3A_839 = tpu.memref_squeeze %dma_start3A_838 : memref<1x125x128xbf16, #tpu.memory_space<vmem>> -> memref<125x128xbf16, #tpu.memory_space<vmem>>
      %dma_start3A_840 = arith.constant 0 : i32
      %dma_start3A_841 = tpu.memref_slice %arg7[%sub3A_833, %dma_start3A_840] : memref<85x125xi32, #tpu.memory_space<vmem>> -> memref<1x125xi32, #tpu.memory_space<vmem>>
      %dma_start3A_842 = tpu.memref_squeeze %dma_start3A_841 : memref<1x125xi32, #tpu.memory_space<vmem>> -> memref<125xi32, #tpu.memory_space<vmem>>
      %dma_start3A_843 = arith.constant 0 : i32
      %dma_start3A_844 = arith.constant 0 : i32
      %dma_start3A_845 = tpu.memref_slice %arg2[%dma_start3A_843, %dma_start3A_844] : memref<10000x128xbf16, #tpu.memory_space<hbm>> -> memref<10000x128xbf16, #tpu.memory_space<hbm>>
      %dma_start3A_846 = tpu.memref_slice %arg11[%dma_start3A_835] : memref<5x!tpu.dma_semaphore, #tpu.memory_space<semaphore_mem>> -> memref<1x!tpu.dma_semaphore, #tpu.memory_space<semaphore_mem>>
      %dma_start3A_847 = tpu.memref_squeeze %dma_start3A_846 : memref<1x!tpu.dma_semaphore, #tpu.memory_space<semaphore_mem>> -> memref<!tpu.dma_semaphore, #tpu.memory_space<semaphore_mem>>
      tpu.enqueue_indirect_dma source(%dma_start3A_845 : memref<10000x128xbf16, #tpu.memory_space<hbm>>) target(%dma_start3A_839 : memref<125x128xbf16, #tpu.memory_space<vmem>>) offsets(%dma_start3A_842 : memref<125xi32, #tpu.memory_space<vmem>>) semaphore(%dma_start3A_847 : memref<!tpu.dma_semaphore, #tpu.memory_space<semaphore_mem>>)
      %add3A_848 = arith.constant 3 : i32
      %add3A_849 = arith.addi %mul3A_655, %add3A_848 : i32
      %dma_wait3A_850 = arith.constant 3 : i32
      %dma_wait3A_851 = arith.constant 3 : i32
      %dma_wait3A_852 = arith.constant 0 : i32
      %dma_wait3A_853 = arith.constant 0 : i32
      %dma_wait3A_854 = tpu.memref_slice %arg9[%dma_wait3A_850, %dma_wait3A_852, %dma_wait3A_853] : memref<5x125x128xbf16, #tpu.memory_space<vmem>> -> memref<1x125x128xbf16, #tpu.memory_space<vmem>>
      %dma_wait3A_855 = tpu.memref_squeeze %dma_wait3A_854 : memref<1x125x128xbf16, #tpu.memory_space<vmem>> -> memref<125x128xbf16, #tpu.memory_space<vmem>>
      %dma_wait3A_856 = arith.constant 0 : i32
      %dma_wait3A_857 = tpu.memref_slice %arg7[%add3A_849, %dma_wait3A_856] : memref<85x125xi32, #tpu.memory_space<vmem>> -> memref<1x125xi32, #tpu.memory_space<vmem>>
      %dma_wait3A_858 = tpu.memref_squeeze %dma_wait3A_857 : memref<1x125xi32, #tpu.memory_space<vmem>> -> memref<125xi32, #tpu.memory_space<vmem>>
      %dma_wait3A_859 = arith.constant 0 : i32
      %dma_wait3A_860 = arith.constant 0 : i32
      %dma_wait3A_861 = tpu.memref_slice %arg2[%dma_wait3A_859, %dma_wait3A_860] : memref<10000x128xbf16, #tpu.memory_space<hbm>> -> memref<10000x128xbf16, #tpu.memory_space<hbm>>
      %dma_wait3A_862 = tpu.memref_slice %arg11[%dma_wait3A_851] : memref<5x!tpu.dma_semaphore, #tpu.memory_space<semaphore_mem>> -> memref<1x!tpu.dma_semaphore, #tpu.memory_space<semaphore_mem>>
      %dma_wait3A_863 = tpu.memref_squeeze %dma_wait3A_862 : memref<1x!tpu.dma_semaphore, #tpu.memory_space<semaphore_mem>> -> memref<!tpu.dma_semaphore, #tpu.memory_space<semaphore_mem>>
      tpu.wait_indirect_dma semaphore(%dma_wait3A_863 : memref<!tpu.dma_semaphore, #tpu.memory_space<semaphore_mem>>) src(%dma_wait3A_861 : memref<10000x128xbf16, #tpu.memory_space<hbm>>) dst(%dma_wait3A_855 : memref<125x128xbf16, #tpu.memory_space<vmem>>)
      %dma_start3A_864 = arith.constant 3 : i32
      %dma_start3A_865 = arith.constant 3 : i32
      %dma_start3A_866 = arith.constant 0 : i32
      %dma_start3A_867 = arith.constant 0 : i32
      %dma_start3A_868 = tpu.memref_slice %arg9[%dma_start3A_864, %dma_start3A_866, %dma_start3A_867] : memref<5x125x128xbf16, #tpu.memory_space<vmem>> -> memref<1x125x128xbf16, #tpu.memory_space<vmem>>
      %dma_start3A_869 = tpu.memref_squeeze %dma_start3A_868 : memref<1x125x128xbf16, #tpu.memory_space<vmem>> -> memref<125x128xbf16, #tpu.memory_space<vmem>>
      %dma_start3A_870 = arith.constant 0 : i32
      %dma_start3A_871 = tpu.memref_slice %arg8[%add3A_849, %dma_start3A_870] : memref<85x125xi32, #tpu.memory_space<vmem>> -> memref<1x125xi32, #tpu.memory_space<vmem>>
      %dma_start3A_872 = tpu.memref_squeeze %dma_start3A_871 : memref<1x125xi32, #tpu.memory_space<vmem>> -> memref<125xi32, #tpu.memory_space<vmem>>
      %dma_start3A_873 = arith.constant 0 : i32
      %dma_start3A_874 = arith.constant 0 : i32
      %dma_start3A_875 = tpu.memref_slice %arg10[%dma_start3A_873, %dma_start3A_874] : memref<10000x128xbf16, #tpu.memory_space<vmem_shared>> -> memref<10000x128xbf16, #tpu.memory_space<vmem_shared>>
      %dma_start3A_876 = tpu.memref_slice %arg12[%dma_start3A_865] : memref<5x!tpu.dma_semaphore, #tpu.memory_space<semaphore_mem>> -> memref<1x!tpu.dma_semaphore, #tpu.memory_space<semaphore_mem>>
      %dma_start3A_877 = tpu.memref_squeeze %dma_start3A_876 : memref<1x!tpu.dma_semaphore, #tpu.memory_space<semaphore_mem>> -> memref<!tpu.dma_semaphore, #tpu.memory_space<semaphore_mem>>
      tpu.enqueue_indirect_dma source(%dma_start3A_869 : memref<125x128xbf16, #tpu.memory_space<vmem>>) target(%dma_start3A_875 : memref<10000x128xbf16, #tpu.memory_space<vmem_shared>>) offsets(%dma_start3A_872 : memref<125xi32, #tpu.memory_space<vmem>>) semaphore(%dma_start3A_877 : memref<!tpu.dma_semaphore, #tpu.memory_space<semaphore_mem>>) {add = true}
      %sub3A_878 = arith.constant 1 : i32
      %sub3A_879 = arith.subi %add3A_849, %sub3A_878 : i32
      %dma_wait3A_880 = arith.constant 2 : i32
      %dma_wait3A_881 = arith.constant 2 : i32
      %dma_wait3A_882 = arith.constant 0 : i32
      %dma_wait3A_883 = arith.constant 0 : i32
      %dma_wait3A_884 = tpu.memref_slice %arg9[%dma_wait3A_880, %dma_wait3A_882, %dma_wait3A_883] : memref<5x125x128xbf16, #tpu.memory_space<vmem>> -> memref<1x125x128xbf16, #tpu.memory_space<vmem>>
      %dma_wait3A_885 = tpu.memref_squeeze %dma_wait3A_884 : memref<1x125x128xbf16, #tpu.memory_space<vmem>> -> memref<125x128xbf16, #tpu.memory_space<vmem>>
      %dma_wait3A_886 = arith.constant 0 : i32
      %dma_wait3A_887 = tpu.memref_slice %arg8[%sub3A_879, %dma_wait3A_886] : memref<85x125xi32, #tpu.memory_space<vmem>> -> memref<1x125xi32, #tpu.memory_space<vmem>>
      %dma_wait3A_888 = tpu.memref_squeeze %dma_wait3A_887 : memref<1x125xi32, #tpu.memory_space<vmem>> -> memref<125xi32, #tpu.memory_space<vmem>>
      %dma_wait3A_889 = arith.constant 0 : i32
      %dma_wait3A_890 = arith.constant 0 : i32
      %dma_wait3A_891 = tpu.memref_slice %arg10[%dma_wait3A_889, %dma_wait3A_890] : memref<10000x128xbf16, #tpu.memory_space<vmem_shared>> -> memref<10000x128xbf16, #tpu.memory_space<vmem_shared>>
      %dma_wait3A_892 = tpu.memref_slice %arg12[%dma_wait3A_881] : memref<5x!tpu.dma_semaphore, #tpu.memory_space<semaphore_mem>> -> memref<1x!tpu.dma_semaphore, #tpu.memory_space<semaphore_mem>>
      %dma_wait3A_893 = tpu.memref_squeeze %dma_wait3A_892 : memref<1x!tpu.dma_semaphore, #tpu.memory_space<semaphore_mem>> -> memref<!tpu.dma_semaphore, #tpu.memory_space<semaphore_mem>>
      tpu.wait_indirect_dma semaphore(%dma_wait3A_893 : memref<!tpu.dma_semaphore, #tpu.memory_space<semaphore_mem>>) src(%dma_wait3A_885 : memref<125x128xbf16, #tpu.memory_space<vmem>>) dst(%dma_wait3A_891 : memref<10000x128xbf16, #tpu.memory_space<vmem_shared>>)
      %add3A_894 = arith.constant 5 : i32
      %add3A_895 = arith.addi %add3A_849, %add3A_894 : i32
      %sub3A_896 = arith.constant 1 : i32
      %sub3A_897 = arith.subi %add3A_895, %sub3A_896 : i32
      %dma_start3A_898 = arith.constant 2 : i32
      %dma_start3A_899 = arith.constant 2 : i32
      %dma_start3A_900 = arith.constant 0 : i32
      %dma_start3A_901 = arith.constant 0 : i32
      %dma_start3A_902 = tpu.memref_slice %arg9[%dma_start3A_898, %dma_start3A_900, %dma_start3A_901] : memref<5x125x128xbf16, #tpu.memory_space<vmem>> -> memref<1x125x128xbf16, #tpu.memory_space<vmem>>
      %dma_start3A_903 = tpu.memref_squeeze %dma_start3A_902 : memref<1x125x128xbf16, #tpu.memory_space<vmem>> -> memref<125x128xbf16, #tpu.memory_space<vmem>>
      %dma_start3A_904 = arith.constant 0 : i32
      %dma_start3A_905 = tpu.memref_slice %arg7[%sub3A_897, %dma_start3A_904] : memref<85x125xi32, #tpu.memory_space<vmem>> -> memref<1x125xi32, #tpu.memory_space<vmem>>
      %dma_start3A_906 = tpu.memref_squeeze %dma_start3A_905 : memref<1x125xi32, #tpu.memory_space<vmem>> -> memref<125xi32, #tpu.memory_space<vmem>>
      %dma_start3A_907 = arith.constant 0 : i32
      %dma_start3A_908 = arith.constant 0 : i32
      %dma_start3A_909 = tpu.memref_slice %arg2[%dma_start3A_907, %dma_start3A_908] : memref<10000x128xbf16, #tpu.memory_space<hbm>> -> memref<10000x128xbf16, #tpu.memory_space<hbm>>
      %dma_start3A_910 = tpu.memref_slice %arg11[%dma_start3A_899] : memref<5x!tpu.dma_semaphore, #tpu.memory_space<semaphore_mem>> -> memref<1x!tpu.dma_semaphore, #tpu.memory_space<semaphore_mem>>
      %dma_start3A_911 = tpu.memref_squeeze %dma_start3A_910 : memref<1x!tpu.dma_semaphore, #tpu.memory_space<semaphore_mem>> -> memref<!tpu.dma_semaphore, #tpu.memory_space<semaphore_mem>>
      tpu.enqueue_indirect_dma source(%dma_start3A_909 : memref<10000x128xbf16, #tpu.memory_space<hbm>>) target(%dma_start3A_903 : memref<125x128xbf16, #tpu.memory_space<vmem>>) offsets(%dma_start3A_906 : memref<125xi32, #tpu.memory_space<vmem>>) semaphore(%dma_start3A_911 : memref<!tpu.dma_semaphore, #tpu.memory_space<semaphore_mem>>)
      %add3A_912 = arith.constant 4 : i32
      %add3A_913 = arith.addi %mul3A_655, %add3A_912 : i32
      %dma_wait3A_914 = arith.constant 4 : i32
      %dma_wait3A_915 = arith.constant 4 : i32
      %dma_wait3A_916 = arith.constant 0 : i32
      %dma_wait3A_917 = arith.constant 0 : i32
      %dma_wait3A_918 = tpu.memref_slice %arg9[%dma_wait3A_914, %dma_wait3A_916, %dma_wait3A_917] : memref<5x125x128xbf16, #tpu.memory_space<vmem>> -> memref<1x125x128xbf16, #tpu.memory_space<vmem>>
      %dma_wait3A_919 = tpu.memref_squeeze %dma_wait3A_918 : memref<1x125x128xbf16, #tpu.memory_space<vmem>> -> memref<125x128xbf16, #tpu.memory_space<vmem>>
      %dma_wait3A_920 = arith.constant 0 : i32
      %dma_wait3A_921 = tpu.memref_slice %arg7[%add3A_913, %dma_wait3A_920] : memref<85x125xi32, #tpu.memory_space<vmem>> -> memref<1x125xi32, #tpu.memory_space<vmem>>
      %dma_wait3A_922 = tpu.memref_squeeze %dma_wait3A_921 : memref<1x125xi32, #tpu.memory_space<vmem>> -> memref<125xi32, #tpu.memory_space<vmem>>
      %dma_wait3A_923 = arith.constant 0 : i32
      %dma_wait3A_924 = arith.constant 0 : i32
      %dma_wait3A_925 = tpu.memref_slice %arg2[%dma_wait3A_923, %dma_wait3A_924] : memref<10000x128xbf16, #tpu.memory_space<hbm>> -> memref<10000x128xbf16, #tpu.memory_space<hbm>>
      %dma_wait3A_926 = tpu.memref_slice %arg11[%dma_wait3A_915] : memref<5x!tpu.dma_semaphore, #tpu.memory_space<semaphore_mem>> -> memref<1x!tpu.dma_semaphore, #tpu.memory_space<semaphore_mem>>
      %dma_wait3A_927 = tpu.memref_squeeze %dma_wait3A_926 : memref<1x!tpu.dma_semaphore, #tpu.memory_space<semaphore_mem>> -> memref<!tpu.dma_semaphore, #tpu.memory_space<semaphore_mem>>
      tpu.wait_indirect_dma semaphore(%dma_wait3A_927 : memref<!tpu.dma_semaphore, #tpu.memory_space<semaphore_mem>>) src(%dma_wait3A_925 : memref<10000x128xbf16, #tpu.memory_space<hbm>>) dst(%dma_wait3A_919 : memref<125x128xbf16, #tpu.memory_space<vmem>>)
      %dma_start3A_928 = arith.constant 4 : i32
      %dma_start3A_929 = arith.constant 4 : i32
      %dma_start3A_930 = arith.constant 0 : i32
      %dma_start3A_931 = arith.constant 0 : i32
      %dma_start3A_932 = tpu.memref_slice %arg9[%dma_start3A_928, %dma_start3A_930, %dma_start3A_931] : memref<5x125x128xbf16, #tpu.memory_space<vmem>> -> memref<1x125x128xbf16, #tpu.memory_space<vmem>>
      %dma_start3A_933 = tpu.memref_squeeze %dma_start3A_932 : memref<1x125x128xbf16, #tpu.memory_space<vmem>> -> memref<125x128xbf16, #tpu.memory_space<vmem>>
      %dma_start3A_934 = arith.constant 0 : i32
      %dma_start3A_935 = tpu.memref_slice %arg8[%add3A_913, %dma_start3A_934] : memref<85x125xi32, #tpu.memory_space<vmem>> -> memref<1x125xi32, #tpu.memory_space<vmem>>
      %dma_start3A_936 = tpu.memref_squeeze %dma_start3A_935 : memref<1x125xi32, #tpu.memory_space<vmem>> -> memref<125xi32, #tpu.memory_space<vmem>>
      %dma_start3A_937 = arith.constant 0 : i32
      %dma_start3A_938 = arith.constant 0 : i32
      %dma_start3A_939 = tpu.memref_slice %arg10[%dma_start3A_937, %dma_start3A_938] : memref<10000x128xbf16, #tpu.memory_space<vmem_shared>> -> memref<10000x128xbf16, #tpu.memory_space<vmem_shared>>
      %dma_start3A_940 = tpu.memref_slice %arg12[%dma_start3A_929] : memref<5x!tpu.dma_semaphore, #tpu.memory_space<semaphore_mem>> -> memref<1x!tpu.dma_semaphore, #tpu.memory_space<semaphore_mem>>
      %dma_start3A_941 = tpu.memref_squeeze %dma_start3A_940 : memref<1x!tpu.dma_semaphore, #tpu.memory_space<semaphore_mem>> -> memref<!tpu.dma_semaphore, #tpu.memory_space<semaphore_mem>>
      tpu.enqueue_indirect_dma source(%dma_start3A_933 : memref<125x128xbf16, #tpu.memory_space<vmem>>) target(%dma_start3A_939 : memref<10000x128xbf16, #tpu.memory_space<vmem_shared>>) offsets(%dma_start3A_936 : memref<125xi32, #tpu.memory_space<vmem>>) semaphore(%dma_start3A_941 : memref<!tpu.dma_semaphore, #tpu.memory_space<semaphore_mem>>) {add = true}
      %sub3A_942 = arith.constant 1 : i32
      %sub3A_943 = arith.subi %add3A_913, %sub3A_942 : i32
      %dma_wait3A_944 = arith.constant 3 : i32
      %dma_wait3A_945 = arith.constant 3 : i32
      %dma_wait3A_946 = arith.constant 0 : i32
      %dma_wait3A_947 = arith.constant 0 : i32
      %dma_wait3A_948 = tpu.memref_slice %arg9[%dma_wait3A_944, %dma_wait3A_946, %dma_wait3A_947] : memref<5x125x128xbf16, #tpu.memory_space<vmem>> -> memref<1x125x128xbf16, #tpu.memory_space<vmem>>
      %dma_wait3A_949 = tpu.memref_squeeze %dma_wait3A_948 : memref<1x125x128xbf16, #tpu.memory_space<vmem>> -> memref<125x128xbf16, #tpu.memory_space<vmem>>
      %dma_wait3A_950 = arith.constant 0 : i32
      %dma_wait3A_951 = tpu.memref_slice %arg8[%sub3A_943, %dma_wait3A_950] : memref<85x125xi32, #tpu.memory_space<vmem>> -> memref<1x125xi32, #tpu.memory_space<vmem>>
      %dma_wait3A_952 = tpu.memref_squeeze %dma_wait3A_951 : memref<1x125xi32, #tpu.memory_space<vmem>> -> memref<125xi32, #tpu.memory_space<vmem>>
      %dma_wait3A_953 = arith.constant 0 : i32
      %dma_wait3A_954 = arith.constant 0 : i32
      %dma_wait3A_955 = tpu.memref_slice %arg10[%dma_wait3A_953, %dma_wait3A_954] : memref<10000x128xbf16, #tpu.memory_space<vmem_shared>> -> memref<10000x128xbf16, #tpu.memory_space<vmem_shared>>
      %dma_wait3A_956 = tpu.memref_slice %arg12[%dma_wait3A_945] : memref<5x!tpu.dma_semaphore, #tpu.memory_space<semaphore_mem>> -> memref<1x!tpu.dma_semaphore, #tpu.memory_space<semaphore_mem>>
      %dma_wait3A_957 = tpu.memref_squeeze %dma_wait3A_956 : memref<1x!tpu.dma_semaphore, #tpu.memory_space<semaphore_mem>> -> memref<!tpu.dma_semaphore, #tpu.memory_space<semaphore_mem>>
      tpu.wait_indirect_dma semaphore(%dma_wait3A_957 : memref<!tpu.dma_semaphore, #tpu.memory_space<semaphore_mem>>) src(%dma_wait3A_949 : memref<125x128xbf16, #tpu.memory_space<vmem>>) dst(%dma_wait3A_955 : memref<10000x128xbf16, #tpu.memory_space<vmem_shared>>)
      %add3A_958 = arith.constant 5 : i32
      %add3A_959 = arith.addi %add3A_913, %add3A_958 : i32
      %sub3A_960 = arith.constant 1 : i32
      %sub3A_961 = arith.subi %add3A_959, %sub3A_960 : i32
      %dma_start3A_962 = arith.constant 3 : i32
      %dma_start3A_963 = arith.constant 3 : i32
      %dma_start3A_964 = arith.constant 0 : i32
      %dma_start3A_965 = arith.constant 0 : i32
      %dma_start3A_966 = tpu.memref_slice %arg9[%dma_start3A_962, %dma_start3A_964, %dma_start3A_965] : memref<5x125x128xbf16, #tpu.memory_space<vmem>> -> memref<1x125x128xbf16, #tpu.memory_space<vmem>>
      %dma_start3A_967 = tpu.memref_squeeze %dma_start3A_966 : memref<1x125x128xbf16, #tpu.memory_space<vmem>> -> memref<125x128xbf16, #tpu.memory_space<vmem>>
      %dma_start3A_968 = arith.constant 0 : i32
      %dma_start3A_969 = tpu.memref_slice %arg7[%sub3A_961, %dma_start3A_968] : memref<85x125xi32, #tpu.memory_space<vmem>> -> memref<1x125xi32, #tpu.memory_space<vmem>>
      %dma_start3A_970 = tpu.memref_squeeze %dma_start3A_969 : memref<1x125xi32, #tpu.memory_space<vmem>> -> memref<125xi32, #tpu.memory_space<vmem>>
      %dma_start3A_971 = arith.constant 0 : i32
      %dma_start3A_972 = arith.constant 0 : i32
      %dma_start3A_973 = tpu.memref_slice %arg2[%dma_start3A_971, %dma_start3A_972] : memref<10000x128xbf16, #tpu.memory_space<hbm>> -> memref<10000x128xbf16, #tpu.memory_space<hbm>>
      %dma_start3A_974 = tpu.memref_slice %arg11[%dma_start3A_963] : memref<5x!tpu.dma_semaphore, #tpu.memory_space<semaphore_mem>> -> memref<1x!tpu.dma_semaphore, #tpu.memory_space<semaphore_mem>>
      %dma_start3A_975 = tpu.memref_squeeze %dma_start3A_974 : memref<1x!tpu.dma_semaphore, #tpu.memory_space<semaphore_mem>> -> memref<!tpu.dma_semaphore, #tpu.memory_space<semaphore_mem>>
      tpu.enqueue_indirect_dma source(%dma_start3A_973 : memref<10000x128xbf16, #tpu.memory_space<hbm>>) target(%dma_start3A_967 : memref<125x128xbf16, #tpu.memory_space<vmem>>) offsets(%dma_start3A_970 : memref<125xi32, #tpu.memory_space<vmem>>) semaphore(%dma_start3A_975 : memref<!tpu.dma_semaphore, #tpu.memory_space<semaphore_mem>>)
    }
    %while3A_382 = arith.constant 1 : i32
    scf.for %while3A_653 = %while3A_380 to %while3A_376 step %while3A_382  : i32 {
      %mul3A_654 = arith.constant 5 : i32
      %mul3A_655 = arith.muli %while3A_653, %mul3A_654 : i32
      %add3A_656 = arith.constant 0 : i32
      %add3A_657 = arith.addi %mul3A_655, %add3A_656 : i32
      %dma_wait3A_658 = arith.constant 0 : i32
      %dma_wait3A_659 = arith.constant 0 : i32
      %dma_wait3A_660 = arith.constant 0 : i32
      %dma_wait3A_661 = arith.constant 0 : i32
      %dma_wait3A_662 = tpu.memref_slice %arg9[%dma_wait3A_658, %dma_wait3A_660, %dma_wait3A_661] : memref<5x125x128xbf16, #tpu.memory_space<vmem>> -> memref<1x125x128xbf16, #tpu.memory_space<vmem>>
      %dma_wait3A_663 = tpu.memref_squeeze %dma_wait3A_662 : memref<1x125x128xbf16, #tpu.memory_space<vmem>> -> memref<125x128xbf16, #tpu.memory_space<vmem>>
      %dma_wait3A_664 = arith.constant 0 : i32
      %dma_wait3A_665 = tpu.memref_slice %arg7[%add3A_657, %dma_wait3A_664] : memref<85x125xi32, #tpu.memory_space<vmem>> -> memref<1x125xi32, #tpu.memory_space<vmem>>
      %dma_wait3A_666 = tpu.memref_squeeze %dma_wait3A_665 : memref<1x125xi32, #tpu.memory_space<vmem>> -> memref<125xi32, #tpu.memory_space<vmem>>
      %dma_wait3A_667 = arith.constant 0 : i32
      %dma_wait3A_668 = arith.constant 0 : i32
      %dma_wait3A_669 = tpu.memref_slice %arg2[%dma_wait3A_667, %dma_wait3A_668] : memref<10000x128xbf16, #tpu.memory_space<hbm>> -> memref<10000x128xbf16, #tpu.memory_space<hbm>>
      %dma_wait3A_670 = tpu.memref_slice %arg11[%dma_wait3A_659] : memref<5x!tpu.dma_semaphore, #tpu.memory_space<semaphore_mem>> -> memref<1x!tpu.dma_semaphore, #tpu.memory_space<semaphore_mem>>
      %dma_wait3A_671 = tpu.memref_squeeze %dma_wait3A_670 : memref<1x!tpu.dma_semaphore, #tpu.memory_space<semaphore_mem>> -> memref<!tpu.dma_semaphore, #tpu.memory_space<semaphore_mem>>
      tpu.wait_indirect_dma semaphore(%dma_wait3A_671 : memref<!tpu.dma_semaphore, #tpu.memory_space<semaphore_mem>>) src(%dma_wait3A_669 : memref<10000x128xbf16, #tpu.memory_space<hbm>>) dst(%dma_wait3A_663 : memref<125x128xbf16, #tpu.memory_space<vmem>>)
      %dma_start3A_672 = arith.constant 0 : i32
      %dma_start3A_673 = arith.constant 0 : i32
      %dma_start3A_674 = arith.constant 0 : i32
      %dma_start3A_675 = arith.constant 0 : i32
      %dma_start3A_676 = tpu.memref_slice %arg9[%dma_start3A_672, %dma_start3A_674, %dma_start3A_675] : memref<5x125x128xbf16, #tpu.memory_space<vmem>> -> memref<1x125x128xbf16, #tpu.memory_space<vmem>>
      %dma_start3A_677 = tpu.memref_squeeze %dma_start3A_676 : memref<1x125x128xbf16, #tpu.memory_space<vmem>> -> memref<125x128xbf16, #tpu.memory_space<vmem>>
      %dma_start3A_678 = arith.constant 0 : i32
      %dma_start3A_679 = tpu.memref_slice %arg8[%add3A_657, %dma_start3A_678] : memref<85x125xi32, #tpu.memory_space<vmem>> -> memref<1x125xi32, #tpu.memory_space<vmem>>
      %dma_start3A_680 = tpu.memref_squeeze %dma_start3A_679 : memref<1x125xi32, #tpu.memory_space<vmem>> -> memref<125xi32, #tpu.memory_space<vmem>>
      %dma_start3A_681 = arith.constant 0 : i32
      %dma_start3A_682 = arith.constant 0 : i32
      %dma_start3A_683 = tpu.memref_slice %arg10[%dma_start3A_681, %dma_start3A_682] : memref<10000x128xbf16, #tpu.memory_space<vmem_shared>> -> memref<10000x128xbf16, #tpu.memory_space<vmem_shared>>
      %dma_start3A_684 = tpu.memref_slice %arg12[%dma_start3A_673] : memref<5x!tpu.dma_semaphore, #tpu.memory_space<semaphore_mem>> -> memref<1x!tpu.dma_semaphore, #tpu.memory_space<semaphore_mem>>
      %dma_start3A_685 = tpu.memref_squeeze %dma_start3A_684 : memref<1x!tpu.dma_semaphore, #tpu.memory_space<semaphore_mem>> -> memref<!tpu.dma_semaphore, #tpu.memory_space<semaphore_mem>>
      tpu.enqueue_indirect_dma source(%dma_start3A_677 : memref<125x128xbf16, #tpu.memory_space<vmem>>) target(%dma_start3A_683 : memref<10000x128xbf16, #tpu.memory_space<vmem_shared>>) offsets(%dma_start3A_680 : memref<125xi32, #tpu.memory_space<vmem>>) semaphore(%dma_start3A_685 : memref<!tpu.dma_semaphore, #tpu.memory_space<semaphore_mem>>) {add = true}
      %sub3A_686 = arith.constant 1 : i32
      %sub3A_687 = arith.subi %add3A_657, %sub3A_686 : i32
      %dma_wait3A_688 = arith.constant 4 : i32
      %dma_wait3A_689 = arith.constant 4 : i32
      %dma_wait3A_690 = arith.constant 0 : i32
      %dma_wait3A_691 = arith.constant 0 : i32
      %dma_wait3A_692 = tpu.memref_slice %arg9[%dma_wait3A_688, %dma_wait3A_690, %dma_wait3A_691] : memref<5x125x128xbf16, #tpu.memory_space<vmem>> -> memref<1x125x128xbf16, #tpu.memory_space<vmem>>
      %dma_wait3A_693 = tpu.memref_squeeze %dma_wait3A_692 : memref<1x125x128xbf16, #tpu.memory_space<vmem>> -> memref<125x128xbf16, #tpu.memory_space<vmem>>
      %dma_wait3A_694 = arith.constant 0 : i32
      %dma_wait3A_695 = tpu.memref_slice %arg8[%sub3A_687, %dma_wait3A_694] : memref<85x125xi32, #tpu.memory_space<vmem>> -> memref<1x125xi32, #tpu.memory_space<vmem>>
      %dma_wait3A_696 = tpu.memref_squeeze %dma_wait3A_695 : memref<1x125xi32, #tpu.memory_space<vmem>> -> memref<125xi32, #tpu.memory_space<vmem>>
      %dma_wait3A_697 = arith.constant 0 : i32
      %dma_wait3A_698 = arith.constant 0 : i32
      %dma_wait3A_699 = tpu.memref_slice %arg10[%dma_wait3A_697, %dma_wait3A_698] : memref<10000x128xbf16, #tpu.memory_space<vmem_shared>> -> memref<10000x128xbf16, #tpu.memory_space<vmem_shared>>
      %dma_wait3A_700 = tpu.memref_slice %arg12[%dma_wait3A_689] : memref<5x!tpu.dma_semaphore, #tpu.memory_space<semaphore_mem>> -> memref<1x!tpu.dma_semaphore, #tpu.memory_space<semaphore_mem>>
      %dma_wait3A_701 = tpu.memref_squeeze %dma_wait3A_700 : memref<1x!tpu.dma_semaphore, #tpu.memory_space<semaphore_mem>> -> memref<!tpu.dma_semaphore, #tpu.memory_space<semaphore_mem>>
      tpu.wait_indirect_dma semaphore(%dma_wait3A_701 : memref<!tpu.dma_semaphore, #tpu.memory_space<semaphore_mem>>) src(%dma_wait3A_693 : memref<125x128xbf16, #tpu.memory_space<vmem>>) dst(%dma_wait3A_699 : memref<10000x128xbf16, #tpu.memory_space<vmem_shared>>)
      %add3A_702 = arith.constant 5 : i32
      %add3A_703 = arith.addi %add3A_657, %add3A_702 : i32
      %sub3A_704 = arith.constant 1 : i32
      %sub3A_705 = arith.subi %add3A_703, %sub3A_704 : i32
      %dma_start3A_706 = arith.constant 4 : i32
      %dma_start3A_707 = arith.constant 4 : i32
      %dma_start3A_708 = arith.constant 0 : i32
      %dma_start3A_709 = arith.constant 0 : i32
      %dma_start3A_710 = tpu.memref_slice %arg9[%dma_start3A_706, %dma_start3A_708, %dma_start3A_709] : memref<5x125x128xbf16, #tpu.memory_space<vmem>> -> memref<1x125x128xbf16, #tpu.memory_space<vmem>>
      %dma_start3A_711 = tpu.memref_squeeze %dma_start3A_710 : memref<1x125x128xbf16, #tpu.memory_space<vmem>> -> memref<125x128xbf16, #tpu.memory_space<vmem>>
      %dma_start3A_712 = arith.constant 0 : i32
      %dma_start3A_713 = tpu.memref_slice %arg7[%sub3A_705, %dma_start3A_712] : memref<85x125xi32, #tpu.memory_space<vmem>> -> memref<1x125xi32, #tpu.memory_space<vmem>>
      %dma_start3A_714 = tpu.memref_squeeze %dma_start3A_713 : memref<1x125xi32, #tpu.memory_space<vmem>> -> memref<125xi32, #tpu.memory_space<vmem>>
      %dma_start3A_715 = arith.constant 0 : i32
      %dma_start3A_716 = arith.constant 0 : i32
      %dma_start3A_717 = tpu.memref_slice %arg2[%dma_start3A_715, %dma_start3A_716] : memref<10000x128xbf16, #tpu.memory_space<hbm>> -> memref<10000x128xbf16, #tpu.memory_space<hbm>>
      %dma_start3A_718 = tpu.memref_slice %arg11[%dma_start3A_707] : memref<5x!tpu.dma_semaphore, #tpu.memory_space<semaphore_mem>> -> memref<1x!tpu.dma_semaphore, #tpu.memory_space<semaphore_mem>>
      %dma_start3A_719 = tpu.memref_squeeze %dma_start3A_718 : memref<1x!tpu.dma_semaphore, #tpu.memory_space<semaphore_mem>> -> memref<!tpu.dma_semaphore, #tpu.memory_space<semaphore_mem>>
      tpu.enqueue_indirect_dma source(%dma_start3A_717 : memref<10000x128xbf16, #tpu.memory_space<hbm>>) target(%dma_start3A_711 : memref<125x128xbf16, #tpu.memory_space<vmem>>) offsets(%dma_start3A_714 : memref<125xi32, #tpu.memory_space<vmem>>) semaphore(%dma_start3A_719 : memref<!tpu.dma_semaphore, #tpu.memory_space<semaphore_mem>>)
      %add3A_720 = arith.constant 1 : i32
      %add3A_721 = arith.addi %mul3A_655, %add3A_720 : i32
      %dma_wait3A_722 = arith.constant 1 : i32
      %dma_wait3A_723 = arith.constant 1 : i32
      %dma_wait3A_724 = arith.constant 0 : i32
      %dma_wait3A_725 = arith.constant 0 : i32
      %dma_wait3A_726 = tpu.memref_slice %arg9[%dma_wait3A_722, %dma_wait3A_724, %dma_wait3A_725] : memref<5x125x128xbf16, #tpu.memory_space<vmem>> -> memref<1x125x128xbf16, #tpu.memory_space<vmem>>
      %dma_wait3A_727 = tpu.memref_squeeze %dma_wait3A_726 : memref<1x125x128xbf16, #tpu.memory_space<vmem>> -> memref<125x128xbf16, #tpu.memory_space<vmem>>
      %dma_wait3A_728 = arith.constant 0 : i32
      %dma_wait3A_729 = tpu.memref_slice %arg7[%add3A_721, %dma_wait3A_728] : memref<85x125xi32, #tpu.memory_space<vmem>> -> memref<1x125xi32, #tpu.memory_space<vmem>>
      %dma_wait3A_730 = tpu.memref_squeeze %dma_wait3A_729 : memref<1x125xi32, #tpu.memory_space<vmem>> -> memref<125xi32, #tpu.memory_space<vmem>>
      %dma_wait3A_731 = arith.constant 0 : i32
      %dma_wait3A_732 = arith.constant 0 : i32
      %dma_wait3A_733 = tpu.memref_slice %arg2[%dma_wait3A_731, %dma_wait3A_732] : memref<10000x128xbf16, #tpu.memory_space<hbm>> -> memref<10000x128xbf16, #tpu.memory_space<hbm>>
      %dma_wait3A_734 = tpu.memref_slice %arg11[%dma_wait3A_723] : memref<5x!tpu.dma_semaphore, #tpu.memory_space<semaphore_mem>> -> memref<1x!tpu.dma_semaphore, #tpu.memory_space<semaphore_mem>>
      %dma_wait3A_735 = tpu.memref_squeeze %dma_wait3A_734 : memref<1x!tpu.dma_semaphore, #tpu.memory_space<semaphore_mem>> -> memref<!tpu.dma_semaphore, #tpu.memory_space<semaphore_mem>>
      tpu.wait_indirect_dma semaphore(%dma_wait3A_735 : memref<!tpu.dma_semaphore, #tpu.memory_space<semaphore_mem>>) src(%dma_wait3A_733 : memref<10000x128xbf16, #tpu.memory_space<hbm>>) dst(%dma_wait3A_727 : memref<125x128xbf16, #tpu.memory_space<vmem>>)
      %dma_start3A_736 = arith.constant 1 : i32
      %dma_start3A_737 = arith.constant 1 : i32
      %dma_start3A_738 = arith.constant 0 : i32
      %dma_start3A_739 = arith.constant 0 : i32
      %dma_start3A_740 = tpu.memref_slice %arg9[%dma_start3A_736, %dma_start3A_738, %dma_start3A_739] : memref<5x125x128xbf16, #tpu.memory_space<vmem>> -> memref<1x125x128xbf16, #tpu.memory_space<vmem>>
      %dma_start3A_741 = tpu.memref_squeeze %dma_start3A_740 : memref<1x125x128xbf16, #tpu.memory_space<vmem>> -> memref<125x128xbf16, #tpu.memory_space<vmem>>
      %dma_start3A_742 = arith.constant 0 : i32
      %dma_start3A_743 = tpu.memref_slice %arg8[%add3A_721, %dma_start3A_742] : memref<85x125xi32, #tpu.memory_space<vmem>> -> memref<1x125xi32, #tpu.memory_space<vmem>>
      %dma_start3A_744 = tpu.memref_squeeze %dma_start3A_743 : memref<1x125xi32, #tpu.memory_space<vmem>> -> memref<125xi32, #tpu.memory_space<vmem>>
      %dma_start3A_745 = arith.constant 0 : i32
      %dma_start3A_746 = arith.constant 0 : i32
      %dma_start3A_747 = tpu.memref_slice %arg10[%dma_start3A_745, %dma_start3A_746] : memref<10000x128xbf16, #tpu.memory_space<vmem_shared>> -> memref<10000x128xbf16, #tpu.memory_space<vmem_shared>>
      %dma_start3A_748 = tpu.memref_slice %arg12[%dma_start3A_737] : memref<5x!tpu.dma_semaphore, #tpu.memory_space<semaphore_mem>> -> memref<1x!tpu.dma_semaphore, #tpu.memory_space<semaphore_mem>>
      %dma_start3A_749 = tpu.memref_squeeze %dma_start3A_748 : memref<1x!tpu.dma_semaphore, #tpu.memory_space<semaphore_mem>> -> memref<!tpu.dma_semaphore, #tpu.memory_space<semaphore_mem>>
      tpu.enqueue_indirect_dma source(%dma_start3A_741 : memref<125x128xbf16, #tpu.memory_space<vmem>>) target(%dma_start3A_747 : memref<10000x128xbf16, #tpu.memory_space<vmem_shared>>) offsets(%dma_start3A_744 : memref<125xi32, #tpu.memory_space<vmem>>) semaphore(%dma_start3A_749 : memref<!tpu.dma_semaphore, #tpu.memory_space<semaphore_mem>>) {add = true}
      %sub3A_750 = arith.constant 1 : i32
      %sub3A_751 = arith.subi %add3A_721, %sub3A_750 : i32
      %dma_wait3A_752 = arith.constant 0 : i32
      %dma_wait3A_753 = arith.constant 0 : i32
      %dma_wait3A_754 = arith.constant 0 : i32
      %dma_wait3A_755 = arith.constant 0 : i32
      %dma_wait3A_756 = tpu.memref_slice %arg9[%dma_wait3A_752, %dma_wait3A_754, %dma_wait3A_755] : memref<5x125x128xbf16, #tpu.memory_space<vmem>> -> memref<1x125x128xbf16, #tpu.memory_space<vmem>>
      %dma_wait3A_757 = tpu.memref_squeeze %dma_wait3A_756 : memref<1x125x128xbf16, #tpu.memory_space<vmem>> -> memref<125x128xbf16, #tpu.memory_space<vmem>>
      %dma_wait3A_758 = arith.constant 0 : i32
      %dma_wait3A_759 = tpu.memref_slice %arg8[%sub3A_751, %dma_wait3A_758] : memref<85x125xi32, #tpu.memory_space<vmem>> -> memref<1x125xi32, #tpu.memory_space<vmem>>
      %dma_wait3A_760 = tpu.memref_squeeze %dma_wait3A_759 : memref<1x125xi32, #tpu.memory_space<vmem>> -> memref<125xi32, #tpu.memory_space<vmem>>
      %dma_wait3A_761 = arith.constant 0 : i32
      %dma_wait3A_762 = arith.constant 0 : i32
      %dma_wait3A_763 = tpu.memref_slice %arg10[%dma_wait3A_761, %dma_wait3A_762] : memref<10000x128xbf16, #tpu.memory_space<vmem_shared>> -> memref<10000x128xbf16, #tpu.memory_space<vmem_shared>>
      %dma_wait3A_764 = tpu.memref_slice %arg12[%dma_wait3A_753] : memref<5x!tpu.dma_semaphore, #tpu.memory_space<semaphore_mem>> -> memref<1x!tpu.dma_semaphore, #tpu.memory_space<semaphore_mem>>
      %dma_wait3A_765 = tpu.memref_squeeze %dma_wait3A_764 : memref<1x!tpu.dma_semaphore, #tpu.memory_space<semaphore_mem>> -> memref<!tpu.dma_semaphore, #tpu.memory_space<semaphore_mem>>
      tpu.wait_indirect_dma semaphore(%dma_wait3A_765 : memref<!tpu.dma_semaphore, #tpu.memory_space<semaphore_mem>>) src(%dma_wait3A_757 : memref<125x128xbf16, #tpu.memory_space<vmem>>) dst(%dma_wait3A_763 : memref<10000x128xbf16, #tpu.memory_space<vmem_shared>>)
      %add3A_766 = arith.constant 5 : i32
      %add3A_767 = arith.addi %add3A_721, %add3A_766 : i32
      %sub3A_768 = arith.constant 1 : i32
      %sub3A_769 = arith.subi %add3A_767, %sub3A_768 : i32
      %dma_start3A_770 = arith.constant 0 : i32
      %dma_start3A_771 = arith.constant 0 : i32
      %dma_start3A_772 = arith.constant 0 : i32
      %dma_start3A_773 = arith.constant 0 : i32
      %dma_start3A_774 = tpu.memref_slice %arg9[%dma_start3A_770, %dma_start3A_772, %dma_start3A_773] : memref<5x125x128xbf16, #tpu.memory_space<vmem>> -> memref<1x125x128xbf16, #tpu.memory_space<vmem>>
      %dma_start3A_775 = tpu.memref_squeeze %dma_start3A_774 : memref<1x125x128xbf16, #tpu.memory_space<vmem>> -> memref<125x128xbf16, #tpu.memory_space<vmem>>
      %dma_start3A_776 = arith.constant 0 : i32
      %dma_start3A_777 = tpu.memref_slice %arg7[%sub3A_769, %dma_start3A_776] : memref<85x125xi32, #tpu.memory_space<vmem>> -> memref<1x125xi32, #tpu.memory_space<vmem>>
      %dma_start3A_778 = tpu.memref_squeeze %dma_start3A_777 : memref<1x125xi32, #tpu.memory_space<vmem>> -> memref<125xi32, #tpu.memory_space<vmem>>
      %dma_start3A_779 = arith.constant 0 : i32
      %dma_start3A_780 = arith.constant 0 : i32
      %dma_start3A_781 = tpu.memref_slice %arg2[%dma_start3A_779, %dma_start3A_780] : memref<10000x128xbf16, #tpu.memory_space<hbm>> -> memref<10000x128xbf16, #tpu.memory_space<hbm>>
      %dma_start3A_782 = tpu.memref_slice %arg11[%dma_start3A_771] : memref<5x!tpu.dma_semaphore, #tpu.memory_space<semaphore_mem>> -> memref<1x!tpu.dma_semaphore, #tpu.memory_space<semaphore_mem>>
      %dma_start3A_783 = tpu.memref_squeeze %dma_start3A_782 : memref<1x!tpu.dma_semaphore, #tpu.memory_space<semaphore_mem>> -> memref<!tpu.dma_semaphore, #tpu.memory_space<semaphore_mem>>
      tpu.enqueue_indirect_dma source(%dma_start3A_781 : memref<10000x128xbf16, #tpu.memory_space<hbm>>) target(%dma_start3A_775 : memref<125x128xbf16, #tpu.memory_space<vmem>>) offsets(%dma_start3A_778 : memref<125xi32, #tpu.memory_space<vmem>>) semaphore(%dma_start3A_783 : memref<!tpu.dma_semaphore, #tpu.memory_space<semaphore_mem>>)
      %add3A_784 = arith.constant 2 : i32
      %add3A_785 = arith.addi %mul3A_655, %add3A_784 : i32
      %dma_wait3A_786 = arith.constant 2 : i32
      %dma_wait3A_787 = arith.constant 2 : i32
      %dma_wait3A_788 = arith.constant 0 : i32
      %dma_wait3A_789 = arith.constant 0 : i32
      %dma_wait3A_790 = tpu.memref_slice %arg9[%dma_wait3A_786, %dma_wait3A_788, %dma_wait3A_789] : memref<5x125x128xbf16, #tpu.memory_space<vmem>> -> memref<1x125x128xbf16, #tpu.memory_space<vmem>>
      %dma_wait3A_791 = tpu.memref_squeeze %dma_wait3A_790 : memref<1x125x128xbf16, #tpu.memory_space<vmem>> -> memref<125x128xbf16, #tpu.memory_space<vmem>>
      %dma_wait3A_792 = arith.constant 0 : i32
      %dma_wait3A_793 = tpu.memref_slice %arg7[%add3A_785, %dma_wait3A_792] : memref<85x125xi32, #tpu.memory_space<vmem>> -> memref<1x125xi32, #tpu.memory_space<vmem>>
      %dma_wait3A_794 = tpu.memref_squeeze %dma_wait3A_793 : memref<1x125xi32, #tpu.memory_space<vmem>> -> memref<125xi32, #tpu.memory_space<vmem>>
      %dma_wait3A_795 = arith.constant 0 : i32
      %dma_wait3A_796 = arith.constant 0 : i32
      %dma_wait3A_797 = tpu.memref_slice %arg2[%dma_wait3A_795, %dma_wait3A_796] : memref<10000x128xbf16, #tpu.memory_space<hbm>> -> memref<10000x128xbf16, #tpu.memory_space<hbm>>
      %dma_wait3A_798 = tpu.memref_slice %arg11[%dma_wait3A_787] : memref<5x!tpu.dma_semaphore, #tpu.memory_space<semaphore_mem>> -> memref<1x!tpu.dma_semaphore, #tpu.memory_space<semaphore_mem>>
      %dma_wait3A_799 = tpu.memref_squeeze %dma_wait3A_798 : memref<1x!tpu.dma_semaphore, #tpu.memory_space<semaphore_mem>> -> memref<!tpu.dma_semaphore, #tpu.memory_space<semaphore_mem>>
      tpu.wait_indirect_dma semaphore(%dma_wait3A_799 : memref<!tpu.dma_semaphore, #tpu.memory_space<semaphore_mem>>) src(%dma_wait3A_797 : memref<10000x128xbf16, #tpu.memory_space<hbm>>) dst(%dma_wait3A_791 : memref<125x128xbf16, #tpu.memory_space<vmem>>)
      %dma_start3A_800 = arith.constant 2 : i32
      %dma_start3A_801 = arith.constant 2 : i32
      %dma_start3A_802 = arith.constant 0 : i32
      %dma_start3A_803 = arith.constant 0 : i32
      %dma_start3A_804 = tpu.memref_slice %arg9[%dma_start3A_800, %dma_start3A_802, %dma_start3A_803] : memref<5x125x128xbf16, #tpu.memory_space<vmem>> -> memref<1x125x128xbf16, #tpu.memory_space<vmem>>
      %dma_start3A_805 = tpu.memref_squeeze %dma_start3A_804 : memref<1x125x128xbf16, #tpu.memory_space<vmem>> -> memref<125x128xbf16, #tpu.memory_space<vmem>>
      %dma_start3A_806 = arith.constant 0 : i32
      %dma_start3A_807 = tpu.memref_slice %arg8[%add3A_785, %dma_start3A_806] : memref<85x125xi32, #tpu.memory_space<vmem>> -> memref<1x125xi32, #tpu.memory_space<vmem>>
      %dma_start3A_808 = tpu.memref_squeeze %dma_start3A_807 : memref<1x125xi32, #tpu.memory_space<vmem>> -> memref<125xi32, #tpu.memory_space<vmem>>
      %dma_start3A_809 = arith.constant 0 : i32
      %dma_start3A_810 = arith.constant 0 : i32
      %dma_start3A_811 = tpu.memref_slice %arg10[%dma_start3A_809, %dma_start3A_810] : memref<10000x128xbf16, #tpu.memory_space<vmem_shared>> -> memref<10000x128xbf16, #tpu.memory_space<vmem_shared>>
      %dma_start3A_812 = tpu.memref_slice %arg12[%dma_start3A_801] : memref<5x!tpu.dma_semaphore, #tpu.memory_space<semaphore_mem>> -> memref<1x!tpu.dma_semaphore, #tpu.memory_space<semaphore_mem>>
      %dma_start3A_813 = tpu.memref_squeeze %dma_start3A_812 : memref<1x!tpu.dma_semaphore, #tpu.memory_space<semaphore_mem>> -> memref<!tpu.dma_semaphore, #tpu.memory_space<semaphore_mem>>
      tpu.enqueue_indirect_dma source(%dma_start3A_805 : memref<125x128xbf16, #tpu.memory_space<vmem>>) target(%dma_start3A_811 : memref<10000x128xbf16, #tpu.memory_space<vmem_shared>>) offsets(%dma_start3A_808 : memref<125xi32, #tpu.memory_space<vmem>>) semaphore(%dma_start3A_813 : memref<!tpu.dma_semaphore, #tpu.memory_space<semaphore_mem>>) {add = true}
      %sub3A_814 = arith.constant 1 : i32
      %sub3A_815 = arith.subi %add3A_785, %sub3A_814 : i32
      %dma_wait3A_816 = arith.constant 1 : i32
      %dma_wait3A_817 = arith.constant 1 : i32
      %dma_wait3A_818 = arith.constant 0 : i32
      %dma_wait3A_819 = arith.constant 0 : i32
      %dma_wait3A_820 = tpu.memref_slice %arg9[%dma_wait3A_816, %dma_wait3A_818, %dma_wait3A_819] : memref<5x125x128xbf16, #tpu.memory_space<vmem>> -> memref<1x125x128xbf16, #tpu.memory_space<vmem>>
      %dma_wait3A_821 = tpu.memref_squeeze %dma_wait3A_820 : memref<1x125x128xbf16, #tpu.memory_space<vmem>> -> memref<125x128xbf16, #tpu.memory_space<vmem>>
      %dma_wait3A_822 = arith.constant 0 : i32
      %dma_wait3A_823 = tpu.memref_slice %arg8[%sub3A_815, %dma_wait3A_822] : memref<85x125xi32, #tpu.memory_space<vmem>> -> memref<1x125xi32, #tpu.memory_space<vmem>>
      %dma_wait3A_824 = tpu.memref_squeeze %dma_wait3A_823 : memref<1x125xi32, #tpu.memory_space<vmem>> -> memref<125xi32, #tpu.memory_space<vmem>>
      %dma_wait3A_825 = arith.constant 0 : i32
      %dma_wait3A_826 = arith.constant 0 : i32
      %dma_wait3A_827 = tpu.memref_slice %arg10[%dma_wait3A_825, %dma_wait3A_826] : memref<10000x128xbf16, #tpu.memory_space<vmem_shared>> -> memref<10000x128xbf16, #tpu.memory_space<vmem_shared>>
      %dma_wait3A_828 = tpu.memref_slice %arg12[%dma_wait3A_817] : memref<5x!tpu.dma_semaphore, #tpu.memory_space<semaphore_mem>> -> memref<1x!tpu.dma_semaphore, #tpu.memory_space<semaphore_mem>>
      %dma_wait3A_829 = tpu.memref_squeeze %dma_wait3A_828 : memref<1x!tpu.dma_semaphore, #tpu.memory_space<semaphore_mem>> -> memref<!tpu.dma_semaphore, #tpu.memory_space<semaphore_mem>>
      tpu.wait_indirect_dma semaphore(%dma_wait3A_829 : memref<!tpu.dma_semaphore, #tpu.memory_space<semaphore_mem>>) src(%dma_wait3A_821 : memref<125x128xbf16, #tpu.memory_space<vmem>>) dst(%dma_wait3A_827 : memref<10000x128xbf16, #tpu.memory_space<vmem_shared>>)
      %add3A_830 = arith.constant 5 : i32
      %add3A_831 = arith.addi %add3A_785, %add3A_830 : i32
      %sub3A_832 = arith.constant 1 : i32
      %sub3A_833 = arith.subi %add3A_831, %sub3A_832 : i32
      %dma_start3A_834 = arith.constant 1 : i32
      %dma_start3A_835 = arith.constant 1 : i32
      %dma_start3A_836 = arith.constant 0 : i32
      %dma_start3A_837 = arith.constant 0 : i32
      %dma_start3A_838 = tpu.memref_slice %arg9[%dma_start3A_834, %dma_start3A_836, %dma_start3A_837] : memref<5x125x128xbf16, #tpu.memory_space<vmem>> -> memref<1x125x128xbf16, #tpu.memory_space<vmem>>
      %dma_start3A_839 = tpu.memref_squeeze %dma_start3A_838 : memref<1x125x128xbf16, #tpu.memory_space<vmem>> -> memref<125x128xbf16, #tpu.memory_space<vmem>>
      %dma_start3A_840 = arith.constant 0 : i32
      %dma_start3A_841 = tpu.memref_slice %arg7[%sub3A_833, %dma_start3A_840] : memref<85x125xi32, #tpu.memory_space<vmem>> -> memref<1x125xi32, #tpu.memory_space<vmem>>
      %dma_start3A_842 = tpu.memref_squeeze %dma_start3A_841 : memref<1x125xi32, #tpu.memory_space<vmem>> -> memref<125xi32, #tpu.memory_space<vmem>>
      %dma_start3A_843 = arith.constant 0 : i32
      %dma_start3A_844 = arith.constant 0 : i32
      %dma_start3A_845 = tpu.memref_slice %arg2[%dma_start3A_843, %dma_start3A_844] : memref<10000x128xbf16, #tpu.memory_space<hbm>> -> memref<10000x128xbf16, #tpu.memory_space<hbm>>
      %dma_start3A_846 = tpu.memref_slice %arg11[%dma_start3A_835] : memref<5x!tpu.dma_semaphore, #tpu.memory_space<semaphore_mem>> -> memref<1x!tpu.dma_semaphore, #tpu.memory_space<semaphore_mem>>
      %dma_start3A_847 = tpu.memref_squeeze %dma_start3A_846 : memref<1x!tpu.dma_semaphore, #tpu.memory_space<semaphore_mem>> -> memref<!tpu.dma_semaphore, #tpu.memory_space<semaphore_mem>>
      tpu.enqueue_indirect_dma source(%dma_start3A_845 : memref<10000x128xbf16, #tpu.memory_space<hbm>>) target(%dma_start3A_839 : memref<125x128xbf16, #tpu.memory_space<vmem>>) offsets(%dma_start3A_842 : memref<125xi32, #tpu.memory_space<vmem>>) semaphore(%dma_start3A_847 : memref<!tpu.dma_semaphore, #tpu.memory_space<semaphore_mem>>)
      %add3A_848 = arith.constant 3 : i32
      %add3A_849 = arith.addi %mul3A_655, %add3A_848 : i32
      %dma_wait3A_850 = arith.constant 3 : i32
      %dma_wait3A_851 = arith.constant 3 : i32
      %dma_wait3A_852 = arith.constant 0 : i32
      %dma_wait3A_853 = arith.constant 0 : i32
      %dma_wait3A_854 = tpu.memref_slice %arg9[%dma_wait3A_850, %dma_wait3A_852, %dma_wait3A_853] : memref<5x125x128xbf16, #tpu.memory_space<vmem>> -> memref<1x125x128xbf16, #tpu.memory_space<vmem>>
      %dma_wait3A_855 = tpu.memref_squeeze %dma_wait3A_854 : memref<1x125x128xbf16, #tpu.memory_space<vmem>> -> memref<125x128xbf16, #tpu.memory_space<vmem>>
      %dma_wait3A_856 = arith.constant 0 : i32
      %dma_wait3A_857 = tpu.memref_slice %arg7[%add3A_849, %dma_wait3A_856] : memref<85x125xi32, #tpu.memory_space<vmem>> -> memref<1x125xi32, #tpu.memory_space<vmem>>
      %dma_wait3A_858 = tpu.memref_squeeze %dma_wait3A_857 : memref<1x125xi32, #tpu.memory_space<vmem>> -> memref<125xi32, #tpu.memory_space<vmem>>
      %dma_wait3A_859 = arith.constant 0 : i32
      %dma_wait3A_860 = arith.constant 0 : i32
      %dma_wait3A_861 = tpu.memref_slice %arg2[%dma_wait3A_859, %dma_wait3A_860] : memref<10000x128xbf16, #tpu.memory_space<hbm>> -> memref<10000x128xbf16, #tpu.memory_space<hbm>>
      %dma_wait3A_862 = tpu.memref_slice %arg11[%dma_wait3A_851] : memref<5x!tpu.dma_semaphore, #tpu.memory_space<semaphore_mem>> -> memref<1x!tpu.dma_semaphore, #tpu.memory_space<semaphore_mem>>
      %dma_wait3A_863 = tpu.memref_squeeze %dma_wait3A_862 : memref<1x!tpu.dma_semaphore, #tpu.memory_space<semaphore_mem>> -> memref<!tpu.dma_semaphore, #tpu.memory_space<semaphore_mem>>
      tpu.wait_indirect_dma semaphore(%dma_wait3A_863 : memref<!tpu.dma_semaphore, #tpu.memory_space<semaphore_mem>>) src(%dma_wait3A_861 : memref<10000x128xbf16, #tpu.memory_space<hbm>>) dst(%dma_wait3A_855 : memref<125x128xbf16, #tpu.memory_space<vmem>>)
      %dma_start3A_864 = arith.constant 3 : i32
      %dma_start3A_865 = arith.constant 3 : i32
      %dma_start3A_866 = arith.constant 0 : i32
      %dma_start3A_867 = arith.constant 0 : i32
      %dma_start3A_868 = tpu.memref_slice %arg9[%dma_start3A_864, %dma_start3A_866, %dma_start3A_867] : memref<5x125x128xbf16, #tpu.memory_space<vmem>> -> memref<1x125x128xbf16, #tpu.memory_space<vmem>>
      %dma_start3A_869 = tpu.memref_squeeze %dma_start3A_868 : memref<1x125x128xbf16, #tpu.memory_space<vmem>> -> memref<125x128xbf16, #tpu.memory_space<vmem>>
      %dma_start3A_870 = arith.constant 0 : i32
      %dma_start3A_871 = tpu.memref_slice %arg8[%add3A_849, %dma_start3A_870] : memref<85x125xi32, #tpu.memory_space<vmem>> -> memref<1x125xi32, #tpu.memory_space<vmem>>
      %dma_start3A_872 = tpu.memref_squeeze %dma_start3A_871 : memref<1x125xi32, #tpu.memory_space<vmem>> -> memref<125xi32, #tpu.memory_space<vmem>>
      %dma_start3A_873 = arith.constant 0 : i32
      %dma_start3A_874 = arith.constant 0 : i32
      %dma_start3A_875 = tpu.memref_slice %arg10[%dma_start3A_873, %dma_start3A_874] : memref<10000x128xbf16, #tpu.memory_space<vmem_shared>> -> memref<10000x128xbf16, #tpu.memory_space<vmem_shared>>
      %dma_start3A_876 = tpu.memref_slice %arg12[%dma_start3A_865] : memref<5x!tpu.dma_semaphore, #tpu.memory_space<semaphore_mem>> -> memref<1x!tpu.dma_semaphore, #tpu.memory_space<semaphore_mem>>
      %dma_start3A_877 = tpu.memref_squeeze %dma_start3A_876 : memref<1x!tpu.dma_semaphore, #tpu.memory_space<semaphore_mem>> -> memref<!tpu.dma_semaphore, #tpu.memory_space<semaphore_mem>>
      tpu.enqueue_indirect_dma source(%dma_start3A_869 : memref<125x128xbf16, #tpu.memory_space<vmem>>) target(%dma_start3A_875 : memref<10000x128xbf16, #tpu.memory_space<vmem_shared>>) offsets(%dma_start3A_872 : memref<125xi32, #tpu.memory_space<vmem>>) semaphore(%dma_start3A_877 : memref<!tpu.dma_semaphore, #tpu.memory_space<semaphore_mem>>) {add = true}
      %sub3A_878 = arith.constant 1 : i32
      %sub3A_879 = arith.subi %add3A_849, %sub3A_878 : i32
      %dma_wait3A_880 = arith.constant 2 : i32
      %dma_wait3A_881 = arith.constant 2 : i32
      %dma_wait3A_882 = arith.constant 0 : i32
      %dma_wait3A_883 = arith.constant 0 : i32
      %dma_wait3A_884 = tpu.memref_slice %arg9[%dma_wait3A_880, %dma_wait3A_882, %dma_wait3A_883] : memref<5x125x128xbf16, #tpu.memory_space<vmem>> -> memref<1x125x128xbf16, #tpu.memory_space<vmem>>
      %dma_wait3A_885 = tpu.memref_squeeze %dma_wait3A_884 : memref<1x125x128xbf16, #tpu.memory_space<vmem>> -> memref<125x128xbf16, #tpu.memory_space<vmem>>
      %dma_wait3A_886 = arith.constant 0 : i32
      %dma_wait3A_887 = tpu.memref_slice %arg8[%sub3A_879, %dma_wait3A_886] : memref<85x125xi32, #tpu.memory_space<vmem>> -> memref<1x125xi32, #tpu.memory_space<vmem>>
      %dma_wait3A_888 = tpu.memref_squeeze %dma_wait3A_887 : memref<1x125xi32, #tpu.memory_space<vmem>> -> memref<125xi32, #tpu.memory_space<vmem>>
      %dma_wait3A_889 = arith.constant 0 : i32
      %dma_wait3A_890 = arith.constant 0 : i32
      %dma_wait3A_891 = tpu.memref_slice %arg10[%dma_wait3A_889, %dma_wait3A_890] : memref<10000x128xbf16, #tpu.memory_space<vmem_shared>> -> memref<10000x128xbf16, #tpu.memory_space<vmem_shared>>
      %dma_wait3A_892 = tpu.memref_slice %arg12[%dma_wait3A_881] : memref<5x!tpu.dma_semaphore, #tpu.memory_space<semaphore_mem>> -> memref<1x!tpu.dma_semaphore, #tpu.memory_space<semaphore_mem>>
      %dma_wait3A_893 = tpu.memref_squeeze %dma_wait3A_892 : memref<1x!tpu.dma_semaphore, #tpu.memory_space<semaphore_mem>> -> memref<!tpu.dma_semaphore, #tpu.memory_space<semaphore_mem>>
      tpu.wait_indirect_dma semaphore(%dma_wait3A_893 : memref<!tpu.dma_semaphore, #tpu.memory_space<semaphore_mem>>) src(%dma_wait3A_885 : memref<125x128xbf16, #tpu.memory_space<vmem>>) dst(%dma_wait3A_891 : memref<10000x128xbf16, #tpu.memory_space<vmem_shared>>)
      %add3A_894 = arith.constant 5 : i32
      %add3A_895 = arith.addi %add3A_849, %add3A_894 : i32
      %sub3A_896 = arith.constant 1 : i32
      %sub3A_897 = arith.subi %add3A_895, %sub3A_896 : i32
      %dma_start3A_898 = arith.constant 2 : i32
      %dma_start3A_899 = arith.constant 2 : i32
      %dma_start3A_900 = arith.constant 0 : i32
      %dma_start3A_901 = arith.constant 0 : i32
      %dma_start3A_902 = tpu.memref_slice %arg9[%dma_start3A_898, %dma_start3A_900, %dma_start3A_901] : memref<5x125x128xbf16, #tpu.memory_space<vmem>> -> memref<1x125x128xbf16, #tpu.memory_space<vmem>>
      %dma_start3A_903 = tpu.memref_squeeze %dma_start3A_902 : memref<1x125x128xbf16, #tpu.memory_space<vmem>> -> memref<125x128xbf16, #tpu.memory_space<vmem>>
      %dma_start3A_904 = arith.constant 0 : i32
      %dma_start3A_905 = tpu.memref_slice %arg7[%sub3A_897, %dma_start3A_904] : memref<85x125xi32, #tpu.memory_space<vmem>> -> memref<1x125xi32, #tpu.memory_space<vmem>>
      %dma_start3A_906 = tpu.memref_squeeze %dma_start3A_905 : memref<1x125xi32, #tpu.memory_space<vmem>> -> memref<125xi32, #tpu.memory_space<vmem>>
      %dma_start3A_907 = arith.constant 0 : i32
      %dma_start3A_908 = arith.constant 0 : i32
      %dma_start3A_909 = tpu.memref_slice %arg2[%dma_start3A_907, %dma_start3A_908] : memref<10000x128xbf16, #tpu.memory_space<hbm>> -> memref<10000x128xbf16, #tpu.memory_space<hbm>>
      %dma_start3A_910 = tpu.memref_slice %arg11[%dma_start3A_899] : memref<5x!tpu.dma_semaphore, #tpu.memory_space<semaphore_mem>> -> memref<1x!tpu.dma_semaphore, #tpu.memory_space<semaphore_mem>>
      %dma_start3A_911 = tpu.memref_squeeze %dma_start3A_910 : memref<1x!tpu.dma_semaphore, #tpu.memory_space<semaphore_mem>> -> memref<!tpu.dma_semaphore, #tpu.memory_space<semaphore_mem>>
      tpu.enqueue_indirect_dma source(%dma_start3A_909 : memref<10000x128xbf16, #tpu.memory_space<hbm>>) target(%dma_start3A_903 : memref<125x128xbf16, #tpu.memory_space<vmem>>) offsets(%dma_start3A_906 : memref<125xi32, #tpu.memory_space<vmem>>) semaphore(%dma_start3A_911 : memref<!tpu.dma_semaphore, #tpu.memory_space<semaphore_mem>>)
      %add3A_912 = arith.constant 4 : i32
      %add3A_913 = arith.addi %mul3A_655, %add3A_912 : i32
      %dma_wait3A_914 = arith.constant 4 : i32
      %dma_wait3A_915 = arith.constant 4 : i32
      %dma_wait3A_916 = arith.constant 0 : i32
      %dma_wait3A_917 = arith.constant 0 : i32
      %dma_wait3A_918 = tpu.memref_slice %arg9[%dma_wait3A_914, %dma_wait3A_916, %dma_wait3A_917] : memref<5x125x128xbf16, #tpu.memory_space<vmem>> -> memref<1x125x128xbf16, #tpu.memory_space<vmem>>
      %dma_wait3A_919 = tpu.memref_squeeze %dma_wait3A_918 : memref<1x125x128xbf16, #tpu.memory_space<vmem>> -> memref<125x128xbf16, #tpu.memory_space<vmem>>
      %dma_wait3A_920 = arith.constant 0 : i32
      %dma_wait3A_921 = tpu.memref_slice %arg7[%add3A_913, %dma_wait3A_920] : memref<85x125xi32, #tpu.memory_space<vmem>> -> memref<1x125xi32, #tpu.memory_space<vmem>>
      %dma_wait3A_922 = tpu.memref_squeeze %dma_wait3A_921 : memref<1x125xi32, #tpu.memory_space<vmem>> -> memref<125xi32, #tpu.memory_space<vmem>>
      %dma_wait3A_923 = arith.constant 0 : i32
      %dma_wait3A_924 = arith.constant 0 : i32
      %dma_wait3A_925 = tpu.memref_slice %arg2[%dma_wait3A_923, %dma_wait3A_924] : memref<10000x128xbf16, #tpu.memory_space<hbm>> -> memref<10000x128xbf16, #tpu.memory_space<hbm>>
      %dma_wait3A_926 = tpu.memref_slice %arg11[%dma_wait3A_915] : memref<5x!tpu.dma_semaphore, #tpu.memory_space<semaphore_mem>> -> memref<1x!tpu.dma_semaphore, #tpu.memory_space<semaphore_mem>>
      %dma_wait3A_927 = tpu.memref_squeeze %dma_wait3A_926 : memref<1x!tpu.dma_semaphore, #tpu.memory_space<semaphore_mem>> -> memref<!tpu.dma_semaphore, #tpu.memory_space<semaphore_mem>>
      tpu.wait_indirect_dma semaphore(%dma_wait3A_927 : memref<!tpu.dma_semaphore, #tpu.memory_space<semaphore_mem>>) src(%dma_wait3A_925 : memref<10000x128xbf16, #tpu.memory_space<hbm>>) dst(%dma_wait3A_919 : memref<125x128xbf16, #tpu.memory_space<vmem>>)
      %dma_start3A_928 = arith.constant 4 : i32
      %dma_start3A_929 = arith.constant 4 : i32
      %dma_start3A_930 = arith.constant 0 : i32
      %dma_start3A_931 = arith.constant 0 : i32
      %dma_start3A_932 = tpu.memref_slice %arg9[%dma_start3A_928, %dma_start3A_930, %dma_start3A_931] : memref<5x125x128xbf16, #tpu.memory_space<vmem>> -> memref<1x125x128xbf16, #tpu.memory_space<vmem>>
      %dma_start3A_933 = tpu.memref_squeeze %dma_start3A_932 : memref<1x125x128xbf16, #tpu.memory_space<vmem>> -> memref<125x128xbf16, #tpu.memory_space<vmem>>
      %dma_start3A_934 = arith.constant 0 : i32
      %dma_start3A_935 = tpu.memref_slice %arg8[%add3A_913, %dma_start3A_934] : memref<85x125xi32, #tpu.memory_space<vmem>> -> memref<1x125xi32, #tpu.memory_space<vmem>>
      %dma_start3A_936 = tpu.memref_squeeze %dma_start3A_935 : memref<1x125xi32, #tpu.memory_space<vmem>> -> memref<125xi32, #tpu.memory_space<vmem>>
      %dma_start3A_937 = arith.constant 0 : i32
      %dma_start3A_938 = arith.constant 0 : i32
      %dma_start3A_939 = tpu.memref_slice %arg10[%dma_start3A_937, %dma_start3A_938] : memref<10000x128xbf16, #tpu.memory_space<vmem_shared>> -> memref<10000x128xbf16, #tpu.memory_space<vmem_shared>>
      %dma_start3A_940 = tpu.memref_slice %arg12[%dma_start3A_929] : memref<5x!tpu.dma_semaphore, #tpu.memory_space<semaphore_mem>> -> memref<1x!tpu.dma_semaphore, #tpu.memory_space<semaphore_mem>>
      %dma_start3A_941 = tpu.memref_squeeze %dma_start3A_940 : memref<1x!tpu.dma_semaphore, #tpu.memory_space<semaphore_mem>> -> memref<!tpu.dma_semaphore, #tpu.memory_space<semaphore_mem>>
      tpu.enqueue_indirect_dma source(%dma_start3A_933 : memref<125x128xbf16, #tpu.memory_space<vmem>>) target(%dma_start3A_939 : memref<10000x128xbf16, #tpu.memory_space<vmem_shared>>) offsets(%dma_start3A_936 : memref<125xi32, #tpu.memory_space<vmem>>) semaphore(%dma_start3A_941 : memref<!tpu.dma_semaphore, #tpu.memory_space<semaphore_mem>>) {add = true}
      %sub3A_942 = arith.constant 1 : i32
      %sub3A_943 = arith.subi %add3A_913, %sub3A_942 : i32
      %dma_wait3A_944 = arith.constant 3 : i32
      %dma_wait3A_945 = arith.constant 3 : i32
      %dma_wait3A_946 = arith.constant 0 : i32
      %dma_wait3A_947 = arith.constant 0 : i32
      %dma_wait3A_948 = tpu.memref_slice %arg9[%dma_wait3A_944, %dma_wait3A_946, %dma_wait3A_947] : memref<5x125x128xbf16, #tpu.memory_space<vmem>> -> memref<1x125x128xbf16, #tpu.memory_space<vmem>>
      %dma_wait3A_949 = tpu.memref_squeeze %dma_wait3A_948 : memref<1x125x128xbf16, #tpu.memory_space<vmem>> -> memref<125x128xbf16, #tpu.memory_space<vmem>>
      %dma_wait3A_950 = arith.constant 0 : i32
      %dma_wait3A_951 = tpu.memref_slice %arg8[%sub3A_943, %dma_wait3A_950] : memref<85x125xi32, #tpu.memory_space<vmem>> -> memref<1x125xi32, #tpu.memory_space<vmem>>
      %dma_wait3A_952 = tpu.memref_squeeze %dma_wait3A_951 : memref<1x125xi32, #tpu.memory_space<vmem>> -> memref<125xi32, #tpu.memory_space<vmem>>
      %dma_wait3A_953 = arith.constant 0 : i32
      %dma_wait3A_954 = arith.constant 0 : i32
      %dma_wait3A_955 = tpu.memref_slice %arg10[%dma_wait3A_953, %dma_wait3A_954] : memref<10000x128xbf16, #tpu.memory_space<vmem_shared>> -> memref<10000x128xbf16, #tpu.memory_space<vmem_shared>>
      %dma_wait3A_956 = tpu.memref_slice %arg12[%dma_wait3A_945] : memref<5x!tpu.dma_semaphore, #tpu.memory_space<semaphore_mem>> -> memref<1x!tpu.dma_semaphore, #tpu.memory_space<semaphore_mem>>
      %dma_wait3A_957 = tpu.memref_squeeze %dma_wait3A_956 : memref<1x!tpu.dma_semaphore, #tpu.memory_space<semaphore_mem>> -> memref<!tpu.dma_semaphore, #tpu.memory_space<semaphore_mem>>
      tpu.wait_indirect_dma semaphore(%dma_wait3A_957 : memref<!tpu.dma_semaphore, #tpu.memory_space<semaphore_mem>>) src(%dma_wait3A_949 : memref<125x128xbf16, #tpu.memory_space<vmem>>) dst(%dma_wait3A_955 : memref<10000x128xbf16, #tpu.memory_space<vmem_shared>>)
      %add3A_958 = arith.constant 5 : i32
      %add3A_959 = arith.addi %add3A_913, %add3A_958 : i32
      %sub3A_960 = arith.constant 1 : i32
      %sub3A_961 = arith.subi %add3A_959, %sub3A_960 : i32
      %dma_start3A_962 = arith.constant 3 : i32
      %dma_start3A_963 = arith.constant 3 : i32
      %dma_start3A_964 = arith.constant 0 : i32
      %dma_start3A_965 = arith.constant 0 : i32
      %dma_start3A_966 = tpu.memref_slice %arg9[%dma_start3A_962, %dma_start3A_964, %dma_start3A_965] : memref<5x125x128xbf16, #tpu.memory_space<vmem>> -> memref<1x125x128xbf16, #tpu.memory_space<vmem>>
      %dma_start3A_967 = tpu.memref_squeeze %dma_start3A_966 : memref<1x125x128xbf16, #tpu.memory_space<vmem>> -> memref<125x128xbf16, #tpu.memory_space<vmem>>
      %dma_start3A_968 = arith.constant 0 : i32
      %dma_start3A_969 = tpu.memref_slice %arg7[%sub3A_961, %dma_start3A_968] : memref<85x125xi32, #tpu.memory_space<vmem>> -> memref<1x125xi32, #tpu.memory_space<vmem>>
      %dma_start3A_970 = tpu.memref_squeeze %dma_start3A_969 : memref<1x125xi32, #tpu.memory_space<vmem>> -> memref<125xi32, #tpu.memory_space<vmem>>
      %dma_start3A_971 = arith.constant 0 : i32
      %dma_start3A_972 = arith.constant 0 : i32
      %dma_start3A_973 = tpu.memref_slice %arg2[%dma_start3A_971, %dma_start3A_972] : memref<10000x128xbf16, #tpu.memory_space<hbm>> -> memref<10000x128xbf16, #tpu.memory_space<hbm>>
      %dma_start3A_974 = tpu.memref_slice %arg11[%dma_start3A_963] : memref<5x!tpu.dma_semaphore, #tpu.memory_space<semaphore_mem>> -> memref<1x!tpu.dma_semaphore, #tpu.memory_space<semaphore_mem>>
      %dma_start3A_975 = tpu.memref_squeeze %dma_start3A_974 : memref<1x!tpu.dma_semaphore, #tpu.memory_space<semaphore_mem>> -> memref<!tpu.dma_semaphore, #tpu.memory_space<semaphore_mem>>
      tpu.enqueue_indirect_dma source(%dma_start3A_973 : memref<10000x128xbf16, #tpu.memory_space<hbm>>) target(%dma_start3A_967 : memref<125x128xbf16, #tpu.memory_space<vmem>>) offsets(%dma_start3A_970 : memref<125xi32, #tpu.memory_space<vmem>>) semaphore(%dma_start3A_975 : memref<!tpu.dma_semaphore, #tpu.memory_space<semaphore_mem>>)
    }
    %sub3A_383 = arith.constant 5 : i32
    %sub3A_384 = arith.subi %select_n3A, %sub3A_383 : i32
    %add3A = arith.constant 0 : i32
    %add3A_385 = arith.addi %sub3A_384, %add3A : i32
    %dma_wait3A_386 = arith.constant 0 : i32
    %dma_wait3A_387 = arith.constant 0 : i32
    %dma_wait3A_388 = arith.constant 0 : i32
    %dma_wait3A_389 = arith.constant 0 : i32
    %dma_wait3A_390 = tpu.memref_slice %arg9[%dma_wait3A_386, %dma_wait3A_388, %dma_wait3A_389] : memref<5x125x128xbf16, #tpu.memory_space<vmem>> -> memref<1x125x128xbf16, #tpu.memory_space<vmem>>
    %dma_wait3A_391 = tpu.memref_squeeze %dma_wait3A_390 : memref<1x125x128xbf16, #tpu.memory_space<vmem>> -> memref<125x128xbf16, #tpu.memory_space<vmem>>
    %dma_wait3A_392 = arith.constant 0 : i32
    %dma_wait3A_393 = tpu.memref_slice %arg7[%add3A_385, %dma_wait3A_392] : memref<85x125xi32, #tpu.memory_space<vmem>> -> memref<1x125xi32, #tpu.memory_space<vmem>>
    %dma_wait3A_394 = tpu.memref_squeeze %dma_wait3A_393 : memref<1x125xi32, #tpu.memory_space<vmem>> -> memref<125xi32, #tpu.memory_space<vmem>>
    %dma_wait3A_395 = arith.constant 0 : i32
    %dma_wait3A_396 = arith.constant 0 : i32
    %dma_wait3A_397 = tpu.memref_slice %arg2[%dma_wait3A_395, %dma_wait3A_396] : memref<10000x128xbf16, #tpu.memory_space<hbm>> -> memref<10000x128xbf16, #tpu.memory_space<hbm>>
    %dma_wait3A_398 = tpu.memref_slice %arg11[%dma_wait3A_387] : memref<5x!tpu.dma_semaphore, #tpu.memory_space<semaphore_mem>> -> memref<1x!tpu.dma_semaphore, #tpu.memory_space<semaphore_mem>>
    %dma_wait3A_399 = tpu.memref_squeeze %dma_wait3A_398 : memref<1x!tpu.dma_semaphore, #tpu.memory_space<semaphore_mem>> -> memref<!tpu.dma_semaphore, #tpu.memory_space<semaphore_mem>>
    tpu.wait_indirect_dma semaphore(%dma_wait3A_399 : memref<!tpu.dma_semaphore, #tpu.memory_space<semaphore_mem>>) src(%dma_wait3A_397 : memref<10000x128xbf16, #tpu.memory_space<hbm>>) dst(%dma_wait3A_391 : memref<125x128xbf16, #tpu.memory_space<vmem>>)
    %dma_start3A_400 = arith.constant 0 : i32
    %dma_start3A_401 = arith.constant 0 : i32
    %dma_start3A_402 = arith.constant 0 : i32
    %dma_start3A_403 = arith.constant 0 : i32
    %dma_start3A_404 = tpu.memref_slice %arg9[%dma_start3A_400, %dma_start3A_402, %dma_start3A_403] : memref<5x125x128xbf16, #tpu.memory_space<vmem>> -> memref<1x125x128xbf16, #tpu.memory_space<vmem>>
    %dma_start3A_405 = tpu.memref_squeeze %dma_start3A_404 : memref<1x125x128xbf16, #tpu.memory_space<vmem>> -> memref<125x128xbf16, #tpu.memory_space<vmem>>
    %dma_start3A_406 = arith.constant 0 : i32
    %dma_start3A_407 = tpu.memref_slice %arg8[%add3A_385, %dma_start3A_406] : memref<85x125xi32, #tpu.memory_space<vmem>> -> memref<1x125xi32, #tpu.memory_space<vmem>>
    %dma_start3A_408 = tpu.memref_squeeze %dma_start3A_407 : memref<1x125xi32, #tpu.memory_space<vmem>> -> memref<125xi32, #tpu.memory_space<vmem>>
    %dma_start3A_409 = arith.constant 0 : i32
    %dma_start3A_410 = arith.constant 0 : i32
    %dma_start3A_411 = tpu.memref_slice %arg10[%dma_start3A_409, %dma_start3A_410] : memref<10000x128xbf16, #tpu.memory_space<vmem_shared>> -> memref<10000x128xbf16, #tpu.memory_space<vmem_shared>>
    %dma_start3A_412 = tpu.memref_slice %arg12[%dma_start3A_401] : memref<5x!tpu.dma_semaphore, #tpu.memory_space<semaphore_mem>> -> memref<1x!tpu.dma_semaphore, #tpu.memory_space<semaphore_mem>>
    %dma_start3A_413 = tpu.memref_squeeze %dma_start3A_412 : memref<1x!tpu.dma_semaphore, #tpu.memory_space<semaphore_mem>> -> memref<!tpu.dma_semaphore, #tpu.memory_space<semaphore_mem>>
    tpu.enqueue_indirect_dma source(%dma_start3A_405 : memref<125x128xbf16, #tpu.memory_space<vmem>>) target(%dma_start3A_411 : memref<10000x128xbf16, #tpu.memory_space<vmem_shared>>) offsets(%dma_start3A_408 : memref<125xi32, #tpu.memory_space<vmem>>) semaphore(%dma_start3A_413 : memref<!tpu.dma_semaphore, #tpu.memory_space<semaphore_mem>>) {add = true}
    %sub3A_414 = arith.constant 1 : i32
    %sub3A_415 = arith.subi %add3A_385, %sub3A_414 : i32
    %dma_wait3A_416 = arith.constant 4 : i32
    %dma_wait3A_417 = arith.constant 4 : i32
    %dma_wait3A_418 = arith.constant 0 : i32
    %dma_wait3A_419 = arith.constant 0 : i32
    %dma_wait3A_420 = tpu.memref_slice %arg9[%dma_wait3A_416, %dma_wait3A_418, %dma_wait3A_419] : memref<5x125x128xbf16, #tpu.memory_space<vmem>> -> memref<1x125x128xbf16, #tpu.memory_space<vmem>>
    %dma_wait3A_421 = tpu.memref_squeeze %dma_wait3A_420 : memref<1x125x128xbf16, #tpu.memory_space<vmem>> -> memref<125x128xbf16, #tpu.memory_space<vmem>>
    %dma_wait3A_422 = arith.constant 0 : i32
    %dma_wait3A_423 = tpu.memref_slice %arg8[%sub3A_415, %dma_wait3A_422] : memref<85x125xi32, #tpu.memory_space<vmem>> -> memref<1x125xi32, #tpu.memory_space<vmem>>
    %dma_wait3A_424 = tpu.memref_squeeze %dma_wait3A_423 : memref<1x125xi32, #tpu.memory_space<vmem>> -> memref<125xi32, #tpu.memory_space<vmem>>
    %dma_wait3A_425 = arith.constant 0 : i32
    %dma_wait3A_426 = arith.constant 0 : i32
    %dma_wait3A_427 = tpu.memref_slice %arg10[%dma_wait3A_425, %dma_wait3A_426] : memref<10000x128xbf16, #tpu.memory_space<vmem_shared>> -> memref<10000x128xbf16, #tpu.memory_space<vmem_shared>>
    %dma_wait3A_428 = tpu.memref_slice %arg12[%dma_wait3A_417] : memref<5x!tpu.dma_semaphore, #tpu.memory_space<semaphore_mem>> -> memref<1x!tpu.dma_semaphore, #tpu.memory_space<semaphore_mem>>
    %dma_wait3A_429 = tpu.memref_squeeze %dma_wait3A_428 : memref<1x!tpu.dma_semaphore, #tpu.memory_space<semaphore_mem>> -> memref<!tpu.dma_semaphore, #tpu.memory_space<semaphore_mem>>
    tpu.wait_indirect_dma semaphore(%dma_wait3A_429 : memref<!tpu.dma_semaphore, #tpu.memory_space<semaphore_mem>>) src(%dma_wait3A_421 : memref<125x128xbf16, #tpu.memory_space<vmem>>) dst(%dma_wait3A_427 : memref<10000x128xbf16, #tpu.memory_space<vmem_shared>>)
    %add3A_430 = arith.constant 5 : i32
    %add3A_431 = arith.addi %add3A_385, %add3A_430 : i32
    %sub3A_432 = arith.constant 1 : i32
    %sub3A_433 = arith.subi %add3A_431, %sub3A_432 : i32
    %dma_start3A_434 = arith.constant 4 : i32
    %dma_start3A_435 = arith.constant 4 : i32
    %dma_start3A_436 = arith.constant 0 : i32
    %dma_start3A_437 = arith.constant 0 : i32
    %dma_start3A_438 = tpu.memref_slice %arg9[%dma_start3A_434, %dma_start3A_436, %dma_start3A_437] : memref<5x125x128xbf16, #tpu.memory_space<vmem>> -> memref<1x125x128xbf16, #tpu.memory_space<vmem>>
    %dma_start3A_439 = tpu.memref_squeeze %dma_start3A_438 : memref<1x125x128xbf16, #tpu.memory_space<vmem>> -> memref<125x128xbf16, #tpu.memory_space<vmem>>
    %dma_start3A_440 = arith.constant 0 : i32
    %dma_start3A_441 = tpu.memref_slice %arg7[%sub3A_433, %dma_start3A_440] : memref<85x125xi32, #tpu.memory_space<vmem>> -> memref<1x125xi32, #tpu.memory_space<vmem>>
    %dma_start3A_442 = tpu.memref_squeeze %dma_start3A_441 : memref<1x125xi32, #tpu.memory_space<vmem>> -> memref<125xi32, #tpu.memory_space<vmem>>
    %dma_start3A_443 = arith.constant 0 : i32
    %dma_start3A_444 = arith.constant 0 : i32
    %dma_start3A_445 = tpu.memref_slice %arg2[%dma_start3A_443, %dma_start3A_444] : memref<10000x128xbf16, #tpu.memory_space<hbm>> -> memref<10000x128xbf16, #tpu.memory_space<hbm>>
    %dma_start3A_446 = tpu.memref_slice %arg11[%dma_start3A_435] : memref<5x!tpu.dma_semaphore, #tpu.memory_space<semaphore_mem>> -> memref<1x!tpu.dma_semaphore, #tpu.memory_space<semaphore_mem>>
    %dma_start3A_447 = tpu.memref_squeeze %dma_start3A_446 : memref<1x!tpu.dma_semaphore, #tpu.memory_space<semaphore_mem>> -> memref<!tpu.dma_semaphore, #tpu.memory_space<semaphore_mem>>
    tpu.enqueue_indirect_dma source(%dma_start3A_445 : memref<10000x128xbf16, #tpu.memory_space<hbm>>) target(%dma_start3A_439 : memref<125x128xbf16, #tpu.memory_space<vmem>>) offsets(%dma_start3A_442 : memref<125xi32, #tpu.memory_space<vmem>>) semaphore(%dma_start3A_447 : memref<!tpu.dma_semaphore, #tpu.memory_space<semaphore_mem>>)
    %add3A_448 = arith.constant 1 : i32
    %add3A_449 = arith.addi %sub3A_384, %add3A_448 : i32
    %dma_wait3A_450 = arith.constant 1 : i32
    %dma_wait3A_451 = arith.constant 1 : i32
    %dma_wait3A_452 = arith.constant 0 : i32
    %dma_wait3A_453 = arith.constant 0 : i32
    %dma_wait3A_454 = tpu.memref_slice %arg9[%dma_wait3A_450, %dma_wait3A_452, %dma_wait3A_453] : memref<5x125x128xbf16, #tpu.memory_space<vmem>> -> memref<1x125x128xbf16, #tpu.memory_space<vmem>>
    %dma_wait3A_455 = tpu.memref_squeeze %dma_wait3A_454 : memref<1x125x128xbf16, #tpu.memory_space<vmem>> -> memref<125x128xbf16, #tpu.memory_space<vmem>>
    %dma_wait3A_456 = arith.constant 0 : i32
    %dma_wait3A_457 = tpu.memref_slice %arg7[%add3A_449, %dma_wait3A_456] : memref<85x125xi32, #tpu.memory_space<vmem>> -> memref<1x125xi32, #tpu.memory_space<vmem>>
    %dma_wait3A_458 = tpu.memref_squeeze %dma_wait3A_457 : memref<1x125xi32, #tpu.memory_space<vmem>> -> memref<125xi32, #tpu.memory_space<vmem>>
    %dma_wait3A_459 = arith.constant 0 : i32
    %dma_wait3A_460 = arith.constant 0 : i32
    %dma_wait3A_461 = tpu.memref_slice %arg2[%dma_wait3A_459, %dma_wait3A_460] : memref<10000x128xbf16, #tpu.memory_space<hbm>> -> memref<10000x128xbf16, #tpu.memory_space<hbm>>
    %dma_wait3A_462 = tpu.memref_slice %arg11[%dma_wait3A_451] : memref<5x!tpu.dma_semaphore, #tpu.memory_space<semaphore_mem>> -> memref<1x!tpu.dma_semaphore, #tpu.memory_space<semaphore_mem>>
    %dma_wait3A_463 = tpu.memref_squeeze %dma_wait3A_462 : memref<1x!tpu.dma_semaphore, #tpu.memory_space<semaphore_mem>> -> memref<!tpu.dma_semaphore, #tpu.memory_space<semaphore_mem>>
    tpu.wait_indirect_dma semaphore(%dma_wait3A_463 : memref<!tpu.dma_semaphore, #tpu.memory_space<semaphore_mem>>) src(%dma_wait3A_461 : memref<10000x128xbf16, #tpu.memory_space<hbm>>) dst(%dma_wait3A_455 : memref<125x128xbf16, #tpu.memory_space<vmem>>)
    %dma_start3A_464 = arith.constant 1 : i32
    %dma_start3A_465 = arith.constant 1 : i32
    %dma_start3A_466 = arith.constant 0 : i32
    %dma_start3A_467 = arith.constant 0 : i32
    %dma_start3A_468 = tpu.memref_slice %arg9[%dma_start3A_464, %dma_start3A_466, %dma_start3A_467] : memref<5x125x128xbf16, #tpu.memory_space<vmem>> -> memref<1x125x128xbf16, #tpu.memory_space<vmem>>
    %dma_start3A_469 = tpu.memref_squeeze %dma_start3A_468 : memref<1x125x128xbf16, #tpu.memory_space<vmem>> -> memref<125x128xbf16, #tpu.memory_space<vmem>>
    %dma_start3A_470 = arith.constant 0 : i32
    %dma_start3A_471 = tpu.memref_slice %arg8[%add3A_449, %dma_start3A_470] : memref<85x125xi32, #tpu.memory_space<vmem>> -> memref<1x125xi32, #tpu.memory_space<vmem>>
    %dma_start3A_472 = tpu.memref_squeeze %dma_start3A_471 : memref<1x125xi32, #tpu.memory_space<vmem>> -> memref<125xi32, #tpu.memory_space<vmem>>
    %dma_start3A_473 = arith.constant 0 : i32
    %dma_start3A_474 = arith.constant 0 : i32
    %dma_start3A_475 = tpu.memref_slice %arg10[%dma_start3A_473, %dma_start3A_474] : memref<10000x128xbf16, #tpu.memory_space<vmem_shared>> -> memref<10000x128xbf16, #tpu.memory_space<vmem_shared>>
    %dma_start3A_476 = tpu.memref_slice %arg12[%dma_start3A_465] : memref<5x!tpu.dma_semaphore, #tpu.memory_space<semaphore_mem>> -> memref<1x!tpu.dma_semaphore, #tpu.memory_space<semaphore_mem>>
    %dma_start3A_477 = tpu.memref_squeeze %dma_start3A_476 : memref<1x!tpu.dma_semaphore, #tpu.memory_space<semaphore_mem>> -> memref<!tpu.dma_semaphore, #tpu.memory_space<semaphore_mem>>
    tpu.enqueue_indirect_dma source(%dma_start3A_469 : memref<125x128xbf16, #tpu.memory_space<vmem>>) target(%dma_start3A_475 : memref<10000x128xbf16, #tpu.memory_space<vmem_shared>>) offsets(%dma_start3A_472 : memref<125xi32, #tpu.memory_space<vmem>>) semaphore(%dma_start3A_477 : memref<!tpu.dma_semaphore, #tpu.memory_space<semaphore_mem>>) {add = true}
    %sub3A_478 = arith.constant 1 : i32
    %sub3A_479 = arith.subi %add3A_449, %sub3A_478 : i32
    %dma_wait3A_480 = arith.constant 0 : i32
    %dma_wait3A_481 = arith.constant 0 : i32
    %dma_wait3A_482 = arith.constant 0 : i32
    %dma_wait3A_483 = arith.constant 0 : i32
    %dma_wait3A_484 = tpu.memref_slice %arg9[%dma_wait3A_480, %dma_wait3A_482, %dma_wait3A_483] : memref<5x125x128xbf16, #tpu.memory_space<vmem>> -> memref<1x125x128xbf16, #tpu.memory_space<vmem>>
    %dma_wait3A_485 = tpu.memref_squeeze %dma_wait3A_484 : memref<1x125x128xbf16, #tpu.memory_space<vmem>> -> memref<125x128xbf16, #tpu.memory_space<vmem>>
    %dma_wait3A_486 = arith.constant 0 : i32
    %dma_wait3A_487 = tpu.memref_slice %arg8[%sub3A_479, %dma_wait3A_486] : memref<85x125xi32, #tpu.memory_space<vmem>> -> memref<1x125xi32, #tpu.memory_space<vmem>>
    %dma_wait3A_488 = tpu.memref_squeeze %dma_wait3A_487 : memref<1x125xi32, #tpu.memory_space<vmem>> -> memref<125xi32, #tpu.memory_space<vmem>>
    %dma_wait3A_489 = arith.constant 0 : i32
    %dma_wait3A_490 = arith.constant 0 : i32
    %dma_wait3A_491 = tpu.memref_slice %arg10[%dma_wait3A_489, %dma_wait3A_490] : memref<10000x128xbf16, #tpu.memory_space<vmem_shared>> -> memref<10000x128xbf16, #tpu.memory_space<vmem_shared>>
    %dma_wait3A_492 = tpu.memref_slice %arg12[%dma_wait3A_481] : memref<5x!tpu.dma_semaphore, #tpu.memory_space<semaphore_mem>> -> memref<1x!tpu.dma_semaphore, #tpu.memory_space<semaphore_mem>>
    %dma_wait3A_493 = tpu.memref_squeeze %dma_wait3A_492 : memref<1x!tpu.dma_semaphore, #tpu.memory_space<semaphore_mem>> -> memref<!tpu.dma_semaphore, #tpu.memory_space<semaphore_mem>>
    tpu.wait_indirect_dma semaphore(%dma_wait3A_493 : memref<!tpu.dma_semaphore, #tpu.memory_space<semaphore_mem>>) src(%dma_wait3A_485 : memref<125x128xbf16, #tpu.memory_space<vmem>>) dst(%dma_wait3A_491 : memref<10000x128xbf16, #tpu.memory_space<vmem_shared>>)
    %add3A_494 = arith.constant 2 : i32
    %add3A_495 = arith.addi %sub3A_384, %add3A_494 : i32
    %dma_wait3A_496 = arith.constant 2 : i32
    %dma_wait3A_497 = arith.constant 2 : i32
    %dma_wait3A_498 = arith.constant 0 : i32
    %dma_wait3A_499 = arith.constant 0 : i32
    %dma_wait3A_500 = tpu.memref_slice %arg9[%dma_wait3A_496, %dma_wait3A_498, %dma_wait3A_499] : memref<5x125x128xbf16, #tpu.memory_space<vmem>> -> memref<1x125x128xbf16, #tpu.memory_space<vmem>>
    %dma_wait3A_501 = tpu.memref_squeeze %dma_wait3A_500 : memref<1x125x128xbf16, #tpu.memory_space<vmem>> -> memref<125x128xbf16, #tpu.memory_space<vmem>>
    %dma_wait3A_502 = arith.constant 0 : i32
    %dma_wait3A_503 = tpu.memref_slice %arg7[%add3A_495, %dma_wait3A_502] : memref<85x125xi32, #tpu.memory_space<vmem>> -> memref<1x125xi32, #tpu.memory_space<vmem>>
    %dma_wait3A_504 = tpu.memref_squeeze %dma_wait3A_503 : memref<1x125xi32, #tpu.memory_space<vmem>> -> memref<125xi32, #tpu.memory_space<vmem>>
    %dma_wait3A_505 = arith.constant 0 : i32
    %dma_wait3A_506 = arith.constant 0 : i32
    %dma_wait3A_507 = tpu.memref_slice %arg2[%dma_wait3A_505, %dma_wait3A_506] : memref<10000x128xbf16, #tpu.memory_space<hbm>> -> memref<10000x128xbf16, #tpu.memory_space<hbm>>
    %dma_wait3A_508 = tpu.memref_slice %arg11[%dma_wait3A_497] : memref<5x!tpu.dma_semaphore, #tpu.memory_space<semaphore_mem>> -> memref<1x!tpu.dma_semaphore, #tpu.memory_space<semaphore_mem>>
    %dma_wait3A_509 = tpu.memref_squeeze %dma_wait3A_508 : memref<1x!tpu.dma_semaphore, #tpu.memory_space<semaphore_mem>> -> memref<!tpu.dma_semaphore, #tpu.memory_space<semaphore_mem>>
    tpu.wait_indirect_dma semaphore(%dma_wait3A_509 : memref<!tpu.dma_semaphore, #tpu.memory_space<semaphore_mem>>) src(%dma_wait3A_507 : memref<10000x128xbf16, #tpu.memory_space<hbm>>) dst(%dma_wait3A_501 : memref<125x128xbf16, #tpu.memory_space<vmem>>)
    %dma_start3A_510 = arith.constant 2 : i32
    %dma_start3A_511 = arith.constant 2 : i32
    %dma_start3A_512 = arith.constant 0 : i32
    %dma_start3A_513 = arith.constant 0 : i32
    %dma_start3A_514 = tpu.memref_slice %arg9[%dma_start3A_510, %dma_start3A_512, %dma_start3A_513] : memref<5x125x128xbf16, #tpu.memory_space<vmem>> -> memref<1x125x128xbf16, #tpu.memory_space<vmem>>
    %dma_start3A_515 = tpu.memref_squeeze %dma_start3A_514 : memref<1x125x128xbf16, #tpu.memory_space<vmem>> -> memref<125x128xbf16, #tpu.memory_space<vmem>>
    %dma_start3A_516 = arith.constant 0 : i32
    %dma_start3A_517 = tpu.memref_slice %arg8[%add3A_495, %dma_start3A_516] : memref<85x125xi32, #tpu.memory_space<vmem>> -> memref<1x125xi32, #tpu.memory_space<vmem>>
    %dma_start3A_518 = tpu.memref_squeeze %dma_start3A_517 : memref<1x125xi32, #tpu.memory_space<vmem>> -> memref<125xi32, #tpu.memory_space<vmem>>
    %dma_start3A_519 = arith.constant 0 : i32
    %dma_start3A_520 = arith.constant 0 : i32
    %dma_start3A_521 = tpu.memref_slice %arg10[%dma_start3A_519, %dma_start3A_520] : memref<10000x128xbf16, #tpu.memory_space<vmem_shared>> -> memref<10000x128xbf16, #tpu.memory_space<vmem_shared>>
    %dma_start3A_522 = tpu.memref_slice %arg12[%dma_start3A_511] : memref<5x!tpu.dma_semaphore, #tpu.memory_space<semaphore_mem>> -> memref<1x!tpu.dma_semaphore, #tpu.memory_space<semaphore_mem>>
    %dma_start3A_523 = tpu.memref_squeeze %dma_start3A_522 : memref<1x!tpu.dma_semaphore, #tpu.memory_space<semaphore_mem>> -> memref<!tpu.dma_semaphore, #tpu.memory_space<semaphore_mem>>
    tpu.enqueue_indirect_dma source(%dma_start3A_515 : memref<125x128xbf16, #tpu.memory_space<vmem>>) target(%dma_start3A_521 : memref<10000x128xbf16, #tpu.memory_space<vmem_shared>>) offsets(%dma_start3A_518 : memref<125xi32, #tpu.memory_space<vmem>>) semaphore(%dma_start3A_523 : memref<!tpu.dma_semaphore, #tpu.memory_space<semaphore_mem>>) {add = true}
    %sub3A_524 = arith.constant 1 : i32
    %sub3A_525 = arith.subi %add3A_495, %sub3A_524 : i32
    %dma_wait3A_526 = arith.constant 1 : i32
    %dma_wait3A_527 = arith.constant 1 : i32
    %dma_wait3A_528 = arith.constant 0 : i32
    %dma_wait3A_529 = arith.constant 0 : i32
    %dma_wait3A_530 = tpu.memref_slice %arg9[%dma_wait3A_526, %dma_wait3A_528, %dma_wait3A_529] : memref<5x125x128xbf16, #tpu.memory_space<vmem>> -> memref<1x125x128xbf16, #tpu.memory_space<vmem>>
    %dma_wait3A_531 = tpu.memref_squeeze %dma_wait3A_530 : memref<1x125x128xbf16, #tpu.memory_space<vmem>> -> memref<125x128xbf16, #tpu.memory_space<vmem>>
    %dma_wait3A_532 = arith.constant 0 : i32
    %dma_wait3A_533 = tpu.memref_slice %arg8[%sub3A_525, %dma_wait3A_532] : memref<85x125xi32, #tpu.memory_space<vmem>> -> memref<1x125xi32, #tpu.memory_space<vmem>>
    %dma_wait3A_534 = tpu.memref_squeeze %dma_wait3A_533 : memref<1x125xi32, #tpu.memory_space<vmem>> -> memref<125xi32, #tpu.memory_space<vmem>>
    %dma_wait3A_535 = arith.constant 0 : i32
    %dma_wait3A_536 = arith.constant 0 : i32
    %dma_wait3A_537 = tpu.memref_slice %arg10[%dma_wait3A_535, %dma_wait3A_536] : memref<10000x128xbf16, #tpu.memory_space<vmem_shared>> -> memref<10000x128xbf16, #tpu.memory_space<vmem_shared>>
    %dma_wait3A_538 = tpu.memref_slice %arg12[%dma_wait3A_527] : memref<5x!tpu.dma_semaphore, #tpu.memory_space<semaphore_mem>> -> memref<1x!tpu.dma_semaphore, #tpu.memory_space<semaphore_mem>>
    %dma_wait3A_539 = tpu.memref_squeeze %dma_wait3A_538 : memref<1x!tpu.dma_semaphore, #tpu.memory_space<semaphore_mem>> -> memref<!tpu.dma_semaphore, #tpu.memory_space<semaphore_mem>>
    tpu.wait_indirect_dma semaphore(%dma_wait3A_539 : memref<!tpu.dma_semaphore, #tpu.memory_space<semaphore_mem>>) src(%dma_wait3A_531 : memref<125x128xbf16, #tpu.memory_space<vmem>>) dst(%dma_wait3A_537 : memref<10000x128xbf16, #tpu.memory_space<vmem_shared>>)
    %add3A_540 = arith.constant 3 : i32
    %add3A_541 = arith.addi %sub3A_384, %add3A_540 : i32
    %dma_wait3A_542 = arith.constant 3 : i32
    %dma_wait3A_543 = arith.constant 3 : i32
    %dma_wait3A_544 = arith.constant 0 : i32
    %dma_wait3A_545 = arith.constant 0 : i32
    %dma_wait3A_546 = tpu.memref_slice %arg9[%dma_wait3A_542, %dma_wait3A_544, %dma_wait3A_545] : memref<5x125x128xbf16, #tpu.memory_space<vmem>> -> memref<1x125x128xbf16, #tpu.memory_space<vmem>>
    %dma_wait3A_547 = tpu.memref_squeeze %dma_wait3A_546 : memref<1x125x128xbf16, #tpu.memory_space<vmem>> -> memref<125x128xbf16, #tpu.memory_space<vmem>>
    %dma_wait3A_548 = arith.constant 0 : i32
    %dma_wait3A_549 = tpu.memref_slice %arg7[%add3A_541, %dma_wait3A_548] : memref<85x125xi32, #tpu.memory_space<vmem>> -> memref<1x125xi32, #tpu.memory_space<vmem>>
    %dma_wait3A_550 = tpu.memref_squeeze %dma_wait3A_549 : memref<1x125xi32, #tpu.memory_space<vmem>> -> memref<125xi32, #tpu.memory_space<vmem>>
    %dma_wait3A_551 = arith.constant 0 : i32
    %dma_wait3A_552 = arith.constant 0 : i32
    %dma_wait3A_553 = tpu.memref_slice %arg2[%dma_wait3A_551, %dma_wait3A_552] : memref<10000x128xbf16, #tpu.memory_space<hbm>> -> memref<10000x128xbf16, #tpu.memory_space<hbm>>
    %dma_wait3A_554 = tpu.memref_slice %arg11[%dma_wait3A_543] : memref<5x!tpu.dma_semaphore, #tpu.memory_space<semaphore_mem>> -> memref<1x!tpu.dma_semaphore, #tpu.memory_space<semaphore_mem>>
    %dma_wait3A_555 = tpu.memref_squeeze %dma_wait3A_554 : memref<1x!tpu.dma_semaphore, #tpu.memory_space<semaphore_mem>> -> memref<!tpu.dma_semaphore, #tpu.memory_space<semaphore_mem>>
    tpu.wait_indirect_dma semaphore(%dma_wait3A_555 : memref<!tpu.dma_semaphore, #tpu.memory_space<semaphore_mem>>) src(%dma_wait3A_553 : memref<10000x128xbf16, #tpu.memory_space<hbm>>) dst(%dma_wait3A_547 : memref<125x128xbf16, #tpu.memory_space<vmem>>)
    %dma_start3A_556 = arith.constant 3 : i32
    %dma_start3A_557 = arith.constant 3 : i32
    %dma_start3A_558 = arith.constant 0 : i32
    %dma_start3A_559 = arith.constant 0 : i32
    %dma_start3A_560 = tpu.memref_slice %arg9[%dma_start3A_556, %dma_start3A_558, %dma_start3A_559] : memref<5x125x128xbf16, #tpu.memory_space<vmem>> -> memref<1x125x128xbf16, #tpu.memory_space<vmem>>
    %dma_start3A_561 = tpu.memref_squeeze %dma_start3A_560 : memref<1x125x128xbf16, #tpu.memory_space<vmem>> -> memref<125x128xbf16, #tpu.memory_space<vmem>>
    %dma_start3A_562 = arith.constant 0 : i32
    %dma_start3A_563 = tpu.memref_slice %arg8[%add3A_541, %dma_start3A_562] : memref<85x125xi32, #tpu.memory_space<vmem>> -> memref<1x125xi32, #tpu.memory_space<vmem>>
    %dma_start3A_564 = tpu.memref_squeeze %dma_start3A_563 : memref<1x125xi32, #tpu.memory_space<vmem>> -> memref<125xi32, #tpu.memory_space<vmem>>
    %dma_start3A_565 = arith.constant 0 : i32
    %dma_start3A_566 = arith.constant 0 : i32
    %dma_start3A_567 = tpu.memref_slice %arg10[%dma_start3A_565, %dma_start3A_566] : memref<10000x128xbf16, #tpu.memory_space<vmem_shared>> -> memref<10000x128xbf16, #tpu.memory_space<vmem_shared>>
    %dma_start3A_568 = tpu.memref_slice %arg12[%dma_start3A_557] : memref<5x!tpu.dma_semaphore, #tpu.memory_space<semaphore_mem>> -> memref<1x!tpu.dma_semaphore, #tpu.memory_space<semaphore_mem>>
    %dma_start3A_569 = tpu.memref_squeeze %dma_start3A_568 : memref<1x!tpu.dma_semaphore, #tpu.memory_space<semaphore_mem>> -> memref<!tpu.dma_semaphore, #tpu.memory_space<semaphore_mem>>
    tpu.enqueue_indirect_dma source(%dma_start3A_561 : memref<125x128xbf16, #tpu.memory_space<vmem>>) target(%dma_start3A_567 : memref<10000x128xbf16, #tpu.memory_space<vmem_shared>>) offsets(%dma_start3A_564 : memref<125xi32, #tpu.memory_space<vmem>>) semaphore(%dma_start3A_569 : memref<!tpu.dma_semaphore, #tpu.memory_space<semaphore_mem>>) {add = true}
    %sub3A_570 = arith.constant 1 : i32
    %sub3A_571 = arith.subi %add3A_541, %sub3A_570 : i32
    %dma_wait3A_572 = arith.constant 2 : i32
    %dma_wait3A_573 = arith.constant 2 : i32
    %dma_wait3A_574 = arith.constant 0 : i32
    %dma_wait3A_575 = arith.constant 0 : i32
    %dma_wait3A_576 = tpu.memref_slice %arg9[%dma_wait3A_572, %dma_wait3A_574, %dma_wait3A_575] : memref<5x125x128xbf16, #tpu.memory_space<vmem>> -> memref<1x125x128xbf16, #tpu.memory_space<vmem>>
    %dma_wait3A_577 = tpu.memref_squeeze %dma_wait3A_576 : memref<1x125x128xbf16, #tpu.memory_space<vmem>> -> memref<125x128xbf16, #tpu.memory_space<vmem>>
    %dma_wait3A_578 = arith.constant 0 : i32
    %dma_wait3A_579 = tpu.memref_slice %arg8[%sub3A_571, %dma_wait3A_578] : memref<85x125xi32, #tpu.memory_space<vmem>> -> memref<1x125xi32, #tpu.memory_space<vmem>>
    %dma_wait3A_580 = tpu.memref_squeeze %dma_wait3A_579 : memref<1x125xi32, #tpu.memory_space<vmem>> -> memref<125xi32, #tpu.memory_space<vmem>>
    %dma_wait3A_581 = arith.constant 0 : i32
    %dma_wait3A_582 = arith.constant 0 : i32
    %dma_wait3A_583 = tpu.memref_slice %arg10[%dma_wait3A_581, %dma_wait3A_582] : memref<10000x128xbf16, #tpu.memory_space<vmem_shared>> -> memref<10000x128xbf16, #tpu.memory_space<vmem_shared>>
    %dma_wait3A_584 = tpu.memref_slice %arg12[%dma_wait3A_573] : memref<5x!tpu.dma_semaphore, #tpu.memory_space<semaphore_mem>> -> memref<1x!tpu.dma_semaphore, #tpu.memory_space<semaphore_mem>>
    %dma_wait3A_585 = tpu.memref_squeeze %dma_wait3A_584 : memref<1x!tpu.dma_semaphore, #tpu.memory_space<semaphore_mem>> -> memref<!tpu.dma_semaphore, #tpu.memory_space<semaphore_mem>>
    tpu.wait_indirect_dma semaphore(%dma_wait3A_585 : memref<!tpu.dma_semaphore, #tpu.memory_space<semaphore_mem>>) src(%dma_wait3A_577 : memref<125x128xbf16, #tpu.memory_space<vmem>>) dst(%dma_wait3A_583 : memref<10000x128xbf16, #tpu.memory_space<vmem_shared>>)
    %add3A_586 = arith.constant 4 : i32
    %add3A_587 = arith.addi %sub3A_384, %add3A_586 : i32
    %dma_wait3A_588 = arith.constant 4 : i32
    %dma_wait3A_589 = arith.constant 4 : i32
    %dma_wait3A_590 = arith.constant 0 : i32
    %dma_wait3A_591 = arith.constant 0 : i32
    %dma_wait3A_592 = tpu.memref_slice %arg9[%dma_wait3A_588, %dma_wait3A_590, %dma_wait3A_591] : memref<5x125x128xbf16, #tpu.memory_space<vmem>> -> memref<1x125x128xbf16, #tpu.memory_space<vmem>>
    %dma_wait3A_593 = tpu.memref_squeeze %dma_wait3A_592 : memref<1x125x128xbf16, #tpu.memory_space<vmem>> -> memref<125x128xbf16, #tpu.memory_space<vmem>>
    %dma_wait3A_594 = arith.constant 0 : i32
    %dma_wait3A_595 = tpu.memref_slice %arg7[%add3A_587, %dma_wait3A_594] : memref<85x125xi32, #tpu.memory_space<vmem>> -> memref<1x125xi32, #tpu.memory_space<vmem>>
    %dma_wait3A_596 = tpu.memref_squeeze %dma_wait3A_595 : memref<1x125xi32, #tpu.memory_space<vmem>> -> memref<125xi32, #tpu.memory_space<vmem>>
    %dma_wait3A_597 = arith.constant 0 : i32
    %dma_wait3A_598 = arith.constant 0 : i32
    %dma_wait3A_599 = tpu.memref_slice %arg2[%dma_wait3A_597, %dma_wait3A_598] : memref<10000x128xbf16, #tpu.memory_space<hbm>> -> memref<10000x128xbf16, #tpu.memory_space<hbm>>
    %dma_wait3A_600 = tpu.memref_slice %arg11[%dma_wait3A_589] : memref<5x!tpu.dma_semaphore, #tpu.memory_space<semaphore_mem>> -> memref<1x!tpu.dma_semaphore, #tpu.memory_space<semaphore_mem>>
    %dma_wait3A_601 = tpu.memref_squeeze %dma_wait3A_600 : memref<1x!tpu.dma_semaphore, #tpu.memory_space<semaphore_mem>> -> memref<!tpu.dma_semaphore, #tpu.memory_space<semaphore_mem>>
    tpu.wait_indirect_dma semaphore(%dma_wait3A_601 : memref<!tpu.dma_semaphore, #tpu.memory_space<semaphore_mem>>) src(%dma_wait3A_599 : memref<10000x128xbf16, #tpu.memory_space<hbm>>) dst(%dma_wait3A_593 : memref<125x128xbf16, #tpu.memory_space<vmem>>)
    %dma_start3A_602 = arith.constant 4 : i32
    %dma_start3A_603 = arith.constant 4 : i32
    %dma_start3A_604 = arith.constant 0 : i32
    %dma_start3A_605 = arith.constant 0 : i32
    %dma_start3A_606 = tpu.memref_slice %arg9[%dma_start3A_602, %dma_start3A_604, %dma_start3A_605] : memref<5x125x128xbf16, #tpu.memory_space<vmem>> -> memref<1x125x128xbf16, #tpu.memory_space<vmem>>
    %dma_start3A_607 = tpu.memref_squeeze %dma_start3A_606 : memref<1x125x128xbf16, #tpu.memory_space<vmem>> -> memref<125x128xbf16, #tpu.memory_space<vmem>>
    %dma_start3A_608 = arith.constant 0 : i32
    %dma_start3A_609 = tpu.memref_slice %arg8[%add3A_587, %dma_start3A_608] : memref<85x125xi32, #tpu.memory_space<vmem>> -> memref<1x125xi32, #tpu.memory_space<vmem>>
    %dma_start3A_610 = tpu.memref_squeeze %dma_start3A_609 : memref<1x125xi32, #tpu.memory_space<vmem>> -> memref<125xi32, #tpu.memory_space<vmem>>
    %dma_start3A_611 = arith.constant 0 : i32
    %dma_start3A_612 = arith.constant 0 : i32
    %dma_start3A_613 = tpu.memref_slice %arg10[%dma_start3A_611, %dma_start3A_612] : memref<10000x128xbf16, #tpu.memory_space<vmem_shared>> -> memref<10000x128xbf16, #tpu.memory_space<vmem_shared>>
    %dma_start3A_614 = tpu.memref_slice %arg12[%dma_start3A_603] : memref<5x!tpu.dma_semaphore, #tpu.memory_space<semaphore_mem>> -> memref<1x!tpu.dma_semaphore, #tpu.memory_space<semaphore_mem>>
    %dma_start3A_615 = tpu.memref_squeeze %dma_start3A_614 : memref<1x!tpu.dma_semaphore, #tpu.memory_space<semaphore_mem>> -> memref<!tpu.dma_semaphore, #tpu.memory_space<semaphore_mem>>
    tpu.enqueue_indirect_dma source(%dma_start3A_607 : memref<125x128xbf16, #tpu.memory_space<vmem>>) target(%dma_start3A_613 : memref<10000x128xbf16, #tpu.memory_space<vmem_shared>>) offsets(%dma_start3A_610 : memref<125xi32, #tpu.memory_space<vmem>>) semaphore(%dma_start3A_615 : memref<!tpu.dma_semaphore, #tpu.memory_space<semaphore_mem>>) {add = true}
    %sub3A_616 = arith.constant 1 : i32
    %sub3A_617 = arith.subi %add3A_587, %sub3A_616 : i32
    %dma_wait3A_618 = arith.constant 3 : i32
    %dma_wait3A_619 = arith.constant 3 : i32
    %dma_wait3A_620 = arith.constant 0 : i32
    %dma_wait3A_621 = arith.constant 0 : i32
    %dma_wait3A_622 = tpu.memref_slice %arg9[%dma_wait3A_618, %dma_wait3A_620, %dma_wait3A_621] : memref<5x125x128xbf16, #tpu.memory_space<vmem>> -> memref<1x125x128xbf16, #tpu.memory_space<vmem>>
    %dma_wait3A_623 = tpu.memref_squeeze %dma_wait3A_622 : memref<1x125x128xbf16, #tpu.memory_space<vmem>> -> memref<125x128xbf16, #tpu.memory_space<vmem>>
    %dma_wait3A_624 = arith.constant 0 : i32
    %dma_wait3A_625 = tpu.memref_slice %arg8[%sub3A_617, %dma_wait3A_624] : memref<85x125xi32, #tpu.memory_space<vmem>> -> memref<1x125xi32, #tpu.memory_space<vmem>>
    %dma_wait3A_626 = tpu.memref_squeeze %dma_wait3A_625 : memref<1x125xi32, #tpu.memory_space<vmem>> -> memref<125xi32, #tpu.memory_space<vmem>>
    %dma_wait3A_627 = arith.constant 0 : i32
    %dma_wait3A_628 = arith.constant 0 : i32
    %dma_wait3A_629 = tpu.memref_slice %arg10[%dma_wait3A_627, %dma_wait3A_628] : memref<10000x128xbf16, #tpu.memory_space<vmem_shared>> -> memref<10000x128xbf16, #tpu.memory_space<vmem_shared>>
    %dma_wait3A_630 = tpu.memref_slice %arg12[%dma_wait3A_619] : memref<5x!tpu.dma_semaphore, #tpu.memory_space<semaphore_mem>> -> memref<1x!tpu.dma_semaphore, #tpu.memory_space<semaphore_mem>>
    %dma_wait3A_631 = tpu.memref_squeeze %dma_wait3A_630 : memref<1x!tpu.dma_semaphore, #tpu.memory_space<semaphore_mem>> -> memref<!tpu.dma_semaphore, #tpu.memory_space<semaphore_mem>>
    tpu.wait_indirect_dma semaphore(%dma_wait3A_631 : memref<!tpu.dma_semaphore, #tpu.memory_space<semaphore_mem>>) src(%dma_wait3A_623 : memref<125x128xbf16, #tpu.memory_space<vmem>>) dst(%dma_wait3A_629 : memref<10000x128xbf16, #tpu.memory_space<vmem_shared>>)
    %sub3A_632 = arith.constant 1 : i32
    %sub3A_633 = arith.subi %select_n3A, %sub3A_632 : i32
    %dma_wait3A_634 = arith.constant 4 : i32
    %dma_wait3A_635 = arith.constant 4 : i32
    %dma_wait3A_636 = arith.constant 0 : i32
    %dma_wait3A_637 = arith.constant 0 : i32
    %dma_wait3A_638 = tpu.memref_slice %arg9[%dma_wait3A_634, %dma_wait3A_636, %dma_wait3A_637] : memref<5x125x128xbf16, #tpu.memory_space<vmem>> -> memref<1x125x128xbf16, #tpu.memory_space<vmem>>
    %dma_wait3A_639 = tpu.memref_squeeze %dma_wait3A_638 : memref<1x125x128xbf16, #tpu.memory_space<vmem>> -> memref<125x128xbf16, #tpu.memory_space<vmem>>
    %dma_wait3A_640 = arith.constant 0 : i32
    %dma_wait3A_641 = tpu.memref_slice %arg8[%sub3A_633, %dma_wait3A_640] : memref<85x125xi32, #tpu.memory_space<vmem>> -> memref<1x125xi32, #tpu.memory_space<vmem>>
    %dma_wait3A_642 = tpu.memref_squeeze %dma_wait3A_641 : memref<1x125xi32, #tpu.memory_space<vmem>> -> memref<125xi32, #tpu.memory_space<vmem>>
    %dma_wait3A_643 = arith.constant 0 : i32
    %dma_wait3A_644 = arith.constant 0 : i32
    %dma_wait3A_645 = tpu.memref_slice %arg10[%dma_wait3A_643, %dma_wait3A_644] : memref<10000x128xbf16, #tpu.memory_space<vmem_shared>> -> memref<10000x128xbf16, #tpu.memory_space<vmem_shared>>
    %dma_wait3A_646 = tpu.memref_slice %arg12[%dma_wait3A_635] : memref<5x!tpu.dma_semaphore, #tpu.memory_space<semaphore_mem>> -> memref<1x!tpu.dma_semaphore, #tpu.memory_space<semaphore_mem>>
    %dma_wait3A_647 = tpu.memref_squeeze %dma_wait3A_646 : memref<1x!tpu.dma_semaphore, #tpu.memory_space<semaphore_mem>> -> memref<!tpu.dma_semaphore, #tpu.memory_space<semaphore_mem>>
    tpu.wait_indirect_dma semaphore(%dma_wait3A_647 : memref<!tpu.dma_semaphore, #tpu.memory_space<semaphore_mem>>) src(%dma_wait3A_639 : memref<125x128xbf16, #tpu.memory_space<vmem>>) dst(%dma_wait3A_645 : memref<10000x128xbf16, #tpu.memory_space<vmem_shared>>)
    %barrier3A_648 = arith.constant 0 : index
    tpu.barrier barrier_id(%barrier3A_648)
    %mul3A_649 = arith.constant 625 : i32
    %mul3A_650 = arith.muli %arg1, %mul3A_649 : i32
    %mul3A_651 = arith.constant 625 : i32
    %mul3A_652 = arith.muli %arg1, %mul3A_651 : i32
    "tpu.region"() ({
      %run_scoped3A = tpu.sem_alloc : memref<!tpu.dma_semaphore, #tpu.memory_space<semaphore_mem>>
      %dma_start3A_653 = arith.constant 0 : i32
      %dma_start3A_654 = tpu.memref_slice %arg6[%arg0, %mul3A_652, %dma_start3A_653] : memref<2x10000x128xbf16, #tpu.memory_space<hbm>> -> memref<1x625x128xbf16, #tpu.memory_space<hbm>>
      %dma_start3A_655 = tpu.memref_squeeze %dma_start3A_654 : memref<1x625x128xbf16, #tpu.memory_space<hbm>> -> memref<625x128xbf16, #tpu.memory_space<hbm>>
      %dma_start3A_656 = arith.constant 0 : i32
      %dma_start3A_657 = tpu.memref_slice %arg10[%mul3A_650, %dma_start3A_656] : memref<10000x128xbf16, #tpu.memory_space<vmem_shared>> -> memref<625x128xbf16, #tpu.memory_space<vmem_shared>>
      tpu.enqueue_dma source(%dma_start3A_657 : memref<625x128xbf16, #tpu.memory_space<vmem_shared>>) target(%dma_start3A_655 : memref<625x128xbf16, #tpu.memory_space<hbm>>) target_semaphore(%run_scoped3A : memref<!tpu.dma_semaphore, #tpu.memory_space<semaphore_mem>>)
      %dma_wait3A_658 = arith.constant 0 : i32
      %dma_wait3A_659 = tpu.memref_slice %arg6[%arg0, %mul3A_652, %dma_wait3A_658] : memref<2x10000x128xbf16, #tpu.memory_space<hbm>> -> memref<1x625x128xbf16, #tpu.memory_space<hbm>>
      %dma_wait3A_660 = tpu.memref_squeeze %dma_wait3A_659 : memref<1x625x128xbf16, #tpu.memory_space<hbm>> -> memref<625x128xbf16, #tpu.memory_space<hbm>>
      %dma_wait3A_661 = arith.constant 0 : i32
      %dma_wait3A_662 = tpu.memref_slice %arg10[%mul3A_650, %dma_wait3A_661] : memref<10000x128xbf16, #tpu.memory_space<vmem_shared>> -> memref<625x128xbf16, #tpu.memory_space<vmem_shared>>
      tpu.wait_dma2 semaphore(%run_scoped3A : memref<!tpu.dma_semaphore, #tpu.memory_space<semaphore_mem>>) src(%dma_wait3A_662 : memref<625x128xbf16, #tpu.memory_space<vmem_shared>>) dst(%dma_wait3A_660 : memref<625x128xbf16, #tpu.memory_space<hbm>>)
      tpu.yield
    }) : () -> ()
    return
  }
}

#map = affine_map<(d0, d1) -> (0, 0)>
#map1 = affine_map<(d0, d1) -> (0, 0, 0)>
module attributes {stable_mosaic.version = 14 : i64} {
  func.func @body(%arg0: i32, %arg1: i32, %arg2: memref<10000x64xbf16, #tpu.memory_space<hbm>>, %arg3: memref<2560x125xi32, #tpu.memory_space<hbm>>, %arg4: memref<2560x125xi32, #tpu.memory_space<hbm>>, %arg5: memref<625x64xbf16, #tpu.memory_space<hbm>>, %arg6: memref<2x10000x64xbf16, #tpu.memory_space<hbm>>, %arg7: memref<85x125xi32, #tpu.memory_space<vmem>>, %arg8: memref<85x125xi32, #tpu.memory_space<vmem>>, %arg9: memref<5x125x64xbf16, #tpu.memory_space<vmem>>, %arg10: memref<10000x64xbf16, #tpu.memory_space<vmem_shared>>, %arg11: memref<5x!tpu.dma_semaphore, #tpu.memory_space<semaphore_mem>>, %arg12: memref<5x!tpu.dma_semaphore, #tpu.memory_space<semaphore_mem>>) attributes {dimension_semantics = [#tpu.dimension_semantics<core_parallel>, #tpu.dimension_semantics<subcore_parallel>], iteration_bounds = array<i64: 2, 16>, scalar_prefetch = 0 : i64, scratch_operands = 6 : i64, tpu.core_type = #tpu.core_type<sc_vector_subcore>, window_params = [{transform_indices = #map}, {transform_indices = #map}, {transform_indices = #map}, {transform_indices = #map}, {transform_indices = #map1}]} {
    %eq3A = arith.constant 0 : i32
    %eq3A_0 = arith.cmpi eq, %arg0, %eq3A : i32
    %jit3A = arith.constant 85 : i32
    %jit3A_1 = arith.constant 75 : i32
    %select_n3A = arith.select %eq3A_0, %jit3A, %jit3A_1 : i32
    %eq3A_2 = arith.constant 0 : i32
    %eq3A_3 = arith.cmpi eq, %arg0, %eq3A_2 : i32
    %convert_element_type3A = arith.extui %eq3A_3 : i1 to i32
    %cond3A = arith.constant 0 : i32
    %cond3A_4 = arith.cmpi ne, %convert_element_type3A, %cond3A : i32
    scf.if %cond3A_4 {
      %mul3A_653 = arith.constant 85 : i32
      %mul3A_654 = arith.muli %arg1, %mul3A_653 : i32
      "tpu.region"() ({
        %run_scoped3A = tpu.sem_alloc : memref<!tpu.dma_semaphore, #tpu.memory_space<semaphore_mem>>
        %dma_start3A_655 = arith.constant 0 : i32
        %dma_start3A_656 = tpu.memref_slice %arg3[%mul3A_654, %dma_start3A_655] : memref<2560x125xi32, #tpu.memory_space<hbm>> -> memref<85x125xi32, #tpu.memory_space<hbm>>
        %dma_start3A_657 = arith.constant 0 : i32
        %dma_start3A_658 = tpu.memref_slice %arg3[%mul3A_654, %dma_start3A_657] : memref<2560x125xi32, #tpu.memory_space<hbm>> -> memref<85x125xi32, #tpu.memory_space<hbm>>
        tpu.enqueue_dma source(%dma_start3A_658 : memref<85x125xi32, #tpu.memory_space<hbm>>) target(%arg7 : memref<85x125xi32, #tpu.memory_space<vmem>>) target_semaphore(%run_scoped3A : memref<!tpu.dma_semaphore, #tpu.memory_space<semaphore_mem>>)
        %dma_wait3A_659 = arith.constant 0 : i32
        %dma_wait3A_660 = tpu.memref_slice %arg3[%mul3A_654, %dma_wait3A_659] : memref<2560x125xi32, #tpu.memory_space<hbm>> -> memref<85x125xi32, #tpu.memory_space<hbm>>
        %dma_wait3A_661 = arith.constant 0 : i32
        %dma_wait3A_662 = tpu.memref_slice %arg3[%mul3A_654, %dma_wait3A_661] : memref<2560x125xi32, #tpu.memory_space<hbm>> -> memref<85x125xi32, #tpu.memory_space<hbm>>
        tpu.wait_dma2 semaphore(%run_scoped3A : memref<!tpu.dma_semaphore, #tpu.memory_space<semaphore_mem>>) src(%dma_wait3A_662 : memref<85x125xi32, #tpu.memory_space<hbm>>) dst(%arg7 : memref<85x125xi32, #tpu.memory_space<vmem>>)
        tpu.yield
      }) : () -> ()
      "tpu.region"() ({
        %run_scoped3A = tpu.sem_alloc : memref<!tpu.dma_semaphore, #tpu.memory_space<semaphore_mem>>
        %dma_start3A_655 = arith.constant 0 : i32
        %dma_start3A_656 = tpu.memref_slice %arg4[%mul3A_654, %dma_start3A_655] : memref<2560x125xi32, #tpu.memory_space<hbm>> -> memref<85x125xi32, #tpu.memory_space<hbm>>
        %dma_start3A_657 = arith.constant 0 : i32
        %dma_start3A_658 = tpu.memref_slice %arg4[%mul3A_654, %dma_start3A_657] : memref<2560x125xi32, #tpu.memory_space<hbm>> -> memref<85x125xi32, #tpu.memory_space<hbm>>
        tpu.enqueue_dma source(%dma_start3A_658 : memref<85x125xi32, #tpu.memory_space<hbm>>) target(%arg8 : memref<85x125xi32, #tpu.memory_space<vmem>>) target_semaphore(%run_scoped3A : memref<!tpu.dma_semaphore, #tpu.memory_space<semaphore_mem>>)
        %dma_wait3A_659 = arith.constant 0 : i32
        %dma_wait3A_660 = tpu.memref_slice %arg4[%mul3A_654, %dma_wait3A_659] : memref<2560x125xi32, #tpu.memory_space<hbm>> -> memref<85x125xi32, #tpu.memory_space<hbm>>
        %dma_wait3A_661 = arith.constant 0 : i32
        %dma_wait3A_662 = tpu.memref_slice %arg4[%mul3A_654, %dma_wait3A_661] : memref<2560x125xi32, #tpu.memory_space<hbm>> -> memref<85x125xi32, #tpu.memory_space<hbm>>
        tpu.wait_dma2 semaphore(%run_scoped3A : memref<!tpu.dma_semaphore, #tpu.memory_space<semaphore_mem>>) src(%dma_wait3A_662 : memref<85x125xi32, #tpu.memory_space<hbm>>) dst(%arg8 : memref<85x125xi32, #tpu.memory_space<vmem>>)
        tpu.yield
      }) : () -> ()
    } else {
    }
    %eq3A_5 = arith.constant 1 : i32
    %eq3A_6 = arith.cmpi eq, %arg0, %eq3A_5 : i32
    %convert_element_type3A_7 = arith.extui %eq3A_6 : i1 to i32
    %cond3A_8 = arith.constant 0 : i32
    %cond3A_9 = arith.cmpi ne, %convert_element_type3A_7, %cond3A_8 : i32
    scf.if %cond3A_9 {
      %mul3A_653 = arith.constant 75 : i32
      %mul3A_654 = arith.muli %arg1, %mul3A_653 : i32
      %add3A_655 = arith.constant 1360 : i32
      %add3A_656 = arith.addi %add3A_655, %mul3A_654 : i32
      "tpu.region"() ({
        %run_scoped3A = tpu.sem_alloc : memref<!tpu.dma_semaphore, #tpu.memory_space<semaphore_mem>>
        %dma_start3A_657 = arith.constant 0 : i32
        %dma_start3A_658 = arith.constant 0 : i32
        %dma_start3A_659 = tpu.memref_slice %arg7[%dma_start3A_657, %dma_start3A_658] : memref<85x125xi32, #tpu.memory_space<vmem>> -> memref<75x125xi32, #tpu.memory_space<vmem>>
        %dma_start3A_660 = arith.constant 0 : i32
        %dma_start3A_661 = tpu.memref_slice %arg3[%add3A_656, %dma_start3A_660] : memref<2560x125xi32, #tpu.memory_space<hbm>> -> memref<75x125xi32, #tpu.memory_space<hbm>>
        %dma_start3A_662 = arith.constant 0 : i32
        %dma_start3A_663 = arith.constant 0 : i32
        %dma_start3A_664 = tpu.memref_slice %arg7[%dma_start3A_662, %dma_start3A_663] : memref<85x125xi32, #tpu.memory_space<vmem>> -> memref<75x125xi32, #tpu.memory_space<vmem>>
        %dma_start3A_665 = arith.constant 0 : i32
        %dma_start3A_666 = tpu.memref_slice %arg3[%add3A_656, %dma_start3A_665] : memref<2560x125xi32, #tpu.memory_space<hbm>> -> memref<75x125xi32, #tpu.memory_space<hbm>>
        tpu.enqueue_dma source(%dma_start3A_666 : memref<75x125xi32, #tpu.memory_space<hbm>>) target(%dma_start3A_664 : memref<75x125xi32, #tpu.memory_space<vmem>>) target_semaphore(%run_scoped3A : memref<!tpu.dma_semaphore, #tpu.memory_space<semaphore_mem>>)
        %dma_wait3A_667 = arith.constant 0 : i32
        %dma_wait3A_668 = arith.constant 0 : i32
        %dma_wait3A_669 = tpu.memref_slice %arg7[%dma_wait3A_667, %dma_wait3A_668] : memref<85x125xi32, #tpu.memory_space<vmem>> -> memref<75x125xi32, #tpu.memory_space<vmem>>
        %dma_wait3A_670 = arith.constant 0 : i32
        %dma_wait3A_671 = tpu.memref_slice %arg3[%add3A_656, %dma_wait3A_670] : memref<2560x125xi32, #tpu.memory_space<hbm>> -> memref<75x125xi32, #tpu.memory_space<hbm>>
        %dma_wait3A_672 = arith.constant 0 : i32
        %dma_wait3A_673 = arith.constant 0 : i32
        %dma_wait3A_674 = tpu.memref_slice %arg7[%dma_wait3A_672, %dma_wait3A_673] : memref<85x125xi32, #tpu.memory_space<vmem>> -> memref<75x125xi32, #tpu.memory_space<vmem>>
        %dma_wait3A_675 = arith.constant 0 : i32
        %dma_wait3A_676 = tpu.memref_slice %arg3[%add3A_656, %dma_wait3A_675] : memref<2560x125xi32, #tpu.memory_space<hbm>> -> memref<75x125xi32, #tpu.memory_space<hbm>>
        tpu.wait_dma2 semaphore(%run_scoped3A : memref<!tpu.dma_semaphore, #tpu.memory_space<semaphore_mem>>) src(%dma_wait3A_676 : memref<75x125xi32, #tpu.memory_space<hbm>>) dst(%dma_wait3A_674 : memref<75x125xi32, #tpu.memory_space<vmem>>)
        tpu.yield
      }) : () -> ()
      "tpu.region"() ({
        %run_scoped3A = tpu.sem_alloc : memref<!tpu.dma_semaphore, #tpu.memory_space<semaphore_mem>>
        %dma_start3A_657 = arith.constant 0 : i32
        %dma_start3A_658 = arith.constant 0 : i32
        %dma_start3A_659 = tpu.memref_slice %arg8[%dma_start3A_657, %dma_start3A_658] : memref<85x125xi32, #tpu.memory_space<vmem>> -> memref<75x125xi32, #tpu.memory_space<vmem>>
        %dma_start3A_660 = arith.constant 0 : i32
        %dma_start3A_661 = tpu.memref_slice %arg4[%add3A_656, %dma_start3A_660] : memref<2560x125xi32, #tpu.memory_space<hbm>> -> memref<75x125xi32, #tpu.memory_space<hbm>>
        %dma_start3A_662 = arith.constant 0 : i32
        %dma_start3A_663 = arith.constant 0 : i32
        %dma_start3A_664 = tpu.memref_slice %arg8[%dma_start3A_662, %dma_start3A_663] : memref<85x125xi32, #tpu.memory_space<vmem>> -> memref<75x125xi32, #tpu.memory_space<vmem>>
        %dma_start3A_665 = arith.constant 0 : i32
        %dma_start3A_666 = tpu.memref_slice %arg4[%add3A_656, %dma_start3A_665] : memref<2560x125xi32, #tpu.memory_space<hbm>> -> memref<75x125xi32, #tpu.memory_space<hbm>>
        tpu.enqueue_dma source(%dma_start3A_666 : memref<75x125xi32, #tpu.memory_space<hbm>>) target(%dma_start3A_664 : memref<75x125xi32, #tpu.memory_space<vmem>>) target_semaphore(%run_scoped3A : memref<!tpu.dma_semaphore, #tpu.memory_space<semaphore_mem>>)
        %dma_wait3A_667 = arith.constant 0 : i32
        %dma_wait3A_668 = arith.constant 0 : i32
        %dma_wait3A_669 = tpu.memref_slice %arg8[%dma_wait3A_667, %dma_wait3A_668] : memref<85x125xi32, #tpu.memory_space<vmem>> -> memref<75x125xi32, #tpu.memory_space<vmem>>
        %dma_wait3A_670 = arith.constant 0 : i32
        %dma_wait3A_671 = tpu.memref_slice %arg4[%add3A_656, %dma_wait3A_670] : memref<2560x125xi32, #tpu.memory_space<hbm>> -> memref<75x125xi32, #tpu.memory_space<hbm>>
        %dma_wait3A_672 = arith.constant 0 : i32
        %dma_wait3A_673 = arith.constant 0 : i32
        %dma_wait3A_674 = tpu.memref_slice %arg8[%dma_wait3A_672, %dma_wait3A_673] : memref<85x125xi32, #tpu.memory_space<vmem>> -> memref<75x125xi32, #tpu.memory_space<vmem>>
        %dma_wait3A_675 = arith.constant 0 : i32
        %dma_wait3A_676 = tpu.memref_slice %arg4[%add3A_656, %dma_wait3A_675] : memref<2560x125xi32, #tpu.memory_space<hbm>> -> memref<75x125xi32, #tpu.memory_space<hbm>>
        tpu.wait_dma2 semaphore(%run_scoped3A : memref<!tpu.dma_semaphore, #tpu.memory_space<semaphore_mem>>) src(%dma_wait3A_676 : memref<75x125xi32, #tpu.memory_space<hbm>>) dst(%dma_wait3A_674 : memref<75x125xi32, #tpu.memory_space<vmem>>)
        tpu.yield
      }) : () -> ()
    } else {
    }
    %mul3A = arith.constant 625 : i32
    %mul3A_10 = arith.muli %arg1, %mul3A : i32
    "tpu.region"() ({
      %run_scoped3A = tpu.sem_alloc : memref<!tpu.dma_semaphore, #tpu.memory_space<semaphore_mem>>
      %dma_start3A_653 = arith.constant 0 : i32
      %dma_start3A_654 = tpu.memref_slice %arg10[%mul3A_10, %dma_start3A_653] : memref<10000x64xbf16, #tpu.memory_space<vmem_shared>> -> memref<625x64xbf16, #tpu.memory_space<vmem_shared>>
      tpu.enqueue_dma source(%arg5 : memref<625x64xbf16, #tpu.memory_space<hbm>>) target(%dma_start3A_654 : memref<625x64xbf16, #tpu.memory_space<vmem_shared>>) target_semaphore(%run_scoped3A : memref<!tpu.dma_semaphore, #tpu.memory_space<semaphore_mem>>)
      %dma_wait3A_655 = arith.constant 0 : i32
      %dma_wait3A_656 = tpu.memref_slice %arg10[%mul3A_10, %dma_wait3A_655] : memref<10000x64xbf16, #tpu.memory_space<vmem_shared>> -> memref<625x64xbf16, #tpu.memory_space<vmem_shared>>
      tpu.wait_dma2 semaphore(%run_scoped3A : memref<!tpu.dma_semaphore, #tpu.memory_space<semaphore_mem>>) src(%arg5 : memref<625x64xbf16, #tpu.memory_space<hbm>>) dst(%dma_wait3A_656 : memref<625x64xbf16, #tpu.memory_space<vmem_shared>>)
      tpu.yield
    }) : () -> ()
    %barrier3A = arith.constant 0 : index
    tpu.barrier barrier_id(%barrier3A)
    %dma_start3A = arith.constant 0 : i32
    %dma_start3A_11 = arith.constant 0 : i32
    %dma_start3A_12 = arith.constant 0 : i32
    %dma_start3A_13 = arith.constant 0 : i32
    %dma_start3A_14 = arith.constant 0 : i32
    %dma_start3A_15 = tpu.memref_slice %arg9[%dma_start3A_11, %dma_start3A_13, %dma_start3A_14] : memref<5x125x64xbf16, #tpu.memory_space<vmem>> -> memref<1x125x64xbf16, #tpu.memory_space<vmem>>
    %dma_start3A_16 = tpu.memref_squeeze %dma_start3A_15 : memref<1x125x64xbf16, #tpu.memory_space<vmem>> -> memref<125x64xbf16, #tpu.memory_space<vmem>>
    %dma_start3A_17 = arith.constant 0 : i32
    %dma_start3A_18 = tpu.memref_slice %arg7[%dma_start3A, %dma_start3A_17] : memref<85x125xi32, #tpu.memory_space<vmem>> -> memref<1x125xi32, #tpu.memory_space<vmem>>
    %dma_start3A_19 = tpu.memref_squeeze %dma_start3A_18 : memref<1x125xi32, #tpu.memory_space<vmem>> -> memref<125xi32, #tpu.memory_space<vmem>>
    %dma_start3A_20 = arith.constant 0 : i32
    %dma_start3A_21 = arith.constant 0 : i32
    %dma_start3A_22 = tpu.memref_slice %arg2[%dma_start3A_20, %dma_start3A_21] : memref<10000x64xbf16, #tpu.memory_space<hbm>> -> memref<10000x64xbf16, #tpu.memory_space<hbm>>
    %dma_start3A_23 = tpu.memref_slice %arg11[%dma_start3A_12] : memref<5x!tpu.dma_semaphore, #tpu.memory_space<semaphore_mem>> -> memref<1x!tpu.dma_semaphore, #tpu.memory_space<semaphore_mem>>
    %dma_start3A_24 = tpu.memref_squeeze %dma_start3A_23 : memref<1x!tpu.dma_semaphore, #tpu.memory_space<semaphore_mem>> -> memref<!tpu.dma_semaphore, #tpu.memory_space<semaphore_mem>>
    tpu.enqueue_indirect_dma source(%dma_start3A_22 : memref<10000x64xbf16, #tpu.memory_space<hbm>>) target(%dma_start3A_16 : memref<125x64xbf16, #tpu.memory_space<vmem>>) offsets(%dma_start3A_19 : memref<125xi32, #tpu.memory_space<vmem>>) semaphore(%dma_start3A_24 : memref<!tpu.dma_semaphore, #tpu.memory_space<semaphore_mem>>)
    %dma_start3A_25 = arith.constant 1 : i32
    %dma_start3A_26 = arith.constant 1 : i32
    %dma_start3A_27 = arith.constant 1 : i32
    %dma_start3A_28 = arith.constant 0 : i32
    %dma_start3A_29 = arith.constant 0 : i32
    %dma_start3A_30 = tpu.memref_slice %arg9[%dma_start3A_26, %dma_start3A_28, %dma_start3A_29] : memref<5x125x64xbf16, #tpu.memory_space<vmem>> -> memref<1x125x64xbf16, #tpu.memory_space<vmem>>
    %dma_start3A_31 = tpu.memref_squeeze %dma_start3A_30 : memref<1x125x64xbf16, #tpu.memory_space<vmem>> -> memref<125x64xbf16, #tpu.memory_space<vmem>>
    %dma_start3A_32 = arith.constant 0 : i32
    %dma_start3A_33 = tpu.memref_slice %arg7[%dma_start3A_25, %dma_start3A_32] : memref<85x125xi32, #tpu.memory_space<vmem>> -> memref<1x125xi32, #tpu.memory_space<vmem>>
    %dma_start3A_34 = tpu.memref_squeeze %dma_start3A_33 : memref<1x125xi32, #tpu.memory_space<vmem>> -> memref<125xi32, #tpu.memory_space<vmem>>
    %dma_start3A_35 = arith.constant 0 : i32
    %dma_start3A_36 = arith.constant 0 : i32
    %dma_start3A_37 = tpu.memref_slice %arg2[%dma_start3A_35, %dma_start3A_36] : memref<10000x64xbf16, #tpu.memory_space<hbm>> -> memref<10000x64xbf16, #tpu.memory_space<hbm>>
    %dma_start3A_38 = tpu.memref_slice %arg11[%dma_start3A_27] : memref<5x!tpu.dma_semaphore, #tpu.memory_space<semaphore_mem>> -> memref<1x!tpu.dma_semaphore, #tpu.memory_space<semaphore_mem>>
    %dma_start3A_39 = tpu.memref_squeeze %dma_start3A_38 : memref<1x!tpu.dma_semaphore, #tpu.memory_space<semaphore_mem>> -> memref<!tpu.dma_semaphore, #tpu.memory_space<semaphore_mem>>
    tpu.enqueue_indirect_dma source(%dma_start3A_37 : memref<10000x64xbf16, #tpu.memory_space<hbm>>) target(%dma_start3A_31 : memref<125x64xbf16, #tpu.memory_space<vmem>>) offsets(%dma_start3A_34 : memref<125xi32, #tpu.memory_space<vmem>>) semaphore(%dma_start3A_39 : memref<!tpu.dma_semaphore, #tpu.memory_space<semaphore_mem>>)
    %dma_start3A_40 = arith.constant 2 : i32
    %dma_start3A_41 = arith.constant 2 : i32
    %dma_start3A_42 = arith.constant 2 : i32
    %dma_start3A_43 = arith.constant 0 : i32
    %dma_start3A_44 = arith.constant 0 : i32
    %dma_start3A_45 = tpu.memref_slice %arg9[%dma_start3A_41, %dma_start3A_43, %dma_start3A_44] : memref<5x125x64xbf16, #tpu.memory_space<vmem>> -> memref<1x125x64xbf16, #tpu.memory_space<vmem>>
    %dma_start3A_46 = tpu.memref_squeeze %dma_start3A_45 : memref<1x125x64xbf16, #tpu.memory_space<vmem>> -> memref<125x64xbf16, #tpu.memory_space<vmem>>
    %dma_start3A_47 = arith.constant 0 : i32
    %dma_start3A_48 = tpu.memref_slice %arg7[%dma_start3A_40, %dma_start3A_47] : memref<85x125xi32, #tpu.memory_space<vmem>> -> memref<1x125xi32, #tpu.memory_space<vmem>>
    %dma_start3A_49 = tpu.memref_squeeze %dma_start3A_48 : memref<1x125xi32, #tpu.memory_space<vmem>> -> memref<125xi32, #tpu.memory_space<vmem>>
    %dma_start3A_50 = arith.constant 0 : i32
    %dma_start3A_51 = arith.constant 0 : i32
    %dma_start3A_52 = tpu.memref_slice %arg2[%dma_start3A_50, %dma_start3A_51] : memref<10000x64xbf16, #tpu.memory_space<hbm>> -> memref<10000x64xbf16, #tpu.memory_space<hbm>>
    %dma_start3A_53 = tpu.memref_slice %arg11[%dma_start3A_42] : memref<5x!tpu.dma_semaphore, #tpu.memory_space<semaphore_mem>> -> memref<1x!tpu.dma_semaphore, #tpu.memory_space<semaphore_mem>>
    %dma_start3A_54 = tpu.memref_squeeze %dma_start3A_53 : memref<1x!tpu.dma_semaphore, #tpu.memory_space<semaphore_mem>> -> memref<!tpu.dma_semaphore, #tpu.memory_space<semaphore_mem>>
    tpu.enqueue_indirect_dma source(%dma_start3A_52 : memref<10000x64xbf16, #tpu.memory_space<hbm>>) target(%dma_start3A_46 : memref<125x64xbf16, #tpu.memory_space<vmem>>) offsets(%dma_start3A_49 : memref<125xi32, #tpu.memory_space<vmem>>) semaphore(%dma_start3A_54 : memref<!tpu.dma_semaphore, #tpu.memory_space<semaphore_mem>>)
    %dma_start3A_55 = arith.constant 3 : i32
    %dma_start3A_56 = arith.constant 3 : i32
    %dma_start3A_57 = arith.constant 3 : i32
    %dma_start3A_58 = arith.constant 0 : i32
    %dma_start3A_59 = arith.constant 0 : i32
    %dma_start3A_60 = tpu.memref_slice %arg9[%dma_start3A_56, %dma_start3A_58, %dma_start3A_59] : memref<5x125x64xbf16, #tpu.memory_space<vmem>> -> memref<1x125x64xbf16, #tpu.memory_space<vmem>>
    %dma_start3A_61 = tpu.memref_squeeze %dma_start3A_60 : memref<1x125x64xbf16, #tpu.memory_space<vmem>> -> memref<125x64xbf16, #tpu.memory_space<vmem>>
    %dma_start3A_62 = arith.constant 0 : i32
    %dma_start3A_63 = tpu.memref_slice %arg7[%dma_start3A_55, %dma_start3A_62] : memref<85x125xi32, #tpu.memory_space<vmem>> -> memref<1x125xi32, #tpu.memory_space<vmem>>
    %dma_start3A_64 = tpu.memref_squeeze %dma_start3A_63 : memref<1x125xi32, #tpu.memory_space<vmem>> -> memref<125xi32, #tpu.memory_space<vmem>>
    %dma_start3A_65 = arith.constant 0 : i32
    %dma_start3A_66 = arith.constant 0 : i32
    %dma_start3A_67 = tpu.memref_slice %arg2[%dma_start3A_65, %dma_start3A_66] : memref<10000x64xbf16, #tpu.memory_space<hbm>> -> memref<10000x64xbf16, #tpu.memory_space<hbm>>
    %dma_start3A_68 = tpu.memref_slice %arg11[%dma_start3A_57] : memref<5x!tpu.dma_semaphore, #tpu.memory_space<semaphore_mem>> -> memref<1x!tpu.dma_semaphore, #tpu.memory_space<semaphore_mem>>
    %dma_start3A_69 = tpu.memref_squeeze %dma_start3A_68 : memref<1x!tpu.dma_semaphore, #tpu.memory_space<semaphore_mem>> -> memref<!tpu.dma_semaphore, #tpu.memory_space<semaphore_mem>>
    tpu.enqueue_indirect_dma source(%dma_start3A_67 : memref<10000x64xbf16, #tpu.memory_space<hbm>>) target(%dma_start3A_61 : memref<125x64xbf16, #tpu.memory_space<vmem>>) offsets(%dma_start3A_64 : memref<125xi32, #tpu.memory_space<vmem>>) semaphore(%dma_start3A_69 : memref<!tpu.dma_semaphore, #tpu.memory_space<semaphore_mem>>)
    %dma_wait3A = arith.constant 0 : i32
    %dma_wait3A_70 = arith.constant 0 : i32
    %dma_wait3A_71 = arith.constant 0 : i32
    %dma_wait3A_72 = arith.constant 0 : i32
    %dma_wait3A_73 = arith.constant 0 : i32
    %dma_wait3A_74 = tpu.memref_slice %arg9[%dma_wait3A_70, %dma_wait3A_72, %dma_wait3A_73] : memref<5x125x64xbf16, #tpu.memory_space<vmem>> -> memref<1x125x64xbf16, #tpu.memory_space<vmem>>
    %dma_wait3A_75 = tpu.memref_squeeze %dma_wait3A_74 : memref<1x125x64xbf16, #tpu.memory_space<vmem>> -> memref<125x64xbf16, #tpu.memory_space<vmem>>
    %dma_wait3A_76 = arith.constant 0 : i32
    %dma_wait3A_77 = tpu.memref_slice %arg7[%dma_wait3A, %dma_wait3A_76] : memref<85x125xi32, #tpu.memory_space<vmem>> -> memref<1x125xi32, #tpu.memory_space<vmem>>
    %dma_wait3A_78 = tpu.memref_squeeze %dma_wait3A_77 : memref<1x125xi32, #tpu.memory_space<vmem>> -> memref<125xi32, #tpu.memory_space<vmem>>
    %dma_wait3A_79 = arith.constant 0 : i32
    %dma_wait3A_80 = arith.constant 0 : i32
    %dma_wait3A_81 = tpu.memref_slice %arg2[%dma_wait3A_79, %dma_wait3A_80] : memref<10000x64xbf16, #tpu.memory_space<hbm>> -> memref<10000x64xbf16, #tpu.memory_space<hbm>>
    %dma_wait3A_82 = tpu.memref_slice %arg11[%dma_wait3A_71] : memref<5x!tpu.dma_semaphore, #tpu.memory_space<semaphore_mem>> -> memref<1x!tpu.dma_semaphore, #tpu.memory_space<semaphore_mem>>
    %dma_wait3A_83 = tpu.memref_squeeze %dma_wait3A_82 : memref<1x!tpu.dma_semaphore, #tpu.memory_space<semaphore_mem>> -> memref<!tpu.dma_semaphore, #tpu.memory_space<semaphore_mem>>
    tpu.wait_indirect_dma semaphore(%dma_wait3A_83 : memref<!tpu.dma_semaphore, #tpu.memory_space<semaphore_mem>>) src(%dma_wait3A_81 : memref<10000x64xbf16, #tpu.memory_space<hbm>>) dst(%dma_wait3A_75 : memref<125x64xbf16, #tpu.memory_space<vmem>>)
    %dma_start3A_84 = arith.constant 0 : i32
    %dma_start3A_85 = arith.constant 0 : i32
    %dma_start3A_86 = arith.constant 0 : i32
    %dma_start3A_87 = arith.constant 0 : i32
    %dma_start3A_88 = arith.constant 0 : i32
    %dma_start3A_89 = tpu.memref_slice %arg9[%dma_start3A_84, %dma_start3A_87, %dma_start3A_88] : memref<5x125x64xbf16, #tpu.memory_space<vmem>> -> memref<1x125x64xbf16, #tpu.memory_space<vmem>>
    %dma_start3A_90 = tpu.memref_squeeze %dma_start3A_89 : memref<1x125x64xbf16, #tpu.memory_space<vmem>> -> memref<125x64xbf16, #tpu.memory_space<vmem>>
    %dma_start3A_91 = arith.constant 0 : i32
    %dma_start3A_92 = tpu.memref_slice %arg8[%dma_start3A_85, %dma_start3A_91] : memref<85x125xi32, #tpu.memory_space<vmem>> -> memref<1x125xi32, #tpu.memory_space<vmem>>
    %dma_start3A_93 = tpu.memref_squeeze %dma_start3A_92 : memref<1x125xi32, #tpu.memory_space<vmem>> -> memref<125xi32, #tpu.memory_space<vmem>>
    %dma_start3A_94 = arith.constant 0 : i32
    %dma_start3A_95 = arith.constant 0 : i32
    %dma_start3A_96 = tpu.memref_slice %arg10[%dma_start3A_94, %dma_start3A_95] : memref<10000x64xbf16, #tpu.memory_space<vmem_shared>> -> memref<10000x64xbf16, #tpu.memory_space<vmem_shared>>
    %dma_start3A_97 = tpu.memref_slice %arg12[%dma_start3A_86] : memref<5x!tpu.dma_semaphore, #tpu.memory_space<semaphore_mem>> -> memref<1x!tpu.dma_semaphore, #tpu.memory_space<semaphore_mem>>
    %dma_start3A_98 = tpu.memref_squeeze %dma_start3A_97 : memref<1x!tpu.dma_semaphore, #tpu.memory_space<semaphore_mem>> -> memref<!tpu.dma_semaphore, #tpu.memory_space<semaphore_mem>>
    tpu.enqueue_indirect_dma source(%dma_start3A_90 : memref<125x64xbf16, #tpu.memory_space<vmem>>) target(%dma_start3A_96 : memref<10000x64xbf16, #tpu.memory_space<vmem_shared>>) offsets(%dma_start3A_93 : memref<125xi32, #tpu.memory_space<vmem>>) semaphore(%dma_start3A_98 : memref<!tpu.dma_semaphore, #tpu.memory_space<semaphore_mem>>) {add = true}
    %dma_start3A_99 = arith.constant 4 : i32
    %dma_start3A_100 = arith.constant 4 : i32
    %dma_start3A_101 = arith.constant 4 : i32
    %dma_start3A_102 = arith.constant 0 : i32
    %dma_start3A_103 = arith.constant 0 : i32
    %dma_start3A_104 = tpu.memref_slice %arg9[%dma_start3A_100, %dma_start3A_102, %dma_start3A_103] : memref<5x125x64xbf16, #tpu.memory_space<vmem>> -> memref<1x125x64xbf16, #tpu.memory_space<vmem>>
    %dma_start3A_105 = tpu.memref_squeeze %dma_start3A_104 : memref<1x125x64xbf16, #tpu.memory_space<vmem>> -> memref<125x64xbf16, #tpu.memory_space<vmem>>
    %dma_start3A_106 = arith.constant 0 : i32
    %dma_start3A_107 = tpu.memref_slice %arg7[%dma_start3A_99, %dma_start3A_106] : memref<85x125xi32, #tpu.memory_space<vmem>> -> memref<1x125xi32, #tpu.memory_space<vmem>>
    %dma_start3A_108 = tpu.memref_squeeze %dma_start3A_107 : memref<1x125xi32, #tpu.memory_space<vmem>> -> memref<125xi32, #tpu.memory_space<vmem>>
    %dma_start3A_109 = arith.constant 0 : i32
    %dma_start3A_110 = arith.constant 0 : i32
    %dma_start3A_111 = tpu.memref_slice %arg2[%dma_start3A_109, %dma_start3A_110] : memref<10000x64xbf16, #tpu.memory_space<hbm>> -> memref<10000x64xbf16, #tpu.memory_space<hbm>>
    %dma_start3A_112 = tpu.memref_slice %arg11[%dma_start3A_101] : memref<5x!tpu.dma_semaphore, #tpu.memory_space<semaphore_mem>> -> memref<1x!tpu.dma_semaphore, #tpu.memory_space<semaphore_mem>>
    %dma_start3A_113 = tpu.memref_squeeze %dma_start3A_112 : memref<1x!tpu.dma_semaphore, #tpu.memory_space<semaphore_mem>> -> memref<!tpu.dma_semaphore, #tpu.memory_space<semaphore_mem>>
    tpu.enqueue_indirect_dma source(%dma_start3A_111 : memref<10000x64xbf16, #tpu.memory_space<hbm>>) target(%dma_start3A_105 : memref<125x64xbf16, #tpu.memory_space<vmem>>) offsets(%dma_start3A_108 : memref<125xi32, #tpu.memory_space<vmem>>) semaphore(%dma_start3A_113 : memref<!tpu.dma_semaphore, #tpu.memory_space<semaphore_mem>>)
    %dma_wait3A_114 = arith.constant 1 : i32
    %dma_wait3A_115 = arith.constant 1 : i32
    %dma_wait3A_116 = arith.constant 1 : i32
    %dma_wait3A_117 = arith.constant 0 : i32
    %dma_wait3A_118 = arith.constant 0 : i32
    %dma_wait3A_119 = tpu.memref_slice %arg9[%dma_wait3A_115, %dma_wait3A_117, %dma_wait3A_118] : memref<5x125x64xbf16, #tpu.memory_space<vmem>> -> memref<1x125x64xbf16, #tpu.memory_space<vmem>>
    %dma_wait3A_120 = tpu.memref_squeeze %dma_wait3A_119 : memref<1x125x64xbf16, #tpu.memory_space<vmem>> -> memref<125x64xbf16, #tpu.memory_space<vmem>>
    %dma_wait3A_121 = arith.constant 0 : i32
    %dma_wait3A_122 = tpu.memref_slice %arg7[%dma_wait3A_114, %dma_wait3A_121] : memref<85x125xi32, #tpu.memory_space<vmem>> -> memref<1x125xi32, #tpu.memory_space<vmem>>
    %dma_wait3A_123 = tpu.memref_squeeze %dma_wait3A_122 : memref<1x125xi32, #tpu.memory_space<vmem>> -> memref<125xi32, #tpu.memory_space<vmem>>
    %dma_wait3A_124 = arith.constant 0 : i32
    %dma_wait3A_125 = arith.constant 0 : i32
    %dma_wait3A_126 = tpu.memref_slice %arg2[%dma_wait3A_124, %dma_wait3A_125] : memref<10000x64xbf16, #tpu.memory_space<hbm>> -> memref<10000x64xbf16, #tpu.memory_space<hbm>>
    %dma_wait3A_127 = tpu.memref_slice %arg11[%dma_wait3A_116] : memref<5x!tpu.dma_semaphore, #tpu.memory_space<semaphore_mem>> -> memref<1x!tpu.dma_semaphore, #tpu.memory_space<semaphore_mem>>
    %dma_wait3A_128 = tpu.memref_squeeze %dma_wait3A_127 : memref<1x!tpu.dma_semaphore, #tpu.memory_space<semaphore_mem>> -> memref<!tpu.dma_semaphore, #tpu.memory_space<semaphore_mem>>
    tpu.wait_indirect_dma semaphore(%dma_wait3A_128 : memref<!tpu.dma_semaphore, #tpu.memory_space<semaphore_mem>>) src(%dma_wait3A_126 : memref<10000x64xbf16, #tpu.memory_space<hbm>>) dst(%dma_wait3A_120 : memref<125x64xbf16, #tpu.memory_space<vmem>>)
    %dma_start3A_129 = arith.constant 1 : i32
    %dma_start3A_130 = arith.constant 1 : i32
    %dma_start3A_131 = arith.constant 1 : i32
    %dma_start3A_132 = arith.constant 0 : i32
    %dma_start3A_133 = arith.constant 0 : i32
    %dma_start3A_134 = tpu.memref_slice %arg9[%dma_start3A_129, %dma_start3A_132, %dma_start3A_133] : memref<5x125x64xbf16, #tpu.memory_space<vmem>> -> memref<1x125x64xbf16, #tpu.memory_space<vmem>>
    %dma_start3A_135 = tpu.memref_squeeze %dma_start3A_134 : memref<1x125x64xbf16, #tpu.memory_space<vmem>> -> memref<125x64xbf16, #tpu.memory_space<vmem>>
    %dma_start3A_136 = arith.constant 0 : i32
    %dma_start3A_137 = tpu.memref_slice %arg8[%dma_start3A_130, %dma_start3A_136] : memref<85x125xi32, #tpu.memory_space<vmem>> -> memref<1x125xi32, #tpu.memory_space<vmem>>
    %dma_start3A_138 = tpu.memref_squeeze %dma_start3A_137 : memref<1x125xi32, #tpu.memory_space<vmem>> -> memref<125xi32, #tpu.memory_space<vmem>>
    %dma_start3A_139 = arith.constant 0 : i32
    %dma_start3A_140 = arith.constant 0 : i32
    %dma_start3A_141 = tpu.memref_slice %arg10[%dma_start3A_139, %dma_start3A_140] : memref<10000x64xbf16, #tpu.memory_space<vmem_shared>> -> memref<10000x64xbf16, #tpu.memory_space<vmem_shared>>
    %dma_start3A_142 = tpu.memref_slice %arg12[%dma_start3A_131] : memref<5x!tpu.dma_semaphore, #tpu.memory_space<semaphore_mem>> -> memref<1x!tpu.dma_semaphore, #tpu.memory_space<semaphore_mem>>
    %dma_start3A_143 = tpu.memref_squeeze %dma_start3A_142 : memref<1x!tpu.dma_semaphore, #tpu.memory_space<semaphore_mem>> -> memref<!tpu.dma_semaphore, #tpu.memory_space<semaphore_mem>>
    tpu.enqueue_indirect_dma source(%dma_start3A_135 : memref<125x64xbf16, #tpu.memory_space<vmem>>) target(%dma_start3A_141 : memref<10000x64xbf16, #tpu.memory_space<vmem_shared>>) offsets(%dma_start3A_138 : memref<125xi32, #tpu.memory_space<vmem>>) semaphore(%dma_start3A_143 : memref<!tpu.dma_semaphore, #tpu.memory_space<semaphore_mem>>) {add = true}
    %dma_wait3A_144 = arith.constant 0 : i32
    %dma_wait3A_145 = arith.constant 0 : i32
    %dma_wait3A_146 = arith.constant 0 : i32
    %dma_wait3A_147 = arith.constant 0 : i32
    %dma_wait3A_148 = arith.constant 0 : i32
    %dma_wait3A_149 = tpu.memref_slice %arg9[%dma_wait3A_144, %dma_wait3A_147, %dma_wait3A_148] : memref<5x125x64xbf16, #tpu.memory_space<vmem>> -> memref<1x125x64xbf16, #tpu.memory_space<vmem>>
    %dma_wait3A_150 = tpu.memref_squeeze %dma_wait3A_149 : memref<1x125x64xbf16, #tpu.memory_space<vmem>> -> memref<125x64xbf16, #tpu.memory_space<vmem>>
    %dma_wait3A_151 = arith.constant 0 : i32
    %dma_wait3A_152 = tpu.memref_slice %arg8[%dma_wait3A_145, %dma_wait3A_151] : memref<85x125xi32, #tpu.memory_space<vmem>> -> memref<1x125xi32, #tpu.memory_space<vmem>>
    %dma_wait3A_153 = tpu.memref_squeeze %dma_wait3A_152 : memref<1x125xi32, #tpu.memory_space<vmem>> -> memref<125xi32, #tpu.memory_space<vmem>>
    %dma_wait3A_154 = arith.constant 0 : i32
    %dma_wait3A_155 = arith.constant 0 : i32
    %dma_wait3A_156 = tpu.memref_slice %arg10[%dma_wait3A_154, %dma_wait3A_155] : memref<10000x64xbf16, #tpu.memory_space<vmem_shared>> -> memref<10000x64xbf16, #tpu.memory_space<vmem_shared>>
    %dma_wait3A_157 = tpu.memref_slice %arg12[%dma_wait3A_146] : memref<5x!tpu.dma_semaphore, #tpu.memory_space<semaphore_mem>> -> memref<1x!tpu.dma_semaphore, #tpu.memory_space<semaphore_mem>>
    %dma_wait3A_158 = tpu.memref_squeeze %dma_wait3A_157 : memref<1x!tpu.dma_semaphore, #tpu.memory_space<semaphore_mem>> -> memref<!tpu.dma_semaphore, #tpu.memory_space<semaphore_mem>>
    tpu.wait_indirect_dma semaphore(%dma_wait3A_158 : memref<!tpu.dma_semaphore, #tpu.memory_space<semaphore_mem>>) src(%dma_wait3A_150 : memref<125x64xbf16, #tpu.memory_space<vmem>>) dst(%dma_wait3A_156 : memref<10000x64xbf16, #tpu.memory_space<vmem_shared>>)
    %dma_start3A_159 = arith.constant 5 : i32
    %dma_start3A_160 = arith.constant 0 : i32
    %dma_start3A_161 = arith.constant 0 : i32
    %dma_start3A_162 = arith.constant 0 : i32
    %dma_start3A_163 = arith.constant 0 : i32
    %dma_start3A_164 = tpu.memref_slice %arg9[%dma_start3A_160, %dma_start3A_162, %dma_start3A_163] : memref<5x125x64xbf16, #tpu.memory_space<vmem>> -> memref<1x125x64xbf16, #tpu.memory_space<vmem>>
    %dma_start3A_165 = tpu.memref_squeeze %dma_start3A_164 : memref<1x125x64xbf16, #tpu.memory_space<vmem>> -> memref<125x64xbf16, #tpu.memory_space<vmem>>
    %dma_start3A_166 = arith.constant 0 : i32
    %dma_start3A_167 = tpu.memref_slice %arg7[%dma_start3A_159, %dma_start3A_166] : memref<85x125xi32, #tpu.memory_space<vmem>> -> memref<1x125xi32, #tpu.memory_space<vmem>>
    %dma_start3A_168 = tpu.memref_squeeze %dma_start3A_167 : memref<1x125xi32, #tpu.memory_space<vmem>> -> memref<125xi32, #tpu.memory_space<vmem>>
    %dma_start3A_169 = arith.constant 0 : i32
    %dma_start3A_170 = arith.constant 0 : i32
    %dma_start3A_171 = tpu.memref_slice %arg2[%dma_start3A_169, %dma_start3A_170] : memref<10000x64xbf16, #tpu.memory_space<hbm>> -> memref<10000x64xbf16, #tpu.memory_space<hbm>>
    %dma_start3A_172 = tpu.memref_slice %arg11[%dma_start3A_161] : memref<5x!tpu.dma_semaphore, #tpu.memory_space<semaphore_mem>> -> memref<1x!tpu.dma_semaphore, #tpu.memory_space<semaphore_mem>>
    %dma_start3A_173 = tpu.memref_squeeze %dma_start3A_172 : memref<1x!tpu.dma_semaphore, #tpu.memory_space<semaphore_mem>> -> memref<!tpu.dma_semaphore, #tpu.memory_space<semaphore_mem>>
    tpu.enqueue_indirect_dma source(%dma_start3A_171 : memref<10000x64xbf16, #tpu.memory_space<hbm>>) target(%dma_start3A_165 : memref<125x64xbf16, #tpu.memory_space<vmem>>) offsets(%dma_start3A_168 : memref<125xi32, #tpu.memory_space<vmem>>) semaphore(%dma_start3A_173 : memref<!tpu.dma_semaphore, #tpu.memory_space<semaphore_mem>>)
    %dma_wait3A_174 = arith.constant 2 : i32
    %dma_wait3A_175 = arith.constant 2 : i32
    %dma_wait3A_176 = arith.constant 2 : i32
    %dma_wait3A_177 = arith.constant 0 : i32
    %dma_wait3A_178 = arith.constant 0 : i32
    %dma_wait3A_179 = tpu.memref_slice %arg9[%dma_wait3A_175, %dma_wait3A_177, %dma_wait3A_178] : memref<5x125x64xbf16, #tpu.memory_space<vmem>> -> memref<1x125x64xbf16, #tpu.memory_space<vmem>>
    %dma_wait3A_180 = tpu.memref_squeeze %dma_wait3A_179 : memref<1x125x64xbf16, #tpu.memory_space<vmem>> -> memref<125x64xbf16, #tpu.memory_space<vmem>>
    %dma_wait3A_181 = arith.constant 0 : i32
    %dma_wait3A_182 = tpu.memref_slice %arg7[%dma_wait3A_174, %dma_wait3A_181] : memref<85x125xi32, #tpu.memory_space<vmem>> -> memref<1x125xi32, #tpu.memory_space<vmem>>
    %dma_wait3A_183 = tpu.memref_squeeze %dma_wait3A_182 : memref<1x125xi32, #tpu.memory_space<vmem>> -> memref<125xi32, #tpu.memory_space<vmem>>
    %dma_wait3A_184 = arith.constant 0 : i32
    %dma_wait3A_185 = arith.constant 0 : i32
    %dma_wait3A_186 = tpu.memref_slice %arg2[%dma_wait3A_184, %dma_wait3A_185] : memref<10000x64xbf16, #tpu.memory_space<hbm>> -> memref<10000x64xbf16, #tpu.memory_space<hbm>>
    %dma_wait3A_187 = tpu.memref_slice %arg11[%dma_wait3A_176] : memref<5x!tpu.dma_semaphore, #tpu.memory_space<semaphore_mem>> -> memref<1x!tpu.dma_semaphore, #tpu.memory_space<semaphore_mem>>
    %dma_wait3A_188 = tpu.memref_squeeze %dma_wait3A_187 : memref<1x!tpu.dma_semaphore, #tpu.memory_space<semaphore_mem>> -> memref<!tpu.dma_semaphore, #tpu.memory_space<semaphore_mem>>
    tpu.wait_indirect_dma semaphore(%dma_wait3A_188 : memref<!tpu.dma_semaphore, #tpu.memory_space<semaphore_mem>>) src(%dma_wait3A_186 : memref<10000x64xbf16, #tpu.memory_space<hbm>>) dst(%dma_wait3A_180 : memref<125x64xbf16, #tpu.memory_space<vmem>>)
    %dma_start3A_189 = arith.constant 2 : i32
    %dma_start3A_190 = arith.constant 2 : i32
    %dma_start3A_191 = arith.constant 2 : i32
    %dma_start3A_192 = arith.constant 0 : i32
    %dma_start3A_193 = arith.constant 0 : i32
    %dma_start3A_194 = tpu.memref_slice %arg9[%dma_start3A_189, %dma_start3A_192, %dma_start3A_193] : memref<5x125x64xbf16, #tpu.memory_space<vmem>> -> memref<1x125x64xbf16, #tpu.memory_space<vmem>>
    %dma_start3A_195 = tpu.memref_squeeze %dma_start3A_194 : memref<1x125x64xbf16, #tpu.memory_space<vmem>> -> memref<125x64xbf16, #tpu.memory_space<vmem>>
    %dma_start3A_196 = arith.constant 0 : i32
    %dma_start3A_197 = tpu.memref_slice %arg8[%dma_start3A_190, %dma_start3A_196] : memref<85x125xi32, #tpu.memory_space<vmem>> -> memref<1x125xi32, #tpu.memory_space<vmem>>
    %dma_start3A_198 = tpu.memref_squeeze %dma_start3A_197 : memref<1x125xi32, #tpu.memory_space<vmem>> -> memref<125xi32, #tpu.memory_space<vmem>>
    %dma_start3A_199 = arith.constant 0 : i32
    %dma_start3A_200 = arith.constant 0 : i32
    %dma_start3A_201 = tpu.memref_slice %arg10[%dma_start3A_199, %dma_start3A_200] : memref<10000x64xbf16, #tpu.memory_space<vmem_shared>> -> memref<10000x64xbf16, #tpu.memory_space<vmem_shared>>
    %dma_start3A_202 = tpu.memref_slice %arg12[%dma_start3A_191] : memref<5x!tpu.dma_semaphore, #tpu.memory_space<semaphore_mem>> -> memref<1x!tpu.dma_semaphore, #tpu.memory_space<semaphore_mem>>
    %dma_start3A_203 = tpu.memref_squeeze %dma_start3A_202 : memref<1x!tpu.dma_semaphore, #tpu.memory_space<semaphore_mem>> -> memref<!tpu.dma_semaphore, #tpu.memory_space<semaphore_mem>>
    tpu.enqueue_indirect_dma source(%dma_start3A_195 : memref<125x64xbf16, #tpu.memory_space<vmem>>) target(%dma_start3A_201 : memref<10000x64xbf16, #tpu.memory_space<vmem_shared>>) offsets(%dma_start3A_198 : memref<125xi32, #tpu.memory_space<vmem>>) semaphore(%dma_start3A_203 : memref<!tpu.dma_semaphore, #tpu.memory_space<semaphore_mem>>) {add = true}
    %dma_wait3A_204 = arith.constant 1 : i32
    %dma_wait3A_205 = arith.constant 1 : i32
    %dma_wait3A_206 = arith.constant 1 : i32
    %dma_wait3A_207 = arith.constant 0 : i32
    %dma_wait3A_208 = arith.constant 0 : i32
    %dma_wait3A_209 = tpu.memref_slice %arg9[%dma_wait3A_204, %dma_wait3A_207, %dma_wait3A_208] : memref<5x125x64xbf16, #tpu.memory_space<vmem>> -> memref<1x125x64xbf16, #tpu.memory_space<vmem>>
    %dma_wait3A_210 = tpu.memref_squeeze %dma_wait3A_209 : memref<1x125x64xbf16, #tpu.memory_space<vmem>> -> memref<125x64xbf16, #tpu.memory_space<vmem>>
    %dma_wait3A_211 = arith.constant 0 : i32
    %dma_wait3A_212 = tpu.memref_slice %arg8[%dma_wait3A_205, %dma_wait3A_211] : memref<85x125xi32, #tpu.memory_space<vmem>> -> memref<1x125xi32, #tpu.memory_space<vmem>>
    %dma_wait3A_213 = tpu.memref_squeeze %dma_wait3A_212 : memref<1x125xi32, #tpu.memory_space<vmem>> -> memref<125xi32, #tpu.memory_space<vmem>>
    %dma_wait3A_214 = arith.constant 0 : i32
    %dma_wait3A_215 = arith.constant 0 : i32
    %dma_wait3A_216 = tpu.memref_slice %arg10[%dma_wait3A_214, %dma_wait3A_215] : memref<10000x64xbf16, #tpu.memory_space<vmem_shared>> -> memref<10000x64xbf16, #tpu.memory_space<vmem_shared>>
    %dma_wait3A_217 = tpu.memref_slice %arg12[%dma_wait3A_206] : memref<5x!tpu.dma_semaphore, #tpu.memory_space<semaphore_mem>> -> memref<1x!tpu.dma_semaphore, #tpu.memory_space<semaphore_mem>>
    %dma_wait3A_218 = tpu.memref_squeeze %dma_wait3A_217 : memref<1x!tpu.dma_semaphore, #tpu.memory_space<semaphore_mem>> -> memref<!tpu.dma_semaphore, #tpu.memory_space<semaphore_mem>>
    tpu.wait_indirect_dma semaphore(%dma_wait3A_218 : memref<!tpu.dma_semaphore, #tpu.memory_space<semaphore_mem>>) src(%dma_wait3A_210 : memref<125x64xbf16, #tpu.memory_space<vmem>>) dst(%dma_wait3A_216 : memref<10000x64xbf16, #tpu.memory_space<vmem_shared>>)
    %dma_start3A_219 = arith.constant 6 : i32
    %dma_start3A_220 = arith.constant 1 : i32
    %dma_start3A_221 = arith.constant 1 : i32
    %dma_start3A_222 = arith.constant 0 : i32
    %dma_start3A_223 = arith.constant 0 : i32
    %dma_start3A_224 = tpu.memref_slice %arg9[%dma_start3A_220, %dma_start3A_222, %dma_start3A_223] : memref<5x125x64xbf16, #tpu.memory_space<vmem>> -> memref<1x125x64xbf16, #tpu.memory_space<vmem>>
    %dma_start3A_225 = tpu.memref_squeeze %dma_start3A_224 : memref<1x125x64xbf16, #tpu.memory_space<vmem>> -> memref<125x64xbf16, #tpu.memory_space<vmem>>
    %dma_start3A_226 = arith.constant 0 : i32
    %dma_start3A_227 = tpu.memref_slice %arg7[%dma_start3A_219, %dma_start3A_226] : memref<85x125xi32, #tpu.memory_space<vmem>> -> memref<1x125xi32, #tpu.memory_space<vmem>>
    %dma_start3A_228 = tpu.memref_squeeze %dma_start3A_227 : memref<1x125xi32, #tpu.memory_space<vmem>> -> memref<125xi32, #tpu.memory_space<vmem>>
    %dma_start3A_229 = arith.constant 0 : i32
    %dma_start3A_230 = arith.constant 0 : i32
    %dma_start3A_231 = tpu.memref_slice %arg2[%dma_start3A_229, %dma_start3A_230] : memref<10000x64xbf16, #tpu.memory_space<hbm>> -> memref<10000x64xbf16, #tpu.memory_space<hbm>>
    %dma_start3A_232 = tpu.memref_slice %arg11[%dma_start3A_221] : memref<5x!tpu.dma_semaphore, #tpu.memory_space<semaphore_mem>> -> memref<1x!tpu.dma_semaphore, #tpu.memory_space<semaphore_mem>>
    %dma_start3A_233 = tpu.memref_squeeze %dma_start3A_232 : memref<1x!tpu.dma_semaphore, #tpu.memory_space<semaphore_mem>> -> memref<!tpu.dma_semaphore, #tpu.memory_space<semaphore_mem>>
    tpu.enqueue_indirect_dma source(%dma_start3A_231 : memref<10000x64xbf16, #tpu.memory_space<hbm>>) target(%dma_start3A_225 : memref<125x64xbf16, #tpu.memory_space<vmem>>) offsets(%dma_start3A_228 : memref<125xi32, #tpu.memory_space<vmem>>) semaphore(%dma_start3A_233 : memref<!tpu.dma_semaphore, #tpu.memory_space<semaphore_mem>>)
    %dma_wait3A_234 = arith.constant 3 : i32
    %dma_wait3A_235 = arith.constant 3 : i32
    %dma_wait3A_236 = arith.constant 3 : i32
    %dma_wait3A_237 = arith.constant 0 : i32
    %dma_wait3A_238 = arith.constant 0 : i32
    %dma_wait3A_239 = tpu.memref_slice %arg9[%dma_wait3A_235, %dma_wait3A_237, %dma_wait3A_238] : memref<5x125x64xbf16, #tpu.memory_space<vmem>> -> memref<1x125x64xbf16, #tpu.memory_space<vmem>>
    %dma_wait3A_240 = tpu.memref_squeeze %dma_wait3A_239 : memref<1x125x64xbf16, #tpu.memory_space<vmem>> -> memref<125x64xbf16, #tpu.memory_space<vmem>>
    %dma_wait3A_241 = arith.constant 0 : i32
    %dma_wait3A_242 = tpu.memref_slice %arg7[%dma_wait3A_234, %dma_wait3A_241] : memref<85x125xi32, #tpu.memory_space<vmem>> -> memref<1x125xi32, #tpu.memory_space<vmem>>
    %dma_wait3A_243 = tpu.memref_squeeze %dma_wait3A_242 : memref<1x125xi32, #tpu.memory_space<vmem>> -> memref<125xi32, #tpu.memory_space<vmem>>
    %dma_wait3A_244 = arith.constant 0 : i32
    %dma_wait3A_245 = arith.constant 0 : i32
    %dma_wait3A_246 = tpu.memref_slice %arg2[%dma_wait3A_244, %dma_wait3A_245] : memref<10000x64xbf16, #tpu.memory_space<hbm>> -> memref<10000x64xbf16, #tpu.memory_space<hbm>>
    %dma_wait3A_247 = tpu.memref_slice %arg11[%dma_wait3A_236] : memref<5x!tpu.dma_semaphore, #tpu.memory_space<semaphore_mem>> -> memref<1x!tpu.dma_semaphore, #tpu.memory_space<semaphore_mem>>
    %dma_wait3A_248 = tpu.memref_squeeze %dma_wait3A_247 : memref<1x!tpu.dma_semaphore, #tpu.memory_space<semaphore_mem>> -> memref<!tpu.dma_semaphore, #tpu.memory_space<semaphore_mem>>
    tpu.wait_indirect_dma semaphore(%dma_wait3A_248 : memref<!tpu.dma_semaphore, #tpu.memory_space<semaphore_mem>>) src(%dma_wait3A_246 : memref<10000x64xbf16, #tpu.memory_space<hbm>>) dst(%dma_wait3A_240 : memref<125x64xbf16, #tpu.memory_space<vmem>>)
    %dma_start3A_249 = arith.constant 3 : i32
    %dma_start3A_250 = arith.constant 3 : i32
    %dma_start3A_251 = arith.constant 3 : i32
    %dma_start3A_252 = arith.constant 0 : i32
    %dma_start3A_253 = arith.constant 0 : i32
    %dma_start3A_254 = tpu.memref_slice %arg9[%dma_start3A_249, %dma_start3A_252, %dma_start3A_253] : memref<5x125x64xbf16, #tpu.memory_space<vmem>> -> memref<1x125x64xbf16, #tpu.memory_space<vmem>>
    %dma_start3A_255 = tpu.memref_squeeze %dma_start3A_254 : memref<1x125x64xbf16, #tpu.memory_space<vmem>> -> memref<125x64xbf16, #tpu.memory_space<vmem>>
    %dma_start3A_256 = arith.constant 0 : i32
    %dma_start3A_257 = tpu.memref_slice %arg8[%dma_start3A_250, %dma_start3A_256] : memref<85x125xi32, #tpu.memory_space<vmem>> -> memref<1x125xi32, #tpu.memory_space<vmem>>
    %dma_start3A_258 = tpu.memref_squeeze %dma_start3A_257 : memref<1x125xi32, #tpu.memory_space<vmem>> -> memref<125xi32, #tpu.memory_space<vmem>>
    %dma_start3A_259 = arith.constant 0 : i32
    %dma_start3A_260 = arith.constant 0 : i32
    %dma_start3A_261 = tpu.memref_slice %arg10[%dma_start3A_259, %dma_start3A_260] : memref<10000x64xbf16, #tpu.memory_space<vmem_shared>> -> memref<10000x64xbf16, #tpu.memory_space<vmem_shared>>
    %dma_start3A_262 = tpu.memref_slice %arg12[%dma_start3A_251] : memref<5x!tpu.dma_semaphore, #tpu.memory_space<semaphore_mem>> -> memref<1x!tpu.dma_semaphore, #tpu.memory_space<semaphore_mem>>
    %dma_start3A_263 = tpu.memref_squeeze %dma_start3A_262 : memref<1x!tpu.dma_semaphore, #tpu.memory_space<semaphore_mem>> -> memref<!tpu.dma_semaphore, #tpu.memory_space<semaphore_mem>>
    tpu.enqueue_indirect_dma source(%dma_start3A_255 : memref<125x64xbf16, #tpu.memory_space<vmem>>) target(%dma_start3A_261 : memref<10000x64xbf16, #tpu.memory_space<vmem_shared>>) offsets(%dma_start3A_258 : memref<125xi32, #tpu.memory_space<vmem>>) semaphore(%dma_start3A_263 : memref<!tpu.dma_semaphore, #tpu.memory_space<semaphore_mem>>) {add = true}
    %dma_wait3A_264 = arith.constant 2 : i32
    %dma_wait3A_265 = arith.constant 2 : i32
    %dma_wait3A_266 = arith.constant 2 : i32
    %dma_wait3A_267 = arith.constant 0 : i32
    %dma_wait3A_268 = arith.constant 0 : i32
    %dma_wait3A_269 = tpu.memref_slice %arg9[%dma_wait3A_264, %dma_wait3A_267, %dma_wait3A_268] : memref<5x125x64xbf16, #tpu.memory_space<vmem>> -> memref<1x125x64xbf16, #tpu.memory_space<vmem>>
    %dma_wait3A_270 = tpu.memref_squeeze %dma_wait3A_269 : memref<1x125x64xbf16, #tpu.memory_space<vmem>> -> memref<125x64xbf16, #tpu.memory_space<vmem>>
    %dma_wait3A_271 = arith.constant 0 : i32
    %dma_wait3A_272 = tpu.memref_slice %arg8[%dma_wait3A_265, %dma_wait3A_271] : memref<85x125xi32, #tpu.memory_space<vmem>> -> memref<1x125xi32, #tpu.memory_space<vmem>>
    %dma_wait3A_273 = tpu.memref_squeeze %dma_wait3A_272 : memref<1x125xi32, #tpu.memory_space<vmem>> -> memref<125xi32, #tpu.memory_space<vmem>>
    %dma_wait3A_274 = arith.constant 0 : i32
    %dma_wait3A_275 = arith.constant 0 : i32
    %dma_wait3A_276 = tpu.memref_slice %arg10[%dma_wait3A_274, %dma_wait3A_275] : memref<10000x64xbf16, #tpu.memory_space<vmem_shared>> -> memref<10000x64xbf16, #tpu.memory_space<vmem_shared>>
    %dma_wait3A_277 = tpu.memref_slice %arg12[%dma_wait3A_266] : memref<5x!tpu.dma_semaphore, #tpu.memory_space<semaphore_mem>> -> memref<1x!tpu.dma_semaphore, #tpu.memory_space<semaphore_mem>>
    %dma_wait3A_278 = tpu.memref_squeeze %dma_wait3A_277 : memref<1x!tpu.dma_semaphore, #tpu.memory_space<semaphore_mem>> -> memref<!tpu.dma_semaphore, #tpu.memory_space<semaphore_mem>>
    tpu.wait_indirect_dma semaphore(%dma_wait3A_278 : memref<!tpu.dma_semaphore, #tpu.memory_space<semaphore_mem>>) src(%dma_wait3A_270 : memref<125x64xbf16, #tpu.memory_space<vmem>>) dst(%dma_wait3A_276 : memref<10000x64xbf16, #tpu.memory_space<vmem_shared>>)
    %dma_start3A_279 = arith.constant 7 : i32
    %dma_start3A_280 = arith.constant 2 : i32
    %dma_start3A_281 = arith.constant 2 : i32
    %dma_start3A_282 = arith.constant 0 : i32
    %dma_start3A_283 = arith.constant 0 : i32
    %dma_start3A_284 = tpu.memref_slice %arg9[%dma_start3A_280, %dma_start3A_282, %dma_start3A_283] : memref<5x125x64xbf16, #tpu.memory_space<vmem>> -> memref<1x125x64xbf16, #tpu.memory_space<vmem>>
    %dma_start3A_285 = tpu.memref_squeeze %dma_start3A_284 : memref<1x125x64xbf16, #tpu.memory_space<vmem>> -> memref<125x64xbf16, #tpu.memory_space<vmem>>
    %dma_start3A_286 = arith.constant 0 : i32
    %dma_start3A_287 = tpu.memref_slice %arg7[%dma_start3A_279, %dma_start3A_286] : memref<85x125xi32, #tpu.memory_space<vmem>> -> memref<1x125xi32, #tpu.memory_space<vmem>>
    %dma_start3A_288 = tpu.memref_squeeze %dma_start3A_287 : memref<1x125xi32, #tpu.memory_space<vmem>> -> memref<125xi32, #tpu.memory_space<vmem>>
    %dma_start3A_289 = arith.constant 0 : i32
    %dma_start3A_290 = arith.constant 0 : i32
    %dma_start3A_291 = tpu.memref_slice %arg2[%dma_start3A_289, %dma_start3A_290] : memref<10000x64xbf16, #tpu.memory_space<hbm>> -> memref<10000x64xbf16, #tpu.memory_space<hbm>>
    %dma_start3A_292 = tpu.memref_slice %arg11[%dma_start3A_281] : memref<5x!tpu.dma_semaphore, #tpu.memory_space<semaphore_mem>> -> memref<1x!tpu.dma_semaphore, #tpu.memory_space<semaphore_mem>>
    %dma_start3A_293 = tpu.memref_squeeze %dma_start3A_292 : memref<1x!tpu.dma_semaphore, #tpu.memory_space<semaphore_mem>> -> memref<!tpu.dma_semaphore, #tpu.memory_space<semaphore_mem>>
    tpu.enqueue_indirect_dma source(%dma_start3A_291 : memref<10000x64xbf16, #tpu.memory_space<hbm>>) target(%dma_start3A_285 : memref<125x64xbf16, #tpu.memory_space<vmem>>) offsets(%dma_start3A_288 : memref<125xi32, #tpu.memory_space<vmem>>) semaphore(%dma_start3A_293 : memref<!tpu.dma_semaphore, #tpu.memory_space<semaphore_mem>>)
    %dma_wait3A_294 = arith.constant 4 : i32
    %dma_wait3A_295 = arith.constant 4 : i32
    %dma_wait3A_296 = arith.constant 4 : i32
    %dma_wait3A_297 = arith.constant 0 : i32
    %dma_wait3A_298 = arith.constant 0 : i32
    %dma_wait3A_299 = tpu.memref_slice %arg9[%dma_wait3A_295, %dma_wait3A_297, %dma_wait3A_298] : memref<5x125x64xbf16, #tpu.memory_space<vmem>> -> memref<1x125x64xbf16, #tpu.memory_space<vmem>>
    %dma_wait3A_300 = tpu.memref_squeeze %dma_wait3A_299 : memref<1x125x64xbf16, #tpu.memory_space<vmem>> -> memref<125x64xbf16, #tpu.memory_space<vmem>>
    %dma_wait3A_301 = arith.constant 0 : i32
    %dma_wait3A_302 = tpu.memref_slice %arg7[%dma_wait3A_294, %dma_wait3A_301] : memref<85x125xi32, #tpu.memory_space<vmem>> -> memref<1x125xi32, #tpu.memory_space<vmem>>
    %dma_wait3A_303 = tpu.memref_squeeze %dma_wait3A_302 : memref<1x125xi32, #tpu.memory_space<vmem>> -> memref<125xi32, #tpu.memory_space<vmem>>
    %dma_wait3A_304 = arith.constant 0 : i32
    %dma_wait3A_305 = arith.constant 0 : i32
    %dma_wait3A_306 = tpu.memref_slice %arg2[%dma_wait3A_304, %dma_wait3A_305] : memref<10000x64xbf16, #tpu.memory_space<hbm>> -> memref<10000x64xbf16, #tpu.memory_space<hbm>>
    %dma_wait3A_307 = tpu.memref_slice %arg11[%dma_wait3A_296] : memref<5x!tpu.dma_semaphore, #tpu.memory_space<semaphore_mem>> -> memref<1x!tpu.dma_semaphore, #tpu.memory_space<semaphore_mem>>
    %dma_wait3A_308 = tpu.memref_squeeze %dma_wait3A_307 : memref<1x!tpu.dma_semaphore, #tpu.memory_space<semaphore_mem>> -> memref<!tpu.dma_semaphore, #tpu.memory_space<semaphore_mem>>
    tpu.wait_indirect_dma semaphore(%dma_wait3A_308 : memref<!tpu.dma_semaphore, #tpu.memory_space<semaphore_mem>>) src(%dma_wait3A_306 : memref<10000x64xbf16, #tpu.memory_space<hbm>>) dst(%dma_wait3A_300 : memref<125x64xbf16, #tpu.memory_space<vmem>>)
    %dma_start3A_309 = arith.constant 4 : i32
    %dma_start3A_310 = arith.constant 4 : i32
    %dma_start3A_311 = arith.constant 4 : i32
    %dma_start3A_312 = arith.constant 0 : i32
    %dma_start3A_313 = arith.constant 0 : i32
    %dma_start3A_314 = tpu.memref_slice %arg9[%dma_start3A_309, %dma_start3A_312, %dma_start3A_313] : memref<5x125x64xbf16, #tpu.memory_space<vmem>> -> memref<1x125x64xbf16, #tpu.memory_space<vmem>>
    %dma_start3A_315 = tpu.memref_squeeze %dma_start3A_314 : memref<1x125x64xbf16, #tpu.memory_space<vmem>> -> memref<125x64xbf16, #tpu.memory_space<vmem>>
    %dma_start3A_316 = arith.constant 0 : i32
    %dma_start3A_317 = tpu.memref_slice %arg8[%dma_start3A_310, %dma_start3A_316] : memref<85x125xi32, #tpu.memory_space<vmem>> -> memref<1x125xi32, #tpu.memory_space<vmem>>
    %dma_start3A_318 = tpu.memref_squeeze %dma_start3A_317 : memref<1x125xi32, #tpu.memory_space<vmem>> -> memref<125xi32, #tpu.memory_space<vmem>>
    %dma_start3A_319 = arith.constant 0 : i32
    %dma_start3A_320 = arith.constant 0 : i32
    %dma_start3A_321 = tpu.memref_slice %arg10[%dma_start3A_319, %dma_start3A_320] : memref<10000x64xbf16, #tpu.memory_space<vmem_shared>> -> memref<10000x64xbf16, #tpu.memory_space<vmem_shared>>
    %dma_start3A_322 = tpu.memref_slice %arg12[%dma_start3A_311] : memref<5x!tpu.dma_semaphore, #tpu.memory_space<semaphore_mem>> -> memref<1x!tpu.dma_semaphore, #tpu.memory_space<semaphore_mem>>
    %dma_start3A_323 = tpu.memref_squeeze %dma_start3A_322 : memref<1x!tpu.dma_semaphore, #tpu.memory_space<semaphore_mem>> -> memref<!tpu.dma_semaphore, #tpu.memory_space<semaphore_mem>>
    tpu.enqueue_indirect_dma source(%dma_start3A_315 : memref<125x64xbf16, #tpu.memory_space<vmem>>) target(%dma_start3A_321 : memref<10000x64xbf16, #tpu.memory_space<vmem_shared>>) offsets(%dma_start3A_318 : memref<125xi32, #tpu.memory_space<vmem>>) semaphore(%dma_start3A_323 : memref<!tpu.dma_semaphore, #tpu.memory_space<semaphore_mem>>) {add = true}
    %dma_wait3A_324 = arith.constant 3 : i32
    %dma_wait3A_325 = arith.constant 3 : i32
    %dma_wait3A_326 = arith.constant 3 : i32
    %dma_wait3A_327 = arith.constant 0 : i32
    %dma_wait3A_328 = arith.constant 0 : i32
    %dma_wait3A_329 = tpu.memref_slice %arg9[%dma_wait3A_324, %dma_wait3A_327, %dma_wait3A_328] : memref<5x125x64xbf16, #tpu.memory_space<vmem>> -> memref<1x125x64xbf16, #tpu.memory_space<vmem>>
    %dma_wait3A_330 = tpu.memref_squeeze %dma_wait3A_329 : memref<1x125x64xbf16, #tpu.memory_space<vmem>> -> memref<125x64xbf16, #tpu.memory_space<vmem>>
    %dma_wait3A_331 = arith.constant 0 : i32
    %dma_wait3A_332 = tpu.memref_slice %arg8[%dma_wait3A_325, %dma_wait3A_331] : memref<85x125xi32, #tpu.memory_space<vmem>> -> memref<1x125xi32, #tpu.memory_space<vmem>>
    %dma_wait3A_333 = tpu.memref_squeeze %dma_wait3A_332 : memref<1x125xi32, #tpu.memory_space<vmem>> -> memref<125xi32, #tpu.memory_space<vmem>>
    %dma_wait3A_334 = arith.constant 0 : i32
    %dma_wait3A_335 = arith.constant 0 : i32
    %dma_wait3A_336 = tpu.memref_slice %arg10[%dma_wait3A_334, %dma_wait3A_335] : memref<10000x64xbf16, #tpu.memory_space<vmem_shared>> -> memref<10000x64xbf16, #tpu.memory_space<vmem_shared>>
    %dma_wait3A_337 = tpu.memref_slice %arg12[%dma_wait3A_326] : memref<5x!tpu.dma_semaphore, #tpu.memory_space<semaphore_mem>> -> memref<1x!tpu.dma_semaphore, #tpu.memory_space<semaphore_mem>>
    %dma_wait3A_338 = tpu.memref_squeeze %dma_wait3A_337 : memref<1x!tpu.dma_semaphore, #tpu.memory_space<semaphore_mem>> -> memref<!tpu.dma_semaphore, #tpu.memory_space<semaphore_mem>>
    tpu.wait_indirect_dma semaphore(%dma_wait3A_338 : memref<!tpu.dma_semaphore, #tpu.memory_space<semaphore_mem>>) src(%dma_wait3A_330 : memref<125x64xbf16, #tpu.memory_space<vmem>>) dst(%dma_wait3A_336 : memref<10000x64xbf16, #tpu.memory_space<vmem_shared>>)
    %dma_start3A_339 = arith.constant 8 : i32
    %dma_start3A_340 = arith.constant 3 : i32
    %dma_start3A_341 = arith.constant 3 : i32
    %dma_start3A_342 = arith.constant 0 : i32
    %dma_start3A_343 = arith.constant 0 : i32
    %dma_start3A_344 = tpu.memref_slice %arg9[%dma_start3A_340, %dma_start3A_342, %dma_start3A_343] : memref<5x125x64xbf16, #tpu.memory_space<vmem>> -> memref<1x125x64xbf16, #tpu.memory_space<vmem>>
    %dma_start3A_345 = tpu.memref_squeeze %dma_start3A_344 : memref<1x125x64xbf16, #tpu.memory_space<vmem>> -> memref<125x64xbf16, #tpu.memory_space<vmem>>
    %dma_start3A_346 = arith.constant 0 : i32
    %dma_start3A_347 = tpu.memref_slice %arg7[%dma_start3A_339, %dma_start3A_346] : memref<85x125xi32, #tpu.memory_space<vmem>> -> memref<1x125xi32, #tpu.memory_space<vmem>>
    %dma_start3A_348 = tpu.memref_squeeze %dma_start3A_347 : memref<1x125xi32, #tpu.memory_space<vmem>> -> memref<125xi32, #tpu.memory_space<vmem>>
    %dma_start3A_349 = arith.constant 0 : i32
    %dma_start3A_350 = arith.constant 0 : i32
    %dma_start3A_351 = tpu.memref_slice %arg2[%dma_start3A_349, %dma_start3A_350] : memref<10000x64xbf16, #tpu.memory_space<hbm>> -> memref<10000x64xbf16, #tpu.memory_space<hbm>>
    %dma_start3A_352 = tpu.memref_slice %arg11[%dma_start3A_341] : memref<5x!tpu.dma_semaphore, #tpu.memory_space<semaphore_mem>> -> memref<1x!tpu.dma_semaphore, #tpu.memory_space<semaphore_mem>>
    %dma_start3A_353 = tpu.memref_squeeze %dma_start3A_352 : memref<1x!tpu.dma_semaphore, #tpu.memory_space<semaphore_mem>> -> memref<!tpu.dma_semaphore, #tpu.memory_space<semaphore_mem>>
    tpu.enqueue_indirect_dma source(%dma_start3A_351 : memref<10000x64xbf16, #tpu.memory_space<hbm>>) target(%dma_start3A_345 : memref<125x64xbf16, #tpu.memory_space<vmem>>) offsets(%dma_start3A_348 : memref<125xi32, #tpu.memory_space<vmem>>) semaphore(%dma_start3A_353 : memref<!tpu.dma_semaphore, #tpu.memory_space<semaphore_mem>>)
    %jit3A_354 = arith.constant 5 : i32
    %div3A = arith.divsi %select_n3A, %jit3A_354 : i32
    %sign3A = arith.constant 0 : i32
    %sign3A_355 = arith.cmpi sgt, %select_n3A, %sign3A : i32
    %sign3A_356 = arith.extui %sign3A_355 : i1 to i32
    %sign3A_357 = arith.constant 0 : i32
    %sign3A_358 = arith.cmpi slt, %select_n3A, %sign3A_357 : i32
    %sign3A_359 = arith.extui %sign3A_358 : i1 to i32
    %sign3A_360 = arith.subi %sign3A_356, %sign3A_359 : i32
    %sign3A_361 = arith.constant 0 : i32
    %sign3A_362 = arith.cmpi sgt, %jit3A_354, %sign3A_361 : i32
    %sign3A_363 = arith.extui %sign3A_362 : i1 to i32
    %sign3A_364 = arith.constant 0 : i32
    %sign3A_365 = arith.cmpi slt, %jit3A_354, %sign3A_364 : i32
    %sign3A_366 = arith.extui %sign3A_365 : i1 to i32
    %sign3A_367 = arith.subi %sign3A_363, %sign3A_366 : i32
    %ne3A = arith.cmpi ne, %sign3A_360, %sign3A_367 : i32
    %rem3A = arith.remsi %select_n3A, %jit3A_354 : i32
    %ne3A_368 = arith.constant 0 : i32
    %ne3A_369 = arith.cmpi ne, %rem3A, %ne3A_368 : i32
    %and3A = arith.andi %ne3A, %ne3A_369 : i1
    %sub3A = arith.constant 1 : i32
    %sub3A_370 = arith.subi %div3A, %sub3A : i32
    %select_n3A_371 = arith.select %and3A, %sub3A_370, %div3A : i32
    %sub3A_372 = arith.constant 1 : i32
    %sub3A_373 = arith.subi %select_n3A_371, %sub3A_372 : i32
    %while3A = arith.constant 0 : i32
    %while3A_374 = arith.constant 1 : i32
    %while3A_375 = arith.subi %sub3A_373, %while3A_374 : i32
    %while3A_376 = arith.addi %while3A_374, %while3A_375 : i32
    %while3A_377 = arith.constant 1 : i32
    %while3A_378 = arith.divsi %while3A_375, %while3A_377 : i32
    %while3A_379 = arith.muli %while3A_378, %while3A_377 : i32
    %while3A_380 = arith.addi %while3A_374, %while3A_379 : i32
    %while3A_381 = arith.constant 1 : i32
    scf.for %while3A_653 = %while3A_374 to %while3A_380 step %while3A_381  : i32 {
      %mul3A_654 = arith.constant 5 : i32
      %mul3A_655 = arith.muli %while3A_653, %mul3A_654 : i32
      %add3A_656 = arith.constant 0 : i32
      %add3A_657 = arith.addi %mul3A_655, %add3A_656 : i32
      %dma_wait3A_658 = arith.constant 0 : i32
      %dma_wait3A_659 = arith.constant 0 : i32
      %dma_wait3A_660 = arith.constant 0 : i32
      %dma_wait3A_661 = arith.constant 0 : i32
      %dma_wait3A_662 = tpu.memref_slice %arg9[%dma_wait3A_658, %dma_wait3A_660, %dma_wait3A_661] : memref<5x125x64xbf16, #tpu.memory_space<vmem>> -> memref<1x125x64xbf16, #tpu.memory_space<vmem>>
      %dma_wait3A_663 = tpu.memref_squeeze %dma_wait3A_662 : memref<1x125x64xbf16, #tpu.memory_space<vmem>> -> memref<125x64xbf16, #tpu.memory_space<vmem>>
      %dma_wait3A_664 = arith.constant 0 : i32
      %dma_wait3A_665 = tpu.memref_slice %arg7[%add3A_657, %dma_wait3A_664] : memref<85x125xi32, #tpu.memory_space<vmem>> -> memref<1x125xi32, #tpu.memory_space<vmem>>
      %dma_wait3A_666 = tpu.memref_squeeze %dma_wait3A_665 : memref<1x125xi32, #tpu.memory_space<vmem>> -> memref<125xi32, #tpu.memory_space<vmem>>
      %dma_wait3A_667 = arith.constant 0 : i32
      %dma_wait3A_668 = arith.constant 0 : i32
      %dma_wait3A_669 = tpu.memref_slice %arg2[%dma_wait3A_667, %dma_wait3A_668] : memref<10000x64xbf16, #tpu.memory_space<hbm>> -> memref<10000x64xbf16, #tpu.memory_space<hbm>>
      %dma_wait3A_670 = tpu.memref_slice %arg11[%dma_wait3A_659] : memref<5x!tpu.dma_semaphore, #tpu.memory_space<semaphore_mem>> -> memref<1x!tpu.dma_semaphore, #tpu.memory_space<semaphore_mem>>
      %dma_wait3A_671 = tpu.memref_squeeze %dma_wait3A_670 : memref<1x!tpu.dma_semaphore, #tpu.memory_space<semaphore_mem>> -> memref<!tpu.dma_semaphore, #tpu.memory_space<semaphore_mem>>
      tpu.wait_indirect_dma semaphore(%dma_wait3A_671 : memref<!tpu.dma_semaphore, #tpu.memory_space<semaphore_mem>>) src(%dma_wait3A_669 : memref<10000x64xbf16, #tpu.memory_space<hbm>>) dst(%dma_wait3A_663 : memref<125x64xbf16, #tpu.memory_space<vmem>>)
      %dma_start3A_672 = arith.constant 0 : i32
      %dma_start3A_673 = arith.constant 0 : i32
      %dma_start3A_674 = arith.constant 0 : i32
      %dma_start3A_675 = arith.constant 0 : i32
      %dma_start3A_676 = tpu.memref_slice %arg9[%dma_start3A_672, %dma_start3A_674, %dma_start3A_675] : memref<5x125x64xbf16, #tpu.memory_space<vmem>> -> memref<1x125x64xbf16, #tpu.memory_space<vmem>>
      %dma_start3A_677 = tpu.memref_squeeze %dma_start3A_676 : memref<1x125x64xbf16, #tpu.memory_space<vmem>> -> memref<125x64xbf16, #tpu.memory_space<vmem>>
      %dma_start3A_678 = arith.constant 0 : i32
      %dma_start3A_679 = tpu.memref_slice %arg8[%add3A_657, %dma_start3A_678] : memref<85x125xi32, #tpu.memory_space<vmem>> -> memref<1x125xi32, #tpu.memory_space<vmem>>
      %dma_start3A_680 = tpu.memref_squeeze %dma_start3A_679 : memref<1x125xi32, #tpu.memory_space<vmem>> -> memref<125xi32, #tpu.memory_space<vmem>>
      %dma_start3A_681 = arith.constant 0 : i32
      %dma_start3A_682 = arith.constant 0 : i32
      %dma_start3A_683 = tpu.memref_slice %arg10[%dma_start3A_681, %dma_start3A_682] : memref<10000x64xbf16, #tpu.memory_space<vmem_shared>> -> memref<10000x64xbf16, #tpu.memory_space<vmem_shared>>
      %dma_start3A_684 = tpu.memref_slice %arg12[%dma_start3A_673] : memref<5x!tpu.dma_semaphore, #tpu.memory_space<semaphore_mem>> -> memref<1x!tpu.dma_semaphore, #tpu.memory_space<semaphore_mem>>
      %dma_start3A_685 = tpu.memref_squeeze %dma_start3A_684 : memref<1x!tpu.dma_semaphore, #tpu.memory_space<semaphore_mem>> -> memref<!tpu.dma_semaphore, #tpu.memory_space<semaphore_mem>>
      tpu.enqueue_indirect_dma source(%dma_start3A_677 : memref<125x64xbf16, #tpu.memory_space<vmem>>) target(%dma_start3A_683 : memref<10000x64xbf16, #tpu.memory_space<vmem_shared>>) offsets(%dma_start3A_680 : memref<125xi32, #tpu.memory_space<vmem>>) semaphore(%dma_start3A_685 : memref<!tpu.dma_semaphore, #tpu.memory_space<semaphore_mem>>) {add = true}
      %sub3A_686 = arith.constant 1 : i32
      %sub3A_687 = arith.subi %add3A_657, %sub3A_686 : i32
      %dma_wait3A_688 = arith.constant 4 : i32
      %dma_wait3A_689 = arith.constant 4 : i32
      %dma_wait3A_690 = arith.constant 0 : i32
      %dma_wait3A_691 = arith.constant 0 : i32
      %dma_wait3A_692 = tpu.memref_slice %arg9[%dma_wait3A_688, %dma_wait3A_690, %dma_wait3A_691] : memref<5x125x64xbf16, #tpu.memory_space<vmem>> -> memref<1x125x64xbf16, #tpu.memory_space<vmem>>
      %dma_wait3A_693 = tpu.memref_squeeze %dma_wait3A_692 : memref<1x125x64xbf16, #tpu.memory_space<vmem>> -> memref<125x64xbf16, #tpu.memory_space<vmem>>
      %dma_wait3A_694 = arith.constant 0 : i32
      %dma_wait3A_695 = tpu.memref_slice %arg8[%sub3A_687, %dma_wait3A_694] : memref<85x125xi32, #tpu.memory_space<vmem>> -> memref<1x125xi32, #tpu.memory_space<vmem>>
      %dma_wait3A_696 = tpu.memref_squeeze %dma_wait3A_695 : memref<1x125xi32, #tpu.memory_space<vmem>> -> memref<125xi32, #tpu.memory_space<vmem>>
      %dma_wait3A_697 = arith.constant 0 : i32
      %dma_wait3A_698 = arith.constant 0 : i32
      %dma_wait3A_699 = tpu.memref_slice %arg10[%dma_wait3A_697, %dma_wait3A_698] : memref<10000x64xbf16, #tpu.memory_space<vmem_shared>> -> memref<10000x64xbf16, #tpu.memory_space<vmem_shared>>
      %dma_wait3A_700 = tpu.memref_slice %arg12[%dma_wait3A_689] : memref<5x!tpu.dma_semaphore, #tpu.memory_space<semaphore_mem>> -> memref<1x!tpu.dma_semaphore, #tpu.memory_space<semaphore_mem>>
      %dma_wait3A_701 = tpu.memref_squeeze %dma_wait3A_700 : memref<1x!tpu.dma_semaphore, #tpu.memory_space<semaphore_mem>> -> memref<!tpu.dma_semaphore, #tpu.memory_space<semaphore_mem>>
      tpu.wait_indirect_dma semaphore(%dma_wait3A_701 : memref<!tpu.dma_semaphore, #tpu.memory_space<semaphore_mem>>) src(%dma_wait3A_693 : memref<125x64xbf16, #tpu.memory_space<vmem>>) dst(%dma_wait3A_699 : memref<10000x64xbf16, #tpu.memory_space<vmem_shared>>)
      %add3A_702 = arith.constant 5 : i32
      %add3A_703 = arith.addi %add3A_657, %add3A_702 : i32
      %sub3A_704 = arith.constant 1 : i32
      %sub3A_705 = arith.subi %add3A_703, %sub3A_704 : i32
      %dma_start3A_706 = arith.constant 4 : i32
      %dma_start3A_707 = arith.constant 4 : i32
      %dma_start3A_708 = arith.constant 0 : i32
      %dma_start3A_709 = arith.constant 0 : i32
      %dma_start3A_710 = tpu.memref_slice %arg9[%dma_start3A_706, %dma_start3A_708, %dma_start3A_709] : memref<5x125x64xbf16, #tpu.memory_space<vmem>> -> memref<1x125x64xbf16, #tpu.memory_space<vmem>>
      %dma_start3A_711 = tpu.memref_squeeze %dma_start3A_710 : memref<1x125x64xbf16, #tpu.memory_space<vmem>> -> memref<125x64xbf16, #tpu.memory_space<vmem>>
      %dma_start3A_712 = arith.constant 0 : i32
      %dma_start3A_713 = tpu.memref_slice %arg7[%sub3A_705, %dma_start3A_712] : memref<85x125xi32, #tpu.memory_space<vmem>> -> memref<1x125xi32, #tpu.memory_space<vmem>>
      %dma_start3A_714 = tpu.memref_squeeze %dma_start3A_713 : memref<1x125xi32, #tpu.memory_space<vmem>> -> memref<125xi32, #tpu.memory_space<vmem>>
      %dma_start3A_715 = arith.constant 0 : i32
      %dma_start3A_716 = arith.constant 0 : i32
      %dma_start3A_717 = tpu.memref_slice %arg2[%dma_start3A_715, %dma_start3A_716] : memref<10000x64xbf16, #tpu.memory_space<hbm>> -> memref<10000x64xbf16, #tpu.memory_space<hbm>>
      %dma_start3A_718 = tpu.memref_slice %arg11[%dma_start3A_707] : memref<5x!tpu.dma_semaphore, #tpu.memory_space<semaphore_mem>> -> memref<1x!tpu.dma_semaphore, #tpu.memory_space<semaphore_mem>>
      %dma_start3A_719 = tpu.memref_squeeze %dma_start3A_718 : memref<1x!tpu.dma_semaphore, #tpu.memory_space<semaphore_mem>> -> memref<!tpu.dma_semaphore, #tpu.memory_space<semaphore_mem>>
      tpu.enqueue_indirect_dma source(%dma_start3A_717 : memref<10000x64xbf16, #tpu.memory_space<hbm>>) target(%dma_start3A_711 : memref<125x64xbf16, #tpu.memory_space<vmem>>) offsets(%dma_start3A_714 : memref<125xi32, #tpu.memory_space<vmem>>) semaphore(%dma_start3A_719 : memref<!tpu.dma_semaphore, #tpu.memory_space<semaphore_mem>>)
      %add3A_720 = arith.constant 1 : i32
      %add3A_721 = arith.addi %mul3A_655, %add3A_720 : i32
      %dma_wait3A_722 = arith.constant 1 : i32
      %dma_wait3A_723 = arith.constant 1 : i32
      %dma_wait3A_724 = arith.constant 0 : i32
      %dma_wait3A_725 = arith.constant 0 : i32
      %dma_wait3A_726 = tpu.memref_slice %arg9[%dma_wait3A_722, %dma_wait3A_724, %dma_wait3A_725] : memref<5x125x64xbf16, #tpu.memory_space<vmem>> -> memref<1x125x64xbf16, #tpu.memory_space<vmem>>
      %dma_wait3A_727 = tpu.memref_squeeze %dma_wait3A_726 : memref<1x125x64xbf16, #tpu.memory_space<vmem>> -> memref<125x64xbf16, #tpu.memory_space<vmem>>
      %dma_wait3A_728 = arith.constant 0 : i32
      %dma_wait3A_729 = tpu.memref_slice %arg7[%add3A_721, %dma_wait3A_728] : memref<85x125xi32, #tpu.memory_space<vmem>> -> memref<1x125xi32, #tpu.memory_space<vmem>>
      %dma_wait3A_730 = tpu.memref_squeeze %dma_wait3A_729 : memref<1x125xi32, #tpu.memory_space<vmem>> -> memref<125xi32, #tpu.memory_space<vmem>>
      %dma_wait3A_731 = arith.constant 0 : i32
      %dma_wait3A_732 = arith.constant 0 : i32
      %dma_wait3A_733 = tpu.memref_slice %arg2[%dma_wait3A_731, %dma_wait3A_732] : memref<10000x64xbf16, #tpu.memory_space<hbm>> -> memref<10000x64xbf16, #tpu.memory_space<hbm>>
      %dma_wait3A_734 = tpu.memref_slice %arg11[%dma_wait3A_723] : memref<5x!tpu.dma_semaphore, #tpu.memory_space<semaphore_mem>> -> memref<1x!tpu.dma_semaphore, #tpu.memory_space<semaphore_mem>>
      %dma_wait3A_735 = tpu.memref_squeeze %dma_wait3A_734 : memref<1x!tpu.dma_semaphore, #tpu.memory_space<semaphore_mem>> -> memref<!tpu.dma_semaphore, #tpu.memory_space<semaphore_mem>>
      tpu.wait_indirect_dma semaphore(%dma_wait3A_735 : memref<!tpu.dma_semaphore, #tpu.memory_space<semaphore_mem>>) src(%dma_wait3A_733 : memref<10000x64xbf16, #tpu.memory_space<hbm>>) dst(%dma_wait3A_727 : memref<125x64xbf16, #tpu.memory_space<vmem>>)
      %dma_start3A_736 = arith.constant 1 : i32
      %dma_start3A_737 = arith.constant 1 : i32
      %dma_start3A_738 = arith.constant 0 : i32
      %dma_start3A_739 = arith.constant 0 : i32
      %dma_start3A_740 = tpu.memref_slice %arg9[%dma_start3A_736, %dma_start3A_738, %dma_start3A_739] : memref<5x125x64xbf16, #tpu.memory_space<vmem>> -> memref<1x125x64xbf16, #tpu.memory_space<vmem>>
      %dma_start3A_741 = tpu.memref_squeeze %dma_start3A_740 : memref<1x125x64xbf16, #tpu.memory_space<vmem>> -> memref<125x64xbf16, #tpu.memory_space<vmem>>
      %dma_start3A_742 = arith.constant 0 : i32
      %dma_start3A_743 = tpu.memref_slice %arg8[%add3A_721, %dma_start3A_742] : memref<85x125xi32, #tpu.memory_space<vmem>> -> memref<1x125xi32, #tpu.memory_space<vmem>>
      %dma_start3A_744 = tpu.memref_squeeze %dma_start3A_743 : memref<1x125xi32, #tpu.memory_space<vmem>> -> memref<125xi32, #tpu.memory_space<vmem>>
      %dma_start3A_745 = arith.constant 0 : i32
      %dma_start3A_746 = arith.constant 0 : i32
      %dma_start3A_747 = tpu.memref_slice %arg10[%dma_start3A_745, %dma_start3A_746] : memref<10000x64xbf16, #tpu.memory_space<vmem_shared>> -> memref<10000x64xbf16, #tpu.memory_space<vmem_shared>>
      %dma_start3A_748 = tpu.memref_slice %arg12[%dma_start3A_737] : memref<5x!tpu.dma_semaphore, #tpu.memory_space<semaphore_mem>> -> memref<1x!tpu.dma_semaphore, #tpu.memory_space<semaphore_mem>>
      %dma_start3A_749 = tpu.memref_squeeze %dma_start3A_748 : memref<1x!tpu.dma_semaphore, #tpu.memory_space<semaphore_mem>> -> memref<!tpu.dma_semaphore, #tpu.memory_space<semaphore_mem>>
      tpu.enqueue_indirect_dma source(%dma_start3A_741 : memref<125x64xbf16, #tpu.memory_space<vmem>>) target(%dma_start3A_747 : memref<10000x64xbf16, #tpu.memory_space<vmem_shared>>) offsets(%dma_start3A_744 : memref<125xi32, #tpu.memory_space<vmem>>) semaphore(%dma_start3A_749 : memref<!tpu.dma_semaphore, #tpu.memory_space<semaphore_mem>>) {add = true}
      %sub3A_750 = arith.constant 1 : i32
      %sub3A_751 = arith.subi %add3A_721, %sub3A_750 : i32
      %dma_wait3A_752 = arith.constant 0 : i32
      %dma_wait3A_753 = arith.constant 0 : i32
      %dma_wait3A_754 = arith.constant 0 : i32
      %dma_wait3A_755 = arith.constant 0 : i32
      %dma_wait3A_756 = tpu.memref_slice %arg9[%dma_wait3A_752, %dma_wait3A_754, %dma_wait3A_755] : memref<5x125x64xbf16, #tpu.memory_space<vmem>> -> memref<1x125x64xbf16, #tpu.memory_space<vmem>>
      %dma_wait3A_757 = tpu.memref_squeeze %dma_wait3A_756 : memref<1x125x64xbf16, #tpu.memory_space<vmem>> -> memref<125x64xbf16, #tpu.memory_space<vmem>>
      %dma_wait3A_758 = arith.constant 0 : i32
      %dma_wait3A_759 = tpu.memref_slice %arg8[%sub3A_751, %dma_wait3A_758] : memref<85x125xi32, #tpu.memory_space<vmem>> -> memref<1x125xi32, #tpu.memory_space<vmem>>
      %dma_wait3A_760 = tpu.memref_squeeze %dma_wait3A_759 : memref<1x125xi32, #tpu.memory_space<vmem>> -> memref<125xi32, #tpu.memory_space<vmem>>
      %dma_wait3A_761 = arith.constant 0 : i32
      %dma_wait3A_762 = arith.constant 0 : i32
      %dma_wait3A_763 = tpu.memref_slice %arg10[%dma_wait3A_761, %dma_wait3A_762] : memref<10000x64xbf16, #tpu.memory_space<vmem_shared>> -> memref<10000x64xbf16, #tpu.memory_space<vmem_shared>>
      %dma_wait3A_764 = tpu.memref_slice %arg12[%dma_wait3A_753] : memref<5x!tpu.dma_semaphore, #tpu.memory_space<semaphore_mem>> -> memref<1x!tpu.dma_semaphore, #tpu.memory_space<semaphore_mem>>
      %dma_wait3A_765 = tpu.memref_squeeze %dma_wait3A_764 : memref<1x!tpu.dma_semaphore, #tpu.memory_space<semaphore_mem>> -> memref<!tpu.dma_semaphore, #tpu.memory_space<semaphore_mem>>
      tpu.wait_indirect_dma semaphore(%dma_wait3A_765 : memref<!tpu.dma_semaphore, #tpu.memory_space<semaphore_mem>>) src(%dma_wait3A_757 : memref<125x64xbf16, #tpu.memory_space<vmem>>) dst(%dma_wait3A_763 : memref<10000x64xbf16, #tpu.memory_space<vmem_shared>>)
      %add3A_766 = arith.constant 5 : i32
      %add3A_767 = arith.addi %add3A_721, %add3A_766 : i32
      %sub3A_768 = arith.constant 1 : i32
      %sub3A_769 = arith.subi %add3A_767, %sub3A_768 : i32
      %dma_start3A_770 = arith.constant 0 : i32
      %dma_start3A_771 = arith.constant 0 : i32
      %dma_start3A_772 = arith.constant 0 : i32
      %dma_start3A_773 = arith.constant 0 : i32
      %dma_start3A_774 = tpu.memref_slice %arg9[%dma_start3A_770, %dma_start3A_772, %dma_start3A_773] : memref<5x125x64xbf16, #tpu.memory_space<vmem>> -> memref<1x125x64xbf16, #tpu.memory_space<vmem>>
      %dma_start3A_775 = tpu.memref_squeeze %dma_start3A_774 : memref<1x125x64xbf16, #tpu.memory_space<vmem>> -> memref<125x64xbf16, #tpu.memory_space<vmem>>
      %dma_start3A_776 = arith.constant 0 : i32
      %dma_start3A_777 = tpu.memref_slice %arg7[%sub3A_769, %dma_start3A_776] : memref<85x125xi32, #tpu.memory_space<vmem>> -> memref<1x125xi32, #tpu.memory_space<vmem>>
      %dma_start3A_778 = tpu.memref_squeeze %dma_start3A_777 : memref<1x125xi32, #tpu.memory_space<vmem>> -> memref<125xi32, #tpu.memory_space<vmem>>
      %dma_start3A_779 = arith.constant 0 : i32
      %dma_start3A_780 = arith.constant 0 : i32
      %dma_start3A_781 = tpu.memref_slice %arg2[%dma_start3A_779, %dma_start3A_780] : memref<10000x64xbf16, #tpu.memory_space<hbm>> -> memref<10000x64xbf16, #tpu.memory_space<hbm>>
      %dma_start3A_782 = tpu.memref_slice %arg11[%dma_start3A_771] : memref<5x!tpu.dma_semaphore, #tpu.memory_space<semaphore_mem>> -> memref<1x!tpu.dma_semaphore, #tpu.memory_space<semaphore_mem>>
      %dma_start3A_783 = tpu.memref_squeeze %dma_start3A_782 : memref<1x!tpu.dma_semaphore, #tpu.memory_space<semaphore_mem>> -> memref<!tpu.dma_semaphore, #tpu.memory_space<semaphore_mem>>
      tpu.enqueue_indirect_dma source(%dma_start3A_781 : memref<10000x64xbf16, #tpu.memory_space<hbm>>) target(%dma_start3A_775 : memref<125x64xbf16, #tpu.memory_space<vmem>>) offsets(%dma_start3A_778 : memref<125xi32, #tpu.memory_space<vmem>>) semaphore(%dma_start3A_783 : memref<!tpu.dma_semaphore, #tpu.memory_space<semaphore_mem>>)
      %add3A_784 = arith.constant 2 : i32
      %add3A_785 = arith.addi %mul3A_655, %add3A_784 : i32
      %dma_wait3A_786 = arith.constant 2 : i32
      %dma_wait3A_787 = arith.constant 2 : i32
      %dma_wait3A_788 = arith.constant 0 : i32
      %dma_wait3A_789 = arith.constant 0 : i32
      %dma_wait3A_790 = tpu.memref_slice %arg9[%dma_wait3A_786, %dma_wait3A_788, %dma_wait3A_789] : memref<5x125x64xbf16, #tpu.memory_space<vmem>> -> memref<1x125x64xbf16, #tpu.memory_space<vmem>>
      %dma_wait3A_791 = tpu.memref_squeeze %dma_wait3A_790 : memref<1x125x64xbf16, #tpu.memory_space<vmem>> -> memref<125x64xbf16, #tpu.memory_space<vmem>>
      %dma_wait3A_792 = arith.constant 0 : i32
      %dma_wait3A_793 = tpu.memref_slice %arg7[%add3A_785, %dma_wait3A_792] : memref<85x125xi32, #tpu.memory_space<vmem>> -> memref<1x125xi32, #tpu.memory_space<vmem>>
      %dma_wait3A_794 = tpu.memref_squeeze %dma_wait3A_793 : memref<1x125xi32, #tpu.memory_space<vmem>> -> memref<125xi32, #tpu.memory_space<vmem>>
      %dma_wait3A_795 = arith.constant 0 : i32
      %dma_wait3A_796 = arith.constant 0 : i32
      %dma_wait3A_797 = tpu.memref_slice %arg2[%dma_wait3A_795, %dma_wait3A_796] : memref<10000x64xbf16, #tpu.memory_space<hbm>> -> memref<10000x64xbf16, #tpu.memory_space<hbm>>
      %dma_wait3A_798 = tpu.memref_slice %arg11[%dma_wait3A_787] : memref<5x!tpu.dma_semaphore, #tpu.memory_space<semaphore_mem>> -> memref<1x!tpu.dma_semaphore, #tpu.memory_space<semaphore_mem>>
      %dma_wait3A_799 = tpu.memref_squeeze %dma_wait3A_798 : memref<1x!tpu.dma_semaphore, #tpu.memory_space<semaphore_mem>> -> memref<!tpu.dma_semaphore, #tpu.memory_space<semaphore_mem>>
      tpu.wait_indirect_dma semaphore(%dma_wait3A_799 : memref<!tpu.dma_semaphore, #tpu.memory_space<semaphore_mem>>) src(%dma_wait3A_797 : memref<10000x64xbf16, #tpu.memory_space<hbm>>) dst(%dma_wait3A_791 : memref<125x64xbf16, #tpu.memory_space<vmem>>)
      %dma_start3A_800 = arith.constant 2 : i32
      %dma_start3A_801 = arith.constant 2 : i32
      %dma_start3A_802 = arith.constant 0 : i32
      %dma_start3A_803 = arith.constant 0 : i32
      %dma_start3A_804 = tpu.memref_slice %arg9[%dma_start3A_800, %dma_start3A_802, %dma_start3A_803] : memref<5x125x64xbf16, #tpu.memory_space<vmem>> -> memref<1x125x64xbf16, #tpu.memory_space<vmem>>
      %dma_start3A_805 = tpu.memref_squeeze %dma_start3A_804 : memref<1x125x64xbf16, #tpu.memory_space<vmem>> -> memref<125x64xbf16, #tpu.memory_space<vmem>>
      %dma_start3A_806 = arith.constant 0 : i32
      %dma_start3A_807 = tpu.memref_slice %arg8[%add3A_785, %dma_start3A_806] : memref<85x125xi32, #tpu.memory_space<vmem>> -> memref<1x125xi32, #tpu.memory_space<vmem>>
      %dma_start3A_808 = tpu.memref_squeeze %dma_start3A_807 : memref<1x125xi32, #tpu.memory_space<vmem>> -> memref<125xi32, #tpu.memory_space<vmem>>
      %dma_start3A_809 = arith.constant 0 : i32
      %dma_start3A_810 = arith.constant 0 : i32
      %dma_start3A_811 = tpu.memref_slice %arg10[%dma_start3A_809, %dma_start3A_810] : memref<10000x64xbf16, #tpu.memory_space<vmem_shared>> -> memref<10000x64xbf16, #tpu.memory_space<vmem_shared>>
      %dma_start3A_812 = tpu.memref_slice %arg12[%dma_start3A_801] : memref<5x!tpu.dma_semaphore, #tpu.memory_space<semaphore_mem>> -> memref<1x!tpu.dma_semaphore, #tpu.memory_space<semaphore_mem>>
      %dma_start3A_813 = tpu.memref_squeeze %dma_start3A_812 : memref<1x!tpu.dma_semaphore, #tpu.memory_space<semaphore_mem>> -> memref<!tpu.dma_semaphore, #tpu.memory_space<semaphore_mem>>
      tpu.enqueue_indirect_dma source(%dma_start3A_805 : memref<125x64xbf16, #tpu.memory_space<vmem>>) target(%dma_start3A_811 : memref<10000x64xbf16, #tpu.memory_space<vmem_shared>>) offsets(%dma_start3A_808 : memref<125xi32, #tpu.memory_space<vmem>>) semaphore(%dma_start3A_813 : memref<!tpu.dma_semaphore, #tpu.memory_space<semaphore_mem>>) {add = true}
      %sub3A_814 = arith.constant 1 : i32
      %sub3A_815 = arith.subi %add3A_785, %sub3A_814 : i32
      %dma_wait3A_816 = arith.constant 1 : i32
      %dma_wait3A_817 = arith.constant 1 : i32
      %dma_wait3A_818 = arith.constant 0 : i32
      %dma_wait3A_819 = arith.constant 0 : i32
      %dma_wait3A_820 = tpu.memref_slice %arg9[%dma_wait3A_816, %dma_wait3A_818, %dma_wait3A_819] : memref<5x125x64xbf16, #tpu.memory_space<vmem>> -> memref<1x125x64xbf16, #tpu.memory_space<vmem>>
      %dma_wait3A_821 = tpu.memref_squeeze %dma_wait3A_820 : memref<1x125x64xbf16, #tpu.memory_space<vmem>> -> memref<125x64xbf16, #tpu.memory_space<vmem>>
      %dma_wait3A_822 = arith.constant 0 : i32
      %dma_wait3A_823 = tpu.memref_slice %arg8[%sub3A_815, %dma_wait3A_822] : memref<85x125xi32, #tpu.memory_space<vmem>> -> memref<1x125xi32, #tpu.memory_space<vmem>>
      %dma_wait3A_824 = tpu.memref_squeeze %dma_wait3A_823 : memref<1x125xi32, #tpu.memory_space<vmem>> -> memref<125xi32, #tpu.memory_space<vmem>>
      %dma_wait3A_825 = arith.constant 0 : i32
      %dma_wait3A_826 = arith.constant 0 : i32
      %dma_wait3A_827 = tpu.memref_slice %arg10[%dma_wait3A_825, %dma_wait3A_826] : memref<10000x64xbf16, #tpu.memory_space<vmem_shared>> -> memref<10000x64xbf16, #tpu.memory_space<vmem_shared>>
      %dma_wait3A_828 = tpu.memref_slice %arg12[%dma_wait3A_817] : memref<5x!tpu.dma_semaphore, #tpu.memory_space<semaphore_mem>> -> memref<1x!tpu.dma_semaphore, #tpu.memory_space<semaphore_mem>>
      %dma_wait3A_829 = tpu.memref_squeeze %dma_wait3A_828 : memref<1x!tpu.dma_semaphore, #tpu.memory_space<semaphore_mem>> -> memref<!tpu.dma_semaphore, #tpu.memory_space<semaphore_mem>>
      tpu.wait_indirect_dma semaphore(%dma_wait3A_829 : memref<!tpu.dma_semaphore, #tpu.memory_space<semaphore_mem>>) src(%dma_wait3A_821 : memref<125x64xbf16, #tpu.memory_space<vmem>>) dst(%dma_wait3A_827 : memref<10000x64xbf16, #tpu.memory_space<vmem_shared>>)
      %add3A_830 = arith.constant 5 : i32
      %add3A_831 = arith.addi %add3A_785, %add3A_830 : i32
      %sub3A_832 = arith.constant 1 : i32
      %sub3A_833 = arith.subi %add3A_831, %sub3A_832 : i32
      %dma_start3A_834 = arith.constant 1 : i32
      %dma_start3A_835 = arith.constant 1 : i32
      %dma_start3A_836 = arith.constant 0 : i32
      %dma_start3A_837 = arith.constant 0 : i32
      %dma_start3A_838 = tpu.memref_slice %arg9[%dma_start3A_834, %dma_start3A_836, %dma_start3A_837] : memref<5x125x64xbf16, #tpu.memory_space<vmem>> -> memref<1x125x64xbf16, #tpu.memory_space<vmem>>
      %dma_start3A_839 = tpu.memref_squeeze %dma_start3A_838 : memref<1x125x64xbf16, #tpu.memory_space<vmem>> -> memref<125x64xbf16, #tpu.memory_space<vmem>>
      %dma_start3A_840 = arith.constant 0 : i32
      %dma_start3A_841 = tpu.memref_slice %arg7[%sub3A_833, %dma_start3A_840] : memref<85x125xi32, #tpu.memory_space<vmem>> -> memref<1x125xi32, #tpu.memory_space<vmem>>
      %dma_start3A_842 = tpu.memref_squeeze %dma_start3A_841 : memref<1x125xi32, #tpu.memory_space<vmem>> -> memref<125xi32, #tpu.memory_space<vmem>>
      %dma_start3A_843 = arith.constant 0 : i32
      %dma_start3A_844 = arith.constant 0 : i32
      %dma_start3A_845 = tpu.memref_slice %arg2[%dma_start3A_843, %dma_start3A_844] : memref<10000x64xbf16, #tpu.memory_space<hbm>> -> memref<10000x64xbf16, #tpu.memory_space<hbm>>
      %dma_start3A_846 = tpu.memref_slice %arg11[%dma_start3A_835] : memref<5x!tpu.dma_semaphore, #tpu.memory_space<semaphore_mem>> -> memref<1x!tpu.dma_semaphore, #tpu.memory_space<semaphore_mem>>
      %dma_start3A_847 = tpu.memref_squeeze %dma_start3A_846 : memref<1x!tpu.dma_semaphore, #tpu.memory_space<semaphore_mem>> -> memref<!tpu.dma_semaphore, #tpu.memory_space<semaphore_mem>>
      tpu.enqueue_indirect_dma source(%dma_start3A_845 : memref<10000x64xbf16, #tpu.memory_space<hbm>>) target(%dma_start3A_839 : memref<125x64xbf16, #tpu.memory_space<vmem>>) offsets(%dma_start3A_842 : memref<125xi32, #tpu.memory_space<vmem>>) semaphore(%dma_start3A_847 : memref<!tpu.dma_semaphore, #tpu.memory_space<semaphore_mem>>)
      %add3A_848 = arith.constant 3 : i32
      %add3A_849 = arith.addi %mul3A_655, %add3A_848 : i32
      %dma_wait3A_850 = arith.constant 3 : i32
      %dma_wait3A_851 = arith.constant 3 : i32
      %dma_wait3A_852 = arith.constant 0 : i32
      %dma_wait3A_853 = arith.constant 0 : i32
      %dma_wait3A_854 = tpu.memref_slice %arg9[%dma_wait3A_850, %dma_wait3A_852, %dma_wait3A_853] : memref<5x125x64xbf16, #tpu.memory_space<vmem>> -> memref<1x125x64xbf16, #tpu.memory_space<vmem>>
      %dma_wait3A_855 = tpu.memref_squeeze %dma_wait3A_854 : memref<1x125x64xbf16, #tpu.memory_space<vmem>> -> memref<125x64xbf16, #tpu.memory_space<vmem>>
      %dma_wait3A_856 = arith.constant 0 : i32
      %dma_wait3A_857 = tpu.memref_slice %arg7[%add3A_849, %dma_wait3A_856] : memref<85x125xi32, #tpu.memory_space<vmem>> -> memref<1x125xi32, #tpu.memory_space<vmem>>
      %dma_wait3A_858 = tpu.memref_squeeze %dma_wait3A_857 : memref<1x125xi32, #tpu.memory_space<vmem>> -> memref<125xi32, #tpu.memory_space<vmem>>
      %dma_wait3A_859 = arith.constant 0 : i32
      %dma_wait3A_860 = arith.constant 0 : i32
      %dma_wait3A_861 = tpu.memref_slice %arg2[%dma_wait3A_859, %dma_wait3A_860] : memref<10000x64xbf16, #tpu.memory_space<hbm>> -> memref<10000x64xbf16, #tpu.memory_space<hbm>>
      %dma_wait3A_862 = tpu.memref_slice %arg11[%dma_wait3A_851] : memref<5x!tpu.dma_semaphore, #tpu.memory_space<semaphore_mem>> -> memref<1x!tpu.dma_semaphore, #tpu.memory_space<semaphore_mem>>
      %dma_wait3A_863 = tpu.memref_squeeze %dma_wait3A_862 : memref<1x!tpu.dma_semaphore, #tpu.memory_space<semaphore_mem>> -> memref<!tpu.dma_semaphore, #tpu.memory_space<semaphore_mem>>
      tpu.wait_indirect_dma semaphore(%dma_wait3A_863 : memref<!tpu.dma_semaphore, #tpu.memory_space<semaphore_mem>>) src(%dma_wait3A_861 : memref<10000x64xbf16, #tpu.memory_space<hbm>>) dst(%dma_wait3A_855 : memref<125x64xbf16, #tpu.memory_space<vmem>>)
      %dma_start3A_864 = arith.constant 3 : i32
      %dma_start3A_865 = arith.constant 3 : i32
      %dma_start3A_866 = arith.constant 0 : i32
      %dma_start3A_867 = arith.constant 0 : i32
      %dma_start3A_868 = tpu.memref_slice %arg9[%dma_start3A_864, %dma_start3A_866, %dma_start3A_867] : memref<5x125x64xbf16, #tpu.memory_space<vmem>> -> memref<1x125x64xbf16, #tpu.memory_space<vmem>>
      %dma_start3A_869 = tpu.memref_squeeze %dma_start3A_868 : memref<1x125x64xbf16, #tpu.memory_space<vmem>> -> memref<125x64xbf16, #tpu.memory_space<vmem>>
      %dma_start3A_870 = arith.constant 0 : i32
      %dma_start3A_871 = tpu.memref_slice %arg8[%add3A_849, %dma_start3A_870] : memref<85x125xi32, #tpu.memory_space<vmem>> -> memref<1x125xi32, #tpu.memory_space<vmem>>
      %dma_start3A_872 = tpu.memref_squeeze %dma_start3A_871 : memref<1x125xi32, #tpu.memory_space<vmem>> -> memref<125xi32, #tpu.memory_space<vmem>>
      %dma_start3A_873 = arith.constant 0 : i32
      %dma_start3A_874 = arith.constant 0 : i32
      %dma_start3A_875 = tpu.memref_slice %arg10[%dma_start3A_873, %dma_start3A_874] : memref<10000x64xbf16, #tpu.memory_space<vmem_shared>> -> memref<10000x64xbf16, #tpu.memory_space<vmem_shared>>
      %dma_start3A_876 = tpu.memref_slice %arg12[%dma_start3A_865] : memref<5x!tpu.dma_semaphore, #tpu.memory_space<semaphore_mem>> -> memref<1x!tpu.dma_semaphore, #tpu.memory_space<semaphore_mem>>
      %dma_start3A_877 = tpu.memref_squeeze %dma_start3A_876 : memref<1x!tpu.dma_semaphore, #tpu.memory_space<semaphore_mem>> -> memref<!tpu.dma_semaphore, #tpu.memory_space<semaphore_mem>>
      tpu.enqueue_indirect_dma source(%dma_start3A_869 : memref<125x64xbf16, #tpu.memory_space<vmem>>) target(%dma_start3A_875 : memref<10000x64xbf16, #tpu.memory_space<vmem_shared>>) offsets(%dma_start3A_872 : memref<125xi32, #tpu.memory_space<vmem>>) semaphore(%dma_start3A_877 : memref<!tpu.dma_semaphore, #tpu.memory_space<semaphore_mem>>) {add = true}
      %sub3A_878 = arith.constant 1 : i32
      %sub3A_879 = arith.subi %add3A_849, %sub3A_878 : i32
      %dma_wait3A_880 = arith.constant 2 : i32
      %dma_wait3A_881 = arith.constant 2 : i32
      %dma_wait3A_882 = arith.constant 0 : i32
      %dma_wait3A_883 = arith.constant 0 : i32
      %dma_wait3A_884 = tpu.memref_slice %arg9[%dma_wait3A_880, %dma_wait3A_882, %dma_wait3A_883] : memref<5x125x64xbf16, #tpu.memory_space<vmem>> -> memref<1x125x64xbf16, #tpu.memory_space<vmem>>
      %dma_wait3A_885 = tpu.memref_squeeze %dma_wait3A_884 : memref<1x125x64xbf16, #tpu.memory_space<vmem>> -> memref<125x64xbf16, #tpu.memory_space<vmem>>
      %dma_wait3A_886 = arith.constant 0 : i32
      %dma_wait3A_887 = tpu.memref_slice %arg8[%sub3A_879, %dma_wait3A_886] : memref<85x125xi32, #tpu.memory_space<vmem>> -> memref<1x125xi32, #tpu.memory_space<vmem>>
      %dma_wait3A_888 = tpu.memref_squeeze %dma_wait3A_887 : memref<1x125xi32, #tpu.memory_space<vmem>> -> memref<125xi32, #tpu.memory_space<vmem>>
      %dma_wait3A_889 = arith.constant 0 : i32
      %dma_wait3A_890 = arith.constant 0 : i32
      %dma_wait3A_891 = tpu.memref_slice %arg10[%dma_wait3A_889, %dma_wait3A_890] : memref<10000x64xbf16, #tpu.memory_space<vmem_shared>> -> memref<10000x64xbf16, #tpu.memory_space<vmem_shared>>
      %dma_wait3A_892 = tpu.memref_slice %arg12[%dma_wait3A_881] : memref<5x!tpu.dma_semaphore, #tpu.memory_space<semaphore_mem>> -> memref<1x!tpu.dma_semaphore, #tpu.memory_space<semaphore_mem>>
      %dma_wait3A_893 = tpu.memref_squeeze %dma_wait3A_892 : memref<1x!tpu.dma_semaphore, #tpu.memory_space<semaphore_mem>> -> memref<!tpu.dma_semaphore, #tpu.memory_space<semaphore_mem>>
      tpu.wait_indirect_dma semaphore(%dma_wait3A_893 : memref<!tpu.dma_semaphore, #tpu.memory_space<semaphore_mem>>) src(%dma_wait3A_885 : memref<125x64xbf16, #tpu.memory_space<vmem>>) dst(%dma_wait3A_891 : memref<10000x64xbf16, #tpu.memory_space<vmem_shared>>)
      %add3A_894 = arith.constant 5 : i32
      %add3A_895 = arith.addi %add3A_849, %add3A_894 : i32
      %sub3A_896 = arith.constant 1 : i32
      %sub3A_897 = arith.subi %add3A_895, %sub3A_896 : i32
      %dma_start3A_898 = arith.constant 2 : i32
      %dma_start3A_899 = arith.constant 2 : i32
      %dma_start3A_900 = arith.constant 0 : i32
      %dma_start3A_901 = arith.constant 0 : i32
      %dma_start3A_902 = tpu.memref_slice %arg9[%dma_start3A_898, %dma_start3A_900, %dma_start3A_901] : memref<5x125x64xbf16, #tpu.memory_space<vmem>> -> memref<1x125x64xbf16, #tpu.memory_space<vmem>>
      %dma_start3A_903 = tpu.memref_squeeze %dma_start3A_902 : memref<1x125x64xbf16, #tpu.memory_space<vmem>> -> memref<125x64xbf16, #tpu.memory_space<vmem>>
      %dma_start3A_904 = arith.constant 0 : i32
      %dma_start3A_905 = tpu.memref_slice %arg7[%sub3A_897, %dma_start3A_904] : memref<85x125xi32, #tpu.memory_space<vmem>> -> memref<1x125xi32, #tpu.memory_space<vmem>>
      %dma_start3A_906 = tpu.memref_squeeze %dma_start3A_905 : memref<1x125xi32, #tpu.memory_space<vmem>> -> memref<125xi32, #tpu.memory_space<vmem>>
      %dma_start3A_907 = arith.constant 0 : i32
      %dma_start3A_908 = arith.constant 0 : i32
      %dma_start3A_909 = tpu.memref_slice %arg2[%dma_start3A_907, %dma_start3A_908] : memref<10000x64xbf16, #tpu.memory_space<hbm>> -> memref<10000x64xbf16, #tpu.memory_space<hbm>>
      %dma_start3A_910 = tpu.memref_slice %arg11[%dma_start3A_899] : memref<5x!tpu.dma_semaphore, #tpu.memory_space<semaphore_mem>> -> memref<1x!tpu.dma_semaphore, #tpu.memory_space<semaphore_mem>>
      %dma_start3A_911 = tpu.memref_squeeze %dma_start3A_910 : memref<1x!tpu.dma_semaphore, #tpu.memory_space<semaphore_mem>> -> memref<!tpu.dma_semaphore, #tpu.memory_space<semaphore_mem>>
      tpu.enqueue_indirect_dma source(%dma_start3A_909 : memref<10000x64xbf16, #tpu.memory_space<hbm>>) target(%dma_start3A_903 : memref<125x64xbf16, #tpu.memory_space<vmem>>) offsets(%dma_start3A_906 : memref<125xi32, #tpu.memory_space<vmem>>) semaphore(%dma_start3A_911 : memref<!tpu.dma_semaphore, #tpu.memory_space<semaphore_mem>>)
      %add3A_912 = arith.constant 4 : i32
      %add3A_913 = arith.addi %mul3A_655, %add3A_912 : i32
      %dma_wait3A_914 = arith.constant 4 : i32
      %dma_wait3A_915 = arith.constant 4 : i32
      %dma_wait3A_916 = arith.constant 0 : i32
      %dma_wait3A_917 = arith.constant 0 : i32
      %dma_wait3A_918 = tpu.memref_slice %arg9[%dma_wait3A_914, %dma_wait3A_916, %dma_wait3A_917] : memref<5x125x64xbf16, #tpu.memory_space<vmem>> -> memref<1x125x64xbf16, #tpu.memory_space<vmem>>
      %dma_wait3A_919 = tpu.memref_squeeze %dma_wait3A_918 : memref<1x125x64xbf16, #tpu.memory_space<vmem>> -> memref<125x64xbf16, #tpu.memory_space<vmem>>
      %dma_wait3A_920 = arith.constant 0 : i32
      %dma_wait3A_921 = tpu.memref_slice %arg7[%add3A_913, %dma_wait3A_920] : memref<85x125xi32, #tpu.memory_space<vmem>> -> memref<1x125xi32, #tpu.memory_space<vmem>>
      %dma_wait3A_922 = tpu.memref_squeeze %dma_wait3A_921 : memref<1x125xi32, #tpu.memory_space<vmem>> -> memref<125xi32, #tpu.memory_space<vmem>>
      %dma_wait3A_923 = arith.constant 0 : i32
      %dma_wait3A_924 = arith.constant 0 : i32
      %dma_wait3A_925 = tpu.memref_slice %arg2[%dma_wait3A_923, %dma_wait3A_924] : memref<10000x64xbf16, #tpu.memory_space<hbm>> -> memref<10000x64xbf16, #tpu.memory_space<hbm>>
      %dma_wait3A_926 = tpu.memref_slice %arg11[%dma_wait3A_915] : memref<5x!tpu.dma_semaphore, #tpu.memory_space<semaphore_mem>> -> memref<1x!tpu.dma_semaphore, #tpu.memory_space<semaphore_mem>>
      %dma_wait3A_927 = tpu.memref_squeeze %dma_wait3A_926 : memref<1x!tpu.dma_semaphore, #tpu.memory_space<semaphore_mem>> -> memref<!tpu.dma_semaphore, #tpu.memory_space<semaphore_mem>>
      tpu.wait_indirect_dma semaphore(%dma_wait3A_927 : memref<!tpu.dma_semaphore, #tpu.memory_space<semaphore_mem>>) src(%dma_wait3A_925 : memref<10000x64xbf16, #tpu.memory_space<hbm>>) dst(%dma_wait3A_919 : memref<125x64xbf16, #tpu.memory_space<vmem>>)
      %dma_start3A_928 = arith.constant 4 : i32
      %dma_start3A_929 = arith.constant 4 : i32
      %dma_start3A_930 = arith.constant 0 : i32
      %dma_start3A_931 = arith.constant 0 : i32
      %dma_start3A_932 = tpu.memref_slice %arg9[%dma_start3A_928, %dma_start3A_930, %dma_start3A_931] : memref<5x125x64xbf16, #tpu.memory_space<vmem>> -> memref<1x125x64xbf16, #tpu.memory_space<vmem>>
      %dma_start3A_933 = tpu.memref_squeeze %dma_start3A_932 : memref<1x125x64xbf16, #tpu.memory_space<vmem>> -> memref<125x64xbf16, #tpu.memory_space<vmem>>
      %dma_start3A_934 = arith.constant 0 : i32
      %dma_start3A_935 = tpu.memref_slice %arg8[%add3A_913, %dma_start3A_934] : memref<85x125xi32, #tpu.memory_space<vmem>> -> memref<1x125xi32, #tpu.memory_space<vmem>>
      %dma_start3A_936 = tpu.memref_squeeze %dma_start3A_935 : memref<1x125xi32, #tpu.memory_space<vmem>> -> memref<125xi32, #tpu.memory_space<vmem>>
      %dma_start3A_937 = arith.constant 0 : i32
      %dma_start3A_938 = arith.constant 0 : i32
      %dma_start3A_939 = tpu.memref_slice %arg10[%dma_start3A_937, %dma_start3A_938] : memref<10000x64xbf16, #tpu.memory_space<vmem_shared>> -> memref<10000x64xbf16, #tpu.memory_space<vmem_shared>>
      %dma_start3A_940 = tpu.memref_slice %arg12[%dma_start3A_929] : memref<5x!tpu.dma_semaphore, #tpu.memory_space<semaphore_mem>> -> memref<1x!tpu.dma_semaphore, #tpu.memory_space<semaphore_mem>>
      %dma_start3A_941 = tpu.memref_squeeze %dma_start3A_940 : memref<1x!tpu.dma_semaphore, #tpu.memory_space<semaphore_mem>> -> memref<!tpu.dma_semaphore, #tpu.memory_space<semaphore_mem>>
      tpu.enqueue_indirect_dma source(%dma_start3A_933 : memref<125x64xbf16, #tpu.memory_space<vmem>>) target(%dma_start3A_939 : memref<10000x64xbf16, #tpu.memory_space<vmem_shared>>) offsets(%dma_start3A_936 : memref<125xi32, #tpu.memory_space<vmem>>) semaphore(%dma_start3A_941 : memref<!tpu.dma_semaphore, #tpu.memory_space<semaphore_mem>>) {add = true}
      %sub3A_942 = arith.constant 1 : i32
      %sub3A_943 = arith.subi %add3A_913, %sub3A_942 : i32
      %dma_wait3A_944 = arith.constant 3 : i32
      %dma_wait3A_945 = arith.constant 3 : i32
      %dma_wait3A_946 = arith.constant 0 : i32
      %dma_wait3A_947 = arith.constant 0 : i32
      %dma_wait3A_948 = tpu.memref_slice %arg9[%dma_wait3A_944, %dma_wait3A_946, %dma_wait3A_947] : memref<5x125x64xbf16, #tpu.memory_space<vmem>> -> memref<1x125x64xbf16, #tpu.memory_space<vmem>>
      %dma_wait3A_949 = tpu.memref_squeeze %dma_wait3A_948 : memref<1x125x64xbf16, #tpu.memory_space<vmem>> -> memref<125x64xbf16, #tpu.memory_space<vmem>>
      %dma_wait3A_950 = arith.constant 0 : i32
      %dma_wait3A_951 = tpu.memref_slice %arg8[%sub3A_943, %dma_wait3A_950] : memref<85x125xi32, #tpu.memory_space<vmem>> -> memref<1x125xi32, #tpu.memory_space<vmem>>
      %dma_wait3A_952 = tpu.memref_squeeze %dma_wait3A_951 : memref<1x125xi32, #tpu.memory_space<vmem>> -> memref<125xi32, #tpu.memory_space<vmem>>
      %dma_wait3A_953 = arith.constant 0 : i32
      %dma_wait3A_954 = arith.constant 0 : i32
      %dma_wait3A_955 = tpu.memref_slice %arg10[%dma_wait3A_953, %dma_wait3A_954] : memref<10000x64xbf16, #tpu.memory_space<vmem_shared>> -> memref<10000x64xbf16, #tpu.memory_space<vmem_shared>>
      %dma_wait3A_956 = tpu.memref_slice %arg12[%dma_wait3A_945] : memref<5x!tpu.dma_semaphore, #tpu.memory_space<semaphore_mem>> -> memref<1x!tpu.dma_semaphore, #tpu.memory_space<semaphore_mem>>
      %dma_wait3A_957 = tpu.memref_squeeze %dma_wait3A_956 : memref<1x!tpu.dma_semaphore, #tpu.memory_space<semaphore_mem>> -> memref<!tpu.dma_semaphore, #tpu.memory_space<semaphore_mem>>
      tpu.wait_indirect_dma semaphore(%dma_wait3A_957 : memref<!tpu.dma_semaphore, #tpu.memory_space<semaphore_mem>>) src(%dma_wait3A_949 : memref<125x64xbf16, #tpu.memory_space<vmem>>) dst(%dma_wait3A_955 : memref<10000x64xbf16, #tpu.memory_space<vmem_shared>>)
      %add3A_958 = arith.constant 5 : i32
      %add3A_959 = arith.addi %add3A_913, %add3A_958 : i32
      %sub3A_960 = arith.constant 1 : i32
      %sub3A_961 = arith.subi %add3A_959, %sub3A_960 : i32
      %dma_start3A_962 = arith.constant 3 : i32
      %dma_start3A_963 = arith.constant 3 : i32
      %dma_start3A_964 = arith.constant 0 : i32
      %dma_start3A_965 = arith.constant 0 : i32
      %dma_start3A_966 = tpu.memref_slice %arg9[%dma_start3A_962, %dma_start3A_964, %dma_start3A_965] : memref<5x125x64xbf16, #tpu.memory_space<vmem>> -> memref<1x125x64xbf16, #tpu.memory_space<vmem>>
      %dma_start3A_967 = tpu.memref_squeeze %dma_start3A_966 : memref<1x125x64xbf16, #tpu.memory_space<vmem>> -> memref<125x64xbf16, #tpu.memory_space<vmem>>
      %dma_start3A_968 = arith.constant 0 : i32
      %dma_start3A_969 = tpu.memref_slice %arg7[%sub3A_961, %dma_start3A_968] : memref<85x125xi32, #tpu.memory_space<vmem>> -> memref<1x125xi32, #tpu.memory_space<vmem>>
      %dma_start3A_970 = tpu.memref_squeeze %dma_start3A_969 : memref<1x125xi32, #tpu.memory_space<vmem>> -> memref<125xi32, #tpu.memory_space<vmem>>
      %dma_start3A_971 = arith.constant 0 : i32
      %dma_start3A_972 = arith.constant 0 : i32
      %dma_start3A_973 = tpu.memref_slice %arg2[%dma_start3A_971, %dma_start3A_972] : memref<10000x64xbf16, #tpu.memory_space<hbm>> -> memref<10000x64xbf16, #tpu.memory_space<hbm>>
      %dma_start3A_974 = tpu.memref_slice %arg11[%dma_start3A_963] : memref<5x!tpu.dma_semaphore, #tpu.memory_space<semaphore_mem>> -> memref<1x!tpu.dma_semaphore, #tpu.memory_space<semaphore_mem>>
      %dma_start3A_975 = tpu.memref_squeeze %dma_start3A_974 : memref<1x!tpu.dma_semaphore, #tpu.memory_space<semaphore_mem>> -> memref<!tpu.dma_semaphore, #tpu.memory_space<semaphore_mem>>
      tpu.enqueue_indirect_dma source(%dma_start3A_973 : memref<10000x64xbf16, #tpu.memory_space<hbm>>) target(%dma_start3A_967 : memref<125x64xbf16, #tpu.memory_space<vmem>>) offsets(%dma_start3A_970 : memref<125xi32, #tpu.memory_space<vmem>>) semaphore(%dma_start3A_975 : memref<!tpu.dma_semaphore, #tpu.memory_space<semaphore_mem>>)
    }
    %while3A_382 = arith.constant 1 : i32
    scf.for %while3A_653 = %while3A_380 to %while3A_376 step %while3A_382  : i32 {
      %mul3A_654 = arith.constant 5 : i32
      %mul3A_655 = arith.muli %while3A_653, %mul3A_654 : i32
      %add3A_656 = arith.constant 0 : i32
      %add3A_657 = arith.addi %mul3A_655, %add3A_656 : i32
      %dma_wait3A_658 = arith.constant 0 : i32
      %dma_wait3A_659 = arith.constant 0 : i32
      %dma_wait3A_660 = arith.constant 0 : i32
      %dma_wait3A_661 = arith.constant 0 : i32
      %dma_wait3A_662 = tpu.memref_slice %arg9[%dma_wait3A_658, %dma_wait3A_660, %dma_wait3A_661] : memref<5x125x64xbf16, #tpu.memory_space<vmem>> -> memref<1x125x64xbf16, #tpu.memory_space<vmem>>
      %dma_wait3A_663 = tpu.memref_squeeze %dma_wait3A_662 : memref<1x125x64xbf16, #tpu.memory_space<vmem>> -> memref<125x64xbf16, #tpu.memory_space<vmem>>
      %dma_wait3A_664 = arith.constant 0 : i32
      %dma_wait3A_665 = tpu.memref_slice %arg7[%add3A_657, %dma_wait3A_664] : memref<85x125xi32, #tpu.memory_space<vmem>> -> memref<1x125xi32, #tpu.memory_space<vmem>>
      %dma_wait3A_666 = tpu.memref_squeeze %dma_wait3A_665 : memref<1x125xi32, #tpu.memory_space<vmem>> -> memref<125xi32, #tpu.memory_space<vmem>>
      %dma_wait3A_667 = arith.constant 0 : i32
      %dma_wait3A_668 = arith.constant 0 : i32
      %dma_wait3A_669 = tpu.memref_slice %arg2[%dma_wait3A_667, %dma_wait3A_668] : memref<10000x64xbf16, #tpu.memory_space<hbm>> -> memref<10000x64xbf16, #tpu.memory_space<hbm>>
      %dma_wait3A_670 = tpu.memref_slice %arg11[%dma_wait3A_659] : memref<5x!tpu.dma_semaphore, #tpu.memory_space<semaphore_mem>> -> memref<1x!tpu.dma_semaphore, #tpu.memory_space<semaphore_mem>>
      %dma_wait3A_671 = tpu.memref_squeeze %dma_wait3A_670 : memref<1x!tpu.dma_semaphore, #tpu.memory_space<semaphore_mem>> -> memref<!tpu.dma_semaphore, #tpu.memory_space<semaphore_mem>>
      tpu.wait_indirect_dma semaphore(%dma_wait3A_671 : memref<!tpu.dma_semaphore, #tpu.memory_space<semaphore_mem>>) src(%dma_wait3A_669 : memref<10000x64xbf16, #tpu.memory_space<hbm>>) dst(%dma_wait3A_663 : memref<125x64xbf16, #tpu.memory_space<vmem>>)
      %dma_start3A_672 = arith.constant 0 : i32
      %dma_start3A_673 = arith.constant 0 : i32
      %dma_start3A_674 = arith.constant 0 : i32
      %dma_start3A_675 = arith.constant 0 : i32
      %dma_start3A_676 = tpu.memref_slice %arg9[%dma_start3A_672, %dma_start3A_674, %dma_start3A_675] : memref<5x125x64xbf16, #tpu.memory_space<vmem>> -> memref<1x125x64xbf16, #tpu.memory_space<vmem>>
      %dma_start3A_677 = tpu.memref_squeeze %dma_start3A_676 : memref<1x125x64xbf16, #tpu.memory_space<vmem>> -> memref<125x64xbf16, #tpu.memory_space<vmem>>
      %dma_start3A_678 = arith.constant 0 : i32
      %dma_start3A_679 = tpu.memref_slice %arg8[%add3A_657, %dma_start3A_678] : memref<85x125xi32, #tpu.memory_space<vmem>> -> memref<1x125xi32, #tpu.memory_space<vmem>>
      %dma_start3A_680 = tpu.memref_squeeze %dma_start3A_679 : memref<1x125xi32, #tpu.memory_space<vmem>> -> memref<125xi32, #tpu.memory_space<vmem>>
      %dma_start3A_681 = arith.constant 0 : i32
      %dma_start3A_682 = arith.constant 0 : i32
      %dma_start3A_683 = tpu.memref_slice %arg10[%dma_start3A_681, %dma_start3A_682] : memref<10000x64xbf16, #tpu.memory_space<vmem_shared>> -> memref<10000x64xbf16, #tpu.memory_space<vmem_shared>>
      %dma_start3A_684 = tpu.memref_slice %arg12[%dma_start3A_673] : memref<5x!tpu.dma_semaphore, #tpu.memory_space<semaphore_mem>> -> memref<1x!tpu.dma_semaphore, #tpu.memory_space<semaphore_mem>>
      %dma_start3A_685 = tpu.memref_squeeze %dma_start3A_684 : memref<1x!tpu.dma_semaphore, #tpu.memory_space<semaphore_mem>> -> memref<!tpu.dma_semaphore, #tpu.memory_space<semaphore_mem>>
      tpu.enqueue_indirect_dma source(%dma_start3A_677 : memref<125x64xbf16, #tpu.memory_space<vmem>>) target(%dma_start3A_683 : memref<10000x64xbf16, #tpu.memory_space<vmem_shared>>) offsets(%dma_start3A_680 : memref<125xi32, #tpu.memory_space<vmem>>) semaphore(%dma_start3A_685 : memref<!tpu.dma_semaphore, #tpu.memory_space<semaphore_mem>>) {add = true}
      %sub3A_686 = arith.constant 1 : i32
      %sub3A_687 = arith.subi %add3A_657, %sub3A_686 : i32
      %dma_wait3A_688 = arith.constant 4 : i32
      %dma_wait3A_689 = arith.constant 4 : i32
      %dma_wait3A_690 = arith.constant 0 : i32
      %dma_wait3A_691 = arith.constant 0 : i32
      %dma_wait3A_692 = tpu.memref_slice %arg9[%dma_wait3A_688, %dma_wait3A_690, %dma_wait3A_691] : memref<5x125x64xbf16, #tpu.memory_space<vmem>> -> memref<1x125x64xbf16, #tpu.memory_space<vmem>>
      %dma_wait3A_693 = tpu.memref_squeeze %dma_wait3A_692 : memref<1x125x64xbf16, #tpu.memory_space<vmem>> -> memref<125x64xbf16, #tpu.memory_space<vmem>>
      %dma_wait3A_694 = arith.constant 0 : i32
      %dma_wait3A_695 = tpu.memref_slice %arg8[%sub3A_687, %dma_wait3A_694] : memref<85x125xi32, #tpu.memory_space<vmem>> -> memref<1x125xi32, #tpu.memory_space<vmem>>
      %dma_wait3A_696 = tpu.memref_squeeze %dma_wait3A_695 : memref<1x125xi32, #tpu.memory_space<vmem>> -> memref<125xi32, #tpu.memory_space<vmem>>
      %dma_wait3A_697 = arith.constant 0 : i32
      %dma_wait3A_698 = arith.constant 0 : i32
      %dma_wait3A_699 = tpu.memref_slice %arg10[%dma_wait3A_697, %dma_wait3A_698] : memref<10000x64xbf16, #tpu.memory_space<vmem_shared>> -> memref<10000x64xbf16, #tpu.memory_space<vmem_shared>>
      %dma_wait3A_700 = tpu.memref_slice %arg12[%dma_wait3A_689] : memref<5x!tpu.dma_semaphore, #tpu.memory_space<semaphore_mem>> -> memref<1x!tpu.dma_semaphore, #tpu.memory_space<semaphore_mem>>
      %dma_wait3A_701 = tpu.memref_squeeze %dma_wait3A_700 : memref<1x!tpu.dma_semaphore, #tpu.memory_space<semaphore_mem>> -> memref<!tpu.dma_semaphore, #tpu.memory_space<semaphore_mem>>
      tpu.wait_indirect_dma semaphore(%dma_wait3A_701 : memref<!tpu.dma_semaphore, #tpu.memory_space<semaphore_mem>>) src(%dma_wait3A_693 : memref<125x64xbf16, #tpu.memory_space<vmem>>) dst(%dma_wait3A_699 : memref<10000x64xbf16, #tpu.memory_space<vmem_shared>>)
      %add3A_702 = arith.constant 5 : i32
      %add3A_703 = arith.addi %add3A_657, %add3A_702 : i32
      %sub3A_704 = arith.constant 1 : i32
      %sub3A_705 = arith.subi %add3A_703, %sub3A_704 : i32
      %dma_start3A_706 = arith.constant 4 : i32
      %dma_start3A_707 = arith.constant 4 : i32
      %dma_start3A_708 = arith.constant 0 : i32
      %dma_start3A_709 = arith.constant 0 : i32
      %dma_start3A_710 = tpu.memref_slice %arg9[%dma_start3A_706, %dma_start3A_708, %dma_start3A_709] : memref<5x125x64xbf16, #tpu.memory_space<vmem>> -> memref<1x125x64xbf16, #tpu.memory_space<vmem>>
      %dma_start3A_711 = tpu.memref_squeeze %dma_start3A_710 : memref<1x125x64xbf16, #tpu.memory_space<vmem>> -> memref<125x64xbf16, #tpu.memory_space<vmem>>
      %dma_start3A_712 = arith.constant 0 : i32
      %dma_start3A_713 = tpu.memref_slice %arg7[%sub3A_705, %dma_start3A_712] : memref<85x125xi32, #tpu.memory_space<vmem>> -> memref<1x125xi32, #tpu.memory_space<vmem>>
      %dma_start3A_714 = tpu.memref_squeeze %dma_start3A_713 : memref<1x125xi32, #tpu.memory_space<vmem>> -> memref<125xi32, #tpu.memory_space<vmem>>
      %dma_start3A_715 = arith.constant 0 : i32
      %dma_start3A_716 = arith.constant 0 : i32
      %dma_start3A_717 = tpu.memref_slice %arg2[%dma_start3A_715, %dma_start3A_716] : memref<10000x64xbf16, #tpu.memory_space<hbm>> -> memref<10000x64xbf16, #tpu.memory_space<hbm>>
      %dma_start3A_718 = tpu.memref_slice %arg11[%dma_start3A_707] : memref<5x!tpu.dma_semaphore, #tpu.memory_space<semaphore_mem>> -> memref<1x!tpu.dma_semaphore, #tpu.memory_space<semaphore_mem>>
      %dma_start3A_719 = tpu.memref_squeeze %dma_start3A_718 : memref<1x!tpu.dma_semaphore, #tpu.memory_space<semaphore_mem>> -> memref<!tpu.dma_semaphore, #tpu.memory_space<semaphore_mem>>
      tpu.enqueue_indirect_dma source(%dma_start3A_717 : memref<10000x64xbf16, #tpu.memory_space<hbm>>) target(%dma_start3A_711 : memref<125x64xbf16, #tpu.memory_space<vmem>>) offsets(%dma_start3A_714 : memref<125xi32, #tpu.memory_space<vmem>>) semaphore(%dma_start3A_719 : memref<!tpu.dma_semaphore, #tpu.memory_space<semaphore_mem>>)
      %add3A_720 = arith.constant 1 : i32
      %add3A_721 = arith.addi %mul3A_655, %add3A_720 : i32
      %dma_wait3A_722 = arith.constant 1 : i32
      %dma_wait3A_723 = arith.constant 1 : i32
      %dma_wait3A_724 = arith.constant 0 : i32
      %dma_wait3A_725 = arith.constant 0 : i32
      %dma_wait3A_726 = tpu.memref_slice %arg9[%dma_wait3A_722, %dma_wait3A_724, %dma_wait3A_725] : memref<5x125x64xbf16, #tpu.memory_space<vmem>> -> memref<1x125x64xbf16, #tpu.memory_space<vmem>>
      %dma_wait3A_727 = tpu.memref_squeeze %dma_wait3A_726 : memref<1x125x64xbf16, #tpu.memory_space<vmem>> -> memref<125x64xbf16, #tpu.memory_space<vmem>>
      %dma_wait3A_728 = arith.constant 0 : i32
      %dma_wait3A_729 = tpu.memref_slice %arg7[%add3A_721, %dma_wait3A_728] : memref<85x125xi32, #tpu.memory_space<vmem>> -> memref<1x125xi32, #tpu.memory_space<vmem>>
      %dma_wait3A_730 = tpu.memref_squeeze %dma_wait3A_729 : memref<1x125xi32, #tpu.memory_space<vmem>> -> memref<125xi32, #tpu.memory_space<vmem>>
      %dma_wait3A_731 = arith.constant 0 : i32
      %dma_wait3A_732 = arith.constant 0 : i32
      %dma_wait3A_733 = tpu.memref_slice %arg2[%dma_wait3A_731, %dma_wait3A_732] : memref<10000x64xbf16, #tpu.memory_space<hbm>> -> memref<10000x64xbf16, #tpu.memory_space<hbm>>
      %dma_wait3A_734 = tpu.memref_slice %arg11[%dma_wait3A_723] : memref<5x!tpu.dma_semaphore, #tpu.memory_space<semaphore_mem>> -> memref<1x!tpu.dma_semaphore, #tpu.memory_space<semaphore_mem>>
      %dma_wait3A_735 = tpu.memref_squeeze %dma_wait3A_734 : memref<1x!tpu.dma_semaphore, #tpu.memory_space<semaphore_mem>> -> memref<!tpu.dma_semaphore, #tpu.memory_space<semaphore_mem>>
      tpu.wait_indirect_dma semaphore(%dma_wait3A_735 : memref<!tpu.dma_semaphore, #tpu.memory_space<semaphore_mem>>) src(%dma_wait3A_733 : memref<10000x64xbf16, #tpu.memory_space<hbm>>) dst(%dma_wait3A_727 : memref<125x64xbf16, #tpu.memory_space<vmem>>)
      %dma_start3A_736 = arith.constant 1 : i32
      %dma_start3A_737 = arith.constant 1 : i32
      %dma_start3A_738 = arith.constant 0 : i32
      %dma_start3A_739 = arith.constant 0 : i32
      %dma_start3A_740 = tpu.memref_slice %arg9[%dma_start3A_736, %dma_start3A_738, %dma_start3A_739] : memref<5x125x64xbf16, #tpu.memory_space<vmem>> -> memref<1x125x64xbf16, #tpu.memory_space<vmem>>
      %dma_start3A_741 = tpu.memref_squeeze %dma_start3A_740 : memref<1x125x64xbf16, #tpu.memory_space<vmem>> -> memref<125x64xbf16, #tpu.memory_space<vmem>>
      %dma_start3A_742 = arith.constant 0 : i32
      %dma_start3A_743 = tpu.memref_slice %arg8[%add3A_721, %dma_start3A_742] : memref<85x125xi32, #tpu.memory_space<vmem>> -> memref<1x125xi32, #tpu.memory_space<vmem>>
      %dma_start3A_744 = tpu.memref_squeeze %dma_start3A_743 : memref<1x125xi32, #tpu.memory_space<vmem>> -> memref<125xi32, #tpu.memory_space<vmem>>
      %dma_start3A_745 = arith.constant 0 : i32
      %dma_start3A_746 = arith.constant 0 : i32
      %dma_start3A_747 = tpu.memref_slice %arg10[%dma_start3A_745, %dma_start3A_746] : memref<10000x64xbf16, #tpu.memory_space<vmem_shared>> -> memref<10000x64xbf16, #tpu.memory_space<vmem_shared>>
      %dma_start3A_748 = tpu.memref_slice %arg12[%dma_start3A_737] : memref<5x!tpu.dma_semaphore, #tpu.memory_space<semaphore_mem>> -> memref<1x!tpu.dma_semaphore, #tpu.memory_space<semaphore_mem>>
      %dma_start3A_749 = tpu.memref_squeeze %dma_start3A_748 : memref<1x!tpu.dma_semaphore, #tpu.memory_space<semaphore_mem>> -> memref<!tpu.dma_semaphore, #tpu.memory_space<semaphore_mem>>
      tpu.enqueue_indirect_dma source(%dma_start3A_741 : memref<125x64xbf16, #tpu.memory_space<vmem>>) target(%dma_start3A_747 : memref<10000x64xbf16, #tpu.memory_space<vmem_shared>>) offsets(%dma_start3A_744 : memref<125xi32, #tpu.memory_space<vmem>>) semaphore(%dma_start3A_749 : memref<!tpu.dma_semaphore, #tpu.memory_space<semaphore_mem>>) {add = true}
      %sub3A_750 = arith.constant 1 : i32
      %sub3A_751 = arith.subi %add3A_721, %sub3A_750 : i32
      %dma_wait3A_752 = arith.constant 0 : i32
      %dma_wait3A_753 = arith.constant 0 : i32
      %dma_wait3A_754 = arith.constant 0 : i32
      %dma_wait3A_755 = arith.constant 0 : i32
      %dma_wait3A_756 = tpu.memref_slice %arg9[%dma_wait3A_752, %dma_wait3A_754, %dma_wait3A_755] : memref<5x125x64xbf16, #tpu.memory_space<vmem>> -> memref<1x125x64xbf16, #tpu.memory_space<vmem>>
      %dma_wait3A_757 = tpu.memref_squeeze %dma_wait3A_756 : memref<1x125x64xbf16, #tpu.memory_space<vmem>> -> memref<125x64xbf16, #tpu.memory_space<vmem>>
      %dma_wait3A_758 = arith.constant 0 : i32
      %dma_wait3A_759 = tpu.memref_slice %arg8[%sub3A_751, %dma_wait3A_758] : memref<85x125xi32, #tpu.memory_space<vmem>> -> memref<1x125xi32, #tpu.memory_space<vmem>>
      %dma_wait3A_760 = tpu.memref_squeeze %dma_wait3A_759 : memref<1x125xi32, #tpu.memory_space<vmem>> -> memref<125xi32, #tpu.memory_space<vmem>>
      %dma_wait3A_761 = arith.constant 0 : i32
      %dma_wait3A_762 = arith.constant 0 : i32
      %dma_wait3A_763 = tpu.memref_slice %arg10[%dma_wait3A_761, %dma_wait3A_762] : memref<10000x64xbf16, #tpu.memory_space<vmem_shared>> -> memref<10000x64xbf16, #tpu.memory_space<vmem_shared>>
      %dma_wait3A_764 = tpu.memref_slice %arg12[%dma_wait3A_753] : memref<5x!tpu.dma_semaphore, #tpu.memory_space<semaphore_mem>> -> memref<1x!tpu.dma_semaphore, #tpu.memory_space<semaphore_mem>>
      %dma_wait3A_765 = tpu.memref_squeeze %dma_wait3A_764 : memref<1x!tpu.dma_semaphore, #tpu.memory_space<semaphore_mem>> -> memref<!tpu.dma_semaphore, #tpu.memory_space<semaphore_mem>>
      tpu.wait_indirect_dma semaphore(%dma_wait3A_765 : memref<!tpu.dma_semaphore, #tpu.memory_space<semaphore_mem>>) src(%dma_wait3A_757 : memref<125x64xbf16, #tpu.memory_space<vmem>>) dst(%dma_wait3A_763 : memref<10000x64xbf16, #tpu.memory_space<vmem_shared>>)
      %add3A_766 = arith.constant 5 : i32
      %add3A_767 = arith.addi %add3A_721, %add3A_766 : i32
      %sub3A_768 = arith.constant 1 : i32
      %sub3A_769 = arith.subi %add3A_767, %sub3A_768 : i32
      %dma_start3A_770 = arith.constant 0 : i32
      %dma_start3A_771 = arith.constant 0 : i32
      %dma_start3A_772 = arith.constant 0 : i32
      %dma_start3A_773 = arith.constant 0 : i32
      %dma_start3A_774 = tpu.memref_slice %arg9[%dma_start3A_770, %dma_start3A_772, %dma_start3A_773] : memref<5x125x64xbf16, #tpu.memory_space<vmem>> -> memref<1x125x64xbf16, #tpu.memory_space<vmem>>
      %dma_start3A_775 = tpu.memref_squeeze %dma_start3A_774 : memref<1x125x64xbf16, #tpu.memory_space<vmem>> -> memref<125x64xbf16, #tpu.memory_space<vmem>>
      %dma_start3A_776 = arith.constant 0 : i32
      %dma_start3A_777 = tpu.memref_slice %arg7[%sub3A_769, %dma_start3A_776] : memref<85x125xi32, #tpu.memory_space<vmem>> -> memref<1x125xi32, #tpu.memory_space<vmem>>
      %dma_start3A_778 = tpu.memref_squeeze %dma_start3A_777 : memref<1x125xi32, #tpu.memory_space<vmem>> -> memref<125xi32, #tpu.memory_space<vmem>>
      %dma_start3A_779 = arith.constant 0 : i32
      %dma_start3A_780 = arith.constant 0 : i32
      %dma_start3A_781 = tpu.memref_slice %arg2[%dma_start3A_779, %dma_start3A_780] : memref<10000x64xbf16, #tpu.memory_space<hbm>> -> memref<10000x64xbf16, #tpu.memory_space<hbm>>
      %dma_start3A_782 = tpu.memref_slice %arg11[%dma_start3A_771] : memref<5x!tpu.dma_semaphore, #tpu.memory_space<semaphore_mem>> -> memref<1x!tpu.dma_semaphore, #tpu.memory_space<semaphore_mem>>
      %dma_start3A_783 = tpu.memref_squeeze %dma_start3A_782 : memref<1x!tpu.dma_semaphore, #tpu.memory_space<semaphore_mem>> -> memref<!tpu.dma_semaphore, #tpu.memory_space<semaphore_mem>>
      tpu.enqueue_indirect_dma source(%dma_start3A_781 : memref<10000x64xbf16, #tpu.memory_space<hbm>>) target(%dma_start3A_775 : memref<125x64xbf16, #tpu.memory_space<vmem>>) offsets(%dma_start3A_778 : memref<125xi32, #tpu.memory_space<vmem>>) semaphore(%dma_start3A_783 : memref<!tpu.dma_semaphore, #tpu.memory_space<semaphore_mem>>)
      %add3A_784 = arith.constant 2 : i32
      %add3A_785 = arith.addi %mul3A_655, %add3A_784 : i32
      %dma_wait3A_786 = arith.constant 2 : i32
      %dma_wait3A_787 = arith.constant 2 : i32
      %dma_wait3A_788 = arith.constant 0 : i32
      %dma_wait3A_789 = arith.constant 0 : i32
      %dma_wait3A_790 = tpu.memref_slice %arg9[%dma_wait3A_786, %dma_wait3A_788, %dma_wait3A_789] : memref<5x125x64xbf16, #tpu.memory_space<vmem>> -> memref<1x125x64xbf16, #tpu.memory_space<vmem>>
      %dma_wait3A_791 = tpu.memref_squeeze %dma_wait3A_790 : memref<1x125x64xbf16, #tpu.memory_space<vmem>> -> memref<125x64xbf16, #tpu.memory_space<vmem>>
      %dma_wait3A_792 = arith.constant 0 : i32
      %dma_wait3A_793 = tpu.memref_slice %arg7[%add3A_785, %dma_wait3A_792] : memref<85x125xi32, #tpu.memory_space<vmem>> -> memref<1x125xi32, #tpu.memory_space<vmem>>
      %dma_wait3A_794 = tpu.memref_squeeze %dma_wait3A_793 : memref<1x125xi32, #tpu.memory_space<vmem>> -> memref<125xi32, #tpu.memory_space<vmem>>
      %dma_wait3A_795 = arith.constant 0 : i32
      %dma_wait3A_796 = arith.constant 0 : i32
      %dma_wait3A_797 = tpu.memref_slice %arg2[%dma_wait3A_795, %dma_wait3A_796] : memref<10000x64xbf16, #tpu.memory_space<hbm>> -> memref<10000x64xbf16, #tpu.memory_space<hbm>>
      %dma_wait3A_798 = tpu.memref_slice %arg11[%dma_wait3A_787] : memref<5x!tpu.dma_semaphore, #tpu.memory_space<semaphore_mem>> -> memref<1x!tpu.dma_semaphore, #tpu.memory_space<semaphore_mem>>
      %dma_wait3A_799 = tpu.memref_squeeze %dma_wait3A_798 : memref<1x!tpu.dma_semaphore, #tpu.memory_space<semaphore_mem>> -> memref<!tpu.dma_semaphore, #tpu.memory_space<semaphore_mem>>
      tpu.wait_indirect_dma semaphore(%dma_wait3A_799 : memref<!tpu.dma_semaphore, #tpu.memory_space<semaphore_mem>>) src(%dma_wait3A_797 : memref<10000x64xbf16, #tpu.memory_space<hbm>>) dst(%dma_wait3A_791 : memref<125x64xbf16, #tpu.memory_space<vmem>>)
      %dma_start3A_800 = arith.constant 2 : i32
      %dma_start3A_801 = arith.constant 2 : i32
      %dma_start3A_802 = arith.constant 0 : i32
      %dma_start3A_803 = arith.constant 0 : i32
      %dma_start3A_804 = tpu.memref_slice %arg9[%dma_start3A_800, %dma_start3A_802, %dma_start3A_803] : memref<5x125x64xbf16, #tpu.memory_space<vmem>> -> memref<1x125x64xbf16, #tpu.memory_space<vmem>>
      %dma_start3A_805 = tpu.memref_squeeze %dma_start3A_804 : memref<1x125x64xbf16, #tpu.memory_space<vmem>> -> memref<125x64xbf16, #tpu.memory_space<vmem>>
      %dma_start3A_806 = arith.constant 0 : i32
      %dma_start3A_807 = tpu.memref_slice %arg8[%add3A_785, %dma_start3A_806] : memref<85x125xi32, #tpu.memory_space<vmem>> -> memref<1x125xi32, #tpu.memory_space<vmem>>
      %dma_start3A_808 = tpu.memref_squeeze %dma_start3A_807 : memref<1x125xi32, #tpu.memory_space<vmem>> -> memref<125xi32, #tpu.memory_space<vmem>>
      %dma_start3A_809 = arith.constant 0 : i32
      %dma_start3A_810 = arith.constant 0 : i32
      %dma_start3A_811 = tpu.memref_slice %arg10[%dma_start3A_809, %dma_start3A_810] : memref<10000x64xbf16, #tpu.memory_space<vmem_shared>> -> memref<10000x64xbf16, #tpu.memory_space<vmem_shared>>
      %dma_start3A_812 = tpu.memref_slice %arg12[%dma_start3A_801] : memref<5x!tpu.dma_semaphore, #tpu.memory_space<semaphore_mem>> -> memref<1x!tpu.dma_semaphore, #tpu.memory_space<semaphore_mem>>
      %dma_start3A_813 = tpu.memref_squeeze %dma_start3A_812 : memref<1x!tpu.dma_semaphore, #tpu.memory_space<semaphore_mem>> -> memref<!tpu.dma_semaphore, #tpu.memory_space<semaphore_mem>>
      tpu.enqueue_indirect_dma source(%dma_start3A_805 : memref<125x64xbf16, #tpu.memory_space<vmem>>) target(%dma_start3A_811 : memref<10000x64xbf16, #tpu.memory_space<vmem_shared>>) offsets(%dma_start3A_808 : memref<125xi32, #tpu.memory_space<vmem>>) semaphore(%dma_start3A_813 : memref<!tpu.dma_semaphore, #tpu.memory_space<semaphore_mem>>) {add = true}
      %sub3A_814 = arith.constant 1 : i32
      %sub3A_815 = arith.subi %add3A_785, %sub3A_814 : i32
      %dma_wait3A_816 = arith.constant 1 : i32
      %dma_wait3A_817 = arith.constant 1 : i32
      %dma_wait3A_818 = arith.constant 0 : i32
      %dma_wait3A_819 = arith.constant 0 : i32
      %dma_wait3A_820 = tpu.memref_slice %arg9[%dma_wait3A_816, %dma_wait3A_818, %dma_wait3A_819] : memref<5x125x64xbf16, #tpu.memory_space<vmem>> -> memref<1x125x64xbf16, #tpu.memory_space<vmem>>
      %dma_wait3A_821 = tpu.memref_squeeze %dma_wait3A_820 : memref<1x125x64xbf16, #tpu.memory_space<vmem>> -> memref<125x64xbf16, #tpu.memory_space<vmem>>
      %dma_wait3A_822 = arith.constant 0 : i32
      %dma_wait3A_823 = tpu.memref_slice %arg8[%sub3A_815, %dma_wait3A_822] : memref<85x125xi32, #tpu.memory_space<vmem>> -> memref<1x125xi32, #tpu.memory_space<vmem>>
      %dma_wait3A_824 = tpu.memref_squeeze %dma_wait3A_823 : memref<1x125xi32, #tpu.memory_space<vmem>> -> memref<125xi32, #tpu.memory_space<vmem>>
      %dma_wait3A_825 = arith.constant 0 : i32
      %dma_wait3A_826 = arith.constant 0 : i32
      %dma_wait3A_827 = tpu.memref_slice %arg10[%dma_wait3A_825, %dma_wait3A_826] : memref<10000x64xbf16, #tpu.memory_space<vmem_shared>> -> memref<10000x64xbf16, #tpu.memory_space<vmem_shared>>
      %dma_wait3A_828 = tpu.memref_slice %arg12[%dma_wait3A_817] : memref<5x!tpu.dma_semaphore, #tpu.memory_space<semaphore_mem>> -> memref<1x!tpu.dma_semaphore, #tpu.memory_space<semaphore_mem>>
      %dma_wait3A_829 = tpu.memref_squeeze %dma_wait3A_828 : memref<1x!tpu.dma_semaphore, #tpu.memory_space<semaphore_mem>> -> memref<!tpu.dma_semaphore, #tpu.memory_space<semaphore_mem>>
      tpu.wait_indirect_dma semaphore(%dma_wait3A_829 : memref<!tpu.dma_semaphore, #tpu.memory_space<semaphore_mem>>) src(%dma_wait3A_821 : memref<125x64xbf16, #tpu.memory_space<vmem>>) dst(%dma_wait3A_827 : memref<10000x64xbf16, #tpu.memory_space<vmem_shared>>)
      %add3A_830 = arith.constant 5 : i32
      %add3A_831 = arith.addi %add3A_785, %add3A_830 : i32
      %sub3A_832 = arith.constant 1 : i32
      %sub3A_833 = arith.subi %add3A_831, %sub3A_832 : i32
      %dma_start3A_834 = arith.constant 1 : i32
      %dma_start3A_835 = arith.constant 1 : i32
      %dma_start3A_836 = arith.constant 0 : i32
      %dma_start3A_837 = arith.constant 0 : i32
      %dma_start3A_838 = tpu.memref_slice %arg9[%dma_start3A_834, %dma_start3A_836, %dma_start3A_837] : memref<5x125x64xbf16, #tpu.memory_space<vmem>> -> memref<1x125x64xbf16, #tpu.memory_space<vmem>>
      %dma_start3A_839 = tpu.memref_squeeze %dma_start3A_838 : memref<1x125x64xbf16, #tpu.memory_space<vmem>> -> memref<125x64xbf16, #tpu.memory_space<vmem>>
      %dma_start3A_840 = arith.constant 0 : i32
      %dma_start3A_841 = tpu.memref_slice %arg7[%sub3A_833, %dma_start3A_840] : memref<85x125xi32, #tpu.memory_space<vmem>> -> memref<1x125xi32, #tpu.memory_space<vmem>>
      %dma_start3A_842 = tpu.memref_squeeze %dma_start3A_841 : memref<1x125xi32, #tpu.memory_space<vmem>> -> memref<125xi32, #tpu.memory_space<vmem>>
      %dma_start3A_843 = arith.constant 0 : i32
      %dma_start3A_844 = arith.constant 0 : i32
      %dma_start3A_845 = tpu.memref_slice %arg2[%dma_start3A_843, %dma_start3A_844] : memref<10000x64xbf16, #tpu.memory_space<hbm>> -> memref<10000x64xbf16, #tpu.memory_space<hbm>>
      %dma_start3A_846 = tpu.memref_slice %arg11[%dma_start3A_835] : memref<5x!tpu.dma_semaphore, #tpu.memory_space<semaphore_mem>> -> memref<1x!tpu.dma_semaphore, #tpu.memory_space<semaphore_mem>>
      %dma_start3A_847 = tpu.memref_squeeze %dma_start3A_846 : memref<1x!tpu.dma_semaphore, #tpu.memory_space<semaphore_mem>> -> memref<!tpu.dma_semaphore, #tpu.memory_space<semaphore_mem>>
      tpu.enqueue_indirect_dma source(%dma_start3A_845 : memref<10000x64xbf16, #tpu.memory_space<hbm>>) target(%dma_start3A_839 : memref<125x64xbf16, #tpu.memory_space<vmem>>) offsets(%dma_start3A_842 : memref<125xi32, #tpu.memory_space<vmem>>) semaphore(%dma_start3A_847 : memref<!tpu.dma_semaphore, #tpu.memory_space<semaphore_mem>>)
      %add3A_848 = arith.constant 3 : i32
      %add3A_849 = arith.addi %mul3A_655, %add3A_848 : i32
      %dma_wait3A_850 = arith.constant 3 : i32
      %dma_wait3A_851 = arith.constant 3 : i32
      %dma_wait3A_852 = arith.constant 0 : i32
      %dma_wait3A_853 = arith.constant 0 : i32
      %dma_wait3A_854 = tpu.memref_slice %arg9[%dma_wait3A_850, %dma_wait3A_852, %dma_wait3A_853] : memref<5x125x64xbf16, #tpu.memory_space<vmem>> -> memref<1x125x64xbf16, #tpu.memory_space<vmem>>
      %dma_wait3A_855 = tpu.memref_squeeze %dma_wait3A_854 : memref<1x125x64xbf16, #tpu.memory_space<vmem>> -> memref<125x64xbf16, #tpu.memory_space<vmem>>
      %dma_wait3A_856 = arith.constant 0 : i32
      %dma_wait3A_857 = tpu.memref_slice %arg7[%add3A_849, %dma_wait3A_856] : memref<85x125xi32, #tpu.memory_space<vmem>> -> memref<1x125xi32, #tpu.memory_space<vmem>>
      %dma_wait3A_858 = tpu.memref_squeeze %dma_wait3A_857 : memref<1x125xi32, #tpu.memory_space<vmem>> -> memref<125xi32, #tpu.memory_space<vmem>>
      %dma_wait3A_859 = arith.constant 0 : i32
      %dma_wait3A_860 = arith.constant 0 : i32
      %dma_wait3A_861 = tpu.memref_slice %arg2[%dma_wait3A_859, %dma_wait3A_860] : memref<10000x64xbf16, #tpu.memory_space<hbm>> -> memref<10000x64xbf16, #tpu.memory_space<hbm>>
      %dma_wait3A_862 = tpu.memref_slice %arg11[%dma_wait3A_851] : memref<5x!tpu.dma_semaphore, #tpu.memory_space<semaphore_mem>> -> memref<1x!tpu.dma_semaphore, #tpu.memory_space<semaphore_mem>>
      %dma_wait3A_863 = tpu.memref_squeeze %dma_wait3A_862 : memref<1x!tpu.dma_semaphore, #tpu.memory_space<semaphore_mem>> -> memref<!tpu.dma_semaphore, #tpu.memory_space<semaphore_mem>>
      tpu.wait_indirect_dma semaphore(%dma_wait3A_863 : memref<!tpu.dma_semaphore, #tpu.memory_space<semaphore_mem>>) src(%dma_wait3A_861 : memref<10000x64xbf16, #tpu.memory_space<hbm>>) dst(%dma_wait3A_855 : memref<125x64xbf16, #tpu.memory_space<vmem>>)
      %dma_start3A_864 = arith.constant 3 : i32
      %dma_start3A_865 = arith.constant 3 : i32
      %dma_start3A_866 = arith.constant 0 : i32
      %dma_start3A_867 = arith.constant 0 : i32
      %dma_start3A_868 = tpu.memref_slice %arg9[%dma_start3A_864, %dma_start3A_866, %dma_start3A_867] : memref<5x125x64xbf16, #tpu.memory_space<vmem>> -> memref<1x125x64xbf16, #tpu.memory_space<vmem>>
      %dma_start3A_869 = tpu.memref_squeeze %dma_start3A_868 : memref<1x125x64xbf16, #tpu.memory_space<vmem>> -> memref<125x64xbf16, #tpu.memory_space<vmem>>
      %dma_start3A_870 = arith.constant 0 : i32
      %dma_start3A_871 = tpu.memref_slice %arg8[%add3A_849, %dma_start3A_870] : memref<85x125xi32, #tpu.memory_space<vmem>> -> memref<1x125xi32, #tpu.memory_space<vmem>>
      %dma_start3A_872 = tpu.memref_squeeze %dma_start3A_871 : memref<1x125xi32, #tpu.memory_space<vmem>> -> memref<125xi32, #tpu.memory_space<vmem>>
      %dma_start3A_873 = arith.constant 0 : i32
      %dma_start3A_874 = arith.constant 0 : i32
      %dma_start3A_875 = tpu.memref_slice %arg10[%dma_start3A_873, %dma_start3A_874] : memref<10000x64xbf16, #tpu.memory_space<vmem_shared>> -> memref<10000x64xbf16, #tpu.memory_space<vmem_shared>>
      %dma_start3A_876 = tpu.memref_slice %arg12[%dma_start3A_865] : memref<5x!tpu.dma_semaphore, #tpu.memory_space<semaphore_mem>> -> memref<1x!tpu.dma_semaphore, #tpu.memory_space<semaphore_mem>>
      %dma_start3A_877 = tpu.memref_squeeze %dma_start3A_876 : memref<1x!tpu.dma_semaphore, #tpu.memory_space<semaphore_mem>> -> memref<!tpu.dma_semaphore, #tpu.memory_space<semaphore_mem>>
      tpu.enqueue_indirect_dma source(%dma_start3A_869 : memref<125x64xbf16, #tpu.memory_space<vmem>>) target(%dma_start3A_875 : memref<10000x64xbf16, #tpu.memory_space<vmem_shared>>) offsets(%dma_start3A_872 : memref<125xi32, #tpu.memory_space<vmem>>) semaphore(%dma_start3A_877 : memref<!tpu.dma_semaphore, #tpu.memory_space<semaphore_mem>>) {add = true}
      %sub3A_878 = arith.constant 1 : i32
      %sub3A_879 = arith.subi %add3A_849, %sub3A_878 : i32
      %dma_wait3A_880 = arith.constant 2 : i32
      %dma_wait3A_881 = arith.constant 2 : i32
      %dma_wait3A_882 = arith.constant 0 : i32
      %dma_wait3A_883 = arith.constant 0 : i32
      %dma_wait3A_884 = tpu.memref_slice %arg9[%dma_wait3A_880, %dma_wait3A_882, %dma_wait3A_883] : memref<5x125x64xbf16, #tpu.memory_space<vmem>> -> memref<1x125x64xbf16, #tpu.memory_space<vmem>>
      %dma_wait3A_885 = tpu.memref_squeeze %dma_wait3A_884 : memref<1x125x64xbf16, #tpu.memory_space<vmem>> -> memref<125x64xbf16, #tpu.memory_space<vmem>>
      %dma_wait3A_886 = arith.constant 0 : i32
      %dma_wait3A_887 = tpu.memref_slice %arg8[%sub3A_879, %dma_wait3A_886] : memref<85x125xi32, #tpu.memory_space<vmem>> -> memref<1x125xi32, #tpu.memory_space<vmem>>
      %dma_wait3A_888 = tpu.memref_squeeze %dma_wait3A_887 : memref<1x125xi32, #tpu.memory_space<vmem>> -> memref<125xi32, #tpu.memory_space<vmem>>
      %dma_wait3A_889 = arith.constant 0 : i32
      %dma_wait3A_890 = arith.constant 0 : i32
      %dma_wait3A_891 = tpu.memref_slice %arg10[%dma_wait3A_889, %dma_wait3A_890] : memref<10000x64xbf16, #tpu.memory_space<vmem_shared>> -> memref<10000x64xbf16, #tpu.memory_space<vmem_shared>>
      %dma_wait3A_892 = tpu.memref_slice %arg12[%dma_wait3A_881] : memref<5x!tpu.dma_semaphore, #tpu.memory_space<semaphore_mem>> -> memref<1x!tpu.dma_semaphore, #tpu.memory_space<semaphore_mem>>
      %dma_wait3A_893 = tpu.memref_squeeze %dma_wait3A_892 : memref<1x!tpu.dma_semaphore, #tpu.memory_space<semaphore_mem>> -> memref<!tpu.dma_semaphore, #tpu.memory_space<semaphore_mem>>
      tpu.wait_indirect_dma semaphore(%dma_wait3A_893 : memref<!tpu.dma_semaphore, #tpu.memory_space<semaphore_mem>>) src(%dma_wait3A_885 : memref<125x64xbf16, #tpu.memory_space<vmem>>) dst(%dma_wait3A_891 : memref<10000x64xbf16, #tpu.memory_space<vmem_shared>>)
      %add3A_894 = arith.constant 5 : i32
      %add3A_895 = arith.addi %add3A_849, %add3A_894 : i32
      %sub3A_896 = arith.constant 1 : i32
      %sub3A_897 = arith.subi %add3A_895, %sub3A_896 : i32
      %dma_start3A_898 = arith.constant 2 : i32
      %dma_start3A_899 = arith.constant 2 : i32
      %dma_start3A_900 = arith.constant 0 : i32
      %dma_start3A_901 = arith.constant 0 : i32
      %dma_start3A_902 = tpu.memref_slice %arg9[%dma_start3A_898, %dma_start3A_900, %dma_start3A_901] : memref<5x125x64xbf16, #tpu.memory_space<vmem>> -> memref<1x125x64xbf16, #tpu.memory_space<vmem>>
      %dma_start3A_903 = tpu.memref_squeeze %dma_start3A_902 : memref<1x125x64xbf16, #tpu.memory_space<vmem>> -> memref<125x64xbf16, #tpu.memory_space<vmem>>
      %dma_start3A_904 = arith.constant 0 : i32
      %dma_start3A_905 = tpu.memref_slice %arg7[%sub3A_897, %dma_start3A_904] : memref<85x125xi32, #tpu.memory_space<vmem>> -> memref<1x125xi32, #tpu.memory_space<vmem>>
      %dma_start3A_906 = tpu.memref_squeeze %dma_start3A_905 : memref<1x125xi32, #tpu.memory_space<vmem>> -> memref<125xi32, #tpu.memory_space<vmem>>
      %dma_start3A_907 = arith.constant 0 : i32
      %dma_start3A_908 = arith.constant 0 : i32
      %dma_start3A_909 = tpu.memref_slice %arg2[%dma_start3A_907, %dma_start3A_908] : memref<10000x64xbf16, #tpu.memory_space<hbm>> -> memref<10000x64xbf16, #tpu.memory_space<hbm>>
      %dma_start3A_910 = tpu.memref_slice %arg11[%dma_start3A_899] : memref<5x!tpu.dma_semaphore, #tpu.memory_space<semaphore_mem>> -> memref<1x!tpu.dma_semaphore, #tpu.memory_space<semaphore_mem>>
      %dma_start3A_911 = tpu.memref_squeeze %dma_start3A_910 : memref<1x!tpu.dma_semaphore, #tpu.memory_space<semaphore_mem>> -> memref<!tpu.dma_semaphore, #tpu.memory_space<semaphore_mem>>
      tpu.enqueue_indirect_dma source(%dma_start3A_909 : memref<10000x64xbf16, #tpu.memory_space<hbm>>) target(%dma_start3A_903 : memref<125x64xbf16, #tpu.memory_space<vmem>>) offsets(%dma_start3A_906 : memref<125xi32, #tpu.memory_space<vmem>>) semaphore(%dma_start3A_911 : memref<!tpu.dma_semaphore, #tpu.memory_space<semaphore_mem>>)
      %add3A_912 = arith.constant 4 : i32
      %add3A_913 = arith.addi %mul3A_655, %add3A_912 : i32
      %dma_wait3A_914 = arith.constant 4 : i32
      %dma_wait3A_915 = arith.constant 4 : i32
      %dma_wait3A_916 = arith.constant 0 : i32
      %dma_wait3A_917 = arith.constant 0 : i32
      %dma_wait3A_918 = tpu.memref_slice %arg9[%dma_wait3A_914, %dma_wait3A_916, %dma_wait3A_917] : memref<5x125x64xbf16, #tpu.memory_space<vmem>> -> memref<1x125x64xbf16, #tpu.memory_space<vmem>>
      %dma_wait3A_919 = tpu.memref_squeeze %dma_wait3A_918 : memref<1x125x64xbf16, #tpu.memory_space<vmem>> -> memref<125x64xbf16, #tpu.memory_space<vmem>>
      %dma_wait3A_920 = arith.constant 0 : i32
      %dma_wait3A_921 = tpu.memref_slice %arg7[%add3A_913, %dma_wait3A_920] : memref<85x125xi32, #tpu.memory_space<vmem>> -> memref<1x125xi32, #tpu.memory_space<vmem>>
      %dma_wait3A_922 = tpu.memref_squeeze %dma_wait3A_921 : memref<1x125xi32, #tpu.memory_space<vmem>> -> memref<125xi32, #tpu.memory_space<vmem>>
      %dma_wait3A_923 = arith.constant 0 : i32
      %dma_wait3A_924 = arith.constant 0 : i32
      %dma_wait3A_925 = tpu.memref_slice %arg2[%dma_wait3A_923, %dma_wait3A_924] : memref<10000x64xbf16, #tpu.memory_space<hbm>> -> memref<10000x64xbf16, #tpu.memory_space<hbm>>
      %dma_wait3A_926 = tpu.memref_slice %arg11[%dma_wait3A_915] : memref<5x!tpu.dma_semaphore, #tpu.memory_space<semaphore_mem>> -> memref<1x!tpu.dma_semaphore, #tpu.memory_space<semaphore_mem>>
      %dma_wait3A_927 = tpu.memref_squeeze %dma_wait3A_926 : memref<1x!tpu.dma_semaphore, #tpu.memory_space<semaphore_mem>> -> memref<!tpu.dma_semaphore, #tpu.memory_space<semaphore_mem>>
      tpu.wait_indirect_dma semaphore(%dma_wait3A_927 : memref<!tpu.dma_semaphore, #tpu.memory_space<semaphore_mem>>) src(%dma_wait3A_925 : memref<10000x64xbf16, #tpu.memory_space<hbm>>) dst(%dma_wait3A_919 : memref<125x64xbf16, #tpu.memory_space<vmem>>)
      %dma_start3A_928 = arith.constant 4 : i32
      %dma_start3A_929 = arith.constant 4 : i32
      %dma_start3A_930 = arith.constant 0 : i32
      %dma_start3A_931 = arith.constant 0 : i32
      %dma_start3A_932 = tpu.memref_slice %arg9[%dma_start3A_928, %dma_start3A_930, %dma_start3A_931] : memref<5x125x64xbf16, #tpu.memory_space<vmem>> -> memref<1x125x64xbf16, #tpu.memory_space<vmem>>
      %dma_start3A_933 = tpu.memref_squeeze %dma_start3A_932 : memref<1x125x64xbf16, #tpu.memory_space<vmem>> -> memref<125x64xbf16, #tpu.memory_space<vmem>>
      %dma_start3A_934 = arith.constant 0 : i32
      %dma_start3A_935 = tpu.memref_slice %arg8[%add3A_913, %dma_start3A_934] : memref<85x125xi32, #tpu.memory_space<vmem>> -> memref<1x125xi32, #tpu.memory_space<vmem>>
      %dma_start3A_936 = tpu.memref_squeeze %dma_start3A_935 : memref<1x125xi32, #tpu.memory_space<vmem>> -> memref<125xi32, #tpu.memory_space<vmem>>
      %dma_start3A_937 = arith.constant 0 : i32
      %dma_start3A_938 = arith.constant 0 : i32
      %dma_start3A_939 = tpu.memref_slice %arg10[%dma_start3A_937, %dma_start3A_938] : memref<10000x64xbf16, #tpu.memory_space<vmem_shared>> -> memref<10000x64xbf16, #tpu.memory_space<vmem_shared>>
      %dma_start3A_940 = tpu.memref_slice %arg12[%dma_start3A_929] : memref<5x!tpu.dma_semaphore, #tpu.memory_space<semaphore_mem>> -> memref<1x!tpu.dma_semaphore, #tpu.memory_space<semaphore_mem>>
      %dma_start3A_941 = tpu.memref_squeeze %dma_start3A_940 : memref<1x!tpu.dma_semaphore, #tpu.memory_space<semaphore_mem>> -> memref<!tpu.dma_semaphore, #tpu.memory_space<semaphore_mem>>
      tpu.enqueue_indirect_dma source(%dma_start3A_933 : memref<125x64xbf16, #tpu.memory_space<vmem>>) target(%dma_start3A_939 : memref<10000x64xbf16, #tpu.memory_space<vmem_shared>>) offsets(%dma_start3A_936 : memref<125xi32, #tpu.memory_space<vmem>>) semaphore(%dma_start3A_941 : memref<!tpu.dma_semaphore, #tpu.memory_space<semaphore_mem>>) {add = true}
      %sub3A_942 = arith.constant 1 : i32
      %sub3A_943 = arith.subi %add3A_913, %sub3A_942 : i32
      %dma_wait3A_944 = arith.constant 3 : i32
      %dma_wait3A_945 = arith.constant 3 : i32
      %dma_wait3A_946 = arith.constant 0 : i32
      %dma_wait3A_947 = arith.constant 0 : i32
      %dma_wait3A_948 = tpu.memref_slice %arg9[%dma_wait3A_944, %dma_wait3A_946, %dma_wait3A_947] : memref<5x125x64xbf16, #tpu.memory_space<vmem>> -> memref<1x125x64xbf16, #tpu.memory_space<vmem>>
      %dma_wait3A_949 = tpu.memref_squeeze %dma_wait3A_948 : memref<1x125x64xbf16, #tpu.memory_space<vmem>> -> memref<125x64xbf16, #tpu.memory_space<vmem>>
      %dma_wait3A_950 = arith.constant 0 : i32
      %dma_wait3A_951 = tpu.memref_slice %arg8[%sub3A_943, %dma_wait3A_950] : memref<85x125xi32, #tpu.memory_space<vmem>> -> memref<1x125xi32, #tpu.memory_space<vmem>>
      %dma_wait3A_952 = tpu.memref_squeeze %dma_wait3A_951 : memref<1x125xi32, #tpu.memory_space<vmem>> -> memref<125xi32, #tpu.memory_space<vmem>>
      %dma_wait3A_953 = arith.constant 0 : i32
      %dma_wait3A_954 = arith.constant 0 : i32
      %dma_wait3A_955 = tpu.memref_slice %arg10[%dma_wait3A_953, %dma_wait3A_954] : memref<10000x64xbf16, #tpu.memory_space<vmem_shared>> -> memref<10000x64xbf16, #tpu.memory_space<vmem_shared>>
      %dma_wait3A_956 = tpu.memref_slice %arg12[%dma_wait3A_945] : memref<5x!tpu.dma_semaphore, #tpu.memory_space<semaphore_mem>> -> memref<1x!tpu.dma_semaphore, #tpu.memory_space<semaphore_mem>>
      %dma_wait3A_957 = tpu.memref_squeeze %dma_wait3A_956 : memref<1x!tpu.dma_semaphore, #tpu.memory_space<semaphore_mem>> -> memref<!tpu.dma_semaphore, #tpu.memory_space<semaphore_mem>>
      tpu.wait_indirect_dma semaphore(%dma_wait3A_957 : memref<!tpu.dma_semaphore, #tpu.memory_space<semaphore_mem>>) src(%dma_wait3A_949 : memref<125x64xbf16, #tpu.memory_space<vmem>>) dst(%dma_wait3A_955 : memref<10000x64xbf16, #tpu.memory_space<vmem_shared>>)
      %add3A_958 = arith.constant 5 : i32
      %add3A_959 = arith.addi %add3A_913, %add3A_958 : i32
      %sub3A_960 = arith.constant 1 : i32
      %sub3A_961 = arith.subi %add3A_959, %sub3A_960 : i32
      %dma_start3A_962 = arith.constant 3 : i32
      %dma_start3A_963 = arith.constant 3 : i32
      %dma_start3A_964 = arith.constant 0 : i32
      %dma_start3A_965 = arith.constant 0 : i32
      %dma_start3A_966 = tpu.memref_slice %arg9[%dma_start3A_962, %dma_start3A_964, %dma_start3A_965] : memref<5x125x64xbf16, #tpu.memory_space<vmem>> -> memref<1x125x64xbf16, #tpu.memory_space<vmem>>
      %dma_start3A_967 = tpu.memref_squeeze %dma_start3A_966 : memref<1x125x64xbf16, #tpu.memory_space<vmem>> -> memref<125x64xbf16, #tpu.memory_space<vmem>>
      %dma_start3A_968 = arith.constant 0 : i32
      %dma_start3A_969 = tpu.memref_slice %arg7[%sub3A_961, %dma_start3A_968] : memref<85x125xi32, #tpu.memory_space<vmem>> -> memref<1x125xi32, #tpu.memory_space<vmem>>
      %dma_start3A_970 = tpu.memref_squeeze %dma_start3A_969 : memref<1x125xi32, #tpu.memory_space<vmem>> -> memref<125xi32, #tpu.memory_space<vmem>>
      %dma_start3A_971 = arith.constant 0 : i32
      %dma_start3A_972 = arith.constant 0 : i32
      %dma_start3A_973 = tpu.memref_slice %arg2[%dma_start3A_971, %dma_start3A_972] : memref<10000x64xbf16, #tpu.memory_space<hbm>> -> memref<10000x64xbf16, #tpu.memory_space<hbm>>
      %dma_start3A_974 = tpu.memref_slice %arg11[%dma_start3A_963] : memref<5x!tpu.dma_semaphore, #tpu.memory_space<semaphore_mem>> -> memref<1x!tpu.dma_semaphore, #tpu.memory_space<semaphore_mem>>
      %dma_start3A_975 = tpu.memref_squeeze %dma_start3A_974 : memref<1x!tpu.dma_semaphore, #tpu.memory_space<semaphore_mem>> -> memref<!tpu.dma_semaphore, #tpu.memory_space<semaphore_mem>>
      tpu.enqueue_indirect_dma source(%dma_start3A_973 : memref<10000x64xbf16, #tpu.memory_space<hbm>>) target(%dma_start3A_967 : memref<125x64xbf16, #tpu.memory_space<vmem>>) offsets(%dma_start3A_970 : memref<125xi32, #tpu.memory_space<vmem>>) semaphore(%dma_start3A_975 : memref<!tpu.dma_semaphore, #tpu.memory_space<semaphore_mem>>)
    }
    %sub3A_383 = arith.constant 5 : i32
    %sub3A_384 = arith.subi %select_n3A, %sub3A_383 : i32
    %add3A = arith.constant 0 : i32
    %add3A_385 = arith.addi %sub3A_384, %add3A : i32
    %dma_wait3A_386 = arith.constant 0 : i32
    %dma_wait3A_387 = arith.constant 0 : i32
    %dma_wait3A_388 = arith.constant 0 : i32
    %dma_wait3A_389 = arith.constant 0 : i32
    %dma_wait3A_390 = tpu.memref_slice %arg9[%dma_wait3A_386, %dma_wait3A_388, %dma_wait3A_389] : memref<5x125x64xbf16, #tpu.memory_space<vmem>> -> memref<1x125x64xbf16, #tpu.memory_space<vmem>>
    %dma_wait3A_391 = tpu.memref_squeeze %dma_wait3A_390 : memref<1x125x64xbf16, #tpu.memory_space<vmem>> -> memref<125x64xbf16, #tpu.memory_space<vmem>>
    %dma_wait3A_392 = arith.constant 0 : i32
    %dma_wait3A_393 = tpu.memref_slice %arg7[%add3A_385, %dma_wait3A_392] : memref<85x125xi32, #tpu.memory_space<vmem>> -> memref<1x125xi32, #tpu.memory_space<vmem>>
    %dma_wait3A_394 = tpu.memref_squeeze %dma_wait3A_393 : memref<1x125xi32, #tpu.memory_space<vmem>> -> memref<125xi32, #tpu.memory_space<vmem>>
    %dma_wait3A_395 = arith.constant 0 : i32
    %dma_wait3A_396 = arith.constant 0 : i32
    %dma_wait3A_397 = tpu.memref_slice %arg2[%dma_wait3A_395, %dma_wait3A_396] : memref<10000x64xbf16, #tpu.memory_space<hbm>> -> memref<10000x64xbf16, #tpu.memory_space<hbm>>
    %dma_wait3A_398 = tpu.memref_slice %arg11[%dma_wait3A_387] : memref<5x!tpu.dma_semaphore, #tpu.memory_space<semaphore_mem>> -> memref<1x!tpu.dma_semaphore, #tpu.memory_space<semaphore_mem>>
    %dma_wait3A_399 = tpu.memref_squeeze %dma_wait3A_398 : memref<1x!tpu.dma_semaphore, #tpu.memory_space<semaphore_mem>> -> memref<!tpu.dma_semaphore, #tpu.memory_space<semaphore_mem>>
    tpu.wait_indirect_dma semaphore(%dma_wait3A_399 : memref<!tpu.dma_semaphore, #tpu.memory_space<semaphore_mem>>) src(%dma_wait3A_397 : memref<10000x64xbf16, #tpu.memory_space<hbm>>) dst(%dma_wait3A_391 : memref<125x64xbf16, #tpu.memory_space<vmem>>)
    %dma_start3A_400 = arith.constant 0 : i32
    %dma_start3A_401 = arith.constant 0 : i32
    %dma_start3A_402 = arith.constant 0 : i32
    %dma_start3A_403 = arith.constant 0 : i32
    %dma_start3A_404 = tpu.memref_slice %arg9[%dma_start3A_400, %dma_start3A_402, %dma_start3A_403] : memref<5x125x64xbf16, #tpu.memory_space<vmem>> -> memref<1x125x64xbf16, #tpu.memory_space<vmem>>
    %dma_start3A_405 = tpu.memref_squeeze %dma_start3A_404 : memref<1x125x64xbf16, #tpu.memory_space<vmem>> -> memref<125x64xbf16, #tpu.memory_space<vmem>>
    %dma_start3A_406 = arith.constant 0 : i32
    %dma_start3A_407 = tpu.memref_slice %arg8[%add3A_385, %dma_start3A_406] : memref<85x125xi32, #tpu.memory_space<vmem>> -> memref<1x125xi32, #tpu.memory_space<vmem>>
    %dma_start3A_408 = tpu.memref_squeeze %dma_start3A_407 : memref<1x125xi32, #tpu.memory_space<vmem>> -> memref<125xi32, #tpu.memory_space<vmem>>
    %dma_start3A_409 = arith.constant 0 : i32
    %dma_start3A_410 = arith.constant 0 : i32
    %dma_start3A_411 = tpu.memref_slice %arg10[%dma_start3A_409, %dma_start3A_410] : memref<10000x64xbf16, #tpu.memory_space<vmem_shared>> -> memref<10000x64xbf16, #tpu.memory_space<vmem_shared>>
    %dma_start3A_412 = tpu.memref_slice %arg12[%dma_start3A_401] : memref<5x!tpu.dma_semaphore, #tpu.memory_space<semaphore_mem>> -> memref<1x!tpu.dma_semaphore, #tpu.memory_space<semaphore_mem>>
    %dma_start3A_413 = tpu.memref_squeeze %dma_start3A_412 : memref<1x!tpu.dma_semaphore, #tpu.memory_space<semaphore_mem>> -> memref<!tpu.dma_semaphore, #tpu.memory_space<semaphore_mem>>
    tpu.enqueue_indirect_dma source(%dma_start3A_405 : memref<125x64xbf16, #tpu.memory_space<vmem>>) target(%dma_start3A_411 : memref<10000x64xbf16, #tpu.memory_space<vmem_shared>>) offsets(%dma_start3A_408 : memref<125xi32, #tpu.memory_space<vmem>>) semaphore(%dma_start3A_413 : memref<!tpu.dma_semaphore, #tpu.memory_space<semaphore_mem>>) {add = true}
    %sub3A_414 = arith.constant 1 : i32
    %sub3A_415 = arith.subi %add3A_385, %sub3A_414 : i32
    %dma_wait3A_416 = arith.constant 4 : i32
    %dma_wait3A_417 = arith.constant 4 : i32
    %dma_wait3A_418 = arith.constant 0 : i32
    %dma_wait3A_419 = arith.constant 0 : i32
    %dma_wait3A_420 = tpu.memref_slice %arg9[%dma_wait3A_416, %dma_wait3A_418, %dma_wait3A_419] : memref<5x125x64xbf16, #tpu.memory_space<vmem>> -> memref<1x125x64xbf16, #tpu.memory_space<vmem>>
    %dma_wait3A_421 = tpu.memref_squeeze %dma_wait3A_420 : memref<1x125x64xbf16, #tpu.memory_space<vmem>> -> memref<125x64xbf16, #tpu.memory_space<vmem>>
    %dma_wait3A_422 = arith.constant 0 : i32
    %dma_wait3A_423 = tpu.memref_slice %arg8[%sub3A_415, %dma_wait3A_422] : memref<85x125xi32, #tpu.memory_space<vmem>> -> memref<1x125xi32, #tpu.memory_space<vmem>>
    %dma_wait3A_424 = tpu.memref_squeeze %dma_wait3A_423 : memref<1x125xi32, #tpu.memory_space<vmem>> -> memref<125xi32, #tpu.memory_space<vmem>>
    %dma_wait3A_425 = arith.constant 0 : i32
    %dma_wait3A_426 = arith.constant 0 : i32
    %dma_wait3A_427 = tpu.memref_slice %arg10[%dma_wait3A_425, %dma_wait3A_426] : memref<10000x64xbf16, #tpu.memory_space<vmem_shared>> -> memref<10000x64xbf16, #tpu.memory_space<vmem_shared>>
    %dma_wait3A_428 = tpu.memref_slice %arg12[%dma_wait3A_417] : memref<5x!tpu.dma_semaphore, #tpu.memory_space<semaphore_mem>> -> memref<1x!tpu.dma_semaphore, #tpu.memory_space<semaphore_mem>>
    %dma_wait3A_429 = tpu.memref_squeeze %dma_wait3A_428 : memref<1x!tpu.dma_semaphore, #tpu.memory_space<semaphore_mem>> -> memref<!tpu.dma_semaphore, #tpu.memory_space<semaphore_mem>>
    tpu.wait_indirect_dma semaphore(%dma_wait3A_429 : memref<!tpu.dma_semaphore, #tpu.memory_space<semaphore_mem>>) src(%dma_wait3A_421 : memref<125x64xbf16, #tpu.memory_space<vmem>>) dst(%dma_wait3A_427 : memref<10000x64xbf16, #tpu.memory_space<vmem_shared>>)
    %add3A_430 = arith.constant 5 : i32
    %add3A_431 = arith.addi %add3A_385, %add3A_430 : i32
    %sub3A_432 = arith.constant 1 : i32
    %sub3A_433 = arith.subi %add3A_431, %sub3A_432 : i32
    %dma_start3A_434 = arith.constant 4 : i32
    %dma_start3A_435 = arith.constant 4 : i32
    %dma_start3A_436 = arith.constant 0 : i32
    %dma_start3A_437 = arith.constant 0 : i32
    %dma_start3A_438 = tpu.memref_slice %arg9[%dma_start3A_434, %dma_start3A_436, %dma_start3A_437] : memref<5x125x64xbf16, #tpu.memory_space<vmem>> -> memref<1x125x64xbf16, #tpu.memory_space<vmem>>
    %dma_start3A_439 = tpu.memref_squeeze %dma_start3A_438 : memref<1x125x64xbf16, #tpu.memory_space<vmem>> -> memref<125x64xbf16, #tpu.memory_space<vmem>>
    %dma_start3A_440 = arith.constant 0 : i32
    %dma_start3A_441 = tpu.memref_slice %arg7[%sub3A_433, %dma_start3A_440] : memref<85x125xi32, #tpu.memory_space<vmem>> -> memref<1x125xi32, #tpu.memory_space<vmem>>
    %dma_start3A_442 = tpu.memref_squeeze %dma_start3A_441 : memref<1x125xi32, #tpu.memory_space<vmem>> -> memref<125xi32, #tpu.memory_space<vmem>>
    %dma_start3A_443 = arith.constant 0 : i32
    %dma_start3A_444 = arith.constant 0 : i32
    %dma_start3A_445 = tpu.memref_slice %arg2[%dma_start3A_443, %dma_start3A_444] : memref<10000x64xbf16, #tpu.memory_space<hbm>> -> memref<10000x64xbf16, #tpu.memory_space<hbm>>
    %dma_start3A_446 = tpu.memref_slice %arg11[%dma_start3A_435] : memref<5x!tpu.dma_semaphore, #tpu.memory_space<semaphore_mem>> -> memref<1x!tpu.dma_semaphore, #tpu.memory_space<semaphore_mem>>
    %dma_start3A_447 = tpu.memref_squeeze %dma_start3A_446 : memref<1x!tpu.dma_semaphore, #tpu.memory_space<semaphore_mem>> -> memref<!tpu.dma_semaphore, #tpu.memory_space<semaphore_mem>>
    tpu.enqueue_indirect_dma source(%dma_start3A_445 : memref<10000x64xbf16, #tpu.memory_space<hbm>>) target(%dma_start3A_439 : memref<125x64xbf16, #tpu.memory_space<vmem>>) offsets(%dma_start3A_442 : memref<125xi32, #tpu.memory_space<vmem>>) semaphore(%dma_start3A_447 : memref<!tpu.dma_semaphore, #tpu.memory_space<semaphore_mem>>)
    %add3A_448 = arith.constant 1 : i32
    %add3A_449 = arith.addi %sub3A_384, %add3A_448 : i32
    %dma_wait3A_450 = arith.constant 1 : i32
    %dma_wait3A_451 = arith.constant 1 : i32
    %dma_wait3A_452 = arith.constant 0 : i32
    %dma_wait3A_453 = arith.constant 0 : i32
    %dma_wait3A_454 = tpu.memref_slice %arg9[%dma_wait3A_450, %dma_wait3A_452, %dma_wait3A_453] : memref<5x125x64xbf16, #tpu.memory_space<vmem>> -> memref<1x125x64xbf16, #tpu.memory_space<vmem>>
    %dma_wait3A_455 = tpu.memref_squeeze %dma_wait3A_454 : memref<1x125x64xbf16, #tpu.memory_space<vmem>> -> memref<125x64xbf16, #tpu.memory_space<vmem>>
    %dma_wait3A_456 = arith.constant 0 : i32
    %dma_wait3A_457 = tpu.memref_slice %arg7[%add3A_449, %dma_wait3A_456] : memref<85x125xi32, #tpu.memory_space<vmem>> -> memref<1x125xi32, #tpu.memory_space<vmem>>
    %dma_wait3A_458 = tpu.memref_squeeze %dma_wait3A_457 : memref<1x125xi32, #tpu.memory_space<vmem>> -> memref<125xi32, #tpu.memory_space<vmem>>
    %dma_wait3A_459 = arith.constant 0 : i32
    %dma_wait3A_460 = arith.constant 0 : i32
    %dma_wait3A_461 = tpu.memref_slice %arg2[%dma_wait3A_459, %dma_wait3A_460] : memref<10000x64xbf16, #tpu.memory_space<hbm>> -> memref<10000x64xbf16, #tpu.memory_space<hbm>>
    %dma_wait3A_462 = tpu.memref_slice %arg11[%dma_wait3A_451] : memref<5x!tpu.dma_semaphore, #tpu.memory_space<semaphore_mem>> -> memref<1x!tpu.dma_semaphore, #tpu.memory_space<semaphore_mem>>
    %dma_wait3A_463 = tpu.memref_squeeze %dma_wait3A_462 : memref<1x!tpu.dma_semaphore, #tpu.memory_space<semaphore_mem>> -> memref<!tpu.dma_semaphore, #tpu.memory_space<semaphore_mem>>
    tpu.wait_indirect_dma semaphore(%dma_wait3A_463 : memref<!tpu.dma_semaphore, #tpu.memory_space<semaphore_mem>>) src(%dma_wait3A_461 : memref<10000x64xbf16, #tpu.memory_space<hbm>>) dst(%dma_wait3A_455 : memref<125x64xbf16, #tpu.memory_space<vmem>>)
    %dma_start3A_464 = arith.constant 1 : i32
    %dma_start3A_465 = arith.constant 1 : i32
    %dma_start3A_466 = arith.constant 0 : i32
    %dma_start3A_467 = arith.constant 0 : i32
    %dma_start3A_468 = tpu.memref_slice %arg9[%dma_start3A_464, %dma_start3A_466, %dma_start3A_467] : memref<5x125x64xbf16, #tpu.memory_space<vmem>> -> memref<1x125x64xbf16, #tpu.memory_space<vmem>>
    %dma_start3A_469 = tpu.memref_squeeze %dma_start3A_468 : memref<1x125x64xbf16, #tpu.memory_space<vmem>> -> memref<125x64xbf16, #tpu.memory_space<vmem>>
    %dma_start3A_470 = arith.constant 0 : i32
    %dma_start3A_471 = tpu.memref_slice %arg8[%add3A_449, %dma_start3A_470] : memref<85x125xi32, #tpu.memory_space<vmem>> -> memref<1x125xi32, #tpu.memory_space<vmem>>
    %dma_start3A_472 = tpu.memref_squeeze %dma_start3A_471 : memref<1x125xi32, #tpu.memory_space<vmem>> -> memref<125xi32, #tpu.memory_space<vmem>>
    %dma_start3A_473 = arith.constant 0 : i32
    %dma_start3A_474 = arith.constant 0 : i32
    %dma_start3A_475 = tpu.memref_slice %arg10[%dma_start3A_473, %dma_start3A_474] : memref<10000x64xbf16, #tpu.memory_space<vmem_shared>> -> memref<10000x64xbf16, #tpu.memory_space<vmem_shared>>
    %dma_start3A_476 = tpu.memref_slice %arg12[%dma_start3A_465] : memref<5x!tpu.dma_semaphore, #tpu.memory_space<semaphore_mem>> -> memref<1x!tpu.dma_semaphore, #tpu.memory_space<semaphore_mem>>
    %dma_start3A_477 = tpu.memref_squeeze %dma_start3A_476 : memref<1x!tpu.dma_semaphore, #tpu.memory_space<semaphore_mem>> -> memref<!tpu.dma_semaphore, #tpu.memory_space<semaphore_mem>>
    tpu.enqueue_indirect_dma source(%dma_start3A_469 : memref<125x64xbf16, #tpu.memory_space<vmem>>) target(%dma_start3A_475 : memref<10000x64xbf16, #tpu.memory_space<vmem_shared>>) offsets(%dma_start3A_472 : memref<125xi32, #tpu.memory_space<vmem>>) semaphore(%dma_start3A_477 : memref<!tpu.dma_semaphore, #tpu.memory_space<semaphore_mem>>) {add = true}
    %sub3A_478 = arith.constant 1 : i32
    %sub3A_479 = arith.subi %add3A_449, %sub3A_478 : i32
    %dma_wait3A_480 = arith.constant 0 : i32
    %dma_wait3A_481 = arith.constant 0 : i32
    %dma_wait3A_482 = arith.constant 0 : i32
    %dma_wait3A_483 = arith.constant 0 : i32
    %dma_wait3A_484 = tpu.memref_slice %arg9[%dma_wait3A_480, %dma_wait3A_482, %dma_wait3A_483] : memref<5x125x64xbf16, #tpu.memory_space<vmem>> -> memref<1x125x64xbf16, #tpu.memory_space<vmem>>
    %dma_wait3A_485 = tpu.memref_squeeze %dma_wait3A_484 : memref<1x125x64xbf16, #tpu.memory_space<vmem>> -> memref<125x64xbf16, #tpu.memory_space<vmem>>
    %dma_wait3A_486 = arith.constant 0 : i32
    %dma_wait3A_487 = tpu.memref_slice %arg8[%sub3A_479, %dma_wait3A_486] : memref<85x125xi32, #tpu.memory_space<vmem>> -> memref<1x125xi32, #tpu.memory_space<vmem>>
    %dma_wait3A_488 = tpu.memref_squeeze %dma_wait3A_487 : memref<1x125xi32, #tpu.memory_space<vmem>> -> memref<125xi32, #tpu.memory_space<vmem>>
    %dma_wait3A_489 = arith.constant 0 : i32
    %dma_wait3A_490 = arith.constant 0 : i32
    %dma_wait3A_491 = tpu.memref_slice %arg10[%dma_wait3A_489, %dma_wait3A_490] : memref<10000x64xbf16, #tpu.memory_space<vmem_shared>> -> memref<10000x64xbf16, #tpu.memory_space<vmem_shared>>
    %dma_wait3A_492 = tpu.memref_slice %arg12[%dma_wait3A_481] : memref<5x!tpu.dma_semaphore, #tpu.memory_space<semaphore_mem>> -> memref<1x!tpu.dma_semaphore, #tpu.memory_space<semaphore_mem>>
    %dma_wait3A_493 = tpu.memref_squeeze %dma_wait3A_492 : memref<1x!tpu.dma_semaphore, #tpu.memory_space<semaphore_mem>> -> memref<!tpu.dma_semaphore, #tpu.memory_space<semaphore_mem>>
    tpu.wait_indirect_dma semaphore(%dma_wait3A_493 : memref<!tpu.dma_semaphore, #tpu.memory_space<semaphore_mem>>) src(%dma_wait3A_485 : memref<125x64xbf16, #tpu.memory_space<vmem>>) dst(%dma_wait3A_491 : memref<10000x64xbf16, #tpu.memory_space<vmem_shared>>)
    %add3A_494 = arith.constant 2 : i32
    %add3A_495 = arith.addi %sub3A_384, %add3A_494 : i32
    %dma_wait3A_496 = arith.constant 2 : i32
    %dma_wait3A_497 = arith.constant 2 : i32
    %dma_wait3A_498 = arith.constant 0 : i32
    %dma_wait3A_499 = arith.constant 0 : i32
    %dma_wait3A_500 = tpu.memref_slice %arg9[%dma_wait3A_496, %dma_wait3A_498, %dma_wait3A_499] : memref<5x125x64xbf16, #tpu.memory_space<vmem>> -> memref<1x125x64xbf16, #tpu.memory_space<vmem>>
    %dma_wait3A_501 = tpu.memref_squeeze %dma_wait3A_500 : memref<1x125x64xbf16, #tpu.memory_space<vmem>> -> memref<125x64xbf16, #tpu.memory_space<vmem>>
    %dma_wait3A_502 = arith.constant 0 : i32
    %dma_wait3A_503 = tpu.memref_slice %arg7[%add3A_495, %dma_wait3A_502] : memref<85x125xi32, #tpu.memory_space<vmem>> -> memref<1x125xi32, #tpu.memory_space<vmem>>
    %dma_wait3A_504 = tpu.memref_squeeze %dma_wait3A_503 : memref<1x125xi32, #tpu.memory_space<vmem>> -> memref<125xi32, #tpu.memory_space<vmem>>
    %dma_wait3A_505 = arith.constant 0 : i32
    %dma_wait3A_506 = arith.constant 0 : i32
    %dma_wait3A_507 = tpu.memref_slice %arg2[%dma_wait3A_505, %dma_wait3A_506] : memref<10000x64xbf16, #tpu.memory_space<hbm>> -> memref<10000x64xbf16, #tpu.memory_space<hbm>>
    %dma_wait3A_508 = tpu.memref_slice %arg11[%dma_wait3A_497] : memref<5x!tpu.dma_semaphore, #tpu.memory_space<semaphore_mem>> -> memref<1x!tpu.dma_semaphore, #tpu.memory_space<semaphore_mem>>
    %dma_wait3A_509 = tpu.memref_squeeze %dma_wait3A_508 : memref<1x!tpu.dma_semaphore, #tpu.memory_space<semaphore_mem>> -> memref<!tpu.dma_semaphore, #tpu.memory_space<semaphore_mem>>
    tpu.wait_indirect_dma semaphore(%dma_wait3A_509 : memref<!tpu.dma_semaphore, #tpu.memory_space<semaphore_mem>>) src(%dma_wait3A_507 : memref<10000x64xbf16, #tpu.memory_space<hbm>>) dst(%dma_wait3A_501 : memref<125x64xbf16, #tpu.memory_space<vmem>>)
    %dma_start3A_510 = arith.constant 2 : i32
    %dma_start3A_511 = arith.constant 2 : i32
    %dma_start3A_512 = arith.constant 0 : i32
    %dma_start3A_513 = arith.constant 0 : i32
    %dma_start3A_514 = tpu.memref_slice %arg9[%dma_start3A_510, %dma_start3A_512, %dma_start3A_513] : memref<5x125x64xbf16, #tpu.memory_space<vmem>> -> memref<1x125x64xbf16, #tpu.memory_space<vmem>>
    %dma_start3A_515 = tpu.memref_squeeze %dma_start3A_514 : memref<1x125x64xbf16, #tpu.memory_space<vmem>> -> memref<125x64xbf16, #tpu.memory_space<vmem>>
    %dma_start3A_516 = arith.constant 0 : i32
    %dma_start3A_517 = tpu.memref_slice %arg8[%add3A_495, %dma_start3A_516] : memref<85x125xi32, #tpu.memory_space<vmem>> -> memref<1x125xi32, #tpu.memory_space<vmem>>
    %dma_start3A_518 = tpu.memref_squeeze %dma_start3A_517 : memref<1x125xi32, #tpu.memory_space<vmem>> -> memref<125xi32, #tpu.memory_space<vmem>>
    %dma_start3A_519 = arith.constant 0 : i32
    %dma_start3A_520 = arith.constant 0 : i32
    %dma_start3A_521 = tpu.memref_slice %arg10[%dma_start3A_519, %dma_start3A_520] : memref<10000x64xbf16, #tpu.memory_space<vmem_shared>> -> memref<10000x64xbf16, #tpu.memory_space<vmem_shared>>
    %dma_start3A_522 = tpu.memref_slice %arg12[%dma_start3A_511] : memref<5x!tpu.dma_semaphore, #tpu.memory_space<semaphore_mem>> -> memref<1x!tpu.dma_semaphore, #tpu.memory_space<semaphore_mem>>
    %dma_start3A_523 = tpu.memref_squeeze %dma_start3A_522 : memref<1x!tpu.dma_semaphore, #tpu.memory_space<semaphore_mem>> -> memref<!tpu.dma_semaphore, #tpu.memory_space<semaphore_mem>>
    tpu.enqueue_indirect_dma source(%dma_start3A_515 : memref<125x64xbf16, #tpu.memory_space<vmem>>) target(%dma_start3A_521 : memref<10000x64xbf16, #tpu.memory_space<vmem_shared>>) offsets(%dma_start3A_518 : memref<125xi32, #tpu.memory_space<vmem>>) semaphore(%dma_start3A_523 : memref<!tpu.dma_semaphore, #tpu.memory_space<semaphore_mem>>) {add = true}
    %sub3A_524 = arith.constant 1 : i32
    %sub3A_525 = arith.subi %add3A_495, %sub3A_524 : i32
    %dma_wait3A_526 = arith.constant 1 : i32
    %dma_wait3A_527 = arith.constant 1 : i32
    %dma_wait3A_528 = arith.constant 0 : i32
    %dma_wait3A_529 = arith.constant 0 : i32
    %dma_wait3A_530 = tpu.memref_slice %arg9[%dma_wait3A_526, %dma_wait3A_528, %dma_wait3A_529] : memref<5x125x64xbf16, #tpu.memory_space<vmem>> -> memref<1x125x64xbf16, #tpu.memory_space<vmem>>
    %dma_wait3A_531 = tpu.memref_squeeze %dma_wait3A_530 : memref<1x125x64xbf16, #tpu.memory_space<vmem>> -> memref<125x64xbf16, #tpu.memory_space<vmem>>
    %dma_wait3A_532 = arith.constant 0 : i32
    %dma_wait3A_533 = tpu.memref_slice %arg8[%sub3A_525, %dma_wait3A_532] : memref<85x125xi32, #tpu.memory_space<vmem>> -> memref<1x125xi32, #tpu.memory_space<vmem>>
    %dma_wait3A_534 = tpu.memref_squeeze %dma_wait3A_533 : memref<1x125xi32, #tpu.memory_space<vmem>> -> memref<125xi32, #tpu.memory_space<vmem>>
    %dma_wait3A_535 = arith.constant 0 : i32
    %dma_wait3A_536 = arith.constant 0 : i32
    %dma_wait3A_537 = tpu.memref_slice %arg10[%dma_wait3A_535, %dma_wait3A_536] : memref<10000x64xbf16, #tpu.memory_space<vmem_shared>> -> memref<10000x64xbf16, #tpu.memory_space<vmem_shared>>
    %dma_wait3A_538 = tpu.memref_slice %arg12[%dma_wait3A_527] : memref<5x!tpu.dma_semaphore, #tpu.memory_space<semaphore_mem>> -> memref<1x!tpu.dma_semaphore, #tpu.memory_space<semaphore_mem>>
    %dma_wait3A_539 = tpu.memref_squeeze %dma_wait3A_538 : memref<1x!tpu.dma_semaphore, #tpu.memory_space<semaphore_mem>> -> memref<!tpu.dma_semaphore, #tpu.memory_space<semaphore_mem>>
    tpu.wait_indirect_dma semaphore(%dma_wait3A_539 : memref<!tpu.dma_semaphore, #tpu.memory_space<semaphore_mem>>) src(%dma_wait3A_531 : memref<125x64xbf16, #tpu.memory_space<vmem>>) dst(%dma_wait3A_537 : memref<10000x64xbf16, #tpu.memory_space<vmem_shared>>)
    %add3A_540 = arith.constant 3 : i32
    %add3A_541 = arith.addi %sub3A_384, %add3A_540 : i32
    %dma_wait3A_542 = arith.constant 3 : i32
    %dma_wait3A_543 = arith.constant 3 : i32
    %dma_wait3A_544 = arith.constant 0 : i32
    %dma_wait3A_545 = arith.constant 0 : i32
    %dma_wait3A_546 = tpu.memref_slice %arg9[%dma_wait3A_542, %dma_wait3A_544, %dma_wait3A_545] : memref<5x125x64xbf16, #tpu.memory_space<vmem>> -> memref<1x125x64xbf16, #tpu.memory_space<vmem>>
    %dma_wait3A_547 = tpu.memref_squeeze %dma_wait3A_546 : memref<1x125x64xbf16, #tpu.memory_space<vmem>> -> memref<125x64xbf16, #tpu.memory_space<vmem>>
    %dma_wait3A_548 = arith.constant 0 : i32
    %dma_wait3A_549 = tpu.memref_slice %arg7[%add3A_541, %dma_wait3A_548] : memref<85x125xi32, #tpu.memory_space<vmem>> -> memref<1x125xi32, #tpu.memory_space<vmem>>
    %dma_wait3A_550 = tpu.memref_squeeze %dma_wait3A_549 : memref<1x125xi32, #tpu.memory_space<vmem>> -> memref<125xi32, #tpu.memory_space<vmem>>
    %dma_wait3A_551 = arith.constant 0 : i32
    %dma_wait3A_552 = arith.constant 0 : i32
    %dma_wait3A_553 = tpu.memref_slice %arg2[%dma_wait3A_551, %dma_wait3A_552] : memref<10000x64xbf16, #tpu.memory_space<hbm>> -> memref<10000x64xbf16, #tpu.memory_space<hbm>>
    %dma_wait3A_554 = tpu.memref_slice %arg11[%dma_wait3A_543] : memref<5x!tpu.dma_semaphore, #tpu.memory_space<semaphore_mem>> -> memref<1x!tpu.dma_semaphore, #tpu.memory_space<semaphore_mem>>
    %dma_wait3A_555 = tpu.memref_squeeze %dma_wait3A_554 : memref<1x!tpu.dma_semaphore, #tpu.memory_space<semaphore_mem>> -> memref<!tpu.dma_semaphore, #tpu.memory_space<semaphore_mem>>
    tpu.wait_indirect_dma semaphore(%dma_wait3A_555 : memref<!tpu.dma_semaphore, #tpu.memory_space<semaphore_mem>>) src(%dma_wait3A_553 : memref<10000x64xbf16, #tpu.memory_space<hbm>>) dst(%dma_wait3A_547 : memref<125x64xbf16, #tpu.memory_space<vmem>>)
    %dma_start3A_556 = arith.constant 3 : i32
    %dma_start3A_557 = arith.constant 3 : i32
    %dma_start3A_558 = arith.constant 0 : i32
    %dma_start3A_559 = arith.constant 0 : i32
    %dma_start3A_560 = tpu.memref_slice %arg9[%dma_start3A_556, %dma_start3A_558, %dma_start3A_559] : memref<5x125x64xbf16, #tpu.memory_space<vmem>> -> memref<1x125x64xbf16, #tpu.memory_space<vmem>>
    %dma_start3A_561 = tpu.memref_squeeze %dma_start3A_560 : memref<1x125x64xbf16, #tpu.memory_space<vmem>> -> memref<125x64xbf16, #tpu.memory_space<vmem>>
    %dma_start3A_562 = arith.constant 0 : i32
    %dma_start3A_563 = tpu.memref_slice %arg8[%add3A_541, %dma_start3A_562] : memref<85x125xi32, #tpu.memory_space<vmem>> -> memref<1x125xi32, #tpu.memory_space<vmem>>
    %dma_start3A_564 = tpu.memref_squeeze %dma_start3A_563 : memref<1x125xi32, #tpu.memory_space<vmem>> -> memref<125xi32, #tpu.memory_space<vmem>>
    %dma_start3A_565 = arith.constant 0 : i32
    %dma_start3A_566 = arith.constant 0 : i32
    %dma_start3A_567 = tpu.memref_slice %arg10[%dma_start3A_565, %dma_start3A_566] : memref<10000x64xbf16, #tpu.memory_space<vmem_shared>> -> memref<10000x64xbf16, #tpu.memory_space<vmem_shared>>
    %dma_start3A_568 = tpu.memref_slice %arg12[%dma_start3A_557] : memref<5x!tpu.dma_semaphore, #tpu.memory_space<semaphore_mem>> -> memref<1x!tpu.dma_semaphore, #tpu.memory_space<semaphore_mem>>
    %dma_start3A_569 = tpu.memref_squeeze %dma_start3A_568 : memref<1x!tpu.dma_semaphore, #tpu.memory_space<semaphore_mem>> -> memref<!tpu.dma_semaphore, #tpu.memory_space<semaphore_mem>>
    tpu.enqueue_indirect_dma source(%dma_start3A_561 : memref<125x64xbf16, #tpu.memory_space<vmem>>) target(%dma_start3A_567 : memref<10000x64xbf16, #tpu.memory_space<vmem_shared>>) offsets(%dma_start3A_564 : memref<125xi32, #tpu.memory_space<vmem>>) semaphore(%dma_start3A_569 : memref<!tpu.dma_semaphore, #tpu.memory_space<semaphore_mem>>) {add = true}
    %sub3A_570 = arith.constant 1 : i32
    %sub3A_571 = arith.subi %add3A_541, %sub3A_570 : i32
    %dma_wait3A_572 = arith.constant 2 : i32
    %dma_wait3A_573 = arith.constant 2 : i32
    %dma_wait3A_574 = arith.constant 0 : i32
    %dma_wait3A_575 = arith.constant 0 : i32
    %dma_wait3A_576 = tpu.memref_slice %arg9[%dma_wait3A_572, %dma_wait3A_574, %dma_wait3A_575] : memref<5x125x64xbf16, #tpu.memory_space<vmem>> -> memref<1x125x64xbf16, #tpu.memory_space<vmem>>
    %dma_wait3A_577 = tpu.memref_squeeze %dma_wait3A_576 : memref<1x125x64xbf16, #tpu.memory_space<vmem>> -> memref<125x64xbf16, #tpu.memory_space<vmem>>
    %dma_wait3A_578 = arith.constant 0 : i32
    %dma_wait3A_579 = tpu.memref_slice %arg8[%sub3A_571, %dma_wait3A_578] : memref<85x125xi32, #tpu.memory_space<vmem>> -> memref<1x125xi32, #tpu.memory_space<vmem>>
    %dma_wait3A_580 = tpu.memref_squeeze %dma_wait3A_579 : memref<1x125xi32, #tpu.memory_space<vmem>> -> memref<125xi32, #tpu.memory_space<vmem>>
    %dma_wait3A_581 = arith.constant 0 : i32
    %dma_wait3A_582 = arith.constant 0 : i32
    %dma_wait3A_583 = tpu.memref_slice %arg10[%dma_wait3A_581, %dma_wait3A_582] : memref<10000x64xbf16, #tpu.memory_space<vmem_shared>> -> memref<10000x64xbf16, #tpu.memory_space<vmem_shared>>
    %dma_wait3A_584 = tpu.memref_slice %arg12[%dma_wait3A_573] : memref<5x!tpu.dma_semaphore, #tpu.memory_space<semaphore_mem>> -> memref<1x!tpu.dma_semaphore, #tpu.memory_space<semaphore_mem>>
    %dma_wait3A_585 = tpu.memref_squeeze %dma_wait3A_584 : memref<1x!tpu.dma_semaphore, #tpu.memory_space<semaphore_mem>> -> memref<!tpu.dma_semaphore, #tpu.memory_space<semaphore_mem>>
    tpu.wait_indirect_dma semaphore(%dma_wait3A_585 : memref<!tpu.dma_semaphore, #tpu.memory_space<semaphore_mem>>) src(%dma_wait3A_577 : memref<125x64xbf16, #tpu.memory_space<vmem>>) dst(%dma_wait3A_583 : memref<10000x64xbf16, #tpu.memory_space<vmem_shared>>)
    %add3A_586 = arith.constant 4 : i32
    %add3A_587 = arith.addi %sub3A_384, %add3A_586 : i32
    %dma_wait3A_588 = arith.constant 4 : i32
    %dma_wait3A_589 = arith.constant 4 : i32
    %dma_wait3A_590 = arith.constant 0 : i32
    %dma_wait3A_591 = arith.constant 0 : i32
    %dma_wait3A_592 = tpu.memref_slice %arg9[%dma_wait3A_588, %dma_wait3A_590, %dma_wait3A_591] : memref<5x125x64xbf16, #tpu.memory_space<vmem>> -> memref<1x125x64xbf16, #tpu.memory_space<vmem>>
    %dma_wait3A_593 = tpu.memref_squeeze %dma_wait3A_592 : memref<1x125x64xbf16, #tpu.memory_space<vmem>> -> memref<125x64xbf16, #tpu.memory_space<vmem>>
    %dma_wait3A_594 = arith.constant 0 : i32
    %dma_wait3A_595 = tpu.memref_slice %arg7[%add3A_587, %dma_wait3A_594] : memref<85x125xi32, #tpu.memory_space<vmem>> -> memref<1x125xi32, #tpu.memory_space<vmem>>
    %dma_wait3A_596 = tpu.memref_squeeze %dma_wait3A_595 : memref<1x125xi32, #tpu.memory_space<vmem>> -> memref<125xi32, #tpu.memory_space<vmem>>
    %dma_wait3A_597 = arith.constant 0 : i32
    %dma_wait3A_598 = arith.constant 0 : i32
    %dma_wait3A_599 = tpu.memref_slice %arg2[%dma_wait3A_597, %dma_wait3A_598] : memref<10000x64xbf16, #tpu.memory_space<hbm>> -> memref<10000x64xbf16, #tpu.memory_space<hbm>>
    %dma_wait3A_600 = tpu.memref_slice %arg11[%dma_wait3A_589] : memref<5x!tpu.dma_semaphore, #tpu.memory_space<semaphore_mem>> -> memref<1x!tpu.dma_semaphore, #tpu.memory_space<semaphore_mem>>
    %dma_wait3A_601 = tpu.memref_squeeze %dma_wait3A_600 : memref<1x!tpu.dma_semaphore, #tpu.memory_space<semaphore_mem>> -> memref<!tpu.dma_semaphore, #tpu.memory_space<semaphore_mem>>
    tpu.wait_indirect_dma semaphore(%dma_wait3A_601 : memref<!tpu.dma_semaphore, #tpu.memory_space<semaphore_mem>>) src(%dma_wait3A_599 : memref<10000x64xbf16, #tpu.memory_space<hbm>>) dst(%dma_wait3A_593 : memref<125x64xbf16, #tpu.memory_space<vmem>>)
    %dma_start3A_602 = arith.constant 4 : i32
    %dma_start3A_603 = arith.constant 4 : i32
    %dma_start3A_604 = arith.constant 0 : i32
    %dma_start3A_605 = arith.constant 0 : i32
    %dma_start3A_606 = tpu.memref_slice %arg9[%dma_start3A_602, %dma_start3A_604, %dma_start3A_605] : memref<5x125x64xbf16, #tpu.memory_space<vmem>> -> memref<1x125x64xbf16, #tpu.memory_space<vmem>>
    %dma_start3A_607 = tpu.memref_squeeze %dma_start3A_606 : memref<1x125x64xbf16, #tpu.memory_space<vmem>> -> memref<125x64xbf16, #tpu.memory_space<vmem>>
    %dma_start3A_608 = arith.constant 0 : i32
    %dma_start3A_609 = tpu.memref_slice %arg8[%add3A_587, %dma_start3A_608] : memref<85x125xi32, #tpu.memory_space<vmem>> -> memref<1x125xi32, #tpu.memory_space<vmem>>
    %dma_start3A_610 = tpu.memref_squeeze %dma_start3A_609 : memref<1x125xi32, #tpu.memory_space<vmem>> -> memref<125xi32, #tpu.memory_space<vmem>>
    %dma_start3A_611 = arith.constant 0 : i32
    %dma_start3A_612 = arith.constant 0 : i32
    %dma_start3A_613 = tpu.memref_slice %arg10[%dma_start3A_611, %dma_start3A_612] : memref<10000x64xbf16, #tpu.memory_space<vmem_shared>> -> memref<10000x64xbf16, #tpu.memory_space<vmem_shared>>
    %dma_start3A_614 = tpu.memref_slice %arg12[%dma_start3A_603] : memref<5x!tpu.dma_semaphore, #tpu.memory_space<semaphore_mem>> -> memref<1x!tpu.dma_semaphore, #tpu.memory_space<semaphore_mem>>
    %dma_start3A_615 = tpu.memref_squeeze %dma_start3A_614 : memref<1x!tpu.dma_semaphore, #tpu.memory_space<semaphore_mem>> -> memref<!tpu.dma_semaphore, #tpu.memory_space<semaphore_mem>>
    tpu.enqueue_indirect_dma source(%dma_start3A_607 : memref<125x64xbf16, #tpu.memory_space<vmem>>) target(%dma_start3A_613 : memref<10000x64xbf16, #tpu.memory_space<vmem_shared>>) offsets(%dma_start3A_610 : memref<125xi32, #tpu.memory_space<vmem>>) semaphore(%dma_start3A_615 : memref<!tpu.dma_semaphore, #tpu.memory_space<semaphore_mem>>) {add = true}
    %sub3A_616 = arith.constant 1 : i32
    %sub3A_617 = arith.subi %add3A_587, %sub3A_616 : i32
    %dma_wait3A_618 = arith.constant 3 : i32
    %dma_wait3A_619 = arith.constant 3 : i32
    %dma_wait3A_620 = arith.constant 0 : i32
    %dma_wait3A_621 = arith.constant 0 : i32
    %dma_wait3A_622 = tpu.memref_slice %arg9[%dma_wait3A_618, %dma_wait3A_620, %dma_wait3A_621] : memref<5x125x64xbf16, #tpu.memory_space<vmem>> -> memref<1x125x64xbf16, #tpu.memory_space<vmem>>
    %dma_wait3A_623 = tpu.memref_squeeze %dma_wait3A_622 : memref<1x125x64xbf16, #tpu.memory_space<vmem>> -> memref<125x64xbf16, #tpu.memory_space<vmem>>
    %dma_wait3A_624 = arith.constant 0 : i32
    %dma_wait3A_625 = tpu.memref_slice %arg8[%sub3A_617, %dma_wait3A_624] : memref<85x125xi32, #tpu.memory_space<vmem>> -> memref<1x125xi32, #tpu.memory_space<vmem>>
    %dma_wait3A_626 = tpu.memref_squeeze %dma_wait3A_625 : memref<1x125xi32, #tpu.memory_space<vmem>> -> memref<125xi32, #tpu.memory_space<vmem>>
    %dma_wait3A_627 = arith.constant 0 : i32
    %dma_wait3A_628 = arith.constant 0 : i32
    %dma_wait3A_629 = tpu.memref_slice %arg10[%dma_wait3A_627, %dma_wait3A_628] : memref<10000x64xbf16, #tpu.memory_space<vmem_shared>> -> memref<10000x64xbf16, #tpu.memory_space<vmem_shared>>
    %dma_wait3A_630 = tpu.memref_slice %arg12[%dma_wait3A_619] : memref<5x!tpu.dma_semaphore, #tpu.memory_space<semaphore_mem>> -> memref<1x!tpu.dma_semaphore, #tpu.memory_space<semaphore_mem>>
    %dma_wait3A_631 = tpu.memref_squeeze %dma_wait3A_630 : memref<1x!tpu.dma_semaphore, #tpu.memory_space<semaphore_mem>> -> memref<!tpu.dma_semaphore, #tpu.memory_space<semaphore_mem>>
    tpu.wait_indirect_dma semaphore(%dma_wait3A_631 : memref<!tpu.dma_semaphore, #tpu.memory_space<semaphore_mem>>) src(%dma_wait3A_623 : memref<125x64xbf16, #tpu.memory_space<vmem>>) dst(%dma_wait3A_629 : memref<10000x64xbf16, #tpu.memory_space<vmem_shared>>)
    %sub3A_632 = arith.constant 1 : i32
    %sub3A_633 = arith.subi %select_n3A, %sub3A_632 : i32
    %dma_wait3A_634 = arith.constant 4 : i32
    %dma_wait3A_635 = arith.constant 4 : i32
    %dma_wait3A_636 = arith.constant 0 : i32
    %dma_wait3A_637 = arith.constant 0 : i32
    %dma_wait3A_638 = tpu.memref_slice %arg9[%dma_wait3A_634, %dma_wait3A_636, %dma_wait3A_637] : memref<5x125x64xbf16, #tpu.memory_space<vmem>> -> memref<1x125x64xbf16, #tpu.memory_space<vmem>>
    %dma_wait3A_639 = tpu.memref_squeeze %dma_wait3A_638 : memref<1x125x64xbf16, #tpu.memory_space<vmem>> -> memref<125x64xbf16, #tpu.memory_space<vmem>>
    %dma_wait3A_640 = arith.constant 0 : i32
    %dma_wait3A_641 = tpu.memref_slice %arg8[%sub3A_633, %dma_wait3A_640] : memref<85x125xi32, #tpu.memory_space<vmem>> -> memref<1x125xi32, #tpu.memory_space<vmem>>
    %dma_wait3A_642 = tpu.memref_squeeze %dma_wait3A_641 : memref<1x125xi32, #tpu.memory_space<vmem>> -> memref<125xi32, #tpu.memory_space<vmem>>
    %dma_wait3A_643 = arith.constant 0 : i32
    %dma_wait3A_644 = arith.constant 0 : i32
    %dma_wait3A_645 = tpu.memref_slice %arg10[%dma_wait3A_643, %dma_wait3A_644] : memref<10000x64xbf16, #tpu.memory_space<vmem_shared>> -> memref<10000x64xbf16, #tpu.memory_space<vmem_shared>>
    %dma_wait3A_646 = tpu.memref_slice %arg12[%dma_wait3A_635] : memref<5x!tpu.dma_semaphore, #tpu.memory_space<semaphore_mem>> -> memref<1x!tpu.dma_semaphore, #tpu.memory_space<semaphore_mem>>
    %dma_wait3A_647 = tpu.memref_squeeze %dma_wait3A_646 : memref<1x!tpu.dma_semaphore, #tpu.memory_space<semaphore_mem>> -> memref<!tpu.dma_semaphore, #tpu.memory_space<semaphore_mem>>
    tpu.wait_indirect_dma semaphore(%dma_wait3A_647 : memref<!tpu.dma_semaphore, #tpu.memory_space<semaphore_mem>>) src(%dma_wait3A_639 : memref<125x64xbf16, #tpu.memory_space<vmem>>) dst(%dma_wait3A_645 : memref<10000x64xbf16, #tpu.memory_space<vmem_shared>>)
    %barrier3A_648 = arith.constant 0 : index
    tpu.barrier barrier_id(%barrier3A_648)
    %mul3A_649 = arith.constant 625 : i32
    %mul3A_650 = arith.muli %arg1, %mul3A_649 : i32
    %mul3A_651 = arith.constant 625 : i32
    %mul3A_652 = arith.muli %arg1, %mul3A_651 : i32
    "tpu.region"() ({
      %run_scoped3A = tpu.sem_alloc : memref<!tpu.dma_semaphore, #tpu.memory_space<semaphore_mem>>
      %dma_start3A_653 = arith.constant 0 : i32
      %dma_start3A_654 = tpu.memref_slice %arg6[%arg0, %mul3A_652, %dma_start3A_653] : memref<2x10000x64xbf16, #tpu.memory_space<hbm>> -> memref<1x625x64xbf16, #tpu.memory_space<hbm>>
      %dma_start3A_655 = tpu.memref_squeeze %dma_start3A_654 : memref<1x625x64xbf16, #tpu.memory_space<hbm>> -> memref<625x64xbf16, #tpu.memory_space<hbm>>
      %dma_start3A_656 = arith.constant 0 : i32
      %dma_start3A_657 = tpu.memref_slice %arg10[%mul3A_650, %dma_start3A_656] : memref<10000x64xbf16, #tpu.memory_space<vmem_shared>> -> memref<625x64xbf16, #tpu.memory_space<vmem_shared>>
      tpu.enqueue_dma source(%dma_start3A_657 : memref<625x64xbf16, #tpu.memory_space<vmem_shared>>) target(%dma_start3A_655 : memref<625x64xbf16, #tpu.memory_space<hbm>>) target_semaphore(%run_scoped3A : memref<!tpu.dma_semaphore, #tpu.memory_space<semaphore_mem>>)
      %dma_wait3A_658 = arith.constant 0 : i32
      %dma_wait3A_659 = tpu.memref_slice %arg6[%arg0, %mul3A_652, %dma_wait3A_658] : memref<2x10000x64xbf16, #tpu.memory_space<hbm>> -> memref<1x625x64xbf16, #tpu.memory_space<hbm>>
      %dma_wait3A_660 = tpu.memref_squeeze %dma_wait3A_659 : memref<1x625x64xbf16, #tpu.memory_space<hbm>> -> memref<625x64xbf16, #tpu.memory_space<hbm>>
      %dma_wait3A_661 = arith.constant 0 : i32
      %dma_wait3A_662 = tpu.memref_slice %arg10[%mul3A_650, %dma_wait3A_661] : memref<10000x64xbf16, #tpu.memory_space<vmem_shared>> -> memref<625x64xbf16, #tpu.memory_space<vmem_shared>>
      tpu.wait_dma2 semaphore(%run_scoped3A : memref<!tpu.dma_semaphore, #tpu.memory_space<semaphore_mem>>) src(%dma_wait3A_662 : memref<625x64xbf16, #tpu.memory_space<vmem_shared>>) dst(%dma_wait3A_660 : memref<625x64xbf16, #tpu.memory_space<hbm>>)
      tpu.yield
    }) : () -> ()
    return
  }
}

module attributes {stable_mosaic.version = 14 : i64} {
  func.func @body(%arg0: i32, %arg1: memref<2000x128xf32, #tpu.memory_space<vmem>>, %arg2: memref<128x128xf32, #tpu.memory_space<vmem>>, %arg3: memref<2000x128xbf16, #tpu.memory_space<vmem>>) attributes {dimension_semantics = [#tpu.dimension_semantics<arbitrary>], iteration_bounds = array<i64: 5>, scalar_prefetch = 0 : i64, scratch_operands = 0 : i64, tpu.core_type = #tpu.core_type<tc>, window_params = [{transform_indices = @transform_0, window_bounds = array<i64: 2000, 128>}, {pipeline_mode = #tpu.pipeline_mode<synchronous>, transform_indices = @transform_1, window_bounds = array<i64: 128, 128>}, {transform_indices = @transform_2, window_bounds = array<i64: 2000, 128>}]} {
    %get3A = arith.constant 0 : index
    %get3A_0 = arith.constant 0 : index
    %get3A_1 = vector.load %arg1[%get3A, %get3A_0] : memref<2000x128xf32, #tpu.memory_space<vmem>>, vector<2000x128xf32>
    %get3A_2 = arith.constant 0 : index
    %get3A_3 = arith.constant 0 : index
    %get3A_4 = vector.load %arg2[%get3A_2, %get3A_3] : memref<128x128xf32, #tpu.memory_space<vmem>>, vector<128x128xf32>
    %dot_general3A = arith.constant dense<0.000000e+00> : vector<2000x128xf32>
    %dot_general3A_5 = tpu.matmul %get3A_1, %get3A_4, %dot_general3A {dimension_numbers = #tpu.dot_dimension_numbers<[1], [0], [0], [1], [0, 0, 1, 1], [], []>, transpose_lhs_hint = false} : vector<2000x128xf32>, vector<128x128xf32>, vector<2000x128xf32> -> vector<2000x128xf32>
    %convert_element_type3A = arith.truncf %dot_general3A_5 : vector<2000x128xf32> to vector<2000x128xbf16>
    %swap3A = arith.constant 0 : index
    %swap3A_6 = arith.constant 0 : index
    %swap3A_7 = vector.load %arg3[%swap3A, %swap3A_6] : memref<2000x128xbf16, #tpu.memory_space<vmem>>, vector<2000x128xbf16>
    tpu.vector_store %arg3[%swap3A, %swap3A_6], %convert_element_type3A {strides = array<i32>} : memref<2000x128xbf16, #tpu.memory_space<vmem>>, vector<2000x128xbf16>,
    return
  }
  func.func @transform_0(%arg0: i32) -> (i32, i32) {
    %c0_i32 = arith.constant 0 : i32
    %c0_i32_0 = arith.constant 0 : i32
    return %arg0, %c0_i32 : i32, i32
  }
  func.func @transform_1(%arg0: i32) -> (i32, i32) {
    %c0_i32 = arith.constant 0 : i32
    %c0_i32_0 = arith.constant 0 : i32
    %c0_i32_1 = arith.constant 0 : i32
    return %c0_i32, %c0_i32_0 : i32, i32
  }
  func.func @transform_2(%arg0: i32) -> (i32, i32) {
    %c0_i32 = arith.constant 0 : i32
    %c0_i32_0 = arith.constant 0 : i32
    return %arg0, %c0_i32 : i32, i32
  }
}

module attributes {stable_mosaic.version = 14 : i64} {
  func.func @body(%arg0: i32, %arg1: memref<2x2000x128xbf16, #tpu.memory_space<vmem>>, %arg2: memref<1x128xf32, #tpu.memory_space<vmem>>, %arg3: memref<128x64xf32, #tpu.memory_space<vmem>>, %arg4: memref<2000x64xbf16, #tpu.memory_space<vmem>>) attributes {dimension_semantics = [#tpu.dimension_semantics<arbitrary>], iteration_bounds = array<i64: 5>, scalar_prefetch = 0 : i64, scratch_operands = 0 : i64, tpu.core_type = #tpu.core_type<tc>, window_params = [{transform_indices = @transform_0, window_bounds = array<i64: 2, 2000, 128>}, {pipeline_mode = #tpu.pipeline_mode<synchronous>, transform_indices = @transform_1, window_bounds = array<i64: 1, 128>}, {pipeline_mode = #tpu.pipeline_mode<synchronous>, transform_indices = @transform_2, window_bounds = array<i64: 128, 64>}, {transform_indices = @transform_3, window_bounds = array<i64: 2000, 64>}]} {
    %get3A = arith.constant 0 : index
    %get3A_0 = arith.constant 0 : index
    %get3A_1 = arith.constant 0 : index
    %get3A_2 = vector.load %arg1[%get3A, %get3A_0, %get3A_1] : memref<2x2000x128xbf16, #tpu.memory_space<vmem>>, vector<1x2000x128xbf16>
    %get3A_3 = vector.shape_cast %get3A_2 : vector<1x2000x128xbf16> to vector<2000x128xbf16>
    %convert_element_type3A = arith.extf %get3A_3 : vector<2000x128xbf16> to vector<2000x128xf32>
    %get3A_4 = arith.constant 1 : index
    %get3A_5 = arith.constant 0 : index
    %get3A_6 = arith.constant 0 : index
    %get3A_7 = vector.load %arg1[%get3A_4, %get3A_5, %get3A_6] : memref<2x2000x128xbf16, #tpu.memory_space<vmem>>, vector<1x2000x128xbf16>
    %get3A_8 = vector.shape_cast %get3A_7 : vector<1x2000x128xbf16> to vector<2000x128xbf16>
    %convert_element_type3A_9 = arith.extf %get3A_8 : vector<2000x128xbf16> to vector<2000x128xf32>
    %add3A = arith.addf %convert_element_type3A, %convert_element_type3A_9 : vector<2000x128xf32>
    %get3A_10 = arith.constant 0 : index
    %get3A_11 = arith.constant 0 : index
    %get3A_12 = vector.load %arg2[%get3A_10, %get3A_11] : memref<1x128xf32, #tpu.memory_space<vmem>>, vector<1x128xf32>
    %add3A_13 = vector.broadcast %get3A_12 : vector<1x128xf32> to vector<2000x128xf32>
    %add3A_14 = arith.addf %add3A, %add3A_13 : vector<2000x128xf32>
    %max3A = arith.constant 0.000000e+00 : f32
    %max3A_15 = vector.broadcast %max3A : f32 to vector<2000x128xf32>
    %max3A_16 = arith.maximumf %add3A_14, %max3A_15 : vector<2000x128xf32>
    %get3A_17 = arith.constant 0 : index
    %get3A_18 = arith.constant 0 : index
    %get3A_19 = vector.load %arg3[%get3A_17, %get3A_18] : memref<128x64xf32, #tpu.memory_space<vmem>>, vector<128x64xf32>
    %dot_general3A = arith.constant dense<0.000000e+00> : vector<2000x64xf32>
    %dot_general3A_20 = tpu.matmul %max3A_16, %get3A_19, %dot_general3A {dimension_numbers = #tpu.dot_dimension_numbers<[1], [0], [0], [1], [0, 0, 1, 1], [], []>, transpose_lhs_hint = false} : vector<2000x128xf32>, vector<128x64xf32>, vector<2000x64xf32> -> vector<2000x64xf32>
    %convert_element_type3A_21 = arith.truncf %dot_general3A_20 : vector<2000x64xf32> to vector<2000x64xbf16>
    %swap3A = arith.constant 0 : index
    %swap3A_22 = arith.constant 0 : index
    %swap3A_23 = vector.load %arg4[%swap3A, %swap3A_22] : memref<2000x64xbf16, #tpu.memory_space<vmem>>, vector<2000x64xbf16>
    tpu.vector_store %arg4[%swap3A, %swap3A_22], %convert_element_type3A_21 {strides = array<i32>} : memref<2000x64xbf16, #tpu.memory_space<vmem>>, vector<2000x64xbf16>,
    return
  }
  func.func @transform_0(%arg0: i32) -> (i32, i32, i32) {
    %c0_i32 = arith.constant 0 : i32
    %c0_i32_0 = arith.constant 0 : i32
    %c0_i32_1 = arith.constant 0 : i32
    return %c0_i32, %arg0, %c0_i32_0 : i32, i32, i32
  }
  func.func @transform_1(%arg0: i32) -> (i32, i32) {
    %c0_i32 = arith.constant 0 : i32
    %c0_i32_0 = arith.constant 0 : i32
    %c0_i32_1 = arith.constant 0 : i32
    return %c0_i32, %c0_i32_0 : i32, i32
  }
  func.func @transform_2(%arg0: i32) -> (i32, i32) {
    %c0_i32 = arith.constant 0 : i32
    %c0_i32_0 = arith.constant 0 : i32
    %c0_i32_1 = arith.constant 0 : i32
    return %c0_i32, %c0_i32_0 : i32, i32
  }
  func.func @transform_3(%arg0: i32) -> (i32, i32) {
    %c0_i32 = arith.constant 0 : i32
    %c0_i32_0 = arith.constant 0 : i32
    return %arg0, %c0_i32 : i32, i32
  }
}

module attributes {stable_mosaic.version = 14 : i64} {
  func.func @body(%arg0: i32, %arg1: memref<2x2000x64xbf16, #tpu.memory_space<vmem>>, %arg2: memref<1x64xf32, #tpu.memory_space<vmem>>, %arg3: memref<2000x40xf32, #tpu.memory_space<vmem>>) attributes {dimension_semantics = [#tpu.dimension_semantics<arbitrary>], iteration_bounds = array<i64: 5>, scalar_prefetch = 0 : i64, scratch_operands = 0 : i64, tpu.core_type = #tpu.core_type<tc>, window_params = [{transform_indices = @transform_0, window_bounds = array<i64: 2, 2000, 64>}, {pipeline_mode = #tpu.pipeline_mode<synchronous>, transform_indices = @transform_1, window_bounds = array<i64: 1, 64>}, {transform_indices = @transform_2, window_bounds = array<i64: 2000, 40>}]} {
    %get3A = arith.constant 0 : index
    %get3A_0 = arith.constant 0 : index
    %get3A_1 = arith.constant 0 : index
    %get3A_2 = vector.load %arg1[%get3A, %get3A_0, %get3A_1] : memref<2x2000x64xbf16, #tpu.memory_space<vmem>>, vector<1x2000x64xbf16>
    %get3A_3 = vector.shape_cast %get3A_2 : vector<1x2000x64xbf16> to vector<2000x64xbf16>
    %convert_element_type3A = arith.extf %get3A_3 : vector<2000x64xbf16> to vector<2000x64xf32>
    %get3A_4 = arith.constant 1 : index
    %get3A_5 = arith.constant 0 : index
    %get3A_6 = arith.constant 0 : index
    %get3A_7 = vector.load %arg1[%get3A_4, %get3A_5, %get3A_6] : memref<2x2000x64xbf16, #tpu.memory_space<vmem>>, vector<1x2000x64xbf16>
    %get3A_8 = vector.shape_cast %get3A_7 : vector<1x2000x64xbf16> to vector<2000x64xbf16>
    %convert_element_type3A_9 = arith.extf %get3A_8 : vector<2000x64xbf16> to vector<2000x64xf32>
    %add3A = arith.addf %convert_element_type3A, %convert_element_type3A_9 : vector<2000x64xf32>
    %get3A_10 = arith.constant 0 : index
    %get3A_11 = arith.constant 0 : index
    %get3A_12 = vector.load %arg2[%get3A_10, %get3A_11] : memref<1x64xf32, #tpu.memory_space<vmem>>, vector<1x64xf32>
    %add3A_13 = vector.broadcast %get3A_12 : vector<1x64xf32> to vector<2000x64xf32>
    %add3A_14 = arith.addf %add3A, %add3A_13 : vector<2000x64xf32>
    %slice3A = vector.extract_strided_slice %add3A_14 {offsets = [0, 0], sizes = [2000, 40], strides = [1, 1]} : vector<2000x64xf32> to vector<2000x40xf32>
    %swap3A = arith.constant 0 : index
    %swap3A_15 = arith.constant 0 : index
    %swap3A_16 = vector.load %arg3[%swap3A, %swap3A_15] : memref<2000x40xf32, #tpu.memory_space<vmem>>, vector<2000x40xf32>
    tpu.vector_store %arg3[%swap3A, %swap3A_15], %slice3A {strides = array<i32>} : memref<2000x40xf32, #tpu.memory_space<vmem>>, vector<2000x40xf32>,
    return
  }
  func.func @transform_0(%arg0: i32) -> (i32, i32, i32) {
    %c0_i32 = arith.constant 0 : i32
    %c0_i32_0 = arith.constant 0 : i32
    %c0_i32_1 = arith.constant 0 : i32
    return %c0_i32, %arg0, %c0_i32_0 : i32, i32, i32
  }
  func.func @transform_1(%arg0: i32) -> (i32, i32) {
    %c0_i32 = arith.constant 0 : i32
    %c0_i32_0 = arith.constant 0 : i32
    %c0_i32_1 = arith.constant 0 : i32
    return %c0_i32, %c0_i32_0 : i32, i32
  }
  func.func @transform_2(%arg0: i32) -> (i32, i32) {
    %c0_i32 = arith.constant 0 : i32
    %c0_i32_0 = arith.constant 0 : i32
    return %arg0, %c0_i32 : i32, i32
  }
}

</mosaic_0001>

<sc_bundles>
// kernel: kernel.10.cloned.1.call-start
scs
__scs_entry_jumppad:
0x0: {  	(pc) =	sbr.rel $0x88, $3  }
0x1: {  	(tag) =	ssettag $0x0;
	lr =	simm.s32 $0x1  }
0x2: {  	[smem:$0x3F9B] =	sst lr;
	_ =	strace $0xD0000000  }
0x3: {  	_ = 	snop  }
0x4: {  	_ = 	snop  }
0x5: {  	_ = 	snop  }
0x6: {  	_ = 	snop  }
0x7: {  	_ = 	snop  }
__scs_overlays_trampoline_lowered:
0x8: {  	[smem:$0x3FAA] =	sst s0  }
0x9: {  	[smem:$0x3FAB] =	sst s1  }
0xa: {  	[smem:$0x3FAC] =	sst s2  }
0xb: {  	[smem:$0x3FAD] =	sst s3  }
0xc: {  	[smem:$0x3FAE] =	sst s4  }
0xd: {  	[smem:$0x3FAF] =	sst s5  }
0xe: {  	[smem:$0x3FB0] =	sst s6  }
0xf: {  	[smem:$0x3FB1] =	sst s7  }
0x10: {  	[smem:$0x3FB2] =	sst s8  }
0x11: {  	[smem:$0x3FB3] =	sst s9;
	s0 =	simm.s32 @!p0 $0x0  }
0x12: {  	s1 =	sld [smem:$0x3F99];
	s0 =	simm.s32 @p0 $0x1  }
0x13: {  	[smem:$0x3FB4] =	sst s0;
	s0 =	simm.s32 @!p1 $0x0  }
0x14: {  	s2 =	sld [smem:$0x3F98];
	s0 =	simm.s32 @p1 $0x1  }
0x15: {  	[smem:$0x3FB5] =	sst s0;
	s0 =	simm.s32 @!p2 $0x0  }
0x16: {  	s3 =	sld [smem:$0x3FDB];
	s0 =	simm.s32 @p2 $0x1  }
0x17: {  	s4 =	simm.s32 $0x1BF5;
	[smem:$0x3FB7] =	sst s0  }
0x18: {  	s0 =	sld [smem:$0x3F9A];
	_ =	swait.ge [sflag:s4], $0x0  }
0x19: {  	s7 =	sld [smem:$0x3F9B]  }
0x1a: {  	s8 =	sadd.s32 $0xFFFFE003, lr  }
0x1b: {  	s9 =	sadd.s32 $0xFFFFFEF7, lr;
	s5 =	simm.s32 $0xFFFFFFFF;
	p2 =	slt.u32 s8, $0xFFFFF086  }
0x1c: {  	p1 =	slt.u32 s9, $0xF7A;
	s5 =	simm.s32 @!p2 $0x0  }
0x1d: {  	s5 =	simm.s32 @p1 $0x1;
	p0 =	seq.s32 s7, s2  }
0x1e: {  	s7 =	smul.u32 @!p0 $0xF7A, s2;
	p2 =	seq.s32 @!p0 s5, $0x0  }
0x1f: {  	s9 =	smul.u32 $0xF7A, s1;
	s8 =	simm.s32 @!p0 $0x1BF5;
	p2 =	por !p2, p0  }
0x20: {  	[sflag:s8] =	ssyncset.s32 @!p0 $0xFFFFF086;
	s6 =	sadd.s32 @!p0 s3, s7;
	s7 =	simm.s32 @!p0 $0x108  }
0x21: {  	s3 =	sadd.s32 s3, s9;
	s6 =	sadd.s32 @!p0 $0x88, s6;
	s7 =	simm.s32 @p2 $0x1082  }
0x22: {  	[simem:s7], [sflag:s8] =	dma.local @!p0 [hbm:s6], $0xF7A  }
0x23: {  	s9 =	sor.u32 $0xD0000000, s2;
	s6 =	simm.s32 $0x108;
	_ =	swait.ge @!p0 [sflag:s8], $0x0  }
0x24: {  	s3 =	sadd.s32 $0x88, s3;
	s6 =	simm.s32 @!p1 $0x1082;
	[sflag:s4] =	ssyncset.s32 $0xFFFFF086  }
0x25: {  	[simem:s6], [sflag:s4] =	dma.local [hbm:s3], $0xF7A  }
0x26: {  	[smem:$0x3F9B] =	sst s1;
	(tag) =	ssettag s2;
	_ =	strace s9  }
0x27: {  	s1 =	sld [smem:$0x3FAB]  }
0x28: {  	s2 =	sld [smem:$0x3FAC]  }
0x29: {  	s4 =	sld [smem:$0x3FAE]  }
0x2a: {  	p0 =	seq.s32 s5, $0x0;
	s5 =	sld [smem:$0x3FAF]  }
0x2b: {  	s6 =	sld [smem:$0x3FB0]  }
0x2c: {  	s7 =	sld [smem:$0x3FB1]  }
0x2d: {  	s3 =	simm.s32 $0x108;
	s8 =	sld [smem:$0x3FB2]  }
0x2e: {  	s3 =	simm.s32 @!p0 $0x1082;
	s9 =	sld [smem:$0x3FB3]  }
0x2f: {  	lr =	sadd.s32 s0, s3;
	s0 =	sld [smem:$0x3FAA]  }
0x30: {  	s3 =	sld [smem:$0x3FAD]  }
0x31: {  	[smem:$0x3FB6] =	sst s10  }
0x32: {  	s10 =	sld [smem:$0x3FB4];
	_ =	sdelay $0x3  }
0x33: {  	p0 =	seq.s32 s10, $0x1;
	s10 =	sld [smem:$0x3FB6];
	_ =	sdelay $0x3  }
0x34: {  	[smem:$0x3FB6] =	sst s10  }
0x35: {  	s10 =	sld [smem:$0x3FB5];
	_ =	sdelay $0x3  }
0x36: {  	p1 =	seq.s32 s10, $0x1;
	s10 =	sld [smem:$0x3FB6];
	_ =	sdelay $0x3  }
0x37: {  	[smem:$0x3FB6] =	sst s10  }
0x38: {  	s10 =	sld [smem:$0x3FB7]  }
0x39: {  	_ = 	snop;
	(pc) =	sbr.ind lr, $3  }
0x3a: {  	_ = 	snop  }
0x3b: {  	_ = 	snop  }
0x3c: {  	p2 =	seq.s32 s10, $0x1;
	s10 =	sld [smem:$0x3FB6]  }
0x3d: {  	_ =	shalt  }
0x3e: {  	_ =	shalt  }
0x3f: {  	_ =	shalt  }
0x40: {  	_ =	shalt  }
0x41: {  	_ =	shalt  }
0x42: {  	_ =	shalt  }
0x43: {  	_ =	shalt  }
0x44: {  	_ =	shalt  }
0x45: {  	_ =	shalt  }
0x46: {  	_ =	shalt  }
0x47: {  	_ =	shalt  }
0x48: {  	_ =	shalt  }
0x49: {  	_ =	shalt  }
0x4a: {  	_ =	shalt  }
0x4b: {  	_ =	shalt  }
0x4c: {  	_ =	shalt  }
0x4d: {  	_ =	shalt  }
0x4e: {  	_ =	shalt  }
0x4f: {  	_ =	shalt  }
0x50: {  	_ =	shalt  }
0x51: {  	_ =	shalt  }
0x52: {  	_ =	shalt  }
0x53: {  	_ =	shalt  }
0x54: {  	_ =	shalt  }
0x55: {  	_ =	shalt  }
0x56: {  	_ =	shalt  }
0x57: {  	_ =	shalt  }
0x58: {  	_ =	shalt  }
0x59: {  	_ =	shalt  }
0x5a: {  	_ =	shalt  }
0x5b: {  	_ =	shalt  }
0x5c: {  	_ =	shalt  }
0x5d: {  	_ =	shalt  }
0x5e: {  	_ =	shalt  }
0x5f: {  	_ =	shalt  }
0x60: {  	_ =	shalt  }
0x61: {  	_ =	shalt  }
0x62: {  	_ =	shalt  }
0x63: {  	_ =	shalt  }
0x64: {  	_ =	shalt  }
0x65: {  	_ =	shalt  }
0x66: {  	_ =	shalt  }
0x67: {  	_ =	shalt  }
0x68: {  	_ =	shalt  }
0x69: {  	_ =	shalt  }
0x6a: {  	_ =	shalt  }
0x6b: {  	_ =	shalt  }
0x6c: {  	_ =	shalt  }
0x6d: {  	_ =	shalt  }
0x6e: {  	_ =	shalt  }
0x6f: {  	_ =	shalt  }
0x70: {  	_ =	shalt  }
0x71: {  	_ =	shalt  }
0x72: {  	_ =	shalt  }
0x73: {  	_ =	shalt  }
0x74: {  	_ =	shalt  }
0x75: {  	_ =	shalt  }
0x76: {  	_ =	shalt  }
0x77: {  	_ =	shalt  }
0x78: {  	_ =	shalt  }
0x79: {  	_ =	shalt  }
0x7a: {  	_ =	shalt  }
0x7b: {  	_ =	shalt  }
0x7c: {  	_ =	shalt  }
0x7d: {  	_ =	shalt  }
0x7e: {  	_ =	shalt  }
0x7f: {  	_ =	shalt  }
0x80: {  	_ =	shalt  }
0x81: {  	_ =	shalt  }
0x82: {  	_ =	shalt  }
0x83: {  	_ =	shalt  }
0x84: {  	_ =	shalt  }
0x85: {  	_ =	shalt  }
0x86: {  	_ =	shalt  }
0x87: {  	_ =	shalt  }
.Lfunc_end0:
.L_simem_size_0:
called_computation.1_lowered:
.L_overlay_start_0:
0x88: {  	s2 =	sld [smem:$0x3FD9]  }
0x89: {  	s3 =	sld [smem:$0x3FFE];
	_ =	sdelay $0x1  }
0x8a: {  	s1 =	srdreg.scid  }
0x8b: {  	s0 =	sand.u32 $0x1, s1  }
0x8c: {  	s17 =	sshll.u32 s0, $0xA;
	s2 =	sadd.s32 s3, s2  }
0x8d: {  	s2 =	sadd.s32 s2, s17  }
0x8e: {  	[smem:$0x3FC2] =	sst s2  }
0x8f: {  	_ = 	snop  }
0x90: {  	s2 =	sld [smem:$0x3FD0];
	(tm) =	ssettm $0x1  }
0x91: {  	s18 =	sld [smem:$0x3FFB];
	_ =	sdelay $0x3  }
0x92: {  	_ =	strace s18  }
0x93: {  	s3 =	sld [smem:$0x3FFC];
	_ =	sdelay $0x3  }
0x94: {  	_ =	strace s3  }
0x95: {  	s3 =	sld [smem:$0x3FFD];
	_ =	sdelay $0x3  }
0x96: {  	_ =	strace s3  }
0x97: {  	_ =	strace $0x8FFFFFFF  }
0x98: {  	s19 =	sld [smem:$0x3FDB];
	_ =	sdelay $0x1  }
0x99: {  	s4 =	simm.s32 $_scs_section_size  }
0x9a: {  	s5 =	simm.s32 $_size__tile_overlayer_lowered;
	s6 =	simm.s32 $_tile_overlayer_lowered  }
0x9b: {  	s22 =	simm.s32 $0x1BFF;
	s21 =	sshll.u32 s6, $0x1;
	s3 =	sadd.s32 s4, s19  }
0x9c: {  	s7 =	simm.s32 $0x0;
	s20 =	sshll.u32 s5, $0x1;
	s5 =	sadd.s32 s21, s3  }
0x9d: {  	[timem:s7], [sflag:s22] =	dma.local [hbm:s5], s20  }
0x9e: {  	_ =	swait.ge [sflag:s22], s20  }
0x9f: {  	s4 =	ssub.s32 $0x0, s20;
	[sflag:s22] =	ssyncset.done $0x0  }
0xa0: {  	[sflag:s22] =	ssyncadd.s32 s4;
	_ =	sdelay $0x1  }
0xa1: {  	s23 =	simm.s32 $0x1B8B  }
0xa2: {  	_ =	swait.ge [sflag:s23], $0x1  }
0xa3: {  	[sflag:s23] =	ssyncset.done $0x0  }
0xa4: {  	s25 =	simm.s32 $0x1B8E;
	s24 =	sld [smem:$0x3FFE];
	[sflag:s23] =	ssyncadd.s32 $0xFFFFFFFF  }
0xa5: {  	s26 =	simm.s32 $execute0_lowered;
	[smem:$0x3FD2] =	sst s25  }
0xa6: {  	s5 =	sshll.u32 s26, $0x1;
	_ =	strace $0x80000049;
	[dreg:$0x1] =	wrdreg $0xFFFFFFFF  }
0xa7: {  	s28 =	simm.s32 $_size_execute0_lowered;
	s3 =	sadd.s32 s3, s5;
	[dreg:$0x0] =	wrdreg $0x0  }
0xa8: {  	s5 =	sshll.u32 s28, $0x1;
	[dreg:$0x2] =	wrdreg s3  }
0xa9: {  	[dreg:$0x3] =	wrdreg s5  }
0xaa: {  	[dreg:$0x4] =	wrdreg $0xC0  }
0xab: {  	_ =	task [dreg:s7], $0x5FFFF  }
0xac: {  	[dreg:$0x1] =	wrdreg $0xFFFFFFFF  }
0xad: {  	[dreg:$0x0] =	wrdreg $0x60  }
0xae: {  	[dreg:$0x2] =	wrdreg s24  }
0xaf: {  	[dreg:$0x3] =	wrdreg s2  }
0xb0: {  	[dreg:$0x4] =	wrdreg $0xA3200  }
0xb1: {  	[dreg:$0x5] =	wrdreg $0x9  }
0xb2: {  	_ =	task.clear_ibuf [dreg:s7], $0x6FFFF;
	_ =	strace $0x90000049  }
0xb3: {  	s29 =	simm.s32 $0x9;
	_ =	strace $0x8000004B  }
0xb4: {  	_ =	swait.ge [sflag:s29], $0x1  }
0xb5: {  	[sflag:s29] =	ssyncadd.s32 $0xFFFFFFFF  }
0xb6: {  	_ =	strace $0x9000004B  }
0xb7: {  	_ =	sfence  }
0xb8: {  	s30 =	sld [smem:$0x0];
	_ =	sdelay $0x2  }
0xb9: {  	s31 =	sshll.u32 s1, $0xD;
	s1 =	sshrl.u32 s1, $0x2  }
0xba: {  	s3 =	sand.u32 $0x4000, s31;
	s1 =	sadd.s32 s1, s30  }
0xbb: {  	s0 =	sor.u32 s3, s0;
	s1 =	sshll.u32 s1, $0x11  }
0xbc: {  	s0 =	sor.u32 s1, s0  }
0xbd: {  	s0 =	sadd.s32 $0x8F2B, s0  }
0xbe: {  	[sflag:s0] =	ssyncadd.remote.s32 $0x1  }
0xbf: {  	_ =	sfence.sel $0xFFFF  }
0xc0: {  	[dreg:$0x0] =	wrdreg $0xFFFFFFFF;
	(pc) =	sbr.abs _section_cstart, $3  }
0xc1: {  	[dreg:$0x1] =	wrdreg $0xFFFFFFFF  }
0xc2: {  	_ =	task.clear_ibuf [dreg:s7], $0x2FFFF;
	_ =	strace $0x9FFFFFFF  }
0xc3: {  	(tm) =	ssettm $0x7FFFFFFF  }
tec
execute0_lowered:
.L_overlay_start_1:
0x0: {  	(tag) =	ssettag $0x1  }
0x1: {  	s0 =	rddreg [dreg:$0x0]  }
0x2: {  	s1 =	rddreg [dreg:$0x1]  }
0x3: {  	s2 =	rddreg [dreg:$0x2];
	s3 =	srdreg.scid  }
0x4: {  	s11 =	stileid.u32;
	s4 =	simm.s32 $0x0;
	s28 =	simm.s32 $0x7440  }
0x5: {  	s30 =	simm.s32 $0x83E0;
	s31 =	simm.s32 $0x1;
	s29 =	simm.s32 $0x6  }
0x6: {  	s3 =	sand.u32 $0x1, s3;
	s5 =	smul.u32 $0x9C40, s11;
	[smem:$0x7FF] =	sst s4  }
0x7: {  	s4 =	sadd.s32 $0xB000, s0;
	s7 =	sadd.s32 $0x1000, s0;
	s9 =	smul.u32 $0x2580, s11  }
0x8: {  	s10 =	sadd.s32 $0x47000, s0;
	s19 =	smul.u32 $0x550, s11;
	s26 =	sshll.u32 s11, $0x6  }
0x9: {  	s6 =	smul.u32 $0x9C400, s3;
	_ =	strace $0x8000004A;
	s8 =	ssub.s32 $0x2, s3  }
0xa: {  	[dreg:$0x4] =	wrdreg s10;
	p0 =	seq.s32 s3, $0x0;
	s17 =	sshrl.u32 s8, $0x1  }
0xb: {  	s18 =	sshrl.u32 s9, $0x3;
	s9 =	simm.s32 $0x55;
	s20 =	sshrl.u32 s5, $0x1  }
0xc: {  	s6 =	sadd.s32 s5, s6;
	s9 =	simm.s32 @!p0 $0x4B;
	p0 =	sne.s32 s3, $0x0  }
0xd: {  	s3 =	simm.s32 $0x9380;
	s6 =	sshrl.u32 s6, $0x4;
	s21 =	smul.u32 $0x67, s9  }
0xe: {  	s22 =	sshll.u32 s9, $0x7;
	s9 =	simm.s32 $0x0;
	s0 =	sadd.s32 s6, s0  }
0xf: {  	s6 =	ssub.s32 s8, s17;
	s8 =	sadd.s32 $0x5500, s18;
	s23 =	sadd.s32 $0x2800, s22  }
0x10: {  	s24 =	sadd.s32 $0xFFFFFF80, s22;
	s25 =	sadd.s32 $0x2880, s22;
	s14 =	sadd.s32 $0x2900, s22  }
0x11: {  	s15 =	sadd.s32 $0x2980, s22;
	s16 =	sadd.s32 $0x2A00, s22;
	s22 =	simm.s32 $0x7D  }
0x12: {  	s12 =	sadd.s32 s1, s8;
	s8 =	sadd.s32 s7, s8;
	[dreg:$0xa] =	wrdreg s23  }
0x13: {  	s1 =	sadd.s32 s1, s19;
	s7 =	sadd.s32 s7, s19;
	[dreg:$0xb] =	wrdreg s24  }
0x14: {  	s5 =	sshrl.u32 s21, $0x9;
	[dreg:$0xc] =	wrdreg s25;
	s17 =	sadd.s32 $0x14E00, s0  }
0x15: {  	s18 =	smax.u32 s6, $0x1;
	s21 =	simm.s32 $0xB;
	[dreg:$0x5] =	wrdreg s12  }
0x16: {  	s23 =	simm.s32 $0x5500;
	s25 =	simm.s32 $0x64A0;
	[dreg:$0x6] =	wrdreg s8  }
0x17: {  	s24 =	simm.s32 $0x2;
	s0 =	simm.s32 $0x7;
	[dreg:$0x7] =	wrdreg s1  }
0x18: {  	s6 =	simm.s32 $0x5;
	[dreg:$0x8] =	wrdreg s7;
	s1 =	sadd.s32 s20, s2  }
0x19: {  	s5 =	smul.u32 $0xA00, s5;
	s20 =	sor.u32 $0x1C0B, s26;
	s26 =	simm.s32 $0x4  }
0x1a: {  	s7 =	simm.s32 $0x9;
	s8 =	simm.s32 $0xA;
	[dreg:$0x9] =	wrdreg s1  }
0x1b: {  	s1 =	simm.s32 $0x3;
	s19 =	sadd.s32 $0xFFFFEC00, s5;
	s5 =	simm.s32 $0x8  }
.LBB2_1:
0x1c: {  	s10 =	simm.s32 @p0 $0x0;
	s11 =	rddreg [dreg:$0x5]  }
0x1d: {  	[tilespmem:s10], [sflag:$0xB] =	stream.linear.gather @p0 [hbm4b:s11+s10], $0x2580, $0x38;
	[tilespmem:$0xF140] =	vst v63  }
0x1e: {  	s11 =	simm.s32 @p0 $0xB  }
0x1f: {  	_ =	swait.ge @p0 [sflag:s11], $0x2580  }
0x20: {  	[sflag:s11] =	ssyncset.done @p0 $0x0  }
0x21: {  	s12 =	simm.s32 @p0 $0x2A80;
	s13 =	rddreg [dreg:$0x6];
	[sflag:s11] =	ssyncadd.s32 @p0 $0xFFFFDA80  }
0x22: {  	[tilespmem:s12], [sflag:$0xB] =	stream.linear.gather @p0 [hbm4b:s13+s10], $0x2580, $0x38;
	[tilespmem:$0xF140] =	vst v63  }
0x23: {  	_ =	swait.ge @p0 [sflag:s11], $0x2580  }
0x24: {  	[sflag:s11] =	ssyncset.done @p0 $0x0  }
0x25: {  	s10 =	simm.s32 @!p0 $0x0;
	[sflag:s11] =	ssyncadd.s32 @p0 $0xFFFFDA80;
	s11 =	rddreg [dreg:$0x7]  }
0x26: {  	[tilespmem:s10], [sflag:$0xB] =	stream.linear.gather @!p0 [hbm4b:s11+s10], $0x2A80, $0x38;
	[tilespmem:$0xF140] =	vst v63  }
0x27: {  	s11 =	simm.s32 @!p0 $0xB  }
0x28: {  	_ =	swait.ge @!p0 [sflag:s11], $0x2A80  }
0x29: {  	[sflag:s11] =	ssyncset.done @!p0 $0x0  }
0x2a: {  	s12 =	simm.s32 @!p0 $0x2A80;
	s13 =	rddreg [dreg:$0x8];
	[sflag:s11] =	ssyncadd.s32 @!p0 $0xFFFFD580  }
0x2b: {  	[tilespmem:s12], [sflag:$0xB] =	stream.linear.gather @!p0 [hbm4b:s13+s10], $0x2A80, $0x38;
	[tilespmem:$0xF140] =	vst v63  }
0x2c: {  	_ =	swait.ge @!p0 [sflag:s11], $0x2A80  }
0x2d: {  	[sflag:s11] =	ssyncset.done @!p0 $0x0  }
0x2e: {  	[sflag:s11] =	ssyncadd.s32 @!p0 $0xFFFFD580;
	s11 =	rddreg [dreg:$0x9]  }
0x2f: {  	s12 =	rddreg [dreg:$0x4];
	s10 =	sshrl.u32 s11, $0x3  }
0x30: {  	[spmem:s10], [sflag:s20] =	dma.local [hbm:s12], $0x9C4  }
0x31: {  	_ =	swait.ge [sflag:s21], $0x9C4  }
0x32: {  	[sflag:s21] =	ssyncset.done $0x0  }
0x33: {  	[sflag:s21] =	ssyncadd.s32 $0xFFFFF63C  }
0x34: {  	s13 =	simm.s32 $0x0;
	[bflag:$0x0] =	sbarrier.arrive $0xFFFF  }
0x35: {  	[tilespmem:s23], [sflag:$0x1] =	stream.indirect.gather [hbm4b:s4+s22], $0x20, s13, s22, $0xb8;
	[tilespmem:$0xF140] =	vst v63  }
0x36: {  	s12 =	simm.s32 $0x80  }
0x37: {  	[tilespmem:s25], [sflag:$0x2] =	stream.indirect.gather [hbm4b:s4+s22], $0x20, s12, s22, $0xb8;
	[tilespmem:$0xF140] =	vst v63  }
0x38: {  	s13 =	simm.s32 $0x100  }
0x39: {  	[tilespmem:s28], [sflag:$0x3] =	stream.indirect.gather [hbm4b:s4+s22], $0x20, s13, s22, $0xb8;
	[tilespmem:$0xF140] =	vst v63  }
0x3a: {  	s12 =	simm.s32 $0x180  }
0x3b: {  	[tilespmem:s30], [sflag:$0x4] =	stream.indirect.gather [hbm4b:s4+s22], $0x20, s12, s22, $0xb8;
	[tilespmem:$0xF140] =	vst v63  }
0x3c: {  	_ =	swait.ge [sflag:s31], $0xFA0  }
0x3d: {  	[sflag:s31] =	ssyncset.done $0x0  }
0x3e: {  	s13 =	simm.s32 $0x2A80;
	[sflag:s31] =	ssyncadd.s32 $0xFFFFF060  }
0x3f: {  	[spmem:s2] =	stream.indirect.scatter.add.bf16 [tilespmem:s23], [sflag:$0x6], $0x20, s13, s22, $0xb8;
	[tilespmem:$0xF140] =	vst v63  }
0x40: {  	s12 =	simm.s32 $0x200  }
0x41: {  	[tilespmem:s3], [sflag:$0x5] =	stream.indirect.gather [hbm4b:s4+s22], $0x20, s12, s22, $0xb8;
	[tilespmem:$0xF140] =	vst v63  }
0x42: {  	_ =	swait.ge [sflag:s24], $0xFA0  }
0x43: {  	[sflag:s24] =	ssyncset.done $0x0  }
0x44: {  	s13 =	simm.s32 $0x2B00;
	[sflag:s24] =	ssyncadd.s32 $0xFFFFF060  }
0x45: {  	[spmem:s2] =	stream.indirect.scatter.add.bf16 [tilespmem:s25], [sflag:$0x7], $0x20, s13, s22, $0xb8;
	[tilespmem:$0xF140] =	vst v63  }
0x46: {  	_ =	swait.ge [sflag:s29], $0xFA0  }
0x47: {  	[sflag:s29] =	ssyncset.done $0x0  }
0x48: {  	s12 =	simm.s32 $0x280;
	[sflag:s29] =	ssyncadd.s32 $0xFFFFF060  }
0x49: {  	[tilespmem:s23], [sflag:$0x1] =	stream.indirect.gather [hbm4b:s4+s22], $0x20, s12, s22, $0xb8;
	[tilespmem:$0xF140] =	vst v63  }
0x4a: {  	_ =	swait.ge [sflag:s1], $0xFA0  }
0x4b: {  	[sflag:s1] =	ssyncset.done $0x0  }
0x4c: {  	s13 =	simm.s32 $0x2B80;
	[sflag:s1] =	ssyncadd.s32 $0xFFFFF060  }
0x4d: {  	[spmem:s2] =	stream.indirect.scatter.add.bf16 [tilespmem:s28], [sflag:$0x8], $0x20, s13, s22, $0xb8;
	[tilespmem:$0xF140] =	vst v63  }
0x4e: {  	_ =	swait.ge [sflag:s0], $0xFA0  }
0x4f: {  	[sflag:s0] =	ssyncset.done $0x0  }
0x50: {  	s12 =	simm.s32 $0x300;
	[sflag:s0] =	ssyncadd.s32 $0xFFFFF060  }
0x51: {  	[tilespmem:s25], [sflag:$0x2] =	stream.indirect.gather [hbm4b:s4+s22], $0x20, s12, s22, $0xb8;
	[tilespmem:$0xF140] =	vst v63  }
0x52: {  	_ =	swait.ge [sflag:s26], $0xFA0  }
0x53: {  	[sflag:s26] =	ssyncset.done $0x0  }
0x54: {  	s13 =	simm.s32 $0x2C00;
	[sflag:s26] =	ssyncadd.s32 $0xFFFFF060  }
0x55: {  	[spmem:s2] =	stream.indirect.scatter.add.bf16 [tilespmem:s30], [sflag:$0x9], $0x20, s13, s22, $0xb8;
	[tilespmem:$0xF140] =	vst v63  }
0x56: {  	_ =	swait.ge [sflag:s5], $0xFA0  }
0x57: {  	[sflag:s5] =	ssyncset.done $0x0  }
0x58: {  	s12 =	simm.s32 $0x380;
	[sflag:s5] =	ssyncadd.s32 $0xFFFFF060  }
0x59: {  	[tilespmem:s28], [sflag:$0x3] =	stream.indirect.gather [hbm4b:s4+s22], $0x20, s12, s22, $0xb8;
	[tilespmem:$0xF140] =	vst v63  }
0x5a: {  	_ =	swait.ge [sflag:s6], $0xFA0  }
0x5b: {  	[sflag:s6] =	ssyncset.done $0x0  }
0x5c: {  	s13 =	simm.s32 $0x2C80;
	[sflag:s6] =	ssyncadd.s32 $0xFFFFF060  }
0x5d: {  	[spmem:s2] =	stream.indirect.scatter.add.bf16 [tilespmem:s3], [sflag:$0xA], $0x20, s13, s22, $0xb8;
	[tilespmem:$0xF140] =	vst v63  }
0x5e: {  	_ =	swait.ge [sflag:s7], $0xFA0  }
0x5f: {  	[sflag:s7] =	ssyncset.done $0x0  }
0x60: {  	s12 =	simm.s32 $0x400;
	[sflag:s7] =	ssyncadd.s32 $0xFFFFF060  }
0x61: {  	[tilespmem:s30], [sflag:$0x4] =	stream.indirect.gather [hbm4b:s4+s22], $0x20, s12, s22, $0xb8;
	[tilespmem:$0xF140] =	vst v63  }
0x62: {  	_ =	swait.ge [sflag:s31], $0xFA0  }
0x63: {  	[sflag:s31] =	ssyncset.done $0x0  }
0x64: {  	s13 =	simm.s32 $0x2D00;
	[sflag:s31] =	ssyncadd.s32 $0xFFFFF060  }
0x65: {  	[spmem:s2] =	stream.indirect.scatter.add.bf16 [tilespmem:s23], [sflag:$0x6], $0x20, s13, s22, $0xb8;
	[tilespmem:$0xF140] =	vst v63  }
0x66: {  	_ =	swait.ge [sflag:s8], $0xFA0  }
0x67: {  	[sflag:s8] =	ssyncset.done $0x0  }
0x68: {  	s12 =	simm.s32 $0x480;
	[sflag:s8] =	ssyncadd.s32 $0xFFFFF060  }
0x69: {  	[tilespmem:s3], [sflag:$0x5] =	stream.indirect.gather [hbm4b:s4+s22], $0x20, s12, s22, $0xb8;
	[tilespmem:$0xF140] =	vst v63  }
0x6a: {  	_ =	swait.ge [sflag:s24], $0xFA0  }
0x6b: {  	[sflag:s24] =	ssyncset.done $0x0  }
0x6c: {  	s13 =	simm.s32 $0x2D80;
	[sflag:s24] =	ssyncadd.s32 $0xFFFFF060  }
0x6d: {  	[spmem:s2] =	stream.indirect.scatter.add.bf16 [tilespmem:s25], [sflag:$0x7], $0x20, s13, s22, $0xb8;
	[tilespmem:$0xF140] =	vst v63  }
0x6e: {  	_ =	swait.ge [sflag:s29], $0xFA0  }
0x6f: {  	[sflag:s29] =	ssyncset.done $0x0  }
0x70: {  	s12 =	simm.s32 $0x500;
	[sflag:s29] =	ssyncadd.s32 $0xFFFFF060  }
0x71: {  	[tilespmem:s23], [sflag:$0x1] =	stream.indirect.gather [hbm4b:s4+s22], $0x20, s12, s22, $0xb8;
	[tilespmem:$0xF140] =	vst v63  }
0x72: {  	_ =	swait.ge [sflag:s1], $0xFA0  }
0x73: {  	[sflag:s1] =	ssyncset.done $0x0  }
0x74: {  	s13 =	simm.s32 $0x2E00;
	[sflag:s1] =	ssyncadd.s32 $0xFFFFF060  }
0x75: {  	[spmem:s2] =	stream.indirect.scatter.add.bf16 [tilespmem:s28], [sflag:$0x8], $0x20, s13, s22, $0xb8;
	[tilespmem:$0xF140] =	vst v63  }
0x76: {  	_ =	swait.ge [sflag:s0], $0xFA0  }
0x77: {  	[sflag:s0] =	ssyncset.done $0x0  }
0x78: {  	s12 =	simm.s32 $0x580;
	[sflag:s0] =	ssyncadd.s32 $0xFFFFF060  }
0x79: {  	[tilespmem:s25], [sflag:$0x2] =	stream.indirect.gather [hbm4b:s4+s22], $0x20, s12, s22, $0xb8;
	[tilespmem:$0xF140] =	vst v63  }
0x7a: {  	_ =	swait.ge [sflag:s26], $0xFA0  }
0x7b: {  	[sflag:s26] =	ssyncset.done $0x0  }
0x7c: {  	s13 =	simm.s32 $0x2E80;
	[sflag:s26] =	ssyncadd.s32 $0xFFFFF060  }
0x7d: {  	[spmem:s2] =	stream.indirect.scatter.add.bf16 [tilespmem:s30], [sflag:$0x9], $0x20, s13, s22, $0xb8;
	[tilespmem:$0xF140] =	vst v63  }
0x7e: {  	_ =	swait.ge [sflag:s5], $0xFA0  }
0x7f: {  	[sflag:s5] =	ssyncset.done $0x0  }
0x80: {  	s12 =	simm.s32 $0x600;
	[sflag:s5] =	ssyncadd.s32 $0xFFFFF060  }
0x81: {  	[tilespmem:s28], [sflag:$0x3] =	stream.indirect.gather [hbm4b:s4+s22], $0x20, s12, s22, $0xb8;
	[tilespmem:$0xF140] =	vst v63  }
0x82: {  	_ =	swait.ge [sflag:s6], $0xFA0  }
0x83: {  	p1 =	sne.s32 s19, $0xA00;
	[sflag:s6] =	ssyncset.done $0x0  }
.Ltmp0:
0x84: {  	s13 =	simm.s32 $0x2F00;
	[sflag:s6] =	ssyncadd.s32 $0xFFFFF060;
	(pc) =	sbr.rel @!p1 .LBB2_3-.Ltmp0, $4  }
0x85: {  	[spmem:s2] =	stream.indirect.scatter.add.bf16 [tilespmem:s3], [sflag:$0xA], $0x20, s13, s22, $0xb8;
	[tilespmem:$0xF140] =	vst v63  }
0x86: {  	_ =	swait.ge [sflag:s7], $0xFA0  }
0x87: {  	[sflag:s7] =	ssyncset.done $0x0  }
0x88: {  	s11 =	simm.s32 $0xA00;
	s12 =	simm.s32 $0x680;
	[sflag:s7] =	ssyncadd.s32 $0xFFFFF060  }
.LBB2_2:
0x89: {  	[tilespmem:s30], [sflag:$0x4] =	stream.indirect.gather [hbm4b:s4+s22], $0x20, s12, s22, $0xb8;
	[tilespmem:$0xF140] =	vst v63  }
0x8a: {  	s12 =	smov.u32 s11;
	s11 =	sadd.s32 $0xA00, s11;
	_ =	swait.ge [sflag:s31], $0xFA0  }
0x8b: {  	s12 =	sshra.s32 s12, $0x2;
	p1 =	sne.s32 s19, s11;
	[sflag:s31] =	ssyncset.done $0x0  }
0x8c: {  	s13 =	sadd.s32 $0x2D00, s12;
	[sflag:s31] =	ssyncadd.s32 $0xFFFFF060  }
0x8d: {  	[spmem:s2] =	stream.indirect.scatter.add.bf16 [tilespmem:s23], [sflag:$0x6], $0x20, s13, s22, $0xb8;
	[tilespmem:$0xF140] =	vst v63  }
0x8e: {  	_ =	swait.ge [sflag:s8], $0xFA0  }
0x8f: {  	[sflag:s8] =	ssyncset.done $0x0  }
0x90: {  	s13 =	sadd.s32 $0x480, s12;
	[sflag:s8] =	ssyncadd.s32 $0xFFFFF060  }
0x91: {  	[tilespmem:s3], [sflag:$0x5] =	stream.indirect.gather [hbm4b:s4+s22], $0x20, s13, s22, $0xb8;
	[tilespmem:$0xF140] =	vst v63  }
0x92: {  	_ =	swait.ge [sflag:s24], $0xFA0  }
0x93: {  	[sflag:s24] =	ssyncset.done $0x0  }
0x94: {  	s13 =	sadd.s32 $0x2D80, s12;
	[sflag:s24] =	ssyncadd.s32 $0xFFFFF060  }
0x95: {  	[spmem:s2] =	stream.indirect.scatter.add.bf16 [tilespmem:s25], [sflag:$0x7], $0x20, s13, s22, $0xb8;
	[tilespmem:$0xF140] =	vst v63  }
0x96: {  	_ =	swait.ge [sflag:s29], $0xFA0  }
0x97: {  	[sflag:s29] =	ssyncset.done $0x0  }
0x98: {  	s13 =	sadd.s32 $0x500, s12;
	[sflag:s29] =	ssyncadd.s32 $0xFFFFF060  }
0x99: {  	[tilespmem:s23], [sflag:$0x1] =	stream.indirect.gather [hbm4b:s4+s22], $0x20, s13, s22, $0xb8;
	[tilespmem:$0xF140] =	vst v63  }
0x9a: {  	_ =	swait.ge [sflag:s1], $0xFA0  }
0x9b: {  	[sflag:s1] =	ssyncset.done $0x0  }
0x9c: {  	s13 =	sadd.s32 $0x2E00, s12;
	[sflag:s1] =	ssyncadd.s32 $0xFFFFF060  }
0x9d: {  	[spmem:s2] =	stream.indirect.scatter.add.bf16 [tilespmem:s28], [sflag:$0x8], $0x20, s13, s22, $0xb8;
	[tilespmem:$0xF140] =	vst v63  }
0x9e: {  	_ =	swait.ge [sflag:s0], $0xFA0  }
0x9f: {  	[sflag:s0] =	ssyncset.done $0x0  }
0xa0: {  	s13 =	sadd.s32 $0x580, s12;
	[sflag:s0] =	ssyncadd.s32 $0xFFFFF060  }
0xa1: {  	[tilespmem:s25], [sflag:$0x2] =	stream.indirect.gather [hbm4b:s4+s22], $0x20, s13, s22, $0xb8;
	[tilespmem:$0xF140] =	vst v63  }
0xa2: {  	_ =	swait.ge [sflag:s26], $0xFA0  }
0xa3: {  	[sflag:s26] =	ssyncset.done $0x0  }
0xa4: {  	s13 =	sadd.s32 $0x2E80, s12;
	[sflag:s26] =	ssyncadd.s32 $0xFFFFF060  }
0xa5: {  	[spmem:s2] =	stream.indirect.scatter.add.bf16 [tilespmem:s30], [sflag:$0x9], $0x20, s13, s22, $0xb8;
	[tilespmem:$0xF140] =	vst v63  }
0xa6: {  	_ =	swait.ge [sflag:s5], $0xFA0  }
0xa7: {  	[sflag:s5] =	ssyncset.done $0x0  }
0xa8: {  	s13 =	sadd.s32 $0x600, s12;
	[sflag:s5] =	ssyncadd.s32 $0xFFFFF060  }
0xa9: {  	[tilespmem:s28], [sflag:$0x3] =	stream.indirect.gather [hbm4b:s4+s22], $0x20, s13, s22, $0xb8;
	[tilespmem:$0xF140] =	vst v63  }
0xaa: {  	_ =	swait.ge [sflag:s6], $0xFA0  }
0xab: {  	[sflag:s6] =	ssyncset.done $0x0  }
.Ltmp1:
0xac: {  	s13 =	sadd.s32 $0x2F00, s12;
	[sflag:s6] =	ssyncadd.s32 $0xFFFFF060;
	(pc) =	sbr.rel @p1 .LBB2_2-.Ltmp1, $4  }
0xad: {  	[spmem:s2] =	stream.indirect.scatter.add.bf16 [tilespmem:s3], [sflag:$0xA], $0x20, s13, s22, $0xb8;
	[tilespmem:$0xF140] =	vst v63  }
0xae: {  	_ =	swait.ge [sflag:s7], $0xFA0  }
0xaf: {  	[sflag:s7] =	ssyncset.done $0x0  }
0xb0: {  	s12 =	sadd.s32 $0x680, s12;
	[sflag:s7] =	ssyncadd.s32 $0xFFFFF060  }
.LBB2_3:
0xb1: {  	[tilespmem:s30], [sflag:$0x4] =	stream.indirect.gather [hbm4b:s4+s22], $0x20, s12, s22, $0xb8;
	[tilespmem:$0xF140] =	vst v63  }
0xb2: {  	_ =	swait.ge [sflag:s31], $0xFA0  }
0xb3: {  	[sflag:s31] =	ssyncset.done $0x0  }
0xb4: {  	s11 =	rddreg [dreg:$0xa];
	[sflag:s31] =	ssyncadd.s32 $0xFFFFF060  }
0xb5: {  	[spmem:s2] =	stream.indirect.scatter.add.bf16 [tilespmem:s23], [sflag:$0x6], $0x20, s11, s22, $0xb8;
	[tilespmem:$0xF140] =	vst v63  }
0xb6: {  	_ =	swait.ge [sflag:s8], $0xFA0  }
0xb7: {  	[sflag:s8] =	ssyncset.done $0x0  }
0xb8: {  	s12 =	rddreg [dreg:$0xb];
	[sflag:s8] =	ssyncadd.s32 $0xFFFFF060  }
0xb9: {  	[tilespmem:s3], [sflag:$0x5] =	stream.indirect.gather [hbm4b:s4+s22], $0x20, s12, s22, $0xb8;
	[tilespmem:$0xF140] =	vst v63  }
0xba: {  	_ =	swait.ge [sflag:s24], $0xFA0  }
0xbb: {  	[sflag:s24] =	ssyncset.done $0x0  }
0xbc: {  	s13 =	rddreg [dreg:$0xc];
	[sflag:s24] =	ssyncadd.s32 $0xFFFFF060  }
0xbd: {  	[spmem:s2] =	stream.indirect.scatter.add.bf16 [tilespmem:s25], [sflag:$0x7], $0x20, s13, s22, $0xb8;
	[tilespmem:$0xF140] =	vst v63  }
0xbe: {  	_ =	swait.ge [sflag:s29], $0xFA0  }
0xbf: {  	[sflag:s29] =	ssyncset.done $0x0  }
0xc0: {  	[sflag:s29] =	ssyncadd.s32 $0xFFFFF060  }
0xc1: {  	_ =	swait.ge [sflag:s1], $0xFA0  }
0xc2: {  	[sflag:s1] =	ssyncset.done $0x0  }
0xc3: {  	[sflag:s1] =	ssyncadd.s32 $0xFFFFF060  }
0xc4: {  	[spmem:s2] =	stream.indirect.scatter.add.bf16 [tilespmem:s28], [sflag:$0x8], $0x20, s14, s22, $0xb8;
	[tilespmem:$0xF140] =	vst v63  }
0xc5: {  	_ =	swait.ge [sflag:s0], $0xFA0  }
0xc6: {  	[sflag:s0] =	ssyncset.done $0x0  }
0xc7: {  	[sflag:s0] =	ssyncadd.s32 $0xFFFFF060  }
0xc8: {  	_ =	swait.ge [sflag:s26], $0xFA0  }
0xc9: {  	[sflag:s26] =	ssyncset.done $0x0  }
0xca: {  	[sflag:s26] =	ssyncadd.s32 $0xFFFFF060  }
0xcb: {  	[spmem:s2] =	stream.indirect.scatter.add.bf16 [tilespmem:s30], [sflag:$0x9], $0x20, s15, s22, $0xb8;
	[tilespmem:$0xF140] =	vst v63  }
0xcc: {  	_ =	swait.ge [sflag:s5], $0xFA0  }
0xcd: {  	[sflag:s5] =	ssyncset.done $0x0  }
0xce: {  	[sflag:s5] =	ssyncadd.s32 $0xFFFFF060  }
0xcf: {  	_ =	swait.ge [sflag:s6], $0xFA0  }
0xd0: {  	[sflag:s6] =	ssyncset.done $0x0  }
0xd1: {  	[sflag:s6] =	ssyncadd.s32 $0xFFFFF060  }
0xd2: {  	[spmem:s2] =	stream.indirect.scatter.add.bf16 [tilespmem:s3], [sflag:$0xA], $0x20, s16, s22, $0xb8;
	[tilespmem:$0xF140] =	vst v63  }
0xd3: {  	_ =	swait.ge [sflag:s7], $0xFA0  }
0xd4: {  	[sflag:s7] =	ssyncset.done $0x0  }
0xd5: {  	[sflag:s7] =	ssyncadd.s32 $0xFFFFF060  }
0xd6: {  	_ =	swait.ge [sflag:s8], $0xFA0  }
0xd7: {  	s9 =	sadd.s32 $0x1, s9;
	[sflag:s8] =	ssyncset.done $0x0  }
0xd8: {  	p1 =	sne.s32 s9, s18;
	[sflag:s8] =	ssyncadd.s32 $0xFFFFF060  }
.Ltmp2:
0xd9: {  	[bflag:$0x0] =	sbarrier.arrive $0xFFFF;
	(pc) =	sbr.rel @p1 .LBB2_1-.Ltmp2, $4  }
0xda: {  	[hbm:s17], [sflag:s20] =	dma.local [spmem:s10], $0x9C4  }
0xdb: {  	_ =	swait.ge [sflag:s21], $0x9C4  }
0xdc: {  	[sflag:s21] =	ssyncset.done $0x0  }
0xdd: {  	[sflag:s21] =	ssyncadd.s32 $0xFFFFF63C  }
0xde: {  	_ =	sfence.sel $0x180000  }
0xdf: {  	[bflag:$0x0] =	sbarrier.arrive $0xFFFF  }
0xe0: {  	_ =	strace $0x9000004A  }
0xe1: {  	s0 =	stileid.u32;
	[bflag:$0x2] =	sbarrier.arrive $0xFFFF  }
0xe2: {  	p0 =	sne.s32 s0, $0x0;
	s0 =	rddreg [dreg:$0x3]  }
0xe3: {  	s0 =	sadd.s32 @!p0 $0x100000, s0  }
0xe4: {  	[sflag:s0] =	ssyncadd.tile.s32 @!p0 $0x1;
	_ =	shalt  }
.Lfunc_end2:
_tile_overlayer_lowered:
.L_overlay_start_2:
0xe5: {  	(tag) =	ssettag $0x2  }
0xe6: {  	s0 =	rddreg [dreg:$0x0];
	s2 =	stileid.u32  }
0xe7: {  	s1 =	rddreg [dreg:$0x1];
	p0 =	sne.s32 s2, $0x0  }
0xe8: {  	s3 =	rddreg [dreg:$0x2];
	[bflag:$0x3] =	sbarrier.arrive $0xFFFF;
	s2 =	simm.s32 @!p0 $0x1C0B  }
0xe9: {  	[timem:s3], [sflag:s2] =	dma.local @!p0 [hbm:s0], s1  }
0xea: {  	s0 =	simm.s32 @!p0 $0xB  }
0xeb: {  	_ =	swait.ge @!p0 [sflag:s0], s1  }
0xec: {  	s1 =	ssub.s32 @!p0 $0x0, s1;
	[sflag:s0] =	ssyncset.done @!p0 $0x0  }
0xed: {  	[sflag:s0] =	ssyncadd.s32 @!p0 s1  }
0xee: {  	[bflag:$0x3] =	sbarrier.arrive $0xFFFF  }
0xef: {  	_ =	shalt  }

// kernel: kernel.7.cloned.1.call-start
scs
__scs_entry_jumppad:
0x0: {  	(pc) =	sbr.rel $0x88, $3  }
0x1: {  	(tag) =	ssettag $0x0;
	lr =	simm.s32 $0x1  }
0x2: {  	[smem:$0x3F9B] =	sst lr;
	_ =	strace $0xD0000000  }
0x3: {  	_ = 	snop  }
0x4: {  	_ = 	snop  }
0x5: {  	_ = 	snop  }
0x6: {  	_ = 	snop  }
0x7: {  	_ = 	snop  }
__scs_overlays_trampoline_lowered:
0x8: {  	[smem:$0x3FAA] =	sst s0  }
0x9: {  	[smem:$0x3FAB] =	sst s1  }
0xa: {  	[smem:$0x3FAC] =	sst s2  }
0xb: {  	[smem:$0x3FAD] =	sst s3  }
0xc: {  	[smem:$0x3FAE] =	sst s4  }
0xd: {  	[smem:$0x3FAF] =	sst s5  }
0xe: {  	[smem:$0x3FB0] =	sst s6  }
0xf: {  	[smem:$0x3FB1] =	sst s7  }
0x10: {  	[smem:$0x3FB2] =	sst s8  }
0x11: {  	[smem:$0x3FB3] =	sst s9;
	s0 =	simm.s32 @!p0 $0x0  }
0x12: {  	s1 =	sld [smem:$0x3F99];
	s0 =	simm.s32 @p0 $0x1  }
0x13: {  	[smem:$0x3FB4] =	sst s0;
	s0 =	simm.s32 @!p1 $0x0  }
0x14: {  	s2 =	sld [smem:$0x3F98];
	s0 =	simm.s32 @p1 $0x1  }
0x15: {  	[smem:$0x3FB5] =	sst s0;
	s0 =	simm.s32 @!p2 $0x0  }
0x16: {  	s3 =	sld [smem:$0x3FDB];
	s0 =	simm.s32 @p2 $0x1  }
0x17: {  	s4 =	simm.s32 $0x1BF5;
	[smem:$0x3FB7] =	sst s0  }
0x18: {  	s0 =	sld [smem:$0x3F9A];
	_ =	swait.ge [sflag:s4], $0x0  }
0x19: {  	s7 =	sld [smem:$0x3F9B]  }
0x1a: {  	s8 =	sadd.s32 $0xFFFFE003, lr  }
0x1b: {  	s9 =	sadd.s32 $0xFFFFFEF7, lr;
	s5 =	simm.s32 $0xFFFFFFFF;
	p2 =	slt.u32 s8, $0xFFFFF086  }
0x1c: {  	p1 =	slt.u32 s9, $0xF7A;
	s5 =	simm.s32 @!p2 $0x0  }
0x1d: {  	s5 =	simm.s32 @p1 $0x1;
	p0 =	seq.s32 s7, s2  }
0x1e: {  	s7 =	smul.u32 @!p0 $0xF7A, s2;
	p2 =	seq.s32 @!p0 s5, $0x0  }
0x1f: {  	s9 =	smul.u32 $0xF7A, s1;
	s8 =	simm.s32 @!p0 $0x1BF5;
	p2 =	por !p2, p0  }
0x20: {  	[sflag:s8] =	ssyncset.s32 @!p0 $0xFFFFF086;
	s6 =	sadd.s32 @!p0 s3, s7;
	s7 =	simm.s32 @!p0 $0x108  }
0x21: {  	s3 =	sadd.s32 s3, s9;
	s6 =	sadd.s32 @!p0 $0x88, s6;
	s7 =	simm.s32 @p2 $0x1082  }
0x22: {  	[simem:s7], [sflag:s8] =	dma.local @!p0 [hbm:s6], $0xF7A  }
0x23: {  	s9 =	sor.u32 $0xD0000000, s2;
	s6 =	simm.s32 $0x108;
	_ =	swait.ge @!p0 [sflag:s8], $0x0  }
0x24: {  	s3 =	sadd.s32 $0x88, s3;
	s6 =	simm.s32 @!p1 $0x1082;
	[sflag:s4] =	ssyncset.s32 $0xFFFFF086  }
0x25: {  	[simem:s6], [sflag:s4] =	dma.local [hbm:s3], $0xF7A  }
0x26: {  	[smem:$0x3F9B] =	sst s1;
	(tag) =	ssettag s2;
	_ =	strace s9  }
0x27: {  	s1 =	sld [smem:$0x3FAB]  }
0x28: {  	s2 =	sld [smem:$0x3FAC]  }
0x29: {  	s4 =	sld [smem:$0x3FAE]  }
0x2a: {  	p0 =	seq.s32 s5, $0x0;
	s5 =	sld [smem:$0x3FAF]  }
0x2b: {  	s6 =	sld [smem:$0x3FB0]  }
0x2c: {  	s7 =	sld [smem:$0x3FB1]  }
0x2d: {  	s3 =	simm.s32 $0x108;
	s8 =	sld [smem:$0x3FB2]  }
0x2e: {  	s3 =	simm.s32 @!p0 $0x1082;
	s9 =	sld [smem:$0x3FB3]  }
0x2f: {  	lr =	sadd.s32 s0, s3;
	s0 =	sld [smem:$0x3FAA]  }
0x30: {  	s3 =	sld [smem:$0x3FAD]  }
0x31: {  	[smem:$0x3FB6] =	sst s10  }
0x32: {  	s10 =	sld [smem:$0x3FB4];
	_ =	sdelay $0x3  }
0x33: {  	p0 =	seq.s32 s10, $0x1;
	s10 =	sld [smem:$0x3FB6];
	_ =	sdelay $0x3  }
0x34: {  	[smem:$0x3FB6] =	sst s10  }
0x35: {  	s10 =	sld [smem:$0x3FB5];
	_ =	sdelay $0x3  }
0x36: {  	p1 =	seq.s32 s10, $0x1;
	s10 =	sld [smem:$0x3FB6];
	_ =	sdelay $0x3  }
0x37: {  	[smem:$0x3FB6] =	sst s10  }
0x38: {  	s10 =	sld [smem:$0x3FB7]  }
0x39: {  	_ = 	snop;
	(pc) =	sbr.ind lr, $3  }
0x3a: {  	_ = 	snop  }
0x3b: {  	_ = 	snop  }
0x3c: {  	p2 =	seq.s32 s10, $0x1;
	s10 =	sld [smem:$0x3FB6]  }
0x3d: {  	_ =	shalt  }
0x3e: {  	_ =	shalt  }
0x3f: {  	_ =	shalt  }
0x40: {  	_ =	shalt  }
0x41: {  	_ =	shalt  }
0x42: {  	_ =	shalt  }
0x43: {  	_ =	shalt  }
0x44: {  	_ =	shalt  }
0x45: {  	_ =	shalt  }
0x46: {  	_ =	shalt  }
0x47: {  	_ =	shalt  }
0x48: {  	_ =	shalt  }
0x49: {  	_ =	shalt  }
0x4a: {  	_ =	shalt  }
0x4b: {  	_ =	shalt  }
0x4c: {  	_ =	shalt  }
0x4d: {  	_ =	shalt  }
0x4e: {  	_ =	shalt  }
0x4f: {  	_ =	shalt  }
0x50: {  	_ =	shalt  }
0x51: {  	_ =	shalt  }
0x52: {  	_ =	shalt  }
0x53: {  	_ =	shalt  }
0x54: {  	_ =	shalt  }
0x55: {  	_ =	shalt  }
0x56: {  	_ =	shalt  }
0x57: {  	_ =	shalt  }
0x58: {  	_ =	shalt  }
0x59: {  	_ =	shalt  }
0x5a: {  	_ =	shalt  }
0x5b: {  	_ =	shalt  }
0x5c: {  	_ =	shalt  }
0x5d: {  	_ =	shalt  }
0x5e: {  	_ =	shalt  }
0x5f: {  	_ =	shalt  }
0x60: {  	_ =	shalt  }
0x61: {  	_ =	shalt  }
0x62: {  	_ =	shalt  }
0x63: {  	_ =	shalt  }
0x64: {  	_ =	shalt  }
0x65: {  	_ =	shalt  }
0x66: {  	_ =	shalt  }
0x67: {  	_ =	shalt  }
0x68: {  	_ =	shalt  }
0x69: {  	_ =	shalt  }
0x6a: {  	_ =	shalt  }
0x6b: {  	_ =	shalt  }
0x6c: {  	_ =	shalt  }
0x6d: {  	_ =	shalt  }
0x6e: {  	_ =	shalt  }
0x6f: {  	_ =	shalt  }
0x70: {  	_ =	shalt  }
0x71: {  	_ =	shalt  }
0x72: {  	_ =	shalt  }
0x73: {  	_ =	shalt  }
0x74: {  	_ =	shalt  }
0x75: {  	_ =	shalt  }
0x76: {  	_ =	shalt  }
0x77: {  	_ =	shalt  }
0x78: {  	_ =	shalt  }
0x79: {  	_ =	shalt  }
0x7a: {  	_ =	shalt  }
0x7b: {  	_ =	shalt  }
0x7c: {  	_ =	shalt  }
0x7d: {  	_ =	shalt  }
0x7e: {  	_ =	shalt  }
0x7f: {  	_ =	shalt  }
0x80: {  	_ =	shalt  }
0x81: {  	_ =	shalt  }
0x82: {  	_ =	shalt  }
0x83: {  	_ =	shalt  }
0x84: {  	_ =	shalt  }
0x85: {  	_ =	shalt  }
0x86: {  	_ =	shalt  }
0x87: {  	_ =	shalt  }
.Lfunc_end0:
.L_simem_size_0:
called_computation_lowered:
.L_overlay_start_0:
0x88: {  	s2 =	sld [smem:$0x3FD9]  }
0x89: {  	s3 =	sld [smem:$0x3FFE];
	_ =	sdelay $0x1  }
0x8a: {  	s1 =	srdreg.scid  }
0x8b: {  	s0 =	sand.u32 $0x1, s1  }
0x8c: {  	s17 =	sshll.u32 s0, $0xA;
	s2 =	sadd.s32 s3, s2  }
0x8d: {  	s2 =	sadd.s32 s2, s17  }
0x8e: {  	[smem:$0x3FC2] =	sst s2  }
0x8f: {  	_ = 	snop  }
0x90: {  	s2 =	sld [smem:$0x3FD0];
	(tm) =	ssettm $0x1  }
0x91: {  	s18 =	sld [smem:$0x3FFB];
	_ =	sdelay $0x3  }
0x92: {  	_ =	strace s18  }
0x93: {  	s3 =	sld [smem:$0x3FFC];
	_ =	sdelay $0x3  }
0x94: {  	_ =	strace s3  }
0x95: {  	s3 =	sld [smem:$0x3FFD];
	_ =	sdelay $0x3  }
0x96: {  	_ =	strace s3  }
0x97: {  	_ =	strace $0x8FFFFFFF  }
0x98: {  	s19 =	sld [smem:$0x3FDB];
	_ =	sdelay $0x1  }
0x99: {  	s4 =	simm.s32 $_scs_section_size  }
0x9a: {  	s5 =	simm.s32 $_size__tile_overlayer_lowered;
	s6 =	simm.s32 $_tile_overlayer_lowered  }
0x9b: {  	s22 =	simm.s32 $0x1BFF;
	s21 =	sshll.u32 s6, $0x1;
	s3 =	sadd.s32 s4, s19  }
0x9c: {  	s7 =	simm.s32 $0x0;
	s20 =	sshll.u32 s5, $0x1;
	s5 =	sadd.s32 s21, s3  }
0x9d: {  	[timem:s7], [sflag:s22] =	dma.local [hbm:s5], s20  }
0x9e: {  	_ =	swait.ge [sflag:s22], s20  }
0x9f: {  	s4 =	ssub.s32 $0x0, s20;
	[sflag:s22] =	ssyncset.done $0x0  }
0xa0: {  	[sflag:s22] =	ssyncadd.s32 s4;
	_ =	sdelay $0x1  }
0xa1: {  	s23 =	simm.s32 $0x1B8B  }
0xa2: {  	_ =	swait.ge [sflag:s23], $0x1  }
0xa3: {  	[sflag:s23] =	ssyncset.done $0x0  }
0xa4: {  	s25 =	simm.s32 $0x1B8E;
	s24 =	sld [smem:$0x3FFE];
	[sflag:s23] =	ssyncadd.s32 $0xFFFFFFFF  }
0xa5: {  	s26 =	simm.s32 $execute0_lowered;
	[smem:$0x3FD2] =	sst s25  }
0xa6: {  	s5 =	sshll.u32 s26, $0x1;
	_ =	strace $0x80000046;
	[dreg:$0x1] =	wrdreg $0xFFFFFFFF  }
0xa7: {  	s28 =	simm.s32 $_size_execute0_lowered;
	s3 =	sadd.s32 s3, s5;
	[dreg:$0x0] =	wrdreg $0x0  }
0xa8: {  	s5 =	sshll.u32 s28, $0x1;
	[dreg:$0x2] =	wrdreg s3  }
0xa9: {  	[dreg:$0x3] =	wrdreg s5  }
0xaa: {  	[dreg:$0x4] =	wrdreg $0xC0  }
0xab: {  	_ =	task [dreg:s7], $0x5FFFF  }
0xac: {  	[dreg:$0x1] =	wrdreg $0xFFFFFFFF  }
0xad: {  	[dreg:$0x0] =	wrdreg $0x60  }
0xae: {  	[dreg:$0x2] =	wrdreg s24  }
0xaf: {  	[dreg:$0x3] =	wrdreg s2  }
0xb0: {  	[dreg:$0x4] =	wrdreg $0xF1400  }
0xb1: {  	[dreg:$0x5] =	wrdreg $0x9  }
0xb2: {  	_ =	task.clear_ibuf [dreg:s7], $0x6FFFF;
	_ =	strace $0x90000046  }
0xb3: {  	s29 =	simm.s32 $0x9;
	_ =	strace $0x80000048  }
0xb4: {  	_ =	swait.ge [sflag:s29], $0x1  }
0xb5: {  	[sflag:s29] =	ssyncadd.s32 $0xFFFFFFFF  }
0xb6: {  	_ =	strace $0x90000048  }
0xb7: {  	_ =	sfence  }
0xb8: {  	s30 =	sld [smem:$0x0];
	_ =	sdelay $0x2  }
0xb9: {  	s31 =	sshll.u32 s1, $0xD;
	s1 =	sshrl.u32 s1, $0x2  }
0xba: {  	s3 =	sand.u32 $0x4000, s31;
	s1 =	sadd.s32 s1, s30  }
0xbb: {  	s0 =	sor.u32 s3, s0;
	s1 =	sshll.u32 s1, $0x11  }
0xbc: {  	s0 =	sor.u32 s1, s0  }
0xbd: {  	s0 =	sadd.s32 $0x8F2B, s0  }
0xbe: {  	[sflag:s0] =	ssyncadd.remote.s32 $0x1  }
0xbf: {  	_ =	sfence.sel $0xFFFF  }
0xc0: {  	[dreg:$0x0] =	wrdreg $0xFFFFFFFF;
	(pc) =	sbr.abs _section_cstart, $3  }
0xc1: {  	[dreg:$0x1] =	wrdreg $0xFFFFFFFF  }
0xc2: {  	_ =	task.clear_ibuf [dreg:s7], $0x2FFFF;
	_ =	strace $0x9FFFFFFF  }
0xc3: {  	(tm) =	ssettm $0x7FFFFFFF  }
tec
execute0_lowered:
.L_overlay_start_1:
0x0: {  	(tag) =	ssettag $0x1  }
0x1: {  	s0 =	rddreg [dreg:$0x0]  }
0x2: {  	s1 =	rddreg [dreg:$0x1]  }
0x3: {  	s2 =	rddreg [dreg:$0x2];
	s3 =	srdreg.scid  }
0x4: {  	s11 =	stileid.u32;
	s4 =	simm.s32 $0x0;
	s28 =	simm.s32 $0x9380  }
0x5: {  	s30 =	simm.s32 $0xB2C0;
	s31 =	simm.s32 $0x1;
	s29 =	simm.s32 $0x6  }
0x6: {  	s3 =	sand.u32 $0x1, s3;
	s5 =	smul.u32 $0x13880, s11;
	[smem:$0x7FF] =	sst s4  }
0x7: {  	s4 =	sadd.s32 $0xB000, s0;
	s7 =	sadd.s32 $0x1000, s0;
	s9 =	smul.u32 $0x2580, s11  }
0x8: {  	s10 =	sadd.s32 $0x1EA00, s0;
	s19 =	smul.u32 $0x550, s11;
	s26 =	sshll.u32 s11, $0x6  }
0x9: {  	s6 =	smul.u32 $0x138800, s3;
	_ =	strace $0x80000047;
	s8 =	ssub.s32 $0x2, s3  }
0xa: {  	[dreg:$0x4] =	wrdreg s10;
	p0 =	seq.s32 s3, $0x0;
	s17 =	sshrl.u32 s8, $0x1  }
0xb: {  	s18 =	sshrl.u32 s9, $0x3;
	s9 =	simm.s32 $0x55;
	s20 =	sshrl.u32 s5, $0x1  }
0xc: {  	s6 =	sadd.s32 s5, s6;
	s9 =	simm.s32 @!p0 $0x4B;
	p0 =	sne.s32 s3, $0x0  }
0xd: {  	s3 =	simm.s32 $0xD200;
	s6 =	sshrl.u32 s6, $0x4;
	s21 =	smul.u32 $0x67, s9  }
0xe: {  	s22 =	sshll.u32 s9, $0x7;
	s9 =	simm.s32 $0x0;
	s0 =	sadd.s32 s6, s0  }
0xf: {  	s6 =	ssub.s32 s8, s17;
	s8 =	sadd.s32 $0x5500, s18;
	s23 =	sadd.s32 $0x2800, s22  }
0x10: {  	s24 =	sadd.s32 $0xFFFFFF80, s22;
	s25 =	sadd.s32 $0x2880, s22;
	s14 =	sadd.s32 $0x2900, s22  }
0x11: {  	s15 =	sadd.s32 $0x2980, s22;
	s16 =	sadd.s32 $0x2A00, s22;
	s22 =	simm.s32 $0x7D  }
0x12: {  	s12 =	sadd.s32 s1, s8;
	s8 =	sadd.s32 s7, s8;
	[dreg:$0xa] =	wrdreg s23  }
0x13: {  	s1 =	sadd.s32 s1, s19;
	s7 =	sadd.s32 s7, s19;
	[dreg:$0xb] =	wrdreg s24  }
0x14: {  	s5 =	sshrl.u32 s21, $0x9;
	[dreg:$0xc] =	wrdreg s25;
	s17 =	sadd.s32 $0x1FE00, s0  }
0x15: {  	s18 =	smax.u32 s6, $0x1;
	s21 =	simm.s32 $0xB;
	[dreg:$0x5] =	wrdreg s12  }
0x16: {  	s23 =	simm.s32 $0x5500;
	s25 =	simm.s32 $0x7440;
	[dreg:$0x6] =	wrdreg s8  }
0x17: {  	s24 =	simm.s32 $0x2;
	s0 =	simm.s32 $0x7;
	[dreg:$0x7] =	wrdreg s1  }
0x18: {  	s6 =	simm.s32 $0x5;
	[dreg:$0x8] =	wrdreg s7;
	s1 =	sadd.s32 s20, s2  }
0x19: {  	s5 =	smul.u32 $0xA00, s5;
	s20 =	sor.u32 $0x1C0B, s26;
	s26 =	simm.s32 $0x4  }
0x1a: {  	s7 =	simm.s32 $0x9;
	s8 =	simm.s32 $0xA;
	[dreg:$0x9] =	wrdreg s1  }
0x1b: {  	s1 =	simm.s32 $0x3;
	s19 =	sadd.s32 $0xFFFFEC00, s5;
	s5 =	simm.s32 $0x8  }
.LBB2_1:
0x1c: {  	s10 =	simm.s32 @p0 $0x0;
	s11 =	rddreg [dreg:$0x5]  }
0x1d: {  	[tilespmem:s10], [sflag:$0xB] =	stream.linear.gather @p0 [hbm4b:s11+s10], $0x2580, $0x38;
	[tilespmem:$0x18D80] =	vst v63  }
0x1e: {  	s11 =	simm.s32 @p0 $0xB  }
0x1f: {  	_ =	swait.ge @p0 [sflag:s11], $0x2580  }
0x20: {  	[sflag:s11] =	ssyncset.done @p0 $0x0  }
0x21: {  	s12 =	simm.s32 @p0 $0x2A80;
	s13 =	rddreg [dreg:$0x6];
	[sflag:s11] =	ssyncadd.s32 @p0 $0xFFFFDA80  }
0x22: {  	[tilespmem:s12], [sflag:$0xB] =	stream.linear.gather @p0 [hbm4b:s13+s10], $0x2580, $0x38;
	[tilespmem:$0x18D80] =	vst v63  }
0x23: {  	_ =	swait.ge @p0 [sflag:s11], $0x2580  }
0x24: {  	[sflag:s11] =	ssyncset.done @p0 $0x0  }
0x25: {  	s10 =	simm.s32 @!p0 $0x0;
	[sflag:s11] =	ssyncadd.s32 @p0 $0xFFFFDA80;
	s11 =	rddreg [dreg:$0x7]  }
0x26: {  	[tilespmem:s10], [sflag:$0xB] =	stream.linear.gather @!p0 [hbm4b:s11+s10], $0x2A80, $0x38;
	[tilespmem:$0x18D80] =	vst v63  }
0x27: {  	s11 =	simm.s32 @!p0 $0xB  }
0x28: {  	_ =	swait.ge @!p0 [sflag:s11], $0x2A80  }
0x29: {  	[sflag:s11] =	ssyncset.done @!p0 $0x0  }
0x2a: {  	s12 =	simm.s32 @!p0 $0x2A80;
	s13 =	rddreg [dreg:$0x8];
	[sflag:s11] =	ssyncadd.s32 @!p0 $0xFFFFD580  }
0x2b: {  	[tilespmem:s12], [sflag:$0xB] =	stream.linear.gather @!p0 [hbm4b:s13+s10], $0x2A80, $0x38;
	[tilespmem:$0x18D80] =	vst v63  }
0x2c: {  	_ =	swait.ge @!p0 [sflag:s11], $0x2A80  }
0x2d: {  	[sflag:s11] =	ssyncset.done @!p0 $0x0  }
0x2e: {  	[sflag:s11] =	ssyncadd.s32 @!p0 $0xFFFFD580;
	s11 =	rddreg [dreg:$0x9]  }
0x2f: {  	s12 =	rddreg [dreg:$0x4];
	s10 =	sshrl.u32 s11, $0x3  }
0x30: {  	[spmem:s10], [sflag:s20] =	dma.local [hbm:s12], $0x1388  }
0x31: {  	_ =	swait.ge [sflag:s21], $0x1388  }
0x32: {  	[sflag:s21] =	ssyncset.done $0x0  }
0x33: {  	[sflag:s21] =	ssyncadd.s32 $0xFFFFEC78  }
0x34: {  	s13 =	simm.s32 $0x0;
	[bflag:$0x0] =	sbarrier.arrive $0xFFFF  }
0x35: {  	[tilespmem:s23], [sflag:$0x1] =	stream.indirect.gather [hbm4b:s4+s22], $0x40, s13, s22, $0xb8;
	[tilespmem:$0x18D80] =	vst v63  }
0x36: {  	s12 =	simm.s32 $0x80  }
0x37: {  	[tilespmem:s25], [sflag:$0x2] =	stream.indirect.gather [hbm4b:s4+s22], $0x40, s12, s22, $0xb8;
	[tilespmem:$0x18D80] =	vst v63  }
0x38: {  	s13 =	simm.s32 $0x100  }
0x39: {  	[tilespmem:s28], [sflag:$0x3] =	stream.indirect.gather [hbm4b:s4+s22], $0x40, s13, s22, $0xb8;
	[tilespmem:$0x18D80] =	vst v63  }
0x3a: {  	s12 =	simm.s32 $0x180  }
0x3b: {  	[tilespmem:s30], [sflag:$0x4] =	stream.indirect.gather [hbm4b:s4+s22], $0x40, s12, s22, $0xb8;
	[tilespmem:$0x18D80] =	vst v63  }
0x3c: {  	_ =	swait.ge [sflag:s31], $0x1F40  }
0x3d: {  	[sflag:s31] =	ssyncset.done $0x0  }
0x3e: {  	s13 =	simm.s32 $0x2A80;
	[sflag:s31] =	ssyncadd.s32 $0xFFFFE0C0  }
0x3f: {  	[spmem:s2] =	stream.indirect.scatter.add.bf16 [tilespmem:s23], [sflag:$0x6], $0x40, s13, s22, $0xb8;
	[tilespmem:$0x18D80] =	vst v63  }
0x40: {  	s12 =	simm.s32 $0x200  }
0x41: {  	[tilespmem:s3], [sflag:$0x5] =	stream.indirect.gather [hbm4b:s4+s22], $0x40, s12, s22, $0xb8;
	[tilespmem:$0x18D80] =	vst v63  }
0x42: {  	_ =	swait.ge [sflag:s24], $0x1F40  }
0x43: {  	[sflag:s24] =	ssyncset.done $0x0  }
0x44: {  	s13 =	simm.s32 $0x2B00;
	[sflag:s24] =	ssyncadd.s32 $0xFFFFE0C0  }
0x45: {  	[spmem:s2] =	stream.indirect.scatter.add.bf16 [tilespmem:s25], [sflag:$0x7], $0x40, s13, s22, $0xb8;
	[tilespmem:$0x18D80] =	vst v63  }
0x46: {  	_ =	swait.ge [sflag:s29], $0x1F40  }
0x47: {  	[sflag:s29] =	ssyncset.done $0x0  }
0x48: {  	s12 =	simm.s32 $0x280;
	[sflag:s29] =	ssyncadd.s32 $0xFFFFE0C0  }
0x49: {  	[tilespmem:s23], [sflag:$0x1] =	stream.indirect.gather [hbm4b:s4+s22], $0x40, s12, s22, $0xb8;
	[tilespmem:$0x18D80] =	vst v63  }
0x4a: {  	_ =	swait.ge [sflag:s1], $0x1F40  }
0x4b: {  	[sflag:s1] =	ssyncset.done $0x0  }
0x4c: {  	s13 =	simm.s32 $0x2B80;
	[sflag:s1] =	ssyncadd.s32 $0xFFFFE0C0  }
0x4d: {  	[spmem:s2] =	stream.indirect.scatter.add.bf16 [tilespmem:s28], [sflag:$0x8], $0x40, s13, s22, $0xb8;
	[tilespmem:$0x18D80] =	vst v63  }
0x4e: {  	_ =	swait.ge [sflag:s0], $0x1F40  }
0x4f: {  	[sflag:s0] =	ssyncset.done $0x0  }
0x50: {  	s12 =	simm.s32 $0x300;
	[sflag:s0] =	ssyncadd.s32 $0xFFFFE0C0  }
0x51: {  	[tilespmem:s25], [sflag:$0x2] =	stream.indirect.gather [hbm4b:s4+s22], $0x40, s12, s22, $0xb8;
	[tilespmem:$0x18D80] =	vst v63  }
0x52: {  	_ =	swait.ge [sflag:s26], $0x1F40  }
0x53: {  	[sflag:s26] =	ssyncset.done $0x0  }
0x54: {  	s13 =	simm.s32 $0x2C00;
	[sflag:s26] =	ssyncadd.s32 $0xFFFFE0C0  }
0x55: {  	[spmem:s2] =	stream.indirect.scatter.add.bf16 [tilespmem:s30], [sflag:$0x9], $0x40, s13, s22, $0xb8;
	[tilespmem:$0x18D80] =	vst v63  }
0x56: {  	_ =	swait.ge [sflag:s5], $0x1F40  }
0x57: {  	[sflag:s5] =	ssyncset.done $0x0  }
0x58: {  	s12 =	simm.s32 $0x380;
	[sflag:s5] =	ssyncadd.s32 $0xFFFFE0C0  }
0x59: {  	[tilespmem:s28], [sflag:$0x3] =	stream.indirect.gather [hbm4b:s4+s22], $0x40, s12, s22, $0xb8;
	[tilespmem:$0x18D80] =	vst v63  }
0x5a: {  	_ =	swait.ge [sflag:s6], $0x1F40  }
0x5b: {  	[sflag:s6] =	ssyncset.done $0x0  }
0x5c: {  	s13 =	simm.s32 $0x2C80;
	[sflag:s6] =	ssyncadd.s32 $0xFFFFE0C0  }
0x5d: {  	[spmem:s2] =	stream.indirect.scatter.add.bf16 [tilespmem:s3], [sflag:$0xA], $0x40, s13, s22, $0xb8;
	[tilespmem:$0x18D80] =	vst v63  }
0x5e: {  	_ =	swait.ge [sflag:s7], $0x1F40  }
0x5f: {  	[sflag:s7] =	ssyncset.done $0x0  }
0x60: {  	s12 =	simm.s32 $0x400;
	[sflag:s7] =	ssyncadd.s32 $0xFFFFE0C0  }
0x61: {  	[tilespmem:s30], [sflag:$0x4] =	stream.indirect.gather [hbm4b:s4+s22], $0x40, s12, s22, $0xb8;
	[tilespmem:$0x18D80] =	vst v63  }
0x62: {  	_ =	swait.ge [sflag:s31], $0x1F40  }
0x63: {  	[sflag:s31] =	ssyncset.done $0x0  }
0x64: {  	s13 =	simm.s32 $0x2D00;
	[sflag:s31] =	ssyncadd.s32 $0xFFFFE0C0  }
0x65: {  	[spmem:s2] =	stream.indirect.scatter.add.bf16 [tilespmem:s23], [sflag:$0x6], $0x40, s13, s22, $0xb8;
	[tilespmem:$0x18D80] =	vst v63  }
0x66: {  	_ =	swait.ge [sflag:s8], $0x1F40  }
0x67: {  	[sflag:s8] =	ssyncset.done $0x0  }
0x68: {  	s12 =	simm.s32 $0x480;
	[sflag:s8] =	ssyncadd.s32 $0xFFFFE0C0  }
0x69: {  	[tilespmem:s3], [sflag:$0x5] =	stream.indirect.gather [hbm4b:s4+s22], $0x40, s12, s22, $0xb8;
	[tilespmem:$0x18D80] =	vst v63  }
0x6a: {  	_ =	swait.ge [sflag:s24], $0x1F40  }
0x6b: {  	[sflag:s24] =	ssyncset.done $0x0  }
0x6c: {  	s13 =	simm.s32 $0x2D80;
	[sflag:s24] =	ssyncadd.s32 $0xFFFFE0C0  }
0x6d: {  	[spmem:s2] =	stream.indirect.scatter.add.bf16 [tilespmem:s25], [sflag:$0x7], $0x40, s13, s22, $0xb8;
	[tilespmem:$0x18D80] =	vst v63  }
0x6e: {  	_ =	swait.ge [sflag:s29], $0x1F40  }
0x6f: {  	[sflag:s29] =	ssyncset.done $0x0  }
0x70: {  	s12 =	simm.s32 $0x500;
	[sflag:s29] =	ssyncadd.s32 $0xFFFFE0C0  }
0x71: {  	[tilespmem:s23], [sflag:$0x1] =	stream.indirect.gather [hbm4b:s4+s22], $0x40, s12, s22, $0xb8;
	[tilespmem:$0x18D80] =	vst v63  }
0x72: {  	_ =	swait.ge [sflag:s1], $0x1F40  }
0x73: {  	[sflag:s1] =	ssyncset.done $0x0  }
0x74: {  	s13 =	simm.s32 $0x2E00;
	[sflag:s1] =	ssyncadd.s32 $0xFFFFE0C0  }
0x75: {  	[spmem:s2] =	stream.indirect.scatter.add.bf16 [tilespmem:s28], [sflag:$0x8], $0x40, s13, s22, $0xb8;
	[tilespmem:$0x18D80] =	vst v63  }
0x76: {  	_ =	swait.ge [sflag:s0], $0x1F40  }
0x77: {  	[sflag:s0] =	ssyncset.done $0x0  }
0x78: {  	s12 =	simm.s32 $0x580;
	[sflag:s0] =	ssyncadd.s32 $0xFFFFE0C0  }
0x79: {  	[tilespmem:s25], [sflag:$0x2] =	stream.indirect.gather [hbm4b:s4+s22], $0x40, s12, s22, $0xb8;
	[tilespmem:$0x18D80] =	vst v63  }
0x7a: {  	_ =	swait.ge [sflag:s26], $0x1F40  }
0x7b: {  	[sflag:s26] =	ssyncset.done $0x0  }
0x7c: {  	s13 =	simm.s32 $0x2E80;
	[sflag:s26] =	ssyncadd.s32 $0xFFFFE0C0  }
0x7d: {  	[spmem:s2] =	stream.indirect.scatter.add.bf16 [tilespmem:s30], [sflag:$0x9], $0x40, s13, s22, $0xb8;
	[tilespmem:$0x18D80] =	vst v63  }
0x7e: {  	_ =	swait.ge [sflag:s5], $0x1F40  }
0x7f: {  	[sflag:s5] =	ssyncset.done $0x0  }
0x80: {  	s12 =	simm.s32 $0x600;
	[sflag:s5] =	ssyncadd.s32 $0xFFFFE0C0  }
0x81: {  	[tilespmem:s28], [sflag:$0x3] =	stream.indirect.gather [hbm4b:s4+s22], $0x40, s12, s22, $0xb8;
	[tilespmem:$0x18D80] =	vst v63  }
0x82: {  	_ =	swait.ge [sflag:s6], $0x1F40  }
0x83: {  	p1 =	sne.s32 s19, $0xA00;
	[sflag:s6] =	ssyncset.done $0x0  }
.Ltmp0:
0x84: {  	s13 =	simm.s32 $0x2F00;
	[sflag:s6] =	ssyncadd.s32 $0xFFFFE0C0;
	(pc) =	sbr.rel @!p1 .LBB2_3-.Ltmp0, $4  }
0x85: {  	[spmem:s2] =	stream.indirect.scatter.add.bf16 [tilespmem:s3], [sflag:$0xA], $0x40, s13, s22, $0xb8;
	[tilespmem:$0x18D80] =	vst v63  }
0x86: {  	_ =	swait.ge [sflag:s7], $0x1F40  }
0x87: {  	[sflag:s7] =	ssyncset.done $0x0  }
0x88: {  	s11 =	simm.s32 $0xA00;
	s12 =	simm.s32 $0x680;
	[sflag:s7] =	ssyncadd.s32 $0xFFFFE0C0  }
.LBB2_2:
0x89: {  	[tilespmem:s30], [sflag:$0x4] =	stream.indirect.gather [hbm4b:s4+s22], $0x40, s12, s22, $0xb8;
	[tilespmem:$0x18D80] =	vst v63  }
0x8a: {  	s12 =	smov.u32 s11;
	s11 =	sadd.s32 $0xA00, s11;
	_ =	swait.ge [sflag:s31], $0x1F40  }
0x8b: {  	s12 =	sshra.s32 s12, $0x2;
	p1 =	sne.s32 s19, s11;
	[sflag:s31] =	ssyncset.done $0x0  }
0x8c: {  	s13 =	sadd.s32 $0x2D00, s12;
	[sflag:s31] =	ssyncadd.s32 $0xFFFFE0C0  }
0x8d: {  	[spmem:s2] =	stream.indirect.scatter.add.bf16 [tilespmem:s23], [sflag:$0x6], $0x40, s13, s22, $0xb8;
	[tilespmem:$0x18D80] =	vst v63  }
0x8e: {  	_ =	swait.ge [sflag:s8], $0x1F40  }
0x8f: {  	[sflag:s8] =	ssyncset.done $0x0  }
0x90: {  	s13 =	sadd.s32 $0x480, s12;
	[sflag:s8] =	ssyncadd.s32 $0xFFFFE0C0  }
0x91: {  	[tilespmem:s3], [sflag:$0x5] =	stream.indirect.gather [hbm4b:s4+s22], $0x40, s13, s22, $0xb8;
	[tilespmem:$0x18D80] =	vst v63  }
0x92: {  	_ =	swait.ge [sflag:s24], $0x1F40  }
0x93: {  	[sflag:s24] =	ssyncset.done $0x0  }
0x94: {  	s13 =	sadd.s32 $0x2D80, s12;
	[sflag:s24] =	ssyncadd.s32 $0xFFFFE0C0  }
0x95: {  	[spmem:s2] =	stream.indirect.scatter.add.bf16 [tilespmem:s25], [sflag:$0x7], $0x40, s13, s22, $0xb8;
	[tilespmem:$0x18D80] =	vst v63  }
0x96: {  	_ =	swait.ge [sflag:s29], $0x1F40  }
0x97: {  	[sflag:s29] =	ssyncset.done $0x0  }
0x98: {  	s13 =	sadd.s32 $0x500, s12;
	[sflag:s29] =	ssyncadd.s32 $0xFFFFE0C0  }
0x99: {  	[tilespmem:s23], [sflag:$0x1] =	stream.indirect.gather [hbm4b:s4+s22], $0x40, s13, s22, $0xb8;
	[tilespmem:$0x18D80] =	vst v63  }
0x9a: {  	_ =	swait.ge [sflag:s1], $0x1F40  }
0x9b: {  	[sflag:s1] =	ssyncset.done $0x0  }
0x9c: {  	s13 =	sadd.s32 $0x2E00, s12;
	[sflag:s1] =	ssyncadd.s32 $0xFFFFE0C0  }
0x9d: {  	[spmem:s2] =	stream.indirect.scatter.add.bf16 [tilespmem:s28], [sflag:$0x8], $0x40, s13, s22, $0xb8;
	[tilespmem:$0x18D80] =	vst v63  }
0x9e: {  	_ =	swait.ge [sflag:s0], $0x1F40  }
0x9f: {  	[sflag:s0] =	ssyncset.done $0x0  }
0xa0: {  	s13 =	sadd.s32 $0x580, s12;
	[sflag:s0] =	ssyncadd.s32 $0xFFFFE0C0  }
0xa1: {  	[tilespmem:s25], [sflag:$0x2] =	stream.indirect.gather [hbm4b:s4+s22], $0x40, s13, s22, $0xb8;
	[tilespmem:$0x18D80] =	vst v63  }
0xa2: {  	_ =	swait.ge [sflag:s26], $0x1F40  }
0xa3: {  	[sflag:s26] =	ssyncset.done $0x0  }
0xa4: {  	s13 =	sadd.s32 $0x2E80, s12;
	[sflag:s26] =	ssyncadd.s32 $0xFFFFE0C0  }
0xa5: {  	[spmem:s2] =	stream.indirect.scatter.add.bf16 [tilespmem:s30], [sflag:$0x9], $0x40, s13, s22, $0xb8;
	[tilespmem:$0x18D80] =	vst v63  }
0xa6: {  	_ =	swait.ge [sflag:s5], $0x1F40  }
0xa7: {  	[sflag:s5] =	ssyncset.done $0x0  }
0xa8: {  	s13 =	sadd.s32 $0x600, s12;
	[sflag:s5] =	ssyncadd.s32 $0xFFFFE0C0  }
0xa9: {  	[tilespmem:s28], [sflag:$0x3] =	stream.indirect.gather [hbm4b:s4+s22], $0x40, s13, s22, $0xb8;
	[tilespmem:$0x18D80] =	vst v63  }
0xaa: {  	_ =	swait.ge [sflag:s6], $0x1F40  }
0xab: {  	[sflag:s6] =	ssyncset.done $0x0  }
.Ltmp1:
0xac: {  	s13 =	sadd.s32 $0x2F00, s12;
	[sflag:s6] =	ssyncadd.s32 $0xFFFFE0C0;
	(pc) =	sbr.rel @p1 .LBB2_2-.Ltmp1, $4  }
0xad: {  	[spmem:s2] =	stream.indirect.scatter.add.bf16 [tilespmem:s3], [sflag:$0xA], $0x40, s13, s22, $0xb8;
	[tilespmem:$0x18D80] =	vst v63  }
0xae: {  	_ =	swait.ge [sflag:s7], $0x1F40  }
0xaf: {  	[sflag:s7] =	ssyncset.done $0x0  }
0xb0: {  	s12 =	sadd.s32 $0x680, s12;
	[sflag:s7] =	ssyncadd.s32 $0xFFFFE0C0  }
.LBB2_3:
0xb1: {  	[tilespmem:s30], [sflag:$0x4] =	stream.indirect.gather [hbm4b:s4+s22], $0x40, s12, s22, $0xb8;
	[tilespmem:$0x18D80] =	vst v63  }
0xb2: {  	_ =	swait.ge [sflag:s31], $0x1F40  }
0xb3: {  	[sflag:s31] =	ssyncset.done $0x0  }
0xb4: {  	s11 =	rddreg [dreg:$0xa];
	[sflag:s31] =	ssyncadd.s32 $0xFFFFE0C0  }
0xb5: {  	[spmem:s2] =	stream.indirect.scatter.add.bf16 [tilespmem:s23], [sflag:$0x6], $0x40, s11, s22, $0xb8;
	[tilespmem:$0x18D80] =	vst v63  }
0xb6: {  	_ =	swait.ge [sflag:s8], $0x1F40  }
0xb7: {  	[sflag:s8] =	ssyncset.done $0x0  }
0xb8: {  	s12 =	rddreg [dreg:$0xb];
	[sflag:s8] =	ssyncadd.s32 $0xFFFFE0C0  }
0xb9: {  	[tilespmem:s3], [sflag:$0x5] =	stream.indirect.gather [hbm4b:s4+s22], $0x40, s12, s22, $0xb8;
	[tilespmem:$0x18D80] =	vst v63  }
0xba: {  	_ =	swait.ge [sflag:s24], $0x1F40  }
0xbb: {  	[sflag:s24] =	ssyncset.done $0x0  }
0xbc: {  	s13 =	rddreg [dreg:$0xc];
	[sflag:s24] =	ssyncadd.s32 $0xFFFFE0C0  }
0xbd: {  	[spmem:s2] =	stream.indirect.scatter.add.bf16 [tilespmem:s25], [sflag:$0x7], $0x40, s13, s22, $0xb8;
	[tilespmem:$0x18D80] =	vst v63  }
0xbe: {  	_ =	swait.ge [sflag:s29], $0x1F40  }
0xbf: {  	[sflag:s29] =	ssyncset.done $0x0  }
0xc0: {  	[sflag:s29] =	ssyncadd.s32 $0xFFFFE0C0  }
0xc1: {  	_ =	swait.ge [sflag:s1], $0x1F40  }
0xc2: {  	[sflag:s1] =	ssyncset.done $0x0  }
0xc3: {  	[sflag:s1] =	ssyncadd.s32 $0xFFFFE0C0  }
0xc4: {  	[spmem:s2] =	stream.indirect.scatter.add.bf16 [tilespmem:s28], [sflag:$0x8], $0x40, s14, s22, $0xb8;
	[tilespmem:$0x18D80] =	vst v63  }
0xc5: {  	_ =	swait.ge [sflag:s0], $0x1F40  }
0xc6: {  	[sflag:s0] =	ssyncset.done $0x0  }
0xc7: {  	[sflag:s0] =	ssyncadd.s32 $0xFFFFE0C0  }
0xc8: {  	_ =	swait.ge [sflag:s26], $0x1F40  }
0xc9: {  	[sflag:s26] =	ssyncset.done $0x0  }
0xca: {  	[sflag:s26] =	ssyncadd.s32 $0xFFFFE0C0  }
0xcb: {  	[spmem:s2] =	stream.indirect.scatter.add.bf16 [tilespmem:s30], [sflag:$0x9], $0x40, s15, s22, $0xb8;
	[tilespmem:$0x18D80] =	vst v63  }
0xcc: {  	_ =	swait.ge [sflag:s5], $0x1F40  }
0xcd: {  	[sflag:s5] =	ssyncset.done $0x0  }
0xce: {  	[sflag:s5] =	ssyncadd.s32 $0xFFFFE0C0  }
0xcf: {  	_ =	swait.ge [sflag:s6], $0x1F40  }
0xd0: {  	[sflag:s6] =	ssyncset.done $0x0  }
0xd1: {  	[sflag:s6] =	ssyncadd.s32 $0xFFFFE0C0  }
0xd2: {  	[spmem:s2] =	stream.indirect.scatter.add.bf16 [tilespmem:s3], [sflag:$0xA], $0x40, s16, s22, $0xb8;
	[tilespmem:$0x18D80] =	vst v63  }
0xd3: {  	_ =	swait.ge [sflag:s7], $0x1F40  }
0xd4: {  	[sflag:s7] =	ssyncset.done $0x0  }
0xd5: {  	[sflag:s7] =	ssyncadd.s32 $0xFFFFE0C0  }
0xd6: {  	_ =	swait.ge [sflag:s8], $0x1F40  }
0xd7: {  	s9 =	sadd.s32 $0x1, s9;
	[sflag:s8] =	ssyncset.done $0x0  }
0xd8: {  	p1 =	sne.s32 s9, s18;
	[sflag:s8] =	ssyncadd.s32 $0xFFFFE0C0  }
.Ltmp2:
0xd9: {  	[bflag:$0x0] =	sbarrier.arrive $0xFFFF;
	(pc) =	sbr.rel @p1 .LBB2_1-.Ltmp2, $4  }
0xda: {  	[hbm:s17], [sflag:s20] =	dma.local [spmem:s10], $0x1388  }
0xdb: {  	_ =	swait.ge [sflag:s21], $0x1388  }
0xdc: {  	[sflag:s21] =	ssyncset.done $0x0  }
0xdd: {  	[sflag:s21] =	ssyncadd.s32 $0xFFFFEC78  }
0xde: {  	_ =	sfence.sel $0x180000  }
0xdf: {  	[bflag:$0x0] =	sbarrier.arrive $0xFFFF  }
0xe0: {  	_ =	strace $0x90000047  }
0xe1: {  	s0 =	stileid.u32;
	[bflag:$0x2] =	sbarrier.arrive $0xFFFF  }
0xe2: {  	p0 =	sne.s32 s0, $0x0;
	s0 =	rddreg [dreg:$0x3]  }
0xe3: {  	s0 =	sadd.s32 @!p0 $0x100000, s0  }
0xe4: {  	[sflag:s0] =	ssyncadd.tile.s32 @!p0 $0x1;
	_ =	shalt  }
.Lfunc_end2:
_tile_overlayer_lowered:
.L_overlay_start_2:
0xe5: {  	(tag) =	ssettag $0x2  }
0xe6: {  	s0 =	rddreg [dreg:$0x0];
	s2 =	stileid.u32  }
0xe7: {  	s1 =	rddreg [dreg:$0x1];
	p0 =	sne.s32 s2, $0x0  }
0xe8: {  	s3 =	rddreg [dreg:$0x2];
	[bflag:$0x3] =	sbarrier.arrive $0xFFFF;
	s2 =	simm.s32 @!p0 $0x1C0B  }
0xe9: {  	[timem:s3], [sflag:s2] =	dma.local @!p0 [hbm:s0], s1  }
0xea: {  	s0 =	simm.s32 @!p0 $0xB  }
0xeb: {  	_ =	swait.ge @!p0 [sflag:s0], s1  }
0xec: {  	s1 =	ssub.s32 @!p0 $0x0, s1;
	[sflag:s0] =	ssyncset.done @!p0 $0x0  }
0xed: {  	[sflag:s0] =	ssyncadd.s32 @!p0 s1  }
0xee: {  	[bflag:$0x3] =	sbarrier.arrive $0xFFFF  }
0xef: {  	_ =	shalt  }

</sc_bundles>
